<compile_context>
chip_gen: v7x
topology: tpu7x:2x2x1
jax: 0.10.2.dev20260603
libtpu: 0.0.44.dev20260713+nightly
codegen_flags: <defaults>
</compile_context>

<pallas_src>
import functools

import jax
import jax.numpy as jnp
from jax import lax
from jax.experimental import pallas as pl
from jax.experimental.pallas import tpu as pltpu
from jax.experimental.pallas import tpu_sc as plsc

N = 10000
NP = 10240
E = 320000
D_IN = 128
DH = 32
DEGW = 16

NC, NS = 2, 16
NW = NC * NS
CH = 80
EPW = E // NW
CPW = EPW // CH
NB = 5
NGRP = CPW // NB
RPT = NP // NS

_MESH = plsc.VectorSubcoreMesh(core_axis_name="c", subcore_axis_name="s")
_PREC = lax.Precision.HIGHEST
_SC_PARAMS = pltpu.CompilerParams(use_tc_tiling_on_sc=False, needs_layout_passes=False)

_SEG_BYTES = CH * DH * 4
_DEG_BYTES = CH * DEGW * 4
_IDX_BYTES = CH * 4


@functools.partial(
    pl.kernel,
    out_type=(
        jax.ShapeDtypeStruct((NC, NP, DH), jnp.float32),
        jax.ShapeDtypeStruct((NC, NP), jnp.float32),
    ),
    mesh=_MESH,
    scratch_types=[
        pltpu.VMEM((NB, CH), jnp.int32),
        pltpu.VMEM((NB, CH), jnp.int32),
        pltpu.VMEM((NB, CH, DH), jnp.float32),
        pltpu.VMEM((NP,), jnp.float32),
        pltpu.VMEM_SHARED((NP, DH), jnp.float32),
        pltpu.VMEM_SHARED((NP, DH), jnp.float32),
        pltpu.VMEM((NS, RPT), jnp.float32),
        pltpu.VMEM((RPT,), jnp.float32),
        pltpu.VMEM_SHARED((NS, NP), jnp.float32),
        [pltpu.SemaphoreType.DMA] * NB,
        [pltpu.SemaphoreType.DMA] * NB,
        [pltpu.SemaphoreType.DMA] * NB,
    ],
    compiler_params=_SC_PARAMS,
)
def _sc_segsum_deg(z_hbm, srcm_hbm, dstm_hbm, zs_hbm,
                   s_out, deg_out,
                   src_v, dst_v, rows_v, deg_l, s_sh, z_sh, deg_t, deg_r, deg_sh,
                   sem_i, sem_g, sem_s):
    cid = lax.axis_index("c")
    sid = lax.axis_index("s")
    wid = sid * NC + cid
    row0 = wid * CPW

    pltpu.sync_copy(zs_hbm, s_sh.at[pl.ds(sid * RPT, RPT)])
    pltpu.sync_copy(z_hbm.at[pl.ds(sid * RPT, RPT)],
                    z_sh.at[pl.ds(sid * RPT, RPT)])

    def zero_deg(j, carry):
        deg_l[pl.ds(j * 16, 16)] = jnp.zeros((16,), jnp.float32)
        return carry

    lax.fori_loop(0, NP // 16, zero_deg, 0)
    for b in range(NB):
        pltpu.async_copy(srcm_hbm.at[pl.ds((row0 + b) * CH, CH)], src_v.at[b], sem_i[b])
        pltpu.async_copy(dstm_hbm.at[pl.ds((row0 + b) * CH, CH)], dst_v.at[b], sem_i[b])
    plsc.subcore_barrier()

    def group(g, carry):
        for b in range(NB):
            pltpu.make_async_copy(srcm_hbm.at[pl.ds(row0 * CH, CH)], src_v.at[b], sem_i[b]).wait()
            pltpu.make_async_copy(dstm_hbm.at[pl.ds(row0 * CH, CH)], dst_v.at[b], sem_i[b]).wait()
            pltpu.async_copy(z_sh.at[src_v.at[b]], rows_v.at[b], sem_g[b])
            for j in range(CH // 16):
                idx16 = dst_v[b, pl.ds(j * 16, 16)]
                plsc.addupdate_scatter(deg_l, [idx16], jnp.ones((16,), jnp.float32))
        for b in range(NB):
            pltpu.make_async_copy(z_sh.at[src_v.at[b]], rows_v.at[b], sem_g[b]).wait()
            pltpu.async_copy(rows_v.at[b], s_sh.at[dst_v.at[b]], sem_s[b], add=True)
        for b in range(NB):
            pltpu.make_async_copy(rows_v.at[b], s_sh.at[dst_v.at[b]], sem_s[b]).wait()
            rown = row0 + lax.rem((g + 1) * NB + b, CPW)
            pltpu.async_copy(srcm_hbm.at[pl.ds(rown * CH, CH)], src_v.at[b], sem_i[b])
            pltpu.async_copy(dstm_hbm.at[pl.ds(rown * CH, CH)], dst_v.at[b], sem_i[b])
        return carry

    lax.fori_loop(0, NGRP, group, 0)
    for b in range(NB):
        pltpu.make_async_copy(srcm_hbm.at[pl.ds(row0 * CH, CH)], src_v.at[b], sem_i[b]).wait()
        pltpu.make_async_copy(dstm_hbm.at[pl.ds(row0 * CH, CH)], dst_v.at[b], sem_i[b]).wait()
    plsc.subcore_barrier()

    pltpu.sync_copy(deg_l, deg_sh.at[sid])
    plsc.subcore_barrier()
    pltpu.sync_copy(s_sh.at[pl.ds(sid * RPT, RPT)],
                    s_out.at[cid, pl.ds(sid * RPT, RPT)])
    pltpu.sync_copy(deg_sh.at[:, pl.ds(sid * RPT, RPT)], deg_t)

    def red(j, carry):
        acc = deg_t[0, pl.ds(j * 16, 16)]
        for r in range(1, NS):
            acc = acc + deg_t[r, pl.ds(j * 16, 16)]
        deg_r[pl.ds(j * 16, 16)] = acc
        return carry

    lax.fori_loop(0, RPT // 16, red, 0)
    pltpu.sync_copy(deg_r, deg_out.at[cid, pl.ds(sid * RPT, RPT)])


@functools.partial(
    pl.kernel,
    out_type=jax.ShapeDtypeStruct((NC, NP, DH), jnp.float32),
    mesh=_MESH,
    scratch_types=[
        pltpu.VMEM((NB, CH), jnp.int32),
        pltpu.VMEM((NB, CH), jnp.int32),
        pltpu.VMEM((NB, CH, DH), jnp.float32),
        pltpu.VMEM_SHARED((NP, DH), jnp.float32),
        pltpu.VMEM_SHARED((NP, DH), jnp.float32),
        [pltpu.SemaphoreType.DMA] * NB,
        [pltpu.SemaphoreType.DMA] * NB,
        [pltpu.SemaphoreType.DMA] * NB,
    ],
    compiler_params=_SC_PARAMS,
)
def _sc_segsum(z_hbm, srcm_hbm, dstm_hbm, zs_hbm,
               s_out,
               src_v, dst_v, rows_v, s_sh, z_sh,
               sem_i, sem_g, sem_s):
    cid = lax.axis_index("c")
    sid = lax.axis_index("s")
    wid = sid * NC + cid
    row0 = wid * CPW

    pltpu.sync_copy(zs_hbm, s_sh.at[pl.ds(sid * RPT, RPT)])
    pltpu.sync_copy(z_hbm.at[pl.ds(sid * RPT, RPT)],
                    z_sh.at[pl.ds(sid * RPT, RPT)])
    for b in range(NB):
        pltpu.async_copy(srcm_hbm.at[pl.ds((row0 + b) * CH, CH)], src_v.at[b], sem_i[b])
        pltpu.async_copy(dstm_hbm.at[pl.ds((row0 + b) * CH, CH)], dst_v.at[b], sem_i[b])
    plsc.subcore_barrier()

    def group(g, carry):
        for b in range(NB):
            pltpu.make_async_copy(srcm_hbm.at[pl.ds(row0 * CH, CH)], src_v.at[b], sem_i[b]).wait()
            pltpu.make_async_copy(dstm_hbm.at[pl.ds(row0 * CH, CH)], dst_v.at[b], sem_i[b]).wait()
            pltpu.async_copy(z_sh.at[src_v.at[b]], rows_v.at[b], sem_g[b])
        for b in range(NB):
            pltpu.make_async_copy(z_sh.at[src_v.at[b]], rows_v.at[b], sem_g[b]).wait()
            pltpu.async_copy(rows_v.at[b], s_sh.at[dst_v.at[b]], sem_s[b], add=True)
        for b in range(NB):
            pltpu.make_async_copy(rows_v.at[b], s_sh.at[dst_v.at[b]], sem_s[b]).wait()
            rown = row0 + lax.rem((g + 1) * NB + b, CPW)
            pltpu.async_copy(srcm_hbm.at[pl.ds(rown * CH, CH)], src_v.at[b], sem_i[b])
            pltpu.async_copy(dstm_hbm.at[pl.ds(rown * CH, CH)], dst_v.at[b], sem_i[b])
        return carry

    lax.fori_loop(0, NGRP, group, 0)
    for b in range(NB):
        pltpu.make_async_copy(srcm_hbm.at[pl.ds(row0 * CH, CH)], src_v.at[b], sem_i[b]).wait()
        pltpu.make_async_copy(dstm_hbm.at[pl.ds(row0 * CH, CH)], dst_v.at[b], sem_i[b]).wait()
    plsc.subcore_barrier()

    pltpu.sync_copy(s_sh.at[pl.ds(sid * RPT, RPT)],
                    s_out.at[cid, pl.ds(sid * RPT, RPT)])


def _tc_proj_body(x_ref, ei_ref, w_ref, z_ref, src_ref, dst_ref):
    z_ref[0:N] = lax.dot_general(
        x_ref[...], w_ref[...], (((1,), (1,)), ((), ())),
        preferred_element_type=jnp.float32)
    z_ref[pl.ds(N, NP - N)] = jnp.zeros((NP - N, DH), jnp.float32)
    src_ref[...] = ei_ref[0]
    dst_ref[...] = ei_ref[1]


def _tc_mid_body(z1_ref, sp_ref, dp_ref, b1_ref, w2t_ref, z2_ref, invd_ref):
    s = sp_ref[0, 0:N] + sp_ref[1, 0:N]
    invd = 1.0 / jnp.maximum(dp_ref[0, 0:N] + dp_ref[1, 0:N], 1.0)
    h1 = jnp.maximum(z1_ref[0:N] + b1_ref[...] + s * invd.reshape(N, 1), 0.0)
    z2_ref[0:N] = lax.dot_general(
        h1, w2t_ref[...], (((1,), (1,)), ((), ())),
        preferred_element_type=jnp.float32)
    z2_ref[pl.ds(N, NP - N)] = jnp.zeros((NP - N, DH), jnp.float32)
    invd_ref[...] = invd


def _tc_out_body(z2_ref, sp_ref, invd_ref, b2_ref, o_ref):
    s = sp_ref[0, 0:N] + sp_ref[1, 0:N]
    o_ref[...] = jnp.maximum(
        z2_ref[0:N] + b2_ref[...] + s * invd_ref[...].reshape(N, 1), 0.0)


def kernel(x, edge_index, W1, b1, W2, b2):
    ei = edge_index.astype(jnp.int32)
    b1r = b1.reshape(1, DH)
    b2r = b2.reshape(1, DH)
    zs = jnp.zeros((RPT, DH), jnp.float32)

    z1, srcm, dstm = pl.pallas_call(
        _tc_proj_body, name="tc_proj",
        out_shape=(jax.ShapeDtypeStruct((NP, DH), jnp.float32),
                   jax.ShapeDtypeStruct((E,), jnp.int32),
                   jax.ShapeDtypeStruct((E,), jnp.int32)),
    )(x, ei, W1)

    s1, degp = _sc_segsum_deg(z1, srcm, dstm, zs)

    z2, invd = pl.pallas_call(
        _tc_mid_body, name="tc_mid",
        out_shape=(jax.ShapeDtypeStruct((NP, DH), jnp.float32),
                   jax.ShapeDtypeStruct((N,), jnp.float32)),
    )(z1, s1, degp, b1r, W2)

    s2 = _sc_segsum(z2, srcm, dstm, zs)

    out = pl.pallas_call(
        _tc_out_body, name="tc_out",
        out_shape=jax.ShapeDtypeStruct((N, DH), jnp.float32),
    )(z2, s2, invd, b2r)

    return out

# --- scband reference (transcript-rebuilt; emitter-appended) ---
"""Pipeline reference for scband-dgi-gin-10273561772527 (READ-ONLY COPY).

The authoritative reference and input builder live on the scoring server;
editing this copy changes nothing except your own understanding.
"""

import jax, jax.numpy as jnp
import numpy as np

N_NODES = 10000
N_EDGES = 320000
D_IN = 128
D_H = 32


def setup_inputs(seed: int = 0) -> dict:
    key = jax.random.key(seed)
    k_x, k_e, k_w1, k_b1, k_w2, k_b2 = jax.random.split(key, 6)
    x = jax.random.normal(k_x, (N_NODES, D_IN), dtype=jnp.float32)
    edge_index = jax.random.randint(k_e, (2, N_EDGES), 0, N_NODES, dtype=jnp.int64)
    # Linear params for the two GIN apply functions (PyTorch Linear: y = x @ W.T + b)
    W1 = jax.random.normal(k_w1, (D_H, D_IN), dtype=jnp.float32) * (1.0 / np.sqrt(D_IN))
    b1 = jax.random.normal(k_b1, (D_H,), dtype=jnp.float32) * 0.01
    W2 = jax.random.normal(k_w2, (D_H, D_H), dtype=jnp.float32) * (1.0 / np.sqrt(D_H))
    b2 = jax.random.normal(k_b2, (D_H,), dtype=jnp.float32) * 0.01
    return {"x": x, "edge_index": edge_index, "W1": W1, "b1": b1, "W2": W2, "b2": b2}


def _gin_mean_layer(h, src, dst, W, b, n_nodes):
    # DGL GINConv with aggregator_type='mean', eps=0 (default, not learned):
    # rst = (1 + eps) * h_dst + mean_{u in N(v)} h_src[u]; then Linear, then ReLU.
    m = jnp.take(h, src, axis=0)                                  # gather over edges
    s = jax.ops.segment_sum(m, dst, num_segments=n_nodes)          # scatter-add by dst
    deg = jax.ops.segment_sum(jnp.ones((src.shape[0],), h.dtype), dst, num_segments=n_nodes)
    agg = s / jnp.maximum(deg, 1.0)[:, None]                        # mean (0 for isolated nodes)
    rst = h + agg                                                   # (1 + 0) * h + agg
    out = rst @ W.T + b
    return jax.nn.relu(out)


def reference(x, edge_index, W1, b1, W2, b2):
    src = edge_index[0]
    dst = edge_index[1]
    n_nodes = x.shape[0]
    h = _gin_mean_layer(x, src, dst, W1, b1, n_nodes)
    # dropout_rate=0 -> no dropout between layers
    h = _gin_mean_layer(h, src, dst, W2, b2, n_nodes)
    return h

if __name__ == "__main__":
    import jax
    _d = setup_inputs()
    print(jax.jit(kernel)(*tuple(_d.values())))

</pallas_src>

<mosaic_0001>
#map = affine_map<(d0, d1) -> (0, 0)>
#map1 = affine_map<(d0, d1) -> (0)>
#map2 = affine_map<(d0, d1) -> (0, 0, 0)>
module attributes {stable_mosaic.version = 14 : i64} {
  func.func @_sc_segsum_deg(%arg0: i32, %arg1: i32, %arg2: memref<10240x32xf32, #tpu.memory_space<hbm>>, %arg3: memref<320000xi32, #tpu.memory_space<hbm>>, %arg4: memref<320000xi32, #tpu.memory_space<hbm>>, %arg5: memref<640x32xf32, #tpu.memory_space<hbm>>, %arg6: memref<2x10240x32xf32, #tpu.memory_space<hbm>>, %arg7: memref<2x10240xf32, #tpu.memory_space<hbm>>, %arg8: memref<5x80xi32, #tpu.memory_space<vmem>>, %arg9: memref<5x80xi32, #tpu.memory_space<vmem>>, %arg10: memref<5x80x32xf32, #tpu.memory_space<vmem>>, %arg11: memref<10240xf32, #tpu.memory_space<vmem>>, %arg12: memref<10240x32xf32, #tpu.memory_space<vmem_shared>>, %arg13: memref<10240x32xf32, #tpu.memory_space<vmem_shared>>, %arg14: memref<16x640xf32, #tpu.memory_space<vmem>>, %arg15: memref<640xf32, #tpu.memory_space<vmem>>, %arg16: memref<16x10240xf32, #tpu.memory_space<vmem_shared>>, %arg17: memref<!tpu.dma_semaphore, #tpu.memory_space<semaphore_mem>>, %arg18: memref<!tpu.dma_semaphore, #tpu.memory_space<semaphore_mem>>, %arg19: memref<!tpu.dma_semaphore, #tpu.memory_space<semaphore_mem>>, %arg20: memref<!tpu.dma_semaphore, #tpu.memory_space<semaphore_mem>>, %arg21: memref<!tpu.dma_semaphore, #tpu.memory_space<semaphore_mem>>, %arg22: memref<!tpu.dma_semaphore, #tpu.memory_space<semaphore_mem>>, %arg23: memref<!tpu.dma_semaphore, #tpu.memory_space<semaphore_mem>>, %arg24: memref<!tpu.dma_semaphore, #tpu.memory_space<semaphore_mem>>, %arg25: memref<!tpu.dma_semaphore, #tpu.memory_space<semaphore_mem>>, %arg26: memref<!tpu.dma_semaphore, #tpu.memory_space<semaphore_mem>>, %arg27: memref<!tpu.dma_semaphore, #tpu.memory_space<semaphore_mem>>, %arg28: memref<!tpu.dma_semaphore, #tpu.memory_space<semaphore_mem>>, %arg29: memref<!tpu.dma_semaphore, #tpu.memory_space<semaphore_mem>>, %arg30: memref<!tpu.dma_semaphore, #tpu.memory_space<semaphore_mem>>, %arg31: memref<!tpu.dma_semaphore, #tpu.memory_space<semaphore_mem>>) attributes {dimension_semantics = [#tpu.dimension_semantics<core_parallel>, #tpu.dimension_semantics<subcore_parallel>], iteration_bounds = array<i64: 2, 16>, scalar_prefetch = 0 : i64, scratch_operands = 24 : i64, tpu.core_type = #tpu.core_type<sc_vector_subcore>, window_params = [{transform_indices = #map}, {transform_indices = #map1}, {transform_indices = #map1}, {transform_indices = #map}, {transform_indices = #map2}, {transform_indices = #map}]} {
    %mul3A = arith.constant 2 : i32
    %mul3A_0 = arith.muli %arg1, %mul3A : i32
    %add3A = arith.addi %mul3A_0, %arg0 : i32
    %mul3A_1 = arith.constant 125 : i32
    %mul3A_2 = arith.muli %add3A, %mul3A_1 : i32
    %mul3A_3 = arith.constant 640 : i32
    %mul3A_4 = arith.muli %arg1, %mul3A_3 : i32
    "tpu.region"() ({
      %run_scoped3A = tpu.sem_alloc : memref<!tpu.dma_semaphore, #tpu.memory_space<semaphore_mem>>
      %dma_start3A_274 = arith.constant 0 : i32
      %dma_start3A_275 = tpu.memref_slice %arg12[%mul3A_4, %dma_start3A_274] : memref<10240x32xf32, #tpu.memory_space<vmem_shared>> -> memref<640x32xf32, #tpu.memory_space<vmem_shared>>
      tpu.enqueue_dma source(%arg5 : memref<640x32xf32, #tpu.memory_space<hbm>>) target(%dma_start3A_275 : memref<640x32xf32, #tpu.memory_space<vmem_shared>>) target_semaphore(%run_scoped3A : memref<!tpu.dma_semaphore, #tpu.memory_space<semaphore_mem>>)
      %dma_wait3A_276 = arith.constant 0 : i32
      %dma_wait3A_277 = tpu.memref_slice %arg12[%mul3A_4, %dma_wait3A_276] : memref<10240x32xf32, #tpu.memory_space<vmem_shared>> -> memref<640x32xf32, #tpu.memory_space<vmem_shared>>
      tpu.wait_dma2 semaphore(%run_scoped3A : memref<!tpu.dma_semaphore, #tpu.memory_space<semaphore_mem>>) src(%arg5 : memref<640x32xf32, #tpu.memory_space<hbm>>) dst(%dma_wait3A_277 : memref<640x32xf32, #tpu.memory_space<vmem_shared>>)
      tpu.yield
    }) : () -> ()
    %mul3A_5 = arith.constant 640 : i32
    %mul3A_6 = arith.muli %arg1, %mul3A_5 : i32
    %mul3A_7 = arith.constant 640 : i32
    %mul3A_8 = arith.muli %arg1, %mul3A_7 : i32
    "tpu.region"() ({
      %run_scoped3A = tpu.sem_alloc : memref<!tpu.dma_semaphore, #tpu.memory_space<semaphore_mem>>
      %dma_start3A_274 = arith.constant 0 : i32
      %dma_start3A_275 = tpu.memref_slice %arg13[%mul3A_8, %dma_start3A_274] : memref<10240x32xf32, #tpu.memory_space<vmem_shared>> -> memref<640x32xf32, #tpu.memory_space<vmem_shared>>
      %dma_start3A_276 = arith.constant 0 : i32
      %dma_start3A_277 = tpu.memref_slice %arg2[%mul3A_6, %dma_start3A_276] : memref<10240x32xf32, #tpu.memory_space<hbm>> -> memref<640x32xf32, #tpu.memory_space<hbm>>
      tpu.enqueue_dma source(%dma_start3A_277 : memref<640x32xf32, #tpu.memory_space<hbm>>) target(%dma_start3A_275 : memref<640x32xf32, #tpu.memory_space<vmem_shared>>) target_semaphore(%run_scoped3A : memref<!tpu.dma_semaphore, #tpu.memory_space<semaphore_mem>>)
      %dma_wait3A_278 = arith.constant 0 : i32
      %dma_wait3A_279 = tpu.memref_slice %arg13[%mul3A_8, %dma_wait3A_278] : memref<10240x32xf32, #tpu.memory_space<vmem_shared>> -> memref<640x32xf32, #tpu.memory_space<vmem_shared>>
      %dma_wait3A_280 = arith.constant 0 : i32
      %dma_wait3A_281 = tpu.memref_slice %arg2[%mul3A_6, %dma_wait3A_280] : memref<10240x32xf32, #tpu.memory_space<hbm>> -> memref<640x32xf32, #tpu.memory_space<hbm>>
      tpu.wait_dma2 semaphore(%run_scoped3A : memref<!tpu.dma_semaphore, #tpu.memory_space<semaphore_mem>>) src(%dma_wait3A_281 : memref<640x32xf32, #tpu.memory_space<hbm>>) dst(%dma_wait3A_279 : memref<640x32xf32, #tpu.memory_space<vmem_shared>>)
      tpu.yield
    }) : () -> ()
    %scan3A = arith.constant 0 : i32
    %scan3A_9 = arith.constant 0 : i32
    %scan3A_10 = arith.constant 640 : i32
    %scan3A_11 = arith.addi %scan3A_9, %scan3A_10 : i32
    %scan3A_12 = arith.constant 1 : i32
    scf.for %scan3A_274 = %scan3A_9 to %scan3A_11 step %scan3A_12  : i32 {
      %broadcast_in_dim3A = arith.constant 0.000000e+00 : f32
      %broadcast_in_dim3A_275 = vector.broadcast %broadcast_in_dim3A : f32 to vector<16xf32>
      %mul3A_276 = arith.constant 16 : i32
      %mul3A_277 = arith.muli %scan3A_274, %mul3A_276 : i32
      %swap3A = arith.index_cast %mul3A_277 : i32 to index
      %swap3A_278 = tpu.vector_load %arg11[%swap3A] {strides = array<i32>} : memref<10240xf32, #tpu.memory_space<vmem>>, vector<16xf32>,
      tpu.vector_store %arg11[%swap3A], %broadcast_in_dim3A_275 {strides = array<i32>} : memref<10240xf32, #tpu.memory_space<vmem>>, vector<16xf32>,
    }
    %scan3A_13 = arith.constant 640 : i32
    %add3A_14 = arith.constant 0 : i32
    %add3A_15 = arith.addi %mul3A_2, %add3A_14 : i32
    %mul3A_16 = arith.constant 80 : i32
    %mul3A_17 = arith.muli %add3A_15, %mul3A_16 : i32
    %dma_start3A = arith.constant 0 : i32
    %dma_start3A_18 = arith.constant 0 : i32
    %dma_start3A_19 = tpu.memref_slice %arg8[%dma_start3A, %dma_start3A_18] : memref<5x80xi32, #tpu.memory_space<vmem>> -> memref<1x80xi32, #tpu.memory_space<vmem>>
    %dma_start3A_20 = tpu.memref_squeeze %dma_start3A_19 : memref<1x80xi32, #tpu.memory_space<vmem>> -> memref<80xi32, #tpu.memory_space<vmem>>
    %dma_start3A_21 = tpu.memref_slice %arg3[%mul3A_17] : memref<320000xi32, #tpu.memory_space<hbm>> -> memref<80xi32, #tpu.memory_space<hbm>>
    %dma_start3A_22 = arith.constant 0 : i32
    %dma_start3A_23 = tpu.memref_slice %arg8[%dma_start3A, %dma_start3A_22] : memref<5x80xi32, #tpu.memory_space<vmem>> -> memref<1x80xi32, #tpu.memory_space<vmem>>
    %dma_start3A_24 = tpu.memref_squeeze %dma_start3A_23 : memref<1x80xi32, #tpu.memory_space<vmem>> -> memref<80xi32, #tpu.memory_space<vmem>>
    %dma_start3A_25 = tpu.memref_slice %arg3[%mul3A_17] : memref<320000xi32, #tpu.memory_space<hbm>> -> memref<80xi32, #tpu.memory_space<hbm>>
    tpu.enqueue_dma source(%dma_start3A_25 : memref<80xi32, #tpu.memory_space<hbm>>) target(%dma_start3A_24 : memref<80xi32, #tpu.memory_space<vmem>>) target_semaphore(%arg17 : memref<!tpu.dma_semaphore, #tpu.memory_space<semaphore_mem>>)
    %add3A_26 = arith.constant 0 : i32
    %add3A_27 = arith.addi %mul3A_2, %add3A_26 : i32
    %mul3A_28 = arith.constant 80 : i32
    %mul3A_29 = arith.muli %add3A_27, %mul3A_28 : i32
    %dma_start3A_30 = arith.constant 0 : i32
    %dma_start3A_31 = arith.constant 0 : i32
    %dma_start3A_32 = tpu.memref_slice %arg9[%dma_start3A_30, %dma_start3A_31] : memref<5x80xi32, #tpu.memory_space<vmem>> -> memref<1x80xi32, #tpu.memory_space<vmem>>
    %dma_start3A_33 = tpu.memref_squeeze %dma_start3A_32 : memref<1x80xi32, #tpu.memory_space<vmem>> -> memref<80xi32, #tpu.memory_space<vmem>>
    %dma_start3A_34 = tpu.memref_slice %arg4[%mul3A_29] : memref<320000xi32, #tpu.memory_space<hbm>> -> memref<80xi32, #tpu.memory_space<hbm>>
    %dma_start3A_35 = arith.constant 0 : i32
    %dma_start3A_36 = tpu.memref_slice %arg9[%dma_start3A_30, %dma_start3A_35] : memref<5x80xi32, #tpu.memory_space<vmem>> -> memref<1x80xi32, #tpu.memory_space<vmem>>
    %dma_start3A_37 = tpu.memref_squeeze %dma_start3A_36 : memref<1x80xi32, #tpu.memory_space<vmem>> -> memref<80xi32, #tpu.memory_space<vmem>>
    %dma_start3A_38 = tpu.memref_slice %arg4[%mul3A_29] : memref<320000xi32, #tpu.memory_space<hbm>> -> memref<80xi32, #tpu.memory_space<hbm>>
    tpu.enqueue_dma source(%dma_start3A_38 : memref<80xi32, #tpu.memory_space<hbm>>) target(%dma_start3A_37 : memref<80xi32, #tpu.memory_space<vmem>>) target_semaphore(%arg17 : memref<!tpu.dma_semaphore, #tpu.memory_space<semaphore_mem>>)
    %add3A_39 = arith.constant 1 : i32
    %add3A_40 = arith.addi %mul3A_2, %add3A_39 : i32
    %mul3A_41 = arith.constant 80 : i32
    %mul3A_42 = arith.muli %add3A_40, %mul3A_41 : i32
    %dma_start3A_43 = arith.constant 1 : i32
    %dma_start3A_44 = arith.constant 0 : i32
    %dma_start3A_45 = tpu.memref_slice %arg8[%dma_start3A_43, %dma_start3A_44] : memref<5x80xi32, #tpu.memory_space<vmem>> -> memref<1x80xi32, #tpu.memory_space<vmem>>
    %dma_start3A_46 = tpu.memref_squeeze %dma_start3A_45 : memref<1x80xi32, #tpu.memory_space<vmem>> -> memref<80xi32, #tpu.memory_space<vmem>>
    %dma_start3A_47 = tpu.memref_slice %arg3[%mul3A_42] : memref<320000xi32, #tpu.memory_space<hbm>> -> memref<80xi32, #tpu.memory_space<hbm>>
    %dma_start3A_48 = arith.constant 0 : i32
    %dma_start3A_49 = tpu.memref_slice %arg8[%dma_start3A_43, %dma_start3A_48] : memref<5x80xi32, #tpu.memory_space<vmem>> -> memref<1x80xi32, #tpu.memory_space<vmem>>
    %dma_start3A_50 = tpu.memref_squeeze %dma_start3A_49 : memref<1x80xi32, #tpu.memory_space<vmem>> -> memref<80xi32, #tpu.memory_space<vmem>>
    %dma_start3A_51 = tpu.memref_slice %arg3[%mul3A_42] : memref<320000xi32, #tpu.memory_space<hbm>> -> memref<80xi32, #tpu.memory_space<hbm>>
    tpu.enqueue_dma source(%dma_start3A_51 : memref<80xi32, #tpu.memory_space<hbm>>) target(%dma_start3A_50 : memref<80xi32, #tpu.memory_space<vmem>>) target_semaphore(%arg18 : memref<!tpu.dma_semaphore, #tpu.memory_space<semaphore_mem>>)
    %add3A_52 = arith.constant 1 : i32
    %add3A_53 = arith.addi %mul3A_2, %add3A_52 : i32
    %mul3A_54 = arith.constant 80 : i32
    %mul3A_55 = arith.muli %add3A_53, %mul3A_54 : i32
    %dma_start3A_56 = arith.constant 1 : i32
    %dma_start3A_57 = arith.constant 0 : i32
    %dma_start3A_58 = tpu.memref_slice %arg9[%dma_start3A_56, %dma_start3A_57] : memref<5x80xi32, #tpu.memory_space<vmem>> -> memref<1x80xi32, #tpu.memory_space<vmem>>
    %dma_start3A_59 = tpu.memref_squeeze %dma_start3A_58 : memref<1x80xi32, #tpu.memory_space<vmem>> -> memref<80xi32, #tpu.memory_space<vmem>>
    %dma_start3A_60 = tpu.memref_slice %arg4[%mul3A_55] : memref<320000xi32, #tpu.memory_space<hbm>> -> memref<80xi32, #tpu.memory_space<hbm>>
    %dma_start3A_61 = arith.constant 0 : i32
    %dma_start3A_62 = tpu.memref_slice %arg9[%dma_start3A_56, %dma_start3A_61] : memref<5x80xi32, #tpu.memory_space<vmem>> -> memref<1x80xi32, #tpu.memory_space<vmem>>
    %dma_start3A_63 = tpu.memref_squeeze %dma_start3A_62 : memref<1x80xi32, #tpu.memory_space<vmem>> -> memref<80xi32, #tpu.memory_space<vmem>>
    %dma_start3A_64 = tpu.memref_slice %arg4[%mul3A_55] : memref<320000xi32, #tpu.memory_space<hbm>> -> memref<80xi32, #tpu.memory_space<hbm>>
    tpu.enqueue_dma source(%dma_start3A_64 : memref<80xi32, #tpu.memory_space<hbm>>) target(%dma_start3A_63 : memref<80xi32, #tpu.memory_space<vmem>>) target_semaphore(%arg18 : memref<!tpu.dma_semaphore, #tpu.memory_space<semaphore_mem>>)
    %add3A_65 = arith.constant 2 : i32
    %add3A_66 = arith.addi %mul3A_2, %add3A_65 : i32
    %mul3A_67 = arith.constant 80 : i32
    %mul3A_68 = arith.muli %add3A_66, %mul3A_67 : i32
    %dma_start3A_69 = arith.constant 2 : i32
    %dma_start3A_70 = arith.constant 0 : i32
    %dma_start3A_71 = tpu.memref_slice %arg8[%dma_start3A_69, %dma_start3A_70] : memref<5x80xi32, #tpu.memory_space<vmem>> -> memref<1x80xi32, #tpu.memory_space<vmem>>
    %dma_start3A_72 = tpu.memref_squeeze %dma_start3A_71 : memref<1x80xi32, #tpu.memory_space<vmem>> -> memref<80xi32, #tpu.memory_space<vmem>>
    %dma_start3A_73 = tpu.memref_slice %arg3[%mul3A_68] : memref<320000xi32, #tpu.memory_space<hbm>> -> memref<80xi32, #tpu.memory_space<hbm>>
    %dma_start3A_74 = arith.constant 0 : i32
    %dma_start3A_75 = tpu.memref_slice %arg8[%dma_start3A_69, %dma_start3A_74] : memref<5x80xi32, #tpu.memory_space<vmem>> -> memref<1x80xi32, #tpu.memory_space<vmem>>
    %dma_start3A_76 = tpu.memref_squeeze %dma_start3A_75 : memref<1x80xi32, #tpu.memory_space<vmem>> -> memref<80xi32, #tpu.memory_space<vmem>>
    %dma_start3A_77 = tpu.memref_slice %arg3[%mul3A_68] : memref<320000xi32, #tpu.memory_space<hbm>> -> memref<80xi32, #tpu.memory_space<hbm>>
    tpu.enqueue_dma source(%dma_start3A_77 : memref<80xi32, #tpu.memory_space<hbm>>) target(%dma_start3A_76 : memref<80xi32, #tpu.memory_space<vmem>>) target_semaphore(%arg19 : memref<!tpu.dma_semaphore, #tpu.memory_space<semaphore_mem>>)
    %add3A_78 = arith.constant 2 : i32
    %add3A_79 = arith.addi %mul3A_2, %add3A_78 : i32
    %mul3A_80 = arith.constant 80 : i32
    %mul3A_81 = arith.muli %add3A_79, %mul3A_80 : i32
    %dma_start3A_82 = arith.constant 2 : i32
    %dma_start3A_83 = arith.constant 0 : i32
    %dma_start3A_84 = tpu.memref_slice %arg9[%dma_start3A_82, %dma_start3A_83] : memref<5x80xi32, #tpu.memory_space<vmem>> -> memref<1x80xi32, #tpu.memory_space<vmem>>
    %dma_start3A_85 = tpu.memref_squeeze %dma_start3A_84 : memref<1x80xi32, #tpu.memory_space<vmem>> -> memref<80xi32, #tpu.memory_space<vmem>>
    %dma_start3A_86 = tpu.memref_slice %arg4[%mul3A_81] : memref<320000xi32, #tpu.memory_space<hbm>> -> memref<80xi32, #tpu.memory_space<hbm>>
    %dma_start3A_87 = arith.constant 0 : i32
    %dma_start3A_88 = tpu.memref_slice %arg9[%dma_start3A_82, %dma_start3A_87] : memref<5x80xi32, #tpu.memory_space<vmem>> -> memref<1x80xi32, #tpu.memory_space<vmem>>
    %dma_start3A_89 = tpu.memref_squeeze %dma_start3A_88 : memref<1x80xi32, #tpu.memory_space<vmem>> -> memref<80xi32, #tpu.memory_space<vmem>>
    %dma_start3A_90 = tpu.memref_slice %arg4[%mul3A_81] : memref<320000xi32, #tpu.memory_space<hbm>> -> memref<80xi32, #tpu.memory_space<hbm>>
    tpu.enqueue_dma source(%dma_start3A_90 : memref<80xi32, #tpu.memory_space<hbm>>) target(%dma_start3A_89 : memref<80xi32, #tpu.memory_space<vmem>>) target_semaphore(%arg19 : memref<!tpu.dma_semaphore, #tpu.memory_space<semaphore_mem>>)
    %add3A_91 = arith.constant 3 : i32
    %add3A_92 = arith.addi %mul3A_2, %add3A_91 : i32
    %mul3A_93 = arith.constant 80 : i32
    %mul3A_94 = arith.muli %add3A_92, %mul3A_93 : i32
    %dma_start3A_95 = arith.constant 3 : i32
    %dma_start3A_96 = arith.constant 0 : i32
    %dma_start3A_97 = tpu.memref_slice %arg8[%dma_start3A_95, %dma_start3A_96] : memref<5x80xi32, #tpu.memory_space<vmem>> -> memref<1x80xi32, #tpu.memory_space<vmem>>
    %dma_start3A_98 = tpu.memref_squeeze %dma_start3A_97 : memref<1x80xi32, #tpu.memory_space<vmem>> -> memref<80xi32, #tpu.memory_space<vmem>>
    %dma_start3A_99 = tpu.memref_slice %arg3[%mul3A_94] : memref<320000xi32, #tpu.memory_space<hbm>> -> memref<80xi32, #tpu.memory_space<hbm>>
    %dma_start3A_100 = arith.constant 0 : i32
    %dma_start3A_101 = tpu.memref_slice %arg8[%dma_start3A_95, %dma_start3A_100] : memref<5x80xi32, #tpu.memory_space<vmem>> -> memref<1x80xi32, #tpu.memory_space<vmem>>
    %dma_start3A_102 = tpu.memref_squeeze %dma_start3A_101 : memref<1x80xi32, #tpu.memory_space<vmem>> -> memref<80xi32, #tpu.memory_space<vmem>>
    %dma_start3A_103 = tpu.memref_slice %arg3[%mul3A_94] : memref<320000xi32, #tpu.memory_space<hbm>> -> memref<80xi32, #tpu.memory_space<hbm>>
    tpu.enqueue_dma source(%dma_start3A_103 : memref<80xi32, #tpu.memory_space<hbm>>) target(%dma_start3A_102 : memref<80xi32, #tpu.memory_space<vmem>>) target_semaphore(%arg20 : memref<!tpu.dma_semaphore, #tpu.memory_space<semaphore_mem>>)
    %add3A_104 = arith.constant 3 : i32
    %add3A_105 = arith.addi %mul3A_2, %add3A_104 : i32
    %mul3A_106 = arith.constant 80 : i32
    %mul3A_107 = arith.muli %add3A_105, %mul3A_106 : i32
    %dma_start3A_108 = arith.constant 3 : i32
    %dma_start3A_109 = arith.constant 0 : i32
    %dma_start3A_110 = tpu.memref_slice %arg9[%dma_start3A_108, %dma_start3A_109] : memref<5x80xi32, #tpu.memory_space<vmem>> -> memref<1x80xi32, #tpu.memory_space<vmem>>
    %dma_start3A_111 = tpu.memref_squeeze %dma_start3A_110 : memref<1x80xi32, #tpu.memory_space<vmem>> -> memref<80xi32, #tpu.memory_space<vmem>>
    %dma_start3A_112 = tpu.memref_slice %arg4[%mul3A_107] : memref<320000xi32, #tpu.memory_space<hbm>> -> memref<80xi32, #tpu.memory_space<hbm>>
    %dma_start3A_113 = arith.constant 0 : i32
    %dma_start3A_114 = tpu.memref_slice %arg9[%dma_start3A_108, %dma_start3A_113] : memref<5x80xi32, #tpu.memory_space<vmem>> -> memref<1x80xi32, #tpu.memory_space<vmem>>
    %dma_start3A_115 = tpu.memref_squeeze %dma_start3A_114 : memref<1x80xi32, #tpu.memory_space<vmem>> -> memref<80xi32, #tpu.memory_space<vmem>>
    %dma_start3A_116 = tpu.memref_slice %arg4[%mul3A_107] : memref<320000xi32, #tpu.memory_space<hbm>> -> memref<80xi32, #tpu.memory_space<hbm>>
    tpu.enqueue_dma source(%dma_start3A_116 : memref<80xi32, #tpu.memory_space<hbm>>) target(%dma_start3A_115 : memref<80xi32, #tpu.memory_space<vmem>>) target_semaphore(%arg20 : memref<!tpu.dma_semaphore, #tpu.memory_space<semaphore_mem>>)
    %add3A_117 = arith.constant 4 : i32
    %add3A_118 = arith.addi %mul3A_2, %add3A_117 : i32
    %mul3A_119 = arith.constant 80 : i32
    %mul3A_120 = arith.muli %add3A_118, %mul3A_119 : i32
    %dma_start3A_121 = arith.constant 4 : i32
    %dma_start3A_122 = arith.constant 0 : i32
    %dma_start3A_123 = tpu.memref_slice %arg8[%dma_start3A_121, %dma_start3A_122] : memref<5x80xi32, #tpu.memory_space<vmem>> -> memref<1x80xi32, #tpu.memory_space<vmem>>
    %dma_start3A_124 = tpu.memref_squeeze %dma_start3A_123 : memref<1x80xi32, #tpu.memory_space<vmem>> -> memref<80xi32, #tpu.memory_space<vmem>>
    %dma_start3A_125 = tpu.memref_slice %arg3[%mul3A_120] : memref<320000xi32, #tpu.memory_space<hbm>> -> memref<80xi32, #tpu.memory_space<hbm>>
    %dma_start3A_126 = arith.constant 0 : i32
    %dma_start3A_127 = tpu.memref_slice %arg8[%dma_start3A_121, %dma_start3A_126] : memref<5x80xi32, #tpu.memory_space<vmem>> -> memref<1x80xi32, #tpu.memory_space<vmem>>
    %dma_start3A_128 = tpu.memref_squeeze %dma_start3A_127 : memref<1x80xi32, #tpu.memory_space<vmem>> -> memref<80xi32, #tpu.memory_space<vmem>>
    %dma_start3A_129 = tpu.memref_slice %arg3[%mul3A_120] : memref<320000xi32, #tpu.memory_space<hbm>> -> memref<80xi32, #tpu.memory_space<hbm>>
    tpu.enqueue_dma source(%dma_start3A_129 : memref<80xi32, #tpu.memory_space<hbm>>) target(%dma_start3A_128 : memref<80xi32, #tpu.memory_space<vmem>>) target_semaphore(%arg21 : memref<!tpu.dma_semaphore, #tpu.memory_space<semaphore_mem>>)
    %add3A_130 = arith.constant 4 : i32
    %add3A_131 = arith.addi %mul3A_2, %add3A_130 : i32
    %mul3A_132 = arith.constant 80 : i32
    %mul3A_133 = arith.muli %add3A_131, %mul3A_132 : i32
    %dma_start3A_134 = arith.constant 4 : i32
    %dma_start3A_135 = arith.constant 0 : i32
    %dma_start3A_136 = tpu.memref_slice %arg9[%dma_start3A_134, %dma_start3A_135] : memref<5x80xi32, #tpu.memory_space<vmem>> -> memref<1x80xi32, #tpu.memory_space<vmem>>
    %dma_start3A_137 = tpu.memref_squeeze %dma_start3A_136 : memref<1x80xi32, #tpu.memory_space<vmem>> -> memref<80xi32, #tpu.memory_space<vmem>>
    %dma_start3A_138 = tpu.memref_slice %arg4[%mul3A_133] : memref<320000xi32, #tpu.memory_space<hbm>> -> memref<80xi32, #tpu.memory_space<hbm>>
    %dma_start3A_139 = arith.constant 0 : i32
    %dma_start3A_140 = tpu.memref_slice %arg9[%dma_start3A_134, %dma_start3A_139] : memref<5x80xi32, #tpu.memory_space<vmem>> -> memref<1x80xi32, #tpu.memory_space<vmem>>
    %dma_start3A_141 = tpu.memref_squeeze %dma_start3A_140 : memref<1x80xi32, #tpu.memory_space<vmem>> -> memref<80xi32, #tpu.memory_space<vmem>>
    %dma_start3A_142 = tpu.memref_slice %arg4[%mul3A_133] : memref<320000xi32, #tpu.memory_space<hbm>> -> memref<80xi32, #tpu.memory_space<hbm>>
    tpu.enqueue_dma source(%dma_start3A_142 : memref<80xi32, #tpu.memory_space<hbm>>) target(%dma_start3A_141 : memref<80xi32, #tpu.memory_space<vmem>>) target_semaphore(%arg21 : memref<!tpu.dma_semaphore, #tpu.memory_space<semaphore_mem>>)
    %barrier3A = arith.constant 0 : index
    tpu.barrier barrier_id(%barrier3A)
    %scan3A_143 = arith.constant 0 : i32
    %scan3A_144 = arith.constant 0 : i32
    %scan3A_145 = arith.constant 25 : i32
    %scan3A_146 = arith.addi %scan3A_144, %scan3A_145 : i32
    %scan3A_147 = arith.constant 1 : i32
    scf.for %scan3A_274 = %scan3A_144 to %scan3A_146 step %scan3A_147  : i32 {
      %mul3A_275 = arith.constant 80 : i32
      %mul3A_276 = arith.muli %mul3A_2, %mul3A_275 : i32
      %dma_wait3A_277 = arith.constant 0 : i32
      %dma_wait3A_278 = arith.constant 0 : i32
      %dma_wait3A_279 = tpu.memref_slice %arg8[%dma_wait3A_277, %dma_wait3A_278] : memref<5x80xi32, #tpu.memory_space<vmem>> -> memref<1x80xi32, #tpu.memory_space<vmem>>
      %dma_wait3A_280 = tpu.memref_squeeze %dma_wait3A_279 : memref<1x80xi32, #tpu.memory_space<vmem>> -> memref<80xi32, #tpu.memory_space<vmem>>
      %dma_wait3A_281 = tpu.memref_slice %arg3[%mul3A_276] : memref<320000xi32, #tpu.memory_space<hbm>> -> memref<80xi32, #tpu.memory_space<hbm>>
      %dma_wait3A_282 = arith.constant 0 : i32
      %dma_wait3A_283 = tpu.memref_slice %arg8[%dma_wait3A_277, %dma_wait3A_282] : memref<5x80xi32, #tpu.memory_space<vmem>> -> memref<1x80xi32, #tpu.memory_space<vmem>>
      %dma_wait3A_284 = tpu.memref_squeeze %dma_wait3A_283 : memref<1x80xi32, #tpu.memory_space<vmem>> -> memref<80xi32, #tpu.memory_space<vmem>>
      %dma_wait3A_285 = tpu.memref_slice %arg3[%mul3A_276] : memref<320000xi32, #tpu.memory_space<hbm>> -> memref<80xi32, #tpu.memory_space<hbm>>
      tpu.wait_dma2 semaphore(%arg17 : memref<!tpu.dma_semaphore, #tpu.memory_space<semaphore_mem>>) src(%dma_wait3A_285 : memref<80xi32, #tpu.memory_space<hbm>>) dst(%dma_wait3A_284 : memref<80xi32, #tpu.memory_space<vmem>>)
      %mul3A_286 = arith.constant 80 : i32
      %mul3A_287 = arith.muli %mul3A_2, %mul3A_286 : i32
      %dma_wait3A_288 = arith.constant 0 : i32
      %dma_wait3A_289 = arith.constant 0 : i32
      %dma_wait3A_290 = tpu.memref_slice %arg9[%dma_wait3A_288, %dma_wait3A_289] : memref<5x80xi32, #tpu.memory_space<vmem>> -> memref<1x80xi32, #tpu.memory_space<vmem>>
      %dma_wait3A_291 = tpu.memref_squeeze %dma_wait3A_290 : memref<1x80xi32, #tpu.memory_space<vmem>> -> memref<80xi32, #tpu.memory_space<vmem>>
      %dma_wait3A_292 = tpu.memref_slice %arg4[%mul3A_287] : memref<320000xi32, #tpu.memory_space<hbm>> -> memref<80xi32, #tpu.memory_space<hbm>>
      %dma_wait3A_293 = arith.constant 0 : i32
      %dma_wait3A_294 = tpu.memref_slice %arg9[%dma_wait3A_288, %dma_wait3A_293] : memref<5x80xi32, #tpu.memory_space<vmem>> -> memref<1x80xi32, #tpu.memory_space<vmem>>
      %dma_wait3A_295 = tpu.memref_squeeze %dma_wait3A_294 : memref<1x80xi32, #tpu.memory_space<vmem>> -> memref<80xi32, #tpu.memory_space<vmem>>
      %dma_wait3A_296 = tpu.memref_slice %arg4[%mul3A_287] : memref<320000xi32, #tpu.memory_space<hbm>> -> memref<80xi32, #tpu.memory_space<hbm>>
      tpu.wait_dma2 semaphore(%arg17 : memref<!tpu.dma_semaphore, #tpu.memory_space<semaphore_mem>>) src(%dma_wait3A_296 : memref<80xi32, #tpu.memory_space<hbm>>) dst(%dma_wait3A_295 : memref<80xi32, #tpu.memory_space<vmem>>)
      %dma_start3A_297 = arith.constant 0 : i32
      %dma_start3A_298 = arith.constant 0 : i32
      %dma_start3A_299 = arith.constant 0 : i32
      %dma_start3A_300 = arith.constant 0 : i32
      %dma_start3A_301 = tpu.memref_slice %arg10[%dma_start3A_298, %dma_start3A_299, %dma_start3A_300] : memref<5x80x32xf32, #tpu.memory_space<vmem>> -> memref<1x80x32xf32, #tpu.memory_space<vmem>>
      %dma_start3A_302 = tpu.memref_squeeze %dma_start3A_301 : memref<1x80x32xf32, #tpu.memory_space<vmem>> -> memref<80x32xf32, #tpu.memory_space<vmem>>
      %dma_start3A_303 = arith.constant 0 : i32
      %dma_start3A_304 = tpu.memref_slice %arg8[%dma_start3A_297, %dma_start3A_303] : memref<5x80xi32, #tpu.memory_space<vmem>> -> memref<1x80xi32, #tpu.memory_space<vmem>>
      %dma_start3A_305 = tpu.memref_squeeze %dma_start3A_304 : memref<1x80xi32, #tpu.memory_space<vmem>> -> memref<80xi32, #tpu.memory_space<vmem>>
      %dma_start3A_306 = arith.constant 0 : i32
      %dma_start3A_307 = arith.constant 0 : i32
      %dma_start3A_308 = tpu.memref_slice %arg13[%dma_start3A_306, %dma_start3A_307] : memref<10240x32xf32, #tpu.memory_space<vmem_shared>> -> memref<10240x32xf32, #tpu.memory_space<vmem_shared>>
      tpu.enqueue_indirect_dma source(%dma_start3A_308 : memref<10240x32xf32, #tpu.memory_space<vmem_shared>>) target(%dma_start3A_302 : memref<80x32xf32, #tpu.memory_space<vmem>>) offsets(%dma_start3A_305 : memref<80xi32, #tpu.memory_space<vmem>>) semaphore(%arg22 : memref<!tpu.dma_semaphore, #tpu.memory_space<semaphore_mem>>)
      %get3A = arith.constant 0 : i32
      %get3A_309 = arith.index_cast %get3A : i32 to index
      %get3A_310 = arith.constant 0 : index
      %get3A_311 = tpu.vector_load %arg9[%get3A_309, %get3A_310] {strides = array<i32>} : memref<5x80xi32, #tpu.memory_space<vmem>>, vector<16xi32>,
      %broadcast_in_dim3A = arith.constant 1.000000e+00 : f32
      %broadcast_in_dim3A_312 = vector.broadcast %broadcast_in_dim3A : f32 to vector<16xf32>
      tpu.vector_store_idx %arg11[%get3A_311], %broadcast_in_dim3A_312 {add = true} : memref<10240xf32, #tpu.memory_space<vmem>>[vector<16xi32>], vector<16xf32>,
      %get3A_313 = arith.constant 0 : i32
      %get3A_314 = arith.index_cast %get3A_313 : i32 to index
      %get3A_315 = arith.constant 16 : index
      %get3A_316 = tpu.vector_load %arg9[%get3A_314, %get3A_315] {strides = array<i32>} : memref<5x80xi32, #tpu.memory_space<vmem>>, vector<16xi32>,
      %broadcast_in_dim3A_317 = arith.constant 1.000000e+00 : f32
      %broadcast_in_dim3A_318 = vector.broadcast %broadcast_in_dim3A_317 : f32 to vector<16xf32>
      tpu.vector_store_idx %arg11[%get3A_316], %broadcast_in_dim3A_318 {add = true} : memref<10240xf32, #tpu.memory_space<vmem>>[vector<16xi32>], vector<16xf32>,
      %get3A_319 = arith.constant 0 : i32
      %get3A_320 = arith.index_cast %get3A_319 : i32 to index
      %get3A_321 = arith.constant 32 : index
      %get3A_322 = tpu.vector_load %arg9[%get3A_320, %get3A_321] {strides = array<i32>} : memref<5x80xi32, #tpu.memory_space<vmem>>, vector<16xi32>,
      %broadcast_in_dim3A_323 = arith.constant 1.000000e+00 : f32
      %broadcast_in_dim3A_324 = vector.broadcast %broadcast_in_dim3A_323 : f32 to vector<16xf32>
      tpu.vector_store_idx %arg11[%get3A_322], %broadcast_in_dim3A_324 {add = true} : memref<10240xf32, #tpu.memory_space<vmem>>[vector<16xi32>], vector<16xf32>,
      %get3A_325 = arith.constant 0 : i32
      %get3A_326 = arith.index_cast %get3A_325 : i32 to index
      %get3A_327 = arith.constant 48 : index
      %get3A_328 = tpu.vector_load %arg9[%get3A_326, %get3A_327] {strides = array<i32>} : memref<5x80xi32, #tpu.memory_space<vmem>>, vector<16xi32>,
      %broadcast_in_dim3A_329 = arith.constant 1.000000e+00 : f32
      %broadcast_in_dim3A_330 = vector.broadcast %broadcast_in_dim3A_329 : f32 to vector<16xf32>
      tpu.vector_store_idx %arg11[%get3A_328], %broadcast_in_dim3A_330 {add = true} : memref<10240xf32, #tpu.memory_space<vmem>>[vector<16xi32>], vector<16xf32>,
      %get3A_331 = arith.constant 0 : i32
      %get3A_332 = arith.index_cast %get3A_331 : i32 to index
      %get3A_333 = arith.constant 64 : index
      %get3A_334 = tpu.vector_load %arg9[%get3A_332, %get3A_333] {strides = array<i32>} : memref<5x80xi32, #tpu.memory_space<vmem>>, vector<16xi32>,
      %broadcast_in_dim3A_335 = arith.constant 1.000000e+00 : f32
      %broadcast_in_dim3A_336 = vector.broadcast %broadcast_in_dim3A_335 : f32 to vector<16xf32>
      tpu.vector_store_idx %arg11[%get3A_334], %broadcast_in_dim3A_336 {add = true} : memref<10240xf32, #tpu.memory_space<vmem>>[vector<16xi32>], vector<16xf32>,
      %mul3A_337 = arith.constant 80 : i32
      %mul3A_338 = arith.muli %mul3A_2, %mul3A_337 : i32
      %dma_wait3A_339 = arith.constant 1 : i32
      %dma_wait3A_340 = arith.constant 0 : i32
      %dma_wait3A_341 = tpu.memref_slice %arg8[%dma_wait3A_339, %dma_wait3A_340] : memref<5x80xi32, #tpu.memory_space<vmem>> -> memref<1x80xi32, #tpu.memory_space<vmem>>
      %dma_wait3A_342 = tpu.memref_squeeze %dma_wait3A_341 : memref<1x80xi32, #tpu.memory_space<vmem>> -> memref<80xi32, #tpu.memory_space<vmem>>
      %dma_wait3A_343 = tpu.memref_slice %arg3[%mul3A_338] : memref<320000xi32, #tpu.memory_space<hbm>> -> memref<80xi32, #tpu.memory_space<hbm>>
      %dma_wait3A_344 = arith.constant 0 : i32
      %dma_wait3A_345 = tpu.memref_slice %arg8[%dma_wait3A_339, %dma_wait3A_344] : memref<5x80xi32, #tpu.memory_space<vmem>> -> memref<1x80xi32, #tpu.memory_space<vmem>>
      %dma_wait3A_346 = tpu.memref_squeeze %dma_wait3A_345 : memref<1x80xi32, #tpu.memory_space<vmem>> -> memref<80xi32, #tpu.memory_space<vmem>>
      %dma_wait3A_347 = tpu.memref_slice %arg3[%mul3A_338] : memref<320000xi32, #tpu.memory_space<hbm>> -> memref<80xi32, #tpu.memory_space<hbm>>
      tpu.wait_dma2 semaphore(%arg18 : memref<!tpu.dma_semaphore, #tpu.memory_space<semaphore_mem>>) src(%dma_wait3A_347 : memref<80xi32, #tpu.memory_space<hbm>>) dst(%dma_wait3A_346 : memref<80xi32, #tpu.memory_space<vmem>>)
      %mul3A_348 = arith.constant 80 : i32
      %mul3A_349 = arith.muli %mul3A_2, %mul3A_348 : i32
      %dma_wait3A_350 = arith.constant 1 : i32
      %dma_wait3A_351 = arith.constant 0 : i32
      %dma_wait3A_352 = tpu.memref_slice %arg9[%dma_wait3A_350, %dma_wait3A_351] : memref<5x80xi32, #tpu.memory_space<vmem>> -> memref<1x80xi32, #tpu.memory_space<vmem>>
      %dma_wait3A_353 = tpu.memref_squeeze %dma_wait3A_352 : memref<1x80xi32, #tpu.memory_space<vmem>> -> memref<80xi32, #tpu.memory_space<vmem>>
      %dma_wait3A_354 = tpu.memref_slice %arg4[%mul3A_349] : memref<320000xi32, #tpu.memory_space<hbm>> -> memref<80xi32, #tpu.memory_space<hbm>>
      %dma_wait3A_355 = arith.constant 0 : i32
      %dma_wait3A_356 = tpu.memref_slice %arg9[%dma_wait3A_350, %dma_wait3A_355] : memref<5x80xi32, #tpu.memory_space<vmem>> -> memref<1x80xi32, #tpu.memory_space<vmem>>
      %dma_wait3A_357 = tpu.memref_squeeze %dma_wait3A_356 : memref<1x80xi32, #tpu.memory_space<vmem>> -> memref<80xi32, #tpu.memory_space<vmem>>
      %dma_wait3A_358 = tpu.memref_slice %arg4[%mul3A_349] : memref<320000xi32, #tpu.memory_space<hbm>> -> memref<80xi32, #tpu.memory_space<hbm>>
      tpu.wait_dma2 semaphore(%arg18 : memref<!tpu.dma_semaphore, #tpu.memory_space<semaphore_mem>>) src(%dma_wait3A_358 : memref<80xi32, #tpu.memory_space<hbm>>) dst(%dma_wait3A_357 : memref<80xi32, #tpu.memory_space<vmem>>)
      %dma_start3A_359 = arith.constant 1 : i32
      %dma_start3A_360 = arith.constant 1 : i32
      %dma_start3A_361 = arith.constant 0 : i32
      %dma_start3A_362 = arith.constant 0 : i32
      %dma_start3A_363 = tpu.memref_slice %arg10[%dma_start3A_360, %dma_start3A_361, %dma_start3A_362] : memref<5x80x32xf32, #tpu.memory_space<vmem>> -> memref<1x80x32xf32, #tpu.memory_space<vmem>>
      %dma_start3A_364 = tpu.memref_squeeze %dma_start3A_363 : memref<1x80x32xf32, #tpu.memory_space<vmem>> -> memref<80x32xf32, #tpu.memory_space<vmem>>
      %dma_start3A_365 = arith.constant 0 : i32
      %dma_start3A_366 = tpu.memref_slice %arg8[%dma_start3A_359, %dma_start3A_365] : memref<5x80xi32, #tpu.memory_space<vmem>> -> memref<1x80xi32, #tpu.memory_space<vmem>>
      %dma_start3A_367 = tpu.memref_squeeze %dma_start3A_366 : memref<1x80xi32, #tpu.memory_space<vmem>> -> memref<80xi32, #tpu.memory_space<vmem>>
      %dma_start3A_368 = arith.constant 0 : i32
      %dma_start3A_369 = arith.constant 0 : i32
      %dma_start3A_370 = tpu.memref_slice %arg13[%dma_start3A_368, %dma_start3A_369] : memref<10240x32xf32, #tpu.memory_space<vmem_shared>> -> memref<10240x32xf32, #tpu.memory_space<vmem_shared>>
      tpu.enqueue_indirect_dma source(%dma_start3A_370 : memref<10240x32xf32, #tpu.memory_space<vmem_shared>>) target(%dma_start3A_364 : memref<80x32xf32, #tpu.memory_space<vmem>>) offsets(%dma_start3A_367 : memref<80xi32, #tpu.memory_space<vmem>>) semaphore(%arg23 : memref<!tpu.dma_semaphore, #tpu.memory_space<semaphore_mem>>)
      %get3A_371 = arith.constant 1 : i32
      %get3A_372 = arith.index_cast %get3A_371 : i32 to index
      %get3A_373 = arith.constant 0 : index
      %get3A_374 = tpu.vector_load %arg9[%get3A_372, %get3A_373] {strides = array<i32>} : memref<5x80xi32, #tpu.memory_space<vmem>>, vector<16xi32>,
      %broadcast_in_dim3A_375 = arith.constant 1.000000e+00 : f32
      %broadcast_in_dim3A_376 = vector.broadcast %broadcast_in_dim3A_375 : f32 to vector<16xf32>
      tpu.vector_store_idx %arg11[%get3A_374], %broadcast_in_dim3A_376 {add = true} : memref<10240xf32, #tpu.memory_space<vmem>>[vector<16xi32>], vector<16xf32>,
      %get3A_377 = arith.constant 1 : i32
      %get3A_378 = arith.index_cast %get3A_377 : i32 to index
      %get3A_379 = arith.constant 16 : index
      %get3A_380 = tpu.vector_load %arg9[%get3A_378, %get3A_379] {strides = array<i32>} : memref<5x80xi32, #tpu.memory_space<vmem>>, vector<16xi32>,
      %broadcast_in_dim3A_381 = arith.constant 1.000000e+00 : f32
      %broadcast_in_dim3A_382 = vector.broadcast %broadcast_in_dim3A_381 : f32 to vector<16xf32>
      tpu.vector_store_idx %arg11[%get3A_380], %broadcast_in_dim3A_382 {add = true} : memref<10240xf32, #tpu.memory_space<vmem>>[vector<16xi32>], vector<16xf32>,
      %get3A_383 = arith.constant 1 : i32
      %get3A_384 = arith.index_cast %get3A_383 : i32 to index
      %get3A_385 = arith.constant 32 : index
      %get3A_386 = tpu.vector_load %arg9[%get3A_384, %get3A_385] {strides = array<i32>} : memref<5x80xi32, #tpu.memory_space<vmem>>, vector<16xi32>,
      %broadcast_in_dim3A_387 = arith.constant 1.000000e+00 : f32
      %broadcast_in_dim3A_388 = vector.broadcast %broadcast_in_dim3A_387 : f32 to vector<16xf32>
      tpu.vector_store_idx %arg11[%get3A_386], %broadcast_in_dim3A_388 {add = true} : memref<10240xf32, #tpu.memory_space<vmem>>[vector<16xi32>], vector<16xf32>,
      %get3A_389 = arith.constant 1 : i32
      %get3A_390 = arith.index_cast %get3A_389 : i32 to index
      %get3A_391 = arith.constant 48 : index
      %get3A_392 = tpu.vector_load %arg9[%get3A_390, %get3A_391] {strides = array<i32>} : memref<5x80xi32, #tpu.memory_space<vmem>>, vector<16xi32>,
      %broadcast_in_dim3A_393 = arith.constant 1.000000e+00 : f32
      %broadcast_in_dim3A_394 = vector.broadcast %broadcast_in_dim3A_393 : f32 to vector<16xf32>
      tpu.vector_store_idx %arg11[%get3A_392], %broadcast_in_dim3A_394 {add = true} : memref<10240xf32, #tpu.memory_space<vmem>>[vector<16xi32>], vector<16xf32>,
      %get3A_395 = arith.constant 1 : i32
      %get3A_396 = arith.index_cast %get3A_395 : i32 to index
      %get3A_397 = arith.constant 64 : index
      %get3A_398 = tpu.vector_load %arg9[%get3A_396, %get3A_397] {strides = array<i32>} : memref<5x80xi32, #tpu.memory_space<vmem>>, vector<16xi32>,
      %broadcast_in_dim3A_399 = arith.constant 1.000000e+00 : f32
      %broadcast_in_dim3A_400 = vector.broadcast %broadcast_in_dim3A_399 : f32 to vector<16xf32>
      tpu.vector_store_idx %arg11[%get3A_398], %broadcast_in_dim3A_400 {add = true} : memref<10240xf32, #tpu.memory_space<vmem>>[vector<16xi32>], vector<16xf32>,
      %mul3A_401 = arith.constant 80 : i32
      %mul3A_402 = arith.muli %mul3A_2, %mul3A_401 : i32
      %dma_wait3A_403 = arith.constant 2 : i32
      %dma_wait3A_404 = arith.constant 0 : i32
      %dma_wait3A_405 = tpu.memref_slice %arg8[%dma_wait3A_403, %dma_wait3A_404] : memref<5x80xi32, #tpu.memory_space<vmem>> -> memref<1x80xi32, #tpu.memory_space<vmem>>
      %dma_wait3A_406 = tpu.memref_squeeze %dma_wait3A_405 : memref<1x80xi32, #tpu.memory_space<vmem>> -> memref<80xi32, #tpu.memory_space<vmem>>
      %dma_wait3A_407 = tpu.memref_slice %arg3[%mul3A_402] : memref<320000xi32, #tpu.memory_space<hbm>> -> memref<80xi32, #tpu.memory_space<hbm>>
      %dma_wait3A_408 = arith.constant 0 : i32
      %dma_wait3A_409 = tpu.memref_slice %arg8[%dma_wait3A_403, %dma_wait3A_408] : memref<5x80xi32, #tpu.memory_space<vmem>> -> memref<1x80xi32, #tpu.memory_space<vmem>>
      %dma_wait3A_410 = tpu.memref_squeeze %dma_wait3A_409 : memref<1x80xi32, #tpu.memory_space<vmem>> -> memref<80xi32, #tpu.memory_space<vmem>>
      %dma_wait3A_411 = tpu.memref_slice %arg3[%mul3A_402] : memref<320000xi32, #tpu.memory_space<hbm>> -> memref<80xi32, #tpu.memory_space<hbm>>
      tpu.wait_dma2 semaphore(%arg19 : memref<!tpu.dma_semaphore, #tpu.memory_space<semaphore_mem>>) src(%dma_wait3A_411 : memref<80xi32, #tpu.memory_space<hbm>>) dst(%dma_wait3A_410 : memref<80xi32, #tpu.memory_space<vmem>>)
      %mul3A_412 = arith.constant 80 : i32
      %mul3A_413 = arith.muli %mul3A_2, %mul3A_412 : i32
      %dma_wait3A_414 = arith.constant 2 : i32
      %dma_wait3A_415 = arith.constant 0 : i32
      %dma_wait3A_416 = tpu.memref_slice %arg9[%dma_wait3A_414, %dma_wait3A_415] : memref<5x80xi32, #tpu.memory_space<vmem>> -> memref<1x80xi32, #tpu.memory_space<vmem>>
      %dma_wait3A_417 = tpu.memref_squeeze %dma_wait3A_416 : memref<1x80xi32, #tpu.memory_space<vmem>> -> memref<80xi32, #tpu.memory_space<vmem>>
      %dma_wait3A_418 = tpu.memref_slice %arg4[%mul3A_413] : memref<320000xi32, #tpu.memory_space<hbm>> -> memref<80xi32, #tpu.memory_space<hbm>>
      %dma_wait3A_419 = arith.constant 0 : i32
      %dma_wait3A_420 = tpu.memref_slice %arg9[%dma_wait3A_414, %dma_wait3A_419] : memref<5x80xi32, #tpu.memory_space<vmem>> -> memref<1x80xi32, #tpu.memory_space<vmem>>
      %dma_wait3A_421 = tpu.memref_squeeze %dma_wait3A_420 : memref<1x80xi32, #tpu.memory_space<vmem>> -> memref<80xi32, #tpu.memory_space<vmem>>
      %dma_wait3A_422 = tpu.memref_slice %arg4[%mul3A_413] : memref<320000xi32, #tpu.memory_space<hbm>> -> memref<80xi32, #tpu.memory_space<hbm>>
      tpu.wait_dma2 semaphore(%arg19 : memref<!tpu.dma_semaphore, #tpu.memory_space<semaphore_mem>>) src(%dma_wait3A_422 : memref<80xi32, #tpu.memory_space<hbm>>) dst(%dma_wait3A_421 : memref<80xi32, #tpu.memory_space<vmem>>)
      %dma_start3A_423 = arith.constant 2 : i32
      %dma_start3A_424 = arith.constant 2 : i32
      %dma_start3A_425 = arith.constant 0 : i32
      %dma_start3A_426 = arith.constant 0 : i32
      %dma_start3A_427 = tpu.memref_slice %arg10[%dma_start3A_424, %dma_start3A_425, %dma_start3A_426] : memref<5x80x32xf32, #tpu.memory_space<vmem>> -> memref<1x80x32xf32, #tpu.memory_space<vmem>>
      %dma_start3A_428 = tpu.memref_squeeze %dma_start3A_427 : memref<1x80x32xf32, #tpu.memory_space<vmem>> -> memref<80x32xf32, #tpu.memory_space<vmem>>
      %dma_start3A_429 = arith.constant 0 : i32
      %dma_start3A_430 = tpu.memref_slice %arg8[%dma_start3A_423, %dma_start3A_429] : memref<5x80xi32, #tpu.memory_space<vmem>> -> memref<1x80xi32, #tpu.memory_space<vmem>>
      %dma_start3A_431 = tpu.memref_squeeze %dma_start3A_430 : memref<1x80xi32, #tpu.memory_space<vmem>> -> memref<80xi32, #tpu.memory_space<vmem>>
      %dma_start3A_432 = arith.constant 0 : i32
      %dma_start3A_433 = arith.constant 0 : i32
      %dma_start3A_434 = tpu.memref_slice %arg13[%dma_start3A_432, %dma_start3A_433] : memref<10240x32xf32, #tpu.memory_space<vmem_shared>> -> memref<10240x32xf32, #tpu.memory_space<vmem_shared>>
      tpu.enqueue_indirect_dma source(%dma_start3A_434 : memref<10240x32xf32, #tpu.memory_space<vmem_shared>>) target(%dma_start3A_428 : memref<80x32xf32, #tpu.memory_space<vmem>>) offsets(%dma_start3A_431 : memref<80xi32, #tpu.memory_space<vmem>>) semaphore(%arg24 : memref<!tpu.dma_semaphore, #tpu.memory_space<semaphore_mem>>)
      %get3A_435 = arith.constant 2 : i32
      %get3A_436 = arith.index_cast %get3A_435 : i32 to index
      %get3A_437 = arith.constant 0 : index
      %get3A_438 = tpu.vector_load %arg9[%get3A_436, %get3A_437] {strides = array<i32>} : memref<5x80xi32, #tpu.memory_space<vmem>>, vector<16xi32>,
      %broadcast_in_dim3A_439 = arith.constant 1.000000e+00 : f32
      %broadcast_in_dim3A_440 = vector.broadcast %broadcast_in_dim3A_439 : f32 to vector<16xf32>
      tpu.vector_store_idx %arg11[%get3A_438], %broadcast_in_dim3A_440 {add = true} : memref<10240xf32, #tpu.memory_space<vmem>>[vector<16xi32>], vector<16xf32>,
      %get3A_441 = arith.constant 2 : i32
      %get3A_442 = arith.index_cast %get3A_441 : i32 to index
      %get3A_443 = arith.constant 16 : index
      %get3A_444 = tpu.vector_load %arg9[%get3A_442, %get3A_443] {strides = array<i32>} : memref<5x80xi32, #tpu.memory_space<vmem>>, vector<16xi32>,
      %broadcast_in_dim3A_445 = arith.constant 1.000000e+00 : f32
      %broadcast_in_dim3A_446 = vector.broadcast %broadcast_in_dim3A_445 : f32 to vector<16xf32>
      tpu.vector_store_idx %arg11[%get3A_444], %broadcast_in_dim3A_446 {add = true} : memref<10240xf32, #tpu.memory_space<vmem>>[vector<16xi32>], vector<16xf32>,
      %get3A_447 = arith.constant 2 : i32
      %get3A_448 = arith.index_cast %get3A_447 : i32 to index
      %get3A_449 = arith.constant 32 : index
      %get3A_450 = tpu.vector_load %arg9[%get3A_448, %get3A_449] {strides = array<i32>} : memref<5x80xi32, #tpu.memory_space<vmem>>, vector<16xi32>,
      %broadcast_in_dim3A_451 = arith.constant 1.000000e+00 : f32
      %broadcast_in_dim3A_452 = vector.broadcast %broadcast_in_dim3A_451 : f32 to vector<16xf32>
      tpu.vector_store_idx %arg11[%get3A_450], %broadcast_in_dim3A_452 {add = true} : memref<10240xf32, #tpu.memory_space<vmem>>[vector<16xi32>], vector<16xf32>,
      %get3A_453 = arith.constant 2 : i32
      %get3A_454 = arith.index_cast %get3A_453 : i32 to index
      %get3A_455 = arith.constant 48 : index
      %get3A_456 = tpu.vector_load %arg9[%get3A_454, %get3A_455] {strides = array<i32>} : memref<5x80xi32, #tpu.memory_space<vmem>>, vector<16xi32>,
      %broadcast_in_dim3A_457 = arith.constant 1.000000e+00 : f32
      %broadcast_in_dim3A_458 = vector.broadcast %broadcast_in_dim3A_457 : f32 to vector<16xf32>
      tpu.vector_store_idx %arg11[%get3A_456], %broadcast_in_dim3A_458 {add = true} : memref<10240xf32, #tpu.memory_space<vmem>>[vector<16xi32>], vector<16xf32>,
      %get3A_459 = arith.constant 2 : i32
      %get3A_460 = arith.index_cast %get3A_459 : i32 to index
      %get3A_461 = arith.constant 64 : index
      %get3A_462 = tpu.vector_load %arg9[%get3A_460, %get3A_461] {strides = array<i32>} : memref<5x80xi32, #tpu.memory_space<vmem>>, vector<16xi32>,
      %broadcast_in_dim3A_463 = arith.constant 1.000000e+00 : f32
      %broadcast_in_dim3A_464 = vector.broadcast %broadcast_in_dim3A_463 : f32 to vector<16xf32>
      tpu.vector_store_idx %arg11[%get3A_462], %broadcast_in_dim3A_464 {add = true} : memref<10240xf32, #tpu.memory_space<vmem>>[vector<16xi32>], vector<16xf32>,
      %mul3A_465 = arith.constant 80 : i32
      %mul3A_466 = arith.muli %mul3A_2, %mul3A_465 : i32
      %dma_wait3A_467 = arith.constant 3 : i32
      %dma_wait3A_468 = arith.constant 0 : i32
      %dma_wait3A_469 = tpu.memref_slice %arg8[%dma_wait3A_467, %dma_wait3A_468] : memref<5x80xi32, #tpu.memory_space<vmem>> -> memref<1x80xi32, #tpu.memory_space<vmem>>
      %dma_wait3A_470 = tpu.memref_squeeze %dma_wait3A_469 : memref<1x80xi32, #tpu.memory_space<vmem>> -> memref<80xi32, #tpu.memory_space<vmem>>
      %dma_wait3A_471 = tpu.memref_slice %arg3[%mul3A_466] : memref<320000xi32, #tpu.memory_space<hbm>> -> memref<80xi32, #tpu.memory_space<hbm>>
      %dma_wait3A_472 = arith.constant 0 : i32
      %dma_wait3A_473 = tpu.memref_slice %arg8[%dma_wait3A_467, %dma_wait3A_472] : memref<5x80xi32, #tpu.memory_space<vmem>> -> memref<1x80xi32, #tpu.memory_space<vmem>>
      %dma_wait3A_474 = tpu.memref_squeeze %dma_wait3A_473 : memref<1x80xi32, #tpu.memory_space<vmem>> -> memref<80xi32, #tpu.memory_space<vmem>>
      %dma_wait3A_475 = tpu.memref_slice %arg3[%mul3A_466] : memref<320000xi32, #tpu.memory_space<hbm>> -> memref<80xi32, #tpu.memory_space<hbm>>
      tpu.wait_dma2 semaphore(%arg20 : memref<!tpu.dma_semaphore, #tpu.memory_space<semaphore_mem>>) src(%dma_wait3A_475 : memref<80xi32, #tpu.memory_space<hbm>>) dst(%dma_wait3A_474 : memref<80xi32, #tpu.memory_space<vmem>>)
      %mul3A_476 = arith.constant 80 : i32
      %mul3A_477 = arith.muli %mul3A_2, %mul3A_476 : i32
      %dma_wait3A_478 = arith.constant 3 : i32
      %dma_wait3A_479 = arith.constant 0 : i32
      %dma_wait3A_480 = tpu.memref_slice %arg9[%dma_wait3A_478, %dma_wait3A_479] : memref<5x80xi32, #tpu.memory_space<vmem>> -> memref<1x80xi32, #tpu.memory_space<vmem>>
      %dma_wait3A_481 = tpu.memref_squeeze %dma_wait3A_480 : memref<1x80xi32, #tpu.memory_space<vmem>> -> memref<80xi32, #tpu.memory_space<vmem>>
      %dma_wait3A_482 = tpu.memref_slice %arg4[%mul3A_477] : memref<320000xi32, #tpu.memory_space<hbm>> -> memref<80xi32, #tpu.memory_space<hbm>>
      %dma_wait3A_483 = arith.constant 0 : i32
      %dma_wait3A_484 = tpu.memref_slice %arg9[%dma_wait3A_478, %dma_wait3A_483] : memref<5x80xi32, #tpu.memory_space<vmem>> -> memref<1x80xi32, #tpu.memory_space<vmem>>
      %dma_wait3A_485 = tpu.memref_squeeze %dma_wait3A_484 : memref<1x80xi32, #tpu.memory_space<vmem>> -> memref<80xi32, #tpu.memory_space<vmem>>
      %dma_wait3A_486 = tpu.memref_slice %arg4[%mul3A_477] : memref<320000xi32, #tpu.memory_space<hbm>> -> memref<80xi32, #tpu.memory_space<hbm>>
      tpu.wait_dma2 semaphore(%arg20 : memref<!tpu.dma_semaphore, #tpu.memory_space<semaphore_mem>>) src(%dma_wait3A_486 : memref<80xi32, #tpu.memory_space<hbm>>) dst(%dma_wait3A_485 : memref<80xi32, #tpu.memory_space<vmem>>)
      %dma_start3A_487 = arith.constant 3 : i32
      %dma_start3A_488 = arith.constant 3 : i32
      %dma_start3A_489 = arith.constant 0 : i32
      %dma_start3A_490 = arith.constant 0 : i32
      %dma_start3A_491 = tpu.memref_slice %arg10[%dma_start3A_488, %dma_start3A_489, %dma_start3A_490] : memref<5x80x32xf32, #tpu.memory_space<vmem>> -> memref<1x80x32xf32, #tpu.memory_space<vmem>>
      %dma_start3A_492 = tpu.memref_squeeze %dma_start3A_491 : memref<1x80x32xf32, #tpu.memory_space<vmem>> -> memref<80x32xf32, #tpu.memory_space<vmem>>
      %dma_start3A_493 = arith.constant 0 : i32
      %dma_start3A_494 = tpu.memref_slice %arg8[%dma_start3A_487, %dma_start3A_493] : memref<5x80xi32, #tpu.memory_space<vmem>> -> memref<1x80xi32, #tpu.memory_space<vmem>>
      %dma_start3A_495 = tpu.memref_squeeze %dma_start3A_494 : memref<1x80xi32, #tpu.memory_space<vmem>> -> memref<80xi32, #tpu.memory_space<vmem>>
      %dma_start3A_496 = arith.constant 0 : i32
      %dma_start3A_497 = arith.constant 0 : i32
      %dma_start3A_498 = tpu.memref_slice %arg13[%dma_start3A_496, %dma_start3A_497] : memref<10240x32xf32, #tpu.memory_space<vmem_shared>> -> memref<10240x32xf32, #tpu.memory_space<vmem_shared>>
      tpu.enqueue_indirect_dma source(%dma_start3A_498 : memref<10240x32xf32, #tpu.memory_space<vmem_shared>>) target(%dma_start3A_492 : memref<80x32xf32, #tpu.memory_space<vmem>>) offsets(%dma_start3A_495 : memref<80xi32, #tpu.memory_space<vmem>>) semaphore(%arg25 : memref<!tpu.dma_semaphore, #tpu.memory_space<semaphore_mem>>)
      %get3A_499 = arith.constant 3 : i32
      %get3A_500 = arith.index_cast %get3A_499 : i32 to index
      %get3A_501 = arith.constant 0 : index
      %get3A_502 = tpu.vector_load %arg9[%get3A_500, %get3A_501] {strides = array<i32>} : memref<5x80xi32, #tpu.memory_space<vmem>>, vector<16xi32>,
      %broadcast_in_dim3A_503 = arith.constant 1.000000e+00 : f32
      %broadcast_in_dim3A_504 = vector.broadcast %broadcast_in_dim3A_503 : f32 to vector<16xf32>
      tpu.vector_store_idx %arg11[%get3A_502], %broadcast_in_dim3A_504 {add = true} : memref<10240xf32, #tpu.memory_space<vmem>>[vector<16xi32>], vector<16xf32>,
      %get3A_505 = arith.constant 3 : i32
      %get3A_506 = arith.index_cast %get3A_505 : i32 to index
      %get3A_507 = arith.constant 16 : index
      %get3A_508 = tpu.vector_load %arg9[%get3A_506, %get3A_507] {strides = array<i32>} : memref<5x80xi32, #tpu.memory_space<vmem>>, vector<16xi32>,
      %broadcast_in_dim3A_509 = arith.constant 1.000000e+00 : f32
      %broadcast_in_dim3A_510 = vector.broadcast %broadcast_in_dim3A_509 : f32 to vector<16xf32>
      tpu.vector_store_idx %arg11[%get3A_508], %broadcast_in_dim3A_510 {add = true} : memref<10240xf32, #tpu.memory_space<vmem>>[vector<16xi32>], vector<16xf32>,
      %get3A_511 = arith.constant 3 : i32
      %get3A_512 = arith.index_cast %get3A_511 : i32 to index
      %get3A_513 = arith.constant 32 : index
      %get3A_514 = tpu.vector_load %arg9[%get3A_512, %get3A_513] {strides = array<i32>} : memref<5x80xi32, #tpu.memory_space<vmem>>, vector<16xi32>,
      %broadcast_in_dim3A_515 = arith.constant 1.000000e+00 : f32
      %broadcast_in_dim3A_516 = vector.broadcast %broadcast_in_dim3A_515 : f32 to vector<16xf32>
      tpu.vector_store_idx %arg11[%get3A_514], %broadcast_in_dim3A_516 {add = true} : memref<10240xf32, #tpu.memory_space<vmem>>[vector<16xi32>], vector<16xf32>,
      %get3A_517 = arith.constant 3 : i32
      %get3A_518 = arith.index_cast %get3A_517 : i32 to index
      %get3A_519 = arith.constant 48 : index
      %get3A_520 = tpu.vector_load %arg9[%get3A_518, %get3A_519] {strides = array<i32>} : memref<5x80xi32, #tpu.memory_space<vmem>>, vector<16xi32>,
      %broadcast_in_dim3A_521 = arith.constant 1.000000e+00 : f32
      %broadcast_in_dim3A_522 = vector.broadcast %broadcast_in_dim3A_521 : f32 to vector<16xf32>
      tpu.vector_store_idx %arg11[%get3A_520], %broadcast_in_dim3A_522 {add = true} : memref<10240xf32, #tpu.memory_space<vmem>>[vector<16xi32>], vector<16xf32>,
      %get3A_523 = arith.constant 3 : i32
      %get3A_524 = arith.index_cast %get3A_523 : i32 to index
      %get3A_525 = arith.constant 64 : index
      %get3A_526 = tpu.vector_load %arg9[%get3A_524, %get3A_525] {strides = array<i32>} : memref<5x80xi32, #tpu.memory_space<vmem>>, vector<16xi32>,
      %broadcast_in_dim3A_527 = arith.constant 1.000000e+00 : f32
      %broadcast_in_dim3A_528 = vector.broadcast %broadcast_in_dim3A_527 : f32 to vector<16xf32>
      tpu.vector_store_idx %arg11[%get3A_526], %broadcast_in_dim3A_528 {add = true} : memref<10240xf32, #tpu.memory_space<vmem>>[vector<16xi32>], vector<16xf32>,
      %mul3A_529 = arith.constant 80 : i32
      %mul3A_530 = arith.muli %mul3A_2, %mul3A_529 : i32
      %dma_wait3A_531 = arith.constant 4 : i32
      %dma_wait3A_532 = arith.constant 0 : i32
      %dma_wait3A_533 = tpu.memref_slice %arg8[%dma_wait3A_531, %dma_wait3A_532] : memref<5x80xi32, #tpu.memory_space<vmem>> -> memref<1x80xi32, #tpu.memory_space<vmem>>
      %dma_wait3A_534 = tpu.memref_squeeze %dma_wait3A_533 : memref<1x80xi32, #tpu.memory_space<vmem>> -> memref<80xi32, #tpu.memory_space<vmem>>
      %dma_wait3A_535 = tpu.memref_slice %arg3[%mul3A_530] : memref<320000xi32, #tpu.memory_space<hbm>> -> memref<80xi32, #tpu.memory_space<hbm>>
      %dma_wait3A_536 = arith.constant 0 : i32
      %dma_wait3A_537 = tpu.memref_slice %arg8[%dma_wait3A_531, %dma_wait3A_536] : memref<5x80xi32, #tpu.memory_space<vmem>> -> memref<1x80xi32, #tpu.memory_space<vmem>>
      %dma_wait3A_538 = tpu.memref_squeeze %dma_wait3A_537 : memref<1x80xi32, #tpu.memory_space<vmem>> -> memref<80xi32, #tpu.memory_space<vmem>>
      %dma_wait3A_539 = tpu.memref_slice %arg3[%mul3A_530] : memref<320000xi32, #tpu.memory_space<hbm>> -> memref<80xi32, #tpu.memory_space<hbm>>
      tpu.wait_dma2 semaphore(%arg21 : memref<!tpu.dma_semaphore, #tpu.memory_space<semaphore_mem>>) src(%dma_wait3A_539 : memref<80xi32, #tpu.memory_space<hbm>>) dst(%dma_wait3A_538 : memref<80xi32, #tpu.memory_space<vmem>>)
      %mul3A_540 = arith.constant 80 : i32
      %mul3A_541 = arith.muli %mul3A_2, %mul3A_540 : i32
      %dma_wait3A_542 = arith.constant 4 : i32
      %dma_wait3A_543 = arith.constant 0 : i32
      %dma_wait3A_544 = tpu.memref_slice %arg9[%dma_wait3A_542, %dma_wait3A_543] : memref<5x80xi32, #tpu.memory_space<vmem>> -> memref<1x80xi32, #tpu.memory_space<vmem>>
      %dma_wait3A_545 = tpu.memref_squeeze %dma_wait3A_544 : memref<1x80xi32, #tpu.memory_space<vmem>> -> memref<80xi32, #tpu.memory_space<vmem>>
      %dma_wait3A_546 = tpu.memref_slice %arg4[%mul3A_541] : memref<320000xi32, #tpu.memory_space<hbm>> -> memref<80xi32, #tpu.memory_space<hbm>>
      %dma_wait3A_547 = arith.constant 0 : i32
      %dma_wait3A_548 = tpu.memref_slice %arg9[%dma_wait3A_542, %dma_wait3A_547] : memref<5x80xi32, #tpu.memory_space<vmem>> -> memref<1x80xi32, #tpu.memory_space<vmem>>
      %dma_wait3A_549 = tpu.memref_squeeze %dma_wait3A_548 : memref<1x80xi32, #tpu.memory_space<vmem>> -> memref<80xi32, #tpu.memory_space<vmem>>
      %dma_wait3A_550 = tpu.memref_slice %arg4[%mul3A_541] : memref<320000xi32, #tpu.memory_space<hbm>> -> memref<80xi32, #tpu.memory_space<hbm>>
      tpu.wait_dma2 semaphore(%arg21 : memref<!tpu.dma_semaphore, #tpu.memory_space<semaphore_mem>>) src(%dma_wait3A_550 : memref<80xi32, #tpu.memory_space<hbm>>) dst(%dma_wait3A_549 : memref<80xi32, #tpu.memory_space<vmem>>)
      %dma_start3A_551 = arith.constant 4 : i32
      %dma_start3A_552 = arith.constant 4 : i32
      %dma_start3A_553 = arith.constant 0 : i32
      %dma_start3A_554 = arith.constant 0 : i32
      %dma_start3A_555 = tpu.memref_slice %arg10[%dma_start3A_552, %dma_start3A_553, %dma_start3A_554] : memref<5x80x32xf32, #tpu.memory_space<vmem>> -> memref<1x80x32xf32, #tpu.memory_space<vmem>>
      %dma_start3A_556 = tpu.memref_squeeze %dma_start3A_555 : memref<1x80x32xf32, #tpu.memory_space<vmem>> -> memref<80x32xf32, #tpu.memory_space<vmem>>
      %dma_start3A_557 = arith.constant 0 : i32
      %dma_start3A_558 = tpu.memref_slice %arg8[%dma_start3A_551, %dma_start3A_557] : memref<5x80xi32, #tpu.memory_space<vmem>> -> memref<1x80xi32, #tpu.memory_space<vmem>>
      %dma_start3A_559 = tpu.memref_squeeze %dma_start3A_558 : memref<1x80xi32, #tpu.memory_space<vmem>> -> memref<80xi32, #tpu.memory_space<vmem>>
      %dma_start3A_560 = arith.constant 0 : i32
      %dma_start3A_561 = arith.constant 0 : i32
      %dma_start3A_562 = tpu.memref_slice %arg13[%dma_start3A_560, %dma_start3A_561] : memref<10240x32xf32, #tpu.memory_space<vmem_shared>> -> memref<10240x32xf32, #tpu.memory_space<vmem_shared>>
      tpu.enqueue_indirect_dma source(%dma_start3A_562 : memref<10240x32xf32, #tpu.memory_space<vmem_shared>>) target(%dma_start3A_556 : memref<80x32xf32, #tpu.memory_space<vmem>>) offsets(%dma_start3A_559 : memref<80xi32, #tpu.memory_space<vmem>>) semaphore(%arg26 : memref<!tpu.dma_semaphore, #tpu.memory_space<semaphore_mem>>)
      %get3A_563 = arith.constant 4 : i32
      %get3A_564 = arith.index_cast %get3A_563 : i32 to index
      %get3A_565 = arith.constant 0 : index
      %get3A_566 = tpu.vector_load %arg9[%get3A_564, %get3A_565] {strides = array<i32>} : memref<5x80xi32, #tpu.memory_space<vmem>>, vector<16xi32>,
      %broadcast_in_dim3A_567 = arith.constant 1.000000e+00 : f32
      %broadcast_in_dim3A_568 = vector.broadcast %broadcast_in_dim3A_567 : f32 to vector<16xf32>
      tpu.vector_store_idx %arg11[%get3A_566], %broadcast_in_dim3A_568 {add = true} : memref<10240xf32, #tpu.memory_space<vmem>>[vector<16xi32>], vector<16xf32>,
      %get3A_569 = arith.constant 4 : i32
      %get3A_570 = arith.index_cast %get3A_569 : i32 to index
      %get3A_571 = arith.constant 16 : index
      %get3A_572 = tpu.vector_load %arg9[%get3A_570, %get3A_571] {strides = array<i32>} : memref<5x80xi32, #tpu.memory_space<vmem>>, vector<16xi32>,
      %broadcast_in_dim3A_573 = arith.constant 1.000000e+00 : f32
      %broadcast_in_dim3A_574 = vector.broadcast %broadcast_in_dim3A_573 : f32 to vector<16xf32>
      tpu.vector_store_idx %arg11[%get3A_572], %broadcast_in_dim3A_574 {add = true} : memref<10240xf32, #tpu.memory_space<vmem>>[vector<16xi32>], vector<16xf32>,
      %get3A_575 = arith.constant 4 : i32
      %get3A_576 = arith.index_cast %get3A_575 : i32 to index
      %get3A_577 = arith.constant 32 : index
      %get3A_578 = tpu.vector_load %arg9[%get3A_576, %get3A_577] {strides = array<i32>} : memref<5x80xi32, #tpu.memory_space<vmem>>, vector<16xi32>,
      %broadcast_in_dim3A_579 = arith.constant 1.000000e+00 : f32
      %broadcast_in_dim3A_580 = vector.broadcast %broadcast_in_dim3A_579 : f32 to vector<16xf32>
      tpu.vector_store_idx %arg11[%get3A_578], %broadcast_in_dim3A_580 {add = true} : memref<10240xf32, #tpu.memory_space<vmem>>[vector<16xi32>], vector<16xf32>,
      %get3A_581 = arith.constant 4 : i32
      %get3A_582 = arith.index_cast %get3A_581 : i32 to index
      %get3A_583 = arith.constant 48 : index
      %get3A_584 = tpu.vector_load %arg9[%get3A_582, %get3A_583] {strides = array<i32>} : memref<5x80xi32, #tpu.memory_space<vmem>>, vector<16xi32>,
      %broadcast_in_dim3A_585 = arith.constant 1.000000e+00 : f32
      %broadcast_in_dim3A_586 = vector.broadcast %broadcast_in_dim3A_585 : f32 to vector<16xf32>
      tpu.vector_store_idx %arg11[%get3A_584], %broadcast_in_dim3A_586 {add = true} : memref<10240xf32, #tpu.memory_space<vmem>>[vector<16xi32>], vector<16xf32>,
      %get3A_587 = arith.constant 4 : i32
      %get3A_588 = arith.index_cast %get3A_587 : i32 to index
      %get3A_589 = arith.constant 64 : index
      %get3A_590 = tpu.vector_load %arg9[%get3A_588, %get3A_589] {strides = array<i32>} : memref<5x80xi32, #tpu.memory_space<vmem>>, vector<16xi32>,
      %broadcast_in_dim3A_591 = arith.constant 1.000000e+00 : f32
      %broadcast_in_dim3A_592 = vector.broadcast %broadcast_in_dim3A_591 : f32 to vector<16xf32>
      tpu.vector_store_idx %arg11[%get3A_590], %broadcast_in_dim3A_592 {add = true} : memref<10240xf32, #tpu.memory_space<vmem>>[vector<16xi32>], vector<16xf32>,
      %dma_wait3A_593 = arith.constant 0 : i32
      %dma_wait3A_594 = arith.constant 0 : i32
      %dma_wait3A_595 = arith.constant 0 : i32
      %dma_wait3A_596 = arith.constant 0 : i32
      %dma_wait3A_597 = tpu.memref_slice %arg10[%dma_wait3A_594, %dma_wait3A_595, %dma_wait3A_596] : memref<5x80x32xf32, #tpu.memory_space<vmem>> -> memref<1x80x32xf32, #tpu.memory_space<vmem>>
      %dma_wait3A_598 = tpu.memref_squeeze %dma_wait3A_597 : memref<1x80x32xf32, #tpu.memory_space<vmem>> -> memref<80x32xf32, #tpu.memory_space<vmem>>
      %dma_wait3A_599 = arith.constant 0 : i32
      %dma_wait3A_600 = tpu.memref_slice %arg8[%dma_wait3A_593, %dma_wait3A_599] : memref<5x80xi32, #tpu.memory_space<vmem>> -> memref<1x80xi32, #tpu.memory_space<vmem>>
      %dma_wait3A_601 = tpu.memref_squeeze %dma_wait3A_600 : memref<1x80xi32, #tpu.memory_space<vmem>> -> memref<80xi32, #tpu.memory_space<vmem>>
      %dma_wait3A_602 = arith.constant 0 : i32
      %dma_wait3A_603 = arith.constant 0 : i32
      %dma_wait3A_604 = tpu.memref_slice %arg13[%dma_wait3A_602, %dma_wait3A_603] : memref<10240x32xf32, #tpu.memory_space<vmem_shared>> -> memref<10240x32xf32, #tpu.memory_space<vmem_shared>>
      tpu.wait_indirect_dma semaphore(%arg22 : memref<!tpu.dma_semaphore, #tpu.memory_space<semaphore_mem>>) src(%dma_wait3A_604 : memref<10240x32xf32, #tpu.memory_space<vmem_shared>>) dst(%dma_wait3A_598 : memref<80x32xf32, #tpu.memory_space<vmem>>)
      %dma_start3A_605 = arith.constant 0 : i32
      %dma_start3A_606 = arith.constant 0 : i32
      %dma_start3A_607 = arith.constant 0 : i32
      %dma_start3A_608 = arith.constant 0 : i32
      %dma_start3A_609 = tpu.memref_slice %arg10[%dma_start3A_605, %dma_start3A_607, %dma_start3A_608] : memref<5x80x32xf32, #tpu.memory_space<vmem>> -> memref<1x80x32xf32, #tpu.memory_space<vmem>>
      %dma_start3A_610 = tpu.memref_squeeze %dma_start3A_609 : memref<1x80x32xf32, #tpu.memory_space<vmem>> -> memref<80x32xf32, #tpu.memory_space<vmem>>
      %dma_start3A_611 = arith.constant 0 : i32
      %dma_start3A_612 = tpu.memref_slice %arg9[%dma_start3A_606, %dma_start3A_611] : memref<5x80xi32, #tpu.memory_space<vmem>> -> memref<1x80xi32, #tpu.memory_space<vmem>>
      %dma_start3A_613 = tpu.memref_squeeze %dma_start3A_612 : memref<1x80xi32, #tpu.memory_space<vmem>> -> memref<80xi32, #tpu.memory_space<vmem>>
      %dma_start3A_614 = arith.constant 0 : i32
      %dma_start3A_615 = arith.constant 0 : i32
      %dma_start3A_616 = tpu.memref_slice %arg12[%dma_start3A_614, %dma_start3A_615] : memref<10240x32xf32, #tpu.memory_space<vmem_shared>> -> memref<10240x32xf32, #tpu.memory_space<vmem_shared>>
      tpu.enqueue_indirect_dma source(%dma_start3A_610 : memref<80x32xf32, #tpu.memory_space<vmem>>) target(%dma_start3A_616 : memref<10240x32xf32, #tpu.memory_space<vmem_shared>>) offsets(%dma_start3A_613 : memref<80xi32, #tpu.memory_space<vmem>>) semaphore(%arg27 : memref<!tpu.dma_semaphore, #tpu.memory_space<semaphore_mem>>) {add = true}
      %dma_wait3A_617 = arith.constant 1 : i32
      %dma_wait3A_618 = arith.constant 1 : i32
      %dma_wait3A_619 = arith.constant 0 : i32
      %dma_wait3A_620 = arith.constant 0 : i32
      %dma_wait3A_621 = tpu.memref_slice %arg10[%dma_wait3A_618, %dma_wait3A_619, %dma_wait3A_620] : memref<5x80x32xf32, #tpu.memory_space<vmem>> -> memref<1x80x32xf32, #tpu.memory_space<vmem>>
      %dma_wait3A_622 = tpu.memref_squeeze %dma_wait3A_621 : memref<1x80x32xf32, #tpu.memory_space<vmem>> -> memref<80x32xf32, #tpu.memory_space<vmem>>
      %dma_wait3A_623 = arith.constant 0 : i32
      %dma_wait3A_624 = tpu.memref_slice %arg8[%dma_wait3A_617, %dma_wait3A_623] : memref<5x80xi32, #tpu.memory_space<vmem>> -> memref<1x80xi32, #tpu.memory_space<vmem>>
      %dma_wait3A_625 = tpu.memref_squeeze %dma_wait3A_624 : memref<1x80xi32, #tpu.memory_space<vmem>> -> memref<80xi32, #tpu.memory_space<vmem>>
      %dma_wait3A_626 = arith.constant 0 : i32
      %dma_wait3A_627 = arith.constant 0 : i32
      %dma_wait3A_628 = tpu.memref_slice %arg13[%dma_wait3A_626, %dma_wait3A_627] : memref<10240x32xf32, #tpu.memory_space<vmem_shared>> -> memref<10240x32xf32, #tpu.memory_space<vmem_shared>>
      tpu.wait_indirect_dma semaphore(%arg23 : memref<!tpu.dma_semaphore, #tpu.memory_space<semaphore_mem>>) src(%dma_wait3A_628 : memref<10240x32xf32, #tpu.memory_space<vmem_shared>>) dst(%dma_wait3A_622 : memref<80x32xf32, #tpu.memory_space<vmem>>)
      %dma_start3A_629 = arith.constant 1 : i32
      %dma_start3A_630 = arith.constant 1 : i32
      %dma_start3A_631 = arith.constant 0 : i32
      %dma_start3A_632 = arith.constant 0 : i32
      %dma_start3A_633 = tpu.memref_slice %arg10[%dma_start3A_629, %dma_start3A_631, %dma_start3A_632] : memref<5x80x32xf32, #tpu.memory_space<vmem>> -> memref<1x80x32xf32, #tpu.memory_space<vmem>>
      %dma_start3A_634 = tpu.memref_squeeze %dma_start3A_633 : memref<1x80x32xf32, #tpu.memory_space<vmem>> -> memref<80x32xf32, #tpu.memory_space<vmem>>
      %dma_start3A_635 = arith.constant 0 : i32
      %dma_start3A_636 = tpu.memref_slice %arg9[%dma_start3A_630, %dma_start3A_635] : memref<5x80xi32, #tpu.memory_space<vmem>> -> memref<1x80xi32, #tpu.memory_space<vmem>>
      %dma_start3A_637 = tpu.memref_squeeze %dma_start3A_636 : memref<1x80xi32, #tpu.memory_space<vmem>> -> memref<80xi32, #tpu.memory_space<vmem>>
      %dma_start3A_638 = arith.constant 0 : i32
      %dma_start3A_639 = arith.constant 0 : i32
      %dma_start3A_640 = tpu.memref_slice %arg12[%dma_start3A_638, %dma_start3A_639] : memref<10240x32xf32, #tpu.memory_space<vmem_shared>> -> memref<10240x32xf32, #tpu.memory_space<vmem_shared>>
      tpu.enqueue_indirect_dma source(%dma_start3A_634 : memref<80x32xf32, #tpu.memory_space<vmem>>) target(%dma_start3A_640 : memref<10240x32xf32, #tpu.memory_space<vmem_shared>>) offsets(%dma_start3A_637 : memref<80xi32, #tpu.memory_space<vmem>>) semaphore(%arg28 : memref<!tpu.dma_semaphore, #tpu.memory_space<semaphore_mem>>) {add = true}
      %dma_wait3A_641 = arith.constant 2 : i32
      %dma_wait3A_642 = arith.constant 2 : i32
      %dma_wait3A_643 = arith.constant 0 : i32
      %dma_wait3A_644 = arith.constant 0 : i32
      %dma_wait3A_645 = tpu.memref_slice %arg10[%dma_wait3A_642, %dma_wait3A_643, %dma_wait3A_644] : memref<5x80x32xf32, #tpu.memory_space<vmem>> -> memref<1x80x32xf32, #tpu.memory_space<vmem>>
      %dma_wait3A_646 = tpu.memref_squeeze %dma_wait3A_645 : memref<1x80x32xf32, #tpu.memory_space<vmem>> -> memref<80x32xf32, #tpu.memory_space<vmem>>
      %dma_wait3A_647 = arith.constant 0 : i32
      %dma_wait3A_648 = tpu.memref_slice %arg8[%dma_wait3A_641, %dma_wait3A_647] : memref<5x80xi32, #tpu.memory_space<vmem>> -> memref<1x80xi32, #tpu.memory_space<vmem>>
      %dma_wait3A_649 = tpu.memref_squeeze %dma_wait3A_648 : memref<1x80xi32, #tpu.memory_space<vmem>> -> memref<80xi32, #tpu.memory_space<vmem>>
      %dma_wait3A_650 = arith.constant 0 : i32
      %dma_wait3A_651 = arith.constant 0 : i32
      %dma_wait3A_652 = tpu.memref_slice %arg13[%dma_wait3A_650, %dma_wait3A_651] : memref<10240x32xf32, #tpu.memory_space<vmem_shared>> -> memref<10240x32xf32, #tpu.memory_space<vmem_shared>>
      tpu.wait_indirect_dma semaphore(%arg24 : memref<!tpu.dma_semaphore, #tpu.memory_space<semaphore_mem>>) src(%dma_wait3A_652 : memref<10240x32xf32, #tpu.memory_space<vmem_shared>>) dst(%dma_wait3A_646 : memref<80x32xf32, #tpu.memory_space<vmem>>)
      %dma_start3A_653 = arith.constant 2 : i32
      %dma_start3A_654 = arith.constant 2 : i32
      %dma_start3A_655 = arith.constant 0 : i32
      %dma_start3A_656 = arith.constant 0 : i32
      %dma_start3A_657 = tpu.memref_slice %arg10[%dma_start3A_653, %dma_start3A_655, %dma_start3A_656] : memref<5x80x32xf32, #tpu.memory_space<vmem>> -> memref<1x80x32xf32, #tpu.memory_space<vmem>>
      %dma_start3A_658 = tpu.memref_squeeze %dma_start3A_657 : memref<1x80x32xf32, #tpu.memory_space<vmem>> -> memref<80x32xf32, #tpu.memory_space<vmem>>
      %dma_start3A_659 = arith.constant 0 : i32
      %dma_start3A_660 = tpu.memref_slice %arg9[%dma_start3A_654, %dma_start3A_659] : memref<5x80xi32, #tpu.memory_space<vmem>> -> memref<1x80xi32, #tpu.memory_space<vmem>>
      %dma_start3A_661 = tpu.memref_squeeze %dma_start3A_660 : memref<1x80xi32, #tpu.memory_space<vmem>> -> memref<80xi32, #tpu.memory_space<vmem>>
      %dma_start3A_662 = arith.constant 0 : i32
      %dma_start3A_663 = arith.constant 0 : i32
      %dma_start3A_664 = tpu.memref_slice %arg12[%dma_start3A_662, %dma_start3A_663] : memref<10240x32xf32, #tpu.memory_space<vmem_shared>> -> memref<10240x32xf32, #tpu.memory_space<vmem_shared>>
      tpu.enqueue_indirect_dma source(%dma_start3A_658 : memref<80x32xf32, #tpu.memory_space<vmem>>) target(%dma_start3A_664 : memref<10240x32xf32, #tpu.memory_space<vmem_shared>>) offsets(%dma_start3A_661 : memref<80xi32, #tpu.memory_space<vmem>>) semaphore(%arg29 : memref<!tpu.dma_semaphore, #tpu.memory_space<semaphore_mem>>) {add = true}
      %dma_wait3A_665 = arith.constant 3 : i32
      %dma_wait3A_666 = arith.constant 3 : i32
      %dma_wait3A_667 = arith.constant 0 : i32
      %dma_wait3A_668 = arith.constant 0 : i32
      %dma_wait3A_669 = tpu.memref_slice %arg10[%dma_wait3A_666, %dma_wait3A_667, %dma_wait3A_668] : memref<5x80x32xf32, #tpu.memory_space<vmem>> -> memref<1x80x32xf32, #tpu.memory_space<vmem>>
      %dma_wait3A_670 = tpu.memref_squeeze %dma_wait3A_669 : memref<1x80x32xf32, #tpu.memory_space<vmem>> -> memref<80x32xf32, #tpu.memory_space<vmem>>
      %dma_wait3A_671 = arith.constant 0 : i32
      %dma_wait3A_672 = tpu.memref_slice %arg8[%dma_wait3A_665, %dma_wait3A_671] : memref<5x80xi32, #tpu.memory_space<vmem>> -> memref<1x80xi32, #tpu.memory_space<vmem>>
      %dma_wait3A_673 = tpu.memref_squeeze %dma_wait3A_672 : memref<1x80xi32, #tpu.memory_space<vmem>> -> memref<80xi32, #tpu.memory_space<vmem>>
      %dma_wait3A_674 = arith.constant 0 : i32
      %dma_wait3A_675 = arith.constant 0 : i32
      %dma_wait3A_676 = tpu.memref_slice %arg13[%dma_wait3A_674, %dma_wait3A_675] : memref<10240x32xf32, #tpu.memory_space<vmem_shared>> -> memref<10240x32xf32, #tpu.memory_space<vmem_shared>>
      tpu.wait_indirect_dma semaphore(%arg25 : memref<!tpu.dma_semaphore, #tpu.memory_space<semaphore_mem>>) src(%dma_wait3A_676 : memref<10240x32xf32, #tpu.memory_space<vmem_shared>>) dst(%dma_wait3A_670 : memref<80x32xf32, #tpu.memory_space<vmem>>)
      %dma_start3A_677 = arith.constant 3 : i32
      %dma_start3A_678 = arith.constant 3 : i32
      %dma_start3A_679 = arith.constant 0 : i32
      %dma_start3A_680 = arith.constant 0 : i32
      %dma_start3A_681 = tpu.memref_slice %arg10[%dma_start3A_677, %dma_start3A_679, %dma_start3A_680] : memref<5x80x32xf32, #tpu.memory_space<vmem>> -> memref<1x80x32xf32, #tpu.memory_space<vmem>>
      %dma_start3A_682 = tpu.memref_squeeze %dma_start3A_681 : memref<1x80x32xf32, #tpu.memory_space<vmem>> -> memref<80x32xf32, #tpu.memory_space<vmem>>
      %dma_start3A_683 = arith.constant 0 : i32
      %dma_start3A_684 = tpu.memref_slice %arg9[%dma_start3A_678, %dma_start3A_683] : memref<5x80xi32, #tpu.memory_space<vmem>> -> memref<1x80xi32, #tpu.memory_space<vmem>>
      %dma_start3A_685 = tpu.memref_squeeze %dma_start3A_684 : memref<1x80xi32, #tpu.memory_space<vmem>> -> memref<80xi32, #tpu.memory_space<vmem>>
      %dma_start3A_686 = arith.constant 0 : i32
      %dma_start3A_687 = arith.constant 0 : i32
      %dma_start3A_688 = tpu.memref_slice %arg12[%dma_start3A_686, %dma_start3A_687] : memref<10240x32xf32, #tpu.memory_space<vmem_shared>> -> memref<10240x32xf32, #tpu.memory_space<vmem_shared>>
      tpu.enqueue_indirect_dma source(%dma_start3A_682 : memref<80x32xf32, #tpu.memory_space<vmem>>) target(%dma_start3A_688 : memref<10240x32xf32, #tpu.memory_space<vmem_shared>>) offsets(%dma_start3A_685 : memref<80xi32, #tpu.memory_space<vmem>>) semaphore(%arg30 : memref<!tpu.dma_semaphore, #tpu.memory_space<semaphore_mem>>) {add = true}
      %dma_wait3A_689 = arith.constant 4 : i32
      %dma_wait3A_690 = arith.constant 4 : i32
      %dma_wait3A_691 = arith.constant 0 : i32
      %dma_wait3A_692 = arith.constant 0 : i32
      %dma_wait3A_693 = tpu.memref_slice %arg10[%dma_wait3A_690, %dma_wait3A_691, %dma_wait3A_692] : memref<5x80x32xf32, #tpu.memory_space<vmem>> -> memref<1x80x32xf32, #tpu.memory_space<vmem>>
      %dma_wait3A_694 = tpu.memref_squeeze %dma_wait3A_693 : memref<1x80x32xf32, #tpu.memory_space<vmem>> -> memref<80x32xf32, #tpu.memory_space<vmem>>
      %dma_wait3A_695 = arith.constant 0 : i32
      %dma_wait3A_696 = tpu.memref_slice %arg8[%dma_wait3A_689, %dma_wait3A_695] : memref<5x80xi32, #tpu.memory_space<vmem>> -> memref<1x80xi32, #tpu.memory_space<vmem>>
      %dma_wait3A_697 = tpu.memref_squeeze %dma_wait3A_696 : memref<1x80xi32, #tpu.memory_space<vmem>> -> memref<80xi32, #tpu.memory_space<vmem>>
      %dma_wait3A_698 = arith.constant 0 : i32
      %dma_wait3A_699 = arith.constant 0 : i32
      %dma_wait3A_700 = tpu.memref_slice %arg13[%dma_wait3A_698, %dma_wait3A_699] : memref<10240x32xf32, #tpu.memory_space<vmem_shared>> -> memref<10240x32xf32, #tpu.memory_space<vmem_shared>>
      tpu.wait_indirect_dma semaphore(%arg26 : memref<!tpu.dma_semaphore, #tpu.memory_space<semaphore_mem>>) src(%dma_wait3A_700 : memref<10240x32xf32, #tpu.memory_space<vmem_shared>>) dst(%dma_wait3A_694 : memref<80x32xf32, #tpu.memory_space<vmem>>)
      %dma_start3A_701 = arith.constant 4 : i32
      %dma_start3A_702 = arith.constant 4 : i32
      %dma_start3A_703 = arith.constant 0 : i32
      %dma_start3A_704 = arith.constant 0 : i32
      %dma_start3A_705 = tpu.memref_slice %arg10[%dma_start3A_701, %dma_start3A_703, %dma_start3A_704] : memref<5x80x32xf32, #tpu.memory_space<vmem>> -> memref<1x80x32xf32, #tpu.memory_space<vmem>>
      %dma_start3A_706 = tpu.memref_squeeze %dma_start3A_705 : memref<1x80x32xf32, #tpu.memory_space<vmem>> -> memref<80x32xf32, #tpu.memory_space<vmem>>
      %dma_start3A_707 = arith.constant 0 : i32
      %dma_start3A_708 = tpu.memref_slice %arg9[%dma_start3A_702, %dma_start3A_707] : memref<5x80xi32, #tpu.memory_space<vmem>> -> memref<1x80xi32, #tpu.memory_space<vmem>>
      %dma_start3A_709 = tpu.memref_squeeze %dma_start3A_708 : memref<1x80xi32, #tpu.memory_space<vmem>> -> memref<80xi32, #tpu.memory_space<vmem>>
      %dma_start3A_710 = arith.constant 0 : i32
      %dma_start3A_711 = arith.constant 0 : i32
      %dma_start3A_712 = tpu.memref_slice %arg12[%dma_start3A_710, %dma_start3A_711] : memref<10240x32xf32, #tpu.memory_space<vmem_shared>> -> memref<10240x32xf32, #tpu.memory_space<vmem_shared>>
      tpu.enqueue_indirect_dma source(%dma_start3A_706 : memref<80x32xf32, #tpu.memory_space<vmem>>) target(%dma_start3A_712 : memref<10240x32xf32, #tpu.memory_space<vmem_shared>>) offsets(%dma_start3A_709 : memref<80xi32, #tpu.memory_space<vmem>>) semaphore(%arg31 : memref<!tpu.dma_semaphore, #tpu.memory_space<semaphore_mem>>) {add = true}
      %dma_wait3A_713 = arith.constant 0 : i32
      %dma_wait3A_714 = arith.constant 0 : i32
      %dma_wait3A_715 = arith.constant 0 : i32
      %dma_wait3A_716 = arith.constant 0 : i32
      %dma_wait3A_717 = tpu.memref_slice %arg10[%dma_wait3A_713, %dma_wait3A_715, %dma_wait3A_716] : memref<5x80x32xf32, #tpu.memory_space<vmem>> -> memref<1x80x32xf32, #tpu.memory_space<vmem>>
      %dma_wait3A_718 = tpu.memref_squeeze %dma_wait3A_717 : memref<1x80x32xf32, #tpu.memory_space<vmem>> -> memref<80x32xf32, #tpu.memory_space<vmem>>
      %dma_wait3A_719 = arith.constant 0 : i32
      %dma_wait3A_720 = tpu.memref_slice %arg9[%dma_wait3A_714, %dma_wait3A_719] : memref<5x80xi32, #tpu.memory_space<vmem>> -> memref<1x80xi32, #tpu.memory_space<vmem>>
      %dma_wait3A_721 = tpu.memref_squeeze %dma_wait3A_720 : memref<1x80xi32, #tpu.memory_space<vmem>> -> memref<80xi32, #tpu.memory_space<vmem>>
      %dma_wait3A_722 = arith.constant 0 : i32
      %dma_wait3A_723 = arith.constant 0 : i32
      %dma_wait3A_724 = tpu.memref_slice %arg12[%dma_wait3A_722, %dma_wait3A_723] : memref<10240x32xf32, #tpu.memory_space<vmem_shared>> -> memref<10240x32xf32, #tpu.memory_space<vmem_shared>>
      tpu.wait_indirect_dma semaphore(%arg27 : memref<!tpu.dma_semaphore, #tpu.memory_space<semaphore_mem>>) src(%dma_wait3A_718 : memref<80x32xf32, #tpu.memory_space<vmem>>) dst(%dma_wait3A_724 : memref<10240x32xf32, #tpu.memory_space<vmem_shared>>)
      %add3A_725 = arith.constant 1 : i32
      %add3A_726 = arith.addi %scan3A_274, %add3A_725 : i32
      %mul3A_727 = arith.constant 5 : i32
      %mul3A_728 = arith.muli %add3A_726, %mul3A_727 : i32
      %add3A_729 = arith.constant 0 : i32
      %add3A_730 = arith.addi %mul3A_728, %add3A_729 : i32
      %rem3A = arith.constant 125 : i32
      %rem3A_731 = arith.remsi %add3A_730, %rem3A : i32
      %add3A_732 = arith.addi %mul3A_2, %rem3A_731 : i32
      %mul3A_733 = arith.constant 80 : i32
      %mul3A_734 = arith.muli %add3A_732, %mul3A_733 : i32
      %dma_start3A_735 = arith.constant 0 : i32
      %dma_start3A_736 = arith.constant 0 : i32
      %dma_start3A_737 = tpu.memref_slice %arg8[%dma_start3A_735, %dma_start3A_736] : memref<5x80xi32, #tpu.memory_space<vmem>> -> memref<1x80xi32, #tpu.memory_space<vmem>>
      %dma_start3A_738 = tpu.memref_squeeze %dma_start3A_737 : memref<1x80xi32, #tpu.memory_space<vmem>> -> memref<80xi32, #tpu.memory_space<vmem>>
      %dma_start3A_739 = tpu.memref_slice %arg3[%mul3A_734] : memref<320000xi32, #tpu.memory_space<hbm>> -> memref<80xi32, #tpu.memory_space<hbm>>
      %dma_start3A_740 = arith.constant 0 : i32
      %dma_start3A_741 = tpu.memref_slice %arg8[%dma_start3A_735, %dma_start3A_740] : memref<5x80xi32, #tpu.memory_space<vmem>> -> memref<1x80xi32, #tpu.memory_space<vmem>>
      %dma_start3A_742 = tpu.memref_squeeze %dma_start3A_741 : memref<1x80xi32, #tpu.memory_space<vmem>> -> memref<80xi32, #tpu.memory_space<vmem>>
      %dma_start3A_743 = tpu.memref_slice %arg3[%mul3A_734] : memref<320000xi32, #tpu.memory_space<hbm>> -> memref<80xi32, #tpu.memory_space<hbm>>
      tpu.enqueue_dma source(%dma_start3A_743 : memref<80xi32, #tpu.memory_space<hbm>>) target(%dma_start3A_742 : memref<80xi32, #tpu.memory_space<vmem>>) target_semaphore(%arg17 : memref<!tpu.dma_semaphore, #tpu.memory_space<semaphore_mem>>)
      %mul3A_744 = arith.constant 80 : i32
      %mul3A_745 = arith.muli %add3A_732, %mul3A_744 : i32
      %dma_start3A_746 = arith.constant 0 : i32
      %dma_start3A_747 = arith.constant 0 : i32
      %dma_start3A_748 = tpu.memref_slice %arg9[%dma_start3A_746, %dma_start3A_747] : memref<5x80xi32, #tpu.memory_space<vmem>> -> memref<1x80xi32, #tpu.memory_space<vmem>>
      %dma_start3A_749 = tpu.memref_squeeze %dma_start3A_748 : memref<1x80xi32, #tpu.memory_space<vmem>> -> memref<80xi32, #tpu.memory_space<vmem>>
      %dma_start3A_750 = tpu.memref_slice %arg4[%mul3A_745] : memref<320000xi32, #tpu.memory_space<hbm>> -> memref<80xi32, #tpu.memory_space<hbm>>
      %dma_start3A_751 = arith.constant 0 : i32
      %dma_start3A_752 = tpu.memref_slice %arg9[%dma_start3A_746, %dma_start3A_751] : memref<5x80xi32, #tpu.memory_space<vmem>> -> memref<1x80xi32, #tpu.memory_space<vmem>>
      %dma_start3A_753 = tpu.memref_squeeze %dma_start3A_752 : memref<1x80xi32, #tpu.memory_space<vmem>> -> memref<80xi32, #tpu.memory_space<vmem>>
      %dma_start3A_754 = tpu.memref_slice %arg4[%mul3A_745] : memref<320000xi32, #tpu.memory_space<hbm>> -> memref<80xi32, #tpu.memory_space<hbm>>
      tpu.enqueue_dma source(%dma_start3A_754 : memref<80xi32, #tpu.memory_space<hbm>>) target(%dma_start3A_753 : memref<80xi32, #tpu.memory_space<vmem>>) target_semaphore(%arg17 : memref<!tpu.dma_semaphore, #tpu.memory_space<semaphore_mem>>)
      %dma_wait3A_755 = arith.constant 1 : i32
      %dma_wait3A_756 = arith.constant 1 : i32
      %dma_wait3A_757 = arith.constant 0 : i32
      %dma_wait3A_758 = arith.constant 0 : i32
      %dma_wait3A_759 = tpu.memref_slice %arg10[%dma_wait3A_755, %dma_wait3A_757, %dma_wait3A_758] : memref<5x80x32xf32, #tpu.memory_space<vmem>> -> memref<1x80x32xf32, #tpu.memory_space<vmem>>
      %dma_wait3A_760 = tpu.memref_squeeze %dma_wait3A_759 : memref<1x80x32xf32, #tpu.memory_space<vmem>> -> memref<80x32xf32, #tpu.memory_space<vmem>>
      %dma_wait3A_761 = arith.constant 0 : i32
      %dma_wait3A_762 = tpu.memref_slice %arg9[%dma_wait3A_756, %dma_wait3A_761] : memref<5x80xi32, #tpu.memory_space<vmem>> -> memref<1x80xi32, #tpu.memory_space<vmem>>
      %dma_wait3A_763 = tpu.memref_squeeze %dma_wait3A_762 : memref<1x80xi32, #tpu.memory_space<vmem>> -> memref<80xi32, #tpu.memory_space<vmem>>
      %dma_wait3A_764 = arith.constant 0 : i32
      %dma_wait3A_765 = arith.constant 0 : i32
      %dma_wait3A_766 = tpu.memref_slice %arg12[%dma_wait3A_764, %dma_wait3A_765] : memref<10240x32xf32, #tpu.memory_space<vmem_shared>> -> memref<10240x32xf32, #tpu.memory_space<vmem_shared>>
      tpu.wait_indirect_dma semaphore(%arg28 : memref<!tpu.dma_semaphore, #tpu.memory_space<semaphore_mem>>) src(%dma_wait3A_760 : memref<80x32xf32, #tpu.memory_space<vmem>>) dst(%dma_wait3A_766 : memref<10240x32xf32, #tpu.memory_space<vmem_shared>>)
      %add3A_767 = arith.constant 1 : i32
      %add3A_768 = arith.addi %scan3A_274, %add3A_767 : i32
      %mul3A_769 = arith.constant 5 : i32
      %mul3A_770 = arith.muli %add3A_768, %mul3A_769 : i32
      %add3A_771 = arith.constant 1 : i32
      %add3A_772 = arith.addi %mul3A_770, %add3A_771 : i32
      %rem3A_773 = arith.constant 125 : i32
      %rem3A_774 = arith.remsi %add3A_772, %rem3A_773 : i32
      %add3A_775 = arith.addi %mul3A_2, %rem3A_774 : i32
      %mul3A_776 = arith.constant 80 : i32
      %mul3A_777 = arith.muli %add3A_775, %mul3A_776 : i32
      %dma_start3A_778 = arith.constant 1 : i32
      %dma_start3A_779 = arith.constant 0 : i32
      %dma_start3A_780 = tpu.memref_slice %arg8[%dma_start3A_778, %dma_start3A_779] : memref<5x80xi32, #tpu.memory_space<vmem>> -> memref<1x80xi32, #tpu.memory_space<vmem>>
      %dma_start3A_781 = tpu.memref_squeeze %dma_start3A_780 : memref<1x80xi32, #tpu.memory_space<vmem>> -> memref<80xi32, #tpu.memory_space<vmem>>
      %dma_start3A_782 = tpu.memref_slice %arg3[%mul3A_777] : memref<320000xi32, #tpu.memory_space<hbm>> -> memref<80xi32, #tpu.memory_space<hbm>>
      %dma_start3A_783 = arith.constant 0 : i32
      %dma_start3A_784 = tpu.memref_slice %arg8[%dma_start3A_778, %dma_start3A_783] : memref<5x80xi32, #tpu.memory_space<vmem>> -> memref<1x80xi32, #tpu.memory_space<vmem>>
      %dma_start3A_785 = tpu.memref_squeeze %dma_start3A_784 : memref<1x80xi32, #tpu.memory_space<vmem>> -> memref<80xi32, #tpu.memory_space<vmem>>
      %dma_start3A_786 = tpu.memref_slice %arg3[%mul3A_777] : memref<320000xi32, #tpu.memory_space<hbm>> -> memref<80xi32, #tpu.memory_space<hbm>>
      tpu.enqueue_dma source(%dma_start3A_786 : memref<80xi32, #tpu.memory_space<hbm>>) target(%dma_start3A_785 : memref<80xi32, #tpu.memory_space<vmem>>) target_semaphore(%arg18 : memref<!tpu.dma_semaphore, #tpu.memory_space<semaphore_mem>>)
      %mul3A_787 = arith.constant 80 : i32
      %mul3A_788 = arith.muli %add3A_775, %mul3A_787 : i32
      %dma_start3A_789 = arith.constant 1 : i32
      %dma_start3A_790 = arith.constant 0 : i32
      %dma_start3A_791 = tpu.memref_slice %arg9[%dma_start3A_789, %dma_start3A_790] : memref<5x80xi32, #tpu.memory_space<vmem>> -> memref<1x80xi32, #tpu.memory_space<vmem>>
      %dma_start3A_792 = tpu.memref_squeeze %dma_start3A_791 : memref<1x80xi32, #tpu.memory_space<vmem>> -> memref<80xi32, #tpu.memory_space<vmem>>
      %dma_start3A_793 = tpu.memref_slice %arg4[%mul3A_788] : memref<320000xi32, #tpu.memory_space<hbm>> -> memref<80xi32, #tpu.memory_space<hbm>>
      %dma_start3A_794 = arith.constant 0 : i32
      %dma_start3A_795 = tpu.memref_slice %arg9[%dma_start3A_789, %dma_start3A_794] : memref<5x80xi32, #tpu.memory_space<vmem>> -> memref<1x80xi32, #tpu.memory_space<vmem>>
      %dma_start3A_796 = tpu.memref_squeeze %dma_start3A_795 : memref<1x80xi32, #tpu.memory_space<vmem>> -> memref<80xi32, #tpu.memory_space<vmem>>
      %dma_start3A_797 = tpu.memref_slice %arg4[%mul3A_788] : memref<320000xi32, #tpu.memory_space<hbm>> -> memref<80xi32, #tpu.memory_space<hbm>>
      tpu.enqueue_dma source(%dma_start3A_797 : memref<80xi32, #tpu.memory_space<hbm>>) target(%dma_start3A_796 : memref<80xi32, #tpu.memory_space<vmem>>) target_semaphore(%arg18 : memref<!tpu.dma_semaphore, #tpu.memory_space<semaphore_mem>>)
      %dma_wait3A_798 = arith.constant 2 : i32
      %dma_wait3A_799 = arith.constant 2 : i32
      %dma_wait3A_800 = arith.constant 0 : i32
      %dma_wait3A_801 = arith.constant 0 : i32
      %dma_wait3A_802 = tpu.memref_slice %arg10[%dma_wait3A_798, %dma_wait3A_800, %dma_wait3A_801] : memref<5x80x32xf32, #tpu.memory_space<vmem>> -> memref<1x80x32xf32, #tpu.memory_space<vmem>>
      %dma_wait3A_803 = tpu.memref_squeeze %dma_wait3A_802 : memref<1x80x32xf32, #tpu.memory_space<vmem>> -> memref<80x32xf32, #tpu.memory_space<vmem>>
      %dma_wait3A_804 = arith.constant 0 : i32
      %dma_wait3A_805 = tpu.memref_slice %arg9[%dma_wait3A_799, %dma_wait3A_804] : memref<5x80xi32, #tpu.memory_space<vmem>> -> memref<1x80xi32, #tpu.memory_space<vmem>>
      %dma_wait3A_806 = tpu.memref_squeeze %dma_wait3A_805 : memref<1x80xi32, #tpu.memory_space<vmem>> -> memref<80xi32, #tpu.memory_space<vmem>>
      %dma_wait3A_807 = arith.constant 0 : i32
      %dma_wait3A_808 = arith.constant 0 : i32
      %dma_wait3A_809 = tpu.memref_slice %arg12[%dma_wait3A_807, %dma_wait3A_808] : memref<10240x32xf32, #tpu.memory_space<vmem_shared>> -> memref<10240x32xf32, #tpu.memory_space<vmem_shared>>
      tpu.wait_indirect_dma semaphore(%arg29 : memref<!tpu.dma_semaphore, #tpu.memory_space<semaphore_mem>>) src(%dma_wait3A_803 : memref<80x32xf32, #tpu.memory_space<vmem>>) dst(%dma_wait3A_809 : memref<10240x32xf32, #tpu.memory_space<vmem_shared>>)
      %add3A_810 = arith.constant 1 : i32
      %add3A_811 = arith.addi %scan3A_274, %add3A_810 : i32
      %mul3A_812 = arith.constant 5 : i32
      %mul3A_813 = arith.muli %add3A_811, %mul3A_812 : i32
      %add3A_814 = arith.constant 2 : i32
      %add3A_815 = arith.addi %mul3A_813, %add3A_814 : i32
      %rem3A_816 = arith.constant 125 : i32
      %rem3A_817 = arith.remsi %add3A_815, %rem3A_816 : i32
      %add3A_818 = arith.addi %mul3A_2, %rem3A_817 : i32
      %mul3A_819 = arith.constant 80 : i32
      %mul3A_820 = arith.muli %add3A_818, %mul3A_819 : i32
      %dma_start3A_821 = arith.constant 2 : i32
      %dma_start3A_822 = arith.constant 0 : i32
      %dma_start3A_823 = tpu.memref_slice %arg8[%dma_start3A_821, %dma_start3A_822] : memref<5x80xi32, #tpu.memory_space<vmem>> -> memref<1x80xi32, #tpu.memory_space<vmem>>
      %dma_start3A_824 = tpu.memref_squeeze %dma_start3A_823 : memref<1x80xi32, #tpu.memory_space<vmem>> -> memref<80xi32, #tpu.memory_space<vmem>>
      %dma_start3A_825 = tpu.memref_slice %arg3[%mul3A_820] : memref<320000xi32, #tpu.memory_space<hbm>> -> memref<80xi32, #tpu.memory_space<hbm>>
      %dma_start3A_826 = arith.constant 0 : i32
      %dma_start3A_827 = tpu.memref_slice %arg8[%dma_start3A_821, %dma_start3A_826] : memref<5x80xi32, #tpu.memory_space<vmem>> -> memref<1x80xi32, #tpu.memory_space<vmem>>
      %dma_start3A_828 = tpu.memref_squeeze %dma_start3A_827 : memref<1x80xi32, #tpu.memory_space<vmem>> -> memref<80xi32, #tpu.memory_space<vmem>>
      %dma_start3A_829 = tpu.memref_slice %arg3[%mul3A_820] : memref<320000xi32, #tpu.memory_space<hbm>> -> memref<80xi32, #tpu.memory_space<hbm>>
      tpu.enqueue_dma source(%dma_start3A_829 : memref<80xi32, #tpu.memory_space<hbm>>) target(%dma_start3A_828 : memref<80xi32, #tpu.memory_space<vmem>>) target_semaphore(%arg19 : memref<!tpu.dma_semaphore, #tpu.memory_space<semaphore_mem>>)
      %mul3A_830 = arith.constant 80 : i32
      %mul3A_831 = arith.muli %add3A_818, %mul3A_830 : i32
      %dma_start3A_832 = arith.constant 2 : i32
      %dma_start3A_833 = arith.constant 0 : i32
      %dma_start3A_834 = tpu.memref_slice %arg9[%dma_start3A_832, %dma_start3A_833] : memref<5x80xi32, #tpu.memory_space<vmem>> -> memref<1x80xi32, #tpu.memory_space<vmem>>
      %dma_start3A_835 = tpu.memref_squeeze %dma_start3A_834 : memref<1x80xi32, #tpu.memory_space<vmem>> -> memref<80xi32, #tpu.memory_space<vmem>>
      %dma_start3A_836 = tpu.memref_slice %arg4[%mul3A_831] : memref<320000xi32, #tpu.memory_space<hbm>> -> memref<80xi32, #tpu.memory_space<hbm>>
      %dma_start3A_837 = arith.constant 0 : i32
      %dma_start3A_838 = tpu.memref_slice %arg9[%dma_start3A_832, %dma_start3A_837] : memref<5x80xi32, #tpu.memory_space<vmem>> -> memref<1x80xi32, #tpu.memory_space<vmem>>
      %dma_start3A_839 = tpu.memref_squeeze %dma_start3A_838 : memref<1x80xi32, #tpu.memory_space<vmem>> -> memref<80xi32, #tpu.memory_space<vmem>>
      %dma_start3A_840 = tpu.memref_slice %arg4[%mul3A_831] : memref<320000xi32, #tpu.memory_space<hbm>> -> memref<80xi32, #tpu.memory_space<hbm>>
      tpu.enqueue_dma source(%dma_start3A_840 : memref<80xi32, #tpu.memory_space<hbm>>) target(%dma_start3A_839 : memref<80xi32, #tpu.memory_space<vmem>>) target_semaphore(%arg19 : memref<!tpu.dma_semaphore, #tpu.memory_space<semaphore_mem>>)
      %dma_wait3A_841 = arith.constant 3 : i32
      %dma_wait3A_842 = arith.constant 3 : i32
      %dma_wait3A_843 = arith.constant 0 : i32
      %dma_wait3A_844 = arith.constant 0 : i32
      %dma_wait3A_845 = tpu.memref_slice %arg10[%dma_wait3A_841, %dma_wait3A_843, %dma_wait3A_844] : memref<5x80x32xf32, #tpu.memory_space<vmem>> -> memref<1x80x32xf32, #tpu.memory_space<vmem>>
      %dma_wait3A_846 = tpu.memref_squeeze %dma_wait3A_845 : memref<1x80x32xf32, #tpu.memory_space<vmem>> -> memref<80x32xf32, #tpu.memory_space<vmem>>
      %dma_wait3A_847 = arith.constant 0 : i32
      %dma_wait3A_848 = tpu.memref_slice %arg9[%dma_wait3A_842, %dma_wait3A_847] : memref<5x80xi32, #tpu.memory_space<vmem>> -> memref<1x80xi32, #tpu.memory_space<vmem>>
      %dma_wait3A_849 = tpu.memref_squeeze %dma_wait3A_848 : memref<1x80xi32, #tpu.memory_space<vmem>> -> memref<80xi32, #tpu.memory_space<vmem>>
      %dma_wait3A_850 = arith.constant 0 : i32
      %dma_wait3A_851 = arith.constant 0 : i32
      %dma_wait3A_852 = tpu.memref_slice %arg12[%dma_wait3A_850, %dma_wait3A_851] : memref<10240x32xf32, #tpu.memory_space<vmem_shared>> -> memref<10240x32xf32, #tpu.memory_space<vmem_shared>>
      tpu.wait_indirect_dma semaphore(%arg30 : memref<!tpu.dma_semaphore, #tpu.memory_space<semaphore_mem>>) src(%dma_wait3A_846 : memref<80x32xf32, #tpu.memory_space<vmem>>) dst(%dma_wait3A_852 : memref<10240x32xf32, #tpu.memory_space<vmem_shared>>)
      %add3A_853 = arith.constant 1 : i32
      %add3A_854 = arith.addi %scan3A_274, %add3A_853 : i32
      %mul3A_855 = arith.constant 5 : i32
      %mul3A_856 = arith.muli %add3A_854, %mul3A_855 : i32
      %add3A_857 = arith.constant 3 : i32
      %add3A_858 = arith.addi %mul3A_856, %add3A_857 : i32
      %rem3A_859 = arith.constant 125 : i32
      %rem3A_860 = arith.remsi %add3A_858, %rem3A_859 : i32
      %add3A_861 = arith.addi %mul3A_2, %rem3A_860 : i32
      %mul3A_862 = arith.constant 80 : i32
      %mul3A_863 = arith.muli %add3A_861, %mul3A_862 : i32
      %dma_start3A_864 = arith.constant 3 : i32
      %dma_start3A_865 = arith.constant 0 : i32
      %dma_start3A_866 = tpu.memref_slice %arg8[%dma_start3A_864, %dma_start3A_865] : memref<5x80xi32, #tpu.memory_space<vmem>> -> memref<1x80xi32, #tpu.memory_space<vmem>>
      %dma_start3A_867 = tpu.memref_squeeze %dma_start3A_866 : memref<1x80xi32, #tpu.memory_space<vmem>> -> memref<80xi32, #tpu.memory_space<vmem>>
      %dma_start3A_868 = tpu.memref_slice %arg3[%mul3A_863] : memref<320000xi32, #tpu.memory_space<hbm>> -> memref<80xi32, #tpu.memory_space<hbm>>
      %dma_start3A_869 = arith.constant 0 : i32
      %dma_start3A_870 = tpu.memref_slice %arg8[%dma_start3A_864, %dma_start3A_869] : memref<5x80xi32, #tpu.memory_space<vmem>> -> memref<1x80xi32, #tpu.memory_space<vmem>>
      %dma_start3A_871 = tpu.memref_squeeze %dma_start3A_870 : memref<1x80xi32, #tpu.memory_space<vmem>> -> memref<80xi32, #tpu.memory_space<vmem>>
      %dma_start3A_872 = tpu.memref_slice %arg3[%mul3A_863] : memref<320000xi32, #tpu.memory_space<hbm>> -> memref<80xi32, #tpu.memory_space<hbm>>
      tpu.enqueue_dma source(%dma_start3A_872 : memref<80xi32, #tpu.memory_space<hbm>>) target(%dma_start3A_871 : memref<80xi32, #tpu.memory_space<vmem>>) target_semaphore(%arg20 : memref<!tpu.dma_semaphore, #tpu.memory_space<semaphore_mem>>)
      %mul3A_873 = arith.constant 80 : i32
      %mul3A_874 = arith.muli %add3A_861, %mul3A_873 : i32
      %dma_start3A_875 = arith.constant 3 : i32
      %dma_start3A_876 = arith.constant 0 : i32
      %dma_start3A_877 = tpu.memref_slice %arg9[%dma_start3A_875, %dma_start3A_876] : memref<5x80xi32, #tpu.memory_space<vmem>> -> memref<1x80xi32, #tpu.memory_space<vmem>>
      %dma_start3A_878 = tpu.memref_squeeze %dma_start3A_877 : memref<1x80xi32, #tpu.memory_space<vmem>> -> memref<80xi32, #tpu.memory_space<vmem>>
      %dma_start3A_879 = tpu.memref_slice %arg4[%mul3A_874] : memref<320000xi32, #tpu.memory_space<hbm>> -> memref<80xi32, #tpu.memory_space<hbm>>
      %dma_start3A_880 = arith.constant 0 : i32
      %dma_start3A_881 = tpu.memref_slice %arg9[%dma_start3A_875, %dma_start3A_880] : memref<5x80xi32, #tpu.memory_space<vmem>> -> memref<1x80xi32, #tpu.memory_space<vmem>>
      %dma_start3A_882 = tpu.memref_squeeze %dma_start3A_881 : memref<1x80xi32, #tpu.memory_space<vmem>> -> memref<80xi32, #tpu.memory_space<vmem>>
      %dma_start3A_883 = tpu.memref_slice %arg4[%mul3A_874] : memref<320000xi32, #tpu.memory_space<hbm>> -> memref<80xi32, #tpu.memory_space<hbm>>
      tpu.enqueue_dma source(%dma_start3A_883 : memref<80xi32, #tpu.memory_space<hbm>>) target(%dma_start3A_882 : memref<80xi32, #tpu.memory_space<vmem>>) target_semaphore(%arg20 : memref<!tpu.dma_semaphore, #tpu.memory_space<semaphore_mem>>)
      %dma_wait3A_884 = arith.constant 4 : i32
      %dma_wait3A_885 = arith.constant 4 : i32
      %dma_wait3A_886 = arith.constant 0 : i32
      %dma_wait3A_887 = arith.constant 0 : i32
      %dma_wait3A_888 = tpu.memref_slice %arg10[%dma_wait3A_884, %dma_wait3A_886, %dma_wait3A_887] : memref<5x80x32xf32, #tpu.memory_space<vmem>> -> memref<1x80x32xf32, #tpu.memory_space<vmem>>
      %dma_wait3A_889 = tpu.memref_squeeze %dma_wait3A_888 : memref<1x80x32xf32, #tpu.memory_space<vmem>> -> memref<80x32xf32, #tpu.memory_space<vmem>>
      %dma_wait3A_890 = arith.constant 0 : i32
      %dma_wait3A_891 = tpu.memref_slice %arg9[%dma_wait3A_885, %dma_wait3A_890] : memref<5x80xi32, #tpu.memory_space<vmem>> -> memref<1x80xi32, #tpu.memory_space<vmem>>
      %dma_wait3A_892 = tpu.memref_squeeze %dma_wait3A_891 : memref<1x80xi32, #tpu.memory_space<vmem>> -> memref<80xi32, #tpu.memory_space<vmem>>
      %dma_wait3A_893 = arith.constant 0 : i32
      %dma_wait3A_894 = arith.constant 0 : i32
      %dma_wait3A_895 = tpu.memref_slice %arg12[%dma_wait3A_893, %dma_wait3A_894] : memref<10240x32xf32, #tpu.memory_space<vmem_shared>> -> memref<10240x32xf32, #tpu.memory_space<vmem_shared>>
      tpu.wait_indirect_dma semaphore(%arg31 : memref<!tpu.dma_semaphore, #tpu.memory_space<semaphore_mem>>) src(%dma_wait3A_889 : memref<80x32xf32, #tpu.memory_space<vmem>>) dst(%dma_wait3A_895 : memref<10240x32xf32, #tpu.memory_space<vmem_shared>>)
      %add3A_896 = arith.constant 1 : i32
      %add3A_897 = arith.addi %scan3A_274, %add3A_896 : i32
      %mul3A_898 = arith.constant 5 : i32
      %mul3A_899 = arith.muli %add3A_897, %mul3A_898 : i32
      %add3A_900 = arith.constant 4 : i32
      %add3A_901 = arith.addi %mul3A_899, %add3A_900 : i32
      %rem3A_902 = arith.constant 125 : i32
      %rem3A_903 = arith.remsi %add3A_901, %rem3A_902 : i32
      %add3A_904 = arith.addi %mul3A_2, %rem3A_903 : i32
      %mul3A_905 = arith.constant 80 : i32
      %mul3A_906 = arith.muli %add3A_904, %mul3A_905 : i32
      %dma_start3A_907 = arith.constant 4 : i32
      %dma_start3A_908 = arith.constant 0 : i32
      %dma_start3A_909 = tpu.memref_slice %arg8[%dma_start3A_907, %dma_start3A_908] : memref<5x80xi32, #tpu.memory_space<vmem>> -> memref<1x80xi32, #tpu.memory_space<vmem>>
      %dma_start3A_910 = tpu.memref_squeeze %dma_start3A_909 : memref<1x80xi32, #tpu.memory_space<vmem>> -> memref<80xi32, #tpu.memory_space<vmem>>
      %dma_start3A_911 = tpu.memref_slice %arg3[%mul3A_906] : memref<320000xi32, #tpu.memory_space<hbm>> -> memref<80xi32, #tpu.memory_space<hbm>>
      %dma_start3A_912 = arith.constant 0 : i32
      %dma_start3A_913 = tpu.memref_slice %arg8[%dma_start3A_907, %dma_start3A_912] : memref<5x80xi32, #tpu.memory_space<vmem>> -> memref<1x80xi32, #tpu.memory_space<vmem>>
      %dma_start3A_914 = tpu.memref_squeeze %dma_start3A_913 : memref<1x80xi32, #tpu.memory_space<vmem>> -> memref<80xi32, #tpu.memory_space<vmem>>
      %dma_start3A_915 = tpu.memref_slice %arg3[%mul3A_906] : memref<320000xi32, #tpu.memory_space<hbm>> -> memref<80xi32, #tpu.memory_space<hbm>>
      tpu.enqueue_dma source(%dma_start3A_915 : memref<80xi32, #tpu.memory_space<hbm>>) target(%dma_start3A_914 : memref<80xi32, #tpu.memory_space<vmem>>) target_semaphore(%arg21 : memref<!tpu.dma_semaphore, #tpu.memory_space<semaphore_mem>>)
      %mul3A_916 = arith.constant 80 : i32
      %mul3A_917 = arith.muli %add3A_904, %mul3A_916 : i32
      %dma_start3A_918 = arith.constant 4 : i32
      %dma_start3A_919 = arith.constant 0 : i32
      %dma_start3A_920 = tpu.memref_slice %arg9[%dma_start3A_918, %dma_start3A_919] : memref<5x80xi32, #tpu.memory_space<vmem>> -> memref<1x80xi32, #tpu.memory_space<vmem>>
      %dma_start3A_921 = tpu.memref_squeeze %dma_start3A_920 : memref<1x80xi32, #tpu.memory_space<vmem>> -> memref<80xi32, #tpu.memory_space<vmem>>
      %dma_start3A_922 = tpu.memref_slice %arg4[%mul3A_917] : memref<320000xi32, #tpu.memory_space<hbm>> -> memref<80xi32, #tpu.memory_space<hbm>>
      %dma_start3A_923 = arith.constant 0 : i32
      %dma_start3A_924 = tpu.memref_slice %arg9[%dma_start3A_918, %dma_start3A_923] : memref<5x80xi32, #tpu.memory_space<vmem>> -> memref<1x80xi32, #tpu.memory_space<vmem>>
      %dma_start3A_925 = tpu.memref_squeeze %dma_start3A_924 : memref<1x80xi32, #tpu.memory_space<vmem>> -> memref<80xi32, #tpu.memory_space<vmem>>
      %dma_start3A_926 = tpu.memref_slice %arg4[%mul3A_917] : memref<320000xi32, #tpu.memory_space<hbm>> -> memref<80xi32, #tpu.memory_space<hbm>>
      tpu.enqueue_dma source(%dma_start3A_926 : memref<80xi32, #tpu.memory_space<hbm>>) target(%dma_start3A_925 : memref<80xi32, #tpu.memory_space<vmem>>) target_semaphore(%arg21 : memref<!tpu.dma_semaphore, #tpu.memory_space<semaphore_mem>>)
    }
    %scan3A_148 = arith.constant 25 : i32
    %mul3A_149 = arith.constant 80 : i32
    %mul3A_150 = arith.muli %mul3A_2, %mul3A_149 : i32
    %dma_wait3A = arith.constant 0 : i32
    %dma_wait3A_151 = arith.constant 0 : i32
    %dma_wait3A_152 = tpu.memref_slice %arg8[%dma_wait3A, %dma_wait3A_151] : memref<5x80xi32, #tpu.memory_space<vmem>> -> memref<1x80xi32, #tpu.memory_space<vmem>>
    %dma_wait3A_153 = tpu.memref_squeeze %dma_wait3A_152 : memref<1x80xi32, #tpu.memory_space<vmem>> -> memref<80xi32, #tpu.memory_space<vmem>>
    %dma_wait3A_154 = tpu.memref_slice %arg3[%mul3A_150] : memref<320000xi32, #tpu.memory_space<hbm>> -> memref<80xi32, #tpu.memory_space<hbm>>
    %dma_wait3A_155 = arith.constant 0 : i32
    %dma_wait3A_156 = tpu.memref_slice %arg8[%dma_wait3A, %dma_wait3A_155] : memref<5x80xi32, #tpu.memory_space<vmem>> -> memref<1x80xi32, #tpu.memory_space<vmem>>
    %dma_wait3A_157 = tpu.memref_squeeze %dma_wait3A_156 : memref<1x80xi32, #tpu.memory_space<vmem>> -> memref<80xi32, #tpu.memory_space<vmem>>
    %dma_wait3A_158 = tpu.memref_slice %arg3[%mul3A_150] : memref<320000xi32, #tpu.memory_space<hbm>> -> memref<80xi32, #tpu.memory_space<hbm>>
    tpu.wait_dma2 semaphore(%arg17 : memref<!tpu.dma_semaphore, #tpu.memory_space<semaphore_mem>>) src(%dma_wait3A_158 : memref<80xi32, #tpu.memory_space<hbm>>) dst(%dma_wait3A_157 : memref<80xi32, #tpu.memory_space<vmem>>)
    %mul3A_159 = arith.constant 80 : i32
    %mul3A_160 = arith.muli %mul3A_2, %mul3A_159 : i32
    %dma_wait3A_161 = arith.constant 0 : i32
    %dma_wait3A_162 = arith.constant 0 : i32
    %dma_wait3A_163 = tpu.memref_slice %arg9[%dma_wait3A_161, %dma_wait3A_162] : memref<5x80xi32, #tpu.memory_space<vmem>> -> memref<1x80xi32, #tpu.memory_space<vmem>>
    %dma_wait3A_164 = tpu.memref_squeeze %dma_wait3A_163 : memref<1x80xi32, #tpu.memory_space<vmem>> -> memref<80xi32, #tpu.memory_space<vmem>>
    %dma_wait3A_165 = tpu.memref_slice %arg4[%mul3A_160] : memref<320000xi32, #tpu.memory_space<hbm>> -> memref<80xi32, #tpu.memory_space<hbm>>
    %dma_wait3A_166 = arith.constant 0 : i32
    %dma_wait3A_167 = tpu.memref_slice %arg9[%dma_wait3A_161, %dma_wait3A_166] : memref<5x80xi32, #tpu.memory_space<vmem>> -> memref<1x80xi32, #tpu.memory_space<vmem>>
    %dma_wait3A_168 = tpu.memref_squeeze %dma_wait3A_167 : memref<1x80xi32, #tpu.memory_space<vmem>> -> memref<80xi32, #tpu.memory_space<vmem>>
    %dma_wait3A_169 = tpu.memref_slice %arg4[%mul3A_160] : memref<320000xi32, #tpu.memory_space<hbm>> -> memref<80xi32, #tpu.memory_space<hbm>>
    tpu.wait_dma2 semaphore(%arg17 : memref<!tpu.dma_semaphore, #tpu.memory_space<semaphore_mem>>) src(%dma_wait3A_169 : memref<80xi32, #tpu.memory_space<hbm>>) dst(%dma_wait3A_168 : memref<80xi32, #tpu.memory_space<vmem>>)
    %mul3A_170 = arith.constant 80 : i32
    %mul3A_171 = arith.muli %mul3A_2, %mul3A_170 : i32
    %dma_wait3A_172 = arith.constant 1 : i32
    %dma_wait3A_173 = arith.constant 0 : i32
    %dma_wait3A_174 = tpu.memref_slice %arg8[%dma_wait3A_172, %dma_wait3A_173] : memref<5x80xi32, #tpu.memory_space<vmem>> -> memref<1x80xi32, #tpu.memory_space<vmem>>
    %dma_wait3A_175 = tpu.memref_squeeze %dma_wait3A_174 : memref<1x80xi32, #tpu.memory_space<vmem>> -> memref<80xi32, #tpu.memory_space<vmem>>
    %dma_wait3A_176 = tpu.memref_slice %arg3[%mul3A_171] : memref<320000xi32, #tpu.memory_space<hbm>> -> memref<80xi32, #tpu.memory_space<hbm>>
    %dma_wait3A_177 = arith.constant 0 : i32
    %dma_wait3A_178 = tpu.memref_slice %arg8[%dma_wait3A_172, %dma_wait3A_177] : memref<5x80xi32, #tpu.memory_space<vmem>> -> memref<1x80xi32, #tpu.memory_space<vmem>>
    %dma_wait3A_179 = tpu.memref_squeeze %dma_wait3A_178 : memref<1x80xi32, #tpu.memory_space<vmem>> -> memref<80xi32, #tpu.memory_space<vmem>>
    %dma_wait3A_180 = tpu.memref_slice %arg3[%mul3A_171] : memref<320000xi32, #tpu.memory_space<hbm>> -> memref<80xi32, #tpu.memory_space<hbm>>
    tpu.wait_dma2 semaphore(%arg18 : memref<!tpu.dma_semaphore, #tpu.memory_space<semaphore_mem>>) src(%dma_wait3A_180 : memref<80xi32, #tpu.memory_space<hbm>>) dst(%dma_wait3A_179 : memref<80xi32, #tpu.memory_space<vmem>>)
    %mul3A_181 = arith.constant 80 : i32
    %mul3A_182 = arith.muli %mul3A_2, %mul3A_181 : i32
    %dma_wait3A_183 = arith.constant 1 : i32
    %dma_wait3A_184 = arith.constant 0 : i32
    %dma_wait3A_185 = tpu.memref_slice %arg9[%dma_wait3A_183, %dma_wait3A_184] : memref<5x80xi32, #tpu.memory_space<vmem>> -> memref<1x80xi32, #tpu.memory_space<vmem>>
    %dma_wait3A_186 = tpu.memref_squeeze %dma_wait3A_185 : memref<1x80xi32, #tpu.memory_space<vmem>> -> memref<80xi32, #tpu.memory_space<vmem>>
    %dma_wait3A_187 = tpu.memref_slice %arg4[%mul3A_182] : memref<320000xi32, #tpu.memory_space<hbm>> -> memref<80xi32, #tpu.memory_space<hbm>>
    %dma_wait3A_188 = arith.constant 0 : i32
    %dma_wait3A_189 = tpu.memref_slice %arg9[%dma_wait3A_183, %dma_wait3A_188] : memref<5x80xi32, #tpu.memory_space<vmem>> -> memref<1x80xi32, #tpu.memory_space<vmem>>
    %dma_wait3A_190 = tpu.memref_squeeze %dma_wait3A_189 : memref<1x80xi32, #tpu.memory_space<vmem>> -> memref<80xi32, #tpu.memory_space<vmem>>
    %dma_wait3A_191 = tpu.memref_slice %arg4[%mul3A_182] : memref<320000xi32, #tpu.memory_space<hbm>> -> memref<80xi32, #tpu.memory_space<hbm>>
    tpu.wait_dma2 semaphore(%arg18 : memref<!tpu.dma_semaphore, #tpu.memory_space<semaphore_mem>>) src(%dma_wait3A_191 : memref<80xi32, #tpu.memory_space<hbm>>) dst(%dma_wait3A_190 : memref<80xi32, #tpu.memory_space<vmem>>)
    %mul3A_192 = arith.constant 80 : i32
    %mul3A_193 = arith.muli %mul3A_2, %mul3A_192 : i32
    %dma_wait3A_194 = arith.constant 2 : i32
    %dma_wait3A_195 = arith.constant 0 : i32
    %dma_wait3A_196 = tpu.memref_slice %arg8[%dma_wait3A_194, %dma_wait3A_195] : memref<5x80xi32, #tpu.memory_space<vmem>> -> memref<1x80xi32, #tpu.memory_space<vmem>>
    %dma_wait3A_197 = tpu.memref_squeeze %dma_wait3A_196 : memref<1x80xi32, #tpu.memory_space<vmem>> -> memref<80xi32, #tpu.memory_space<vmem>>
    %dma_wait3A_198 = tpu.memref_slice %arg3[%mul3A_193] : memref<320000xi32, #tpu.memory_space<hbm>> -> memref<80xi32, #tpu.memory_space<hbm>>
    %dma_wait3A_199 = arith.constant 0 : i32
    %dma_wait3A_200 = tpu.memref_slice %arg8[%dma_wait3A_194, %dma_wait3A_199] : memref<5x80xi32, #tpu.memory_space<vmem>> -> memref<1x80xi32, #tpu.memory_space<vmem>>
    %dma_wait3A_201 = tpu.memref_squeeze %dma_wait3A_200 : memref<1x80xi32, #tpu.memory_space<vmem>> -> memref<80xi32, #tpu.memory_space<vmem>>
    %dma_wait3A_202 = tpu.memref_slice %arg3[%mul3A_193] : memref<320000xi32, #tpu.memory_space<hbm>> -> memref<80xi32, #tpu.memory_space<hbm>>
    tpu.wait_dma2 semaphore(%arg19 : memref<!tpu.dma_semaphore, #tpu.memory_space<semaphore_mem>>) src(%dma_wait3A_202 : memref<80xi32, #tpu.memory_space<hbm>>) dst(%dma_wait3A_201 : memref<80xi32, #tpu.memory_space<vmem>>)
    %mul3A_203 = arith.constant 80 : i32
    %mul3A_204 = arith.muli %mul3A_2, %mul3A_203 : i32
    %dma_wait3A_205 = arith.constant 2 : i32
    %dma_wait3A_206 = arith.constant 0 : i32
    %dma_wait3A_207 = tpu.memref_slice %arg9[%dma_wait3A_205, %dma_wait3A_206] : memref<5x80xi32, #tpu.memory_space<vmem>> -> memref<1x80xi32, #tpu.memory_space<vmem>>
    %dma_wait3A_208 = tpu.memref_squeeze %dma_wait3A_207 : memref<1x80xi32, #tpu.memory_space<vmem>> -> memref<80xi32, #tpu.memory_space<vmem>>
    %dma_wait3A_209 = tpu.memref_slice %arg4[%mul3A_204] : memref<320000xi32, #tpu.memory_space<hbm>> -> memref<80xi32, #tpu.memory_space<hbm>>
    %dma_wait3A_210 = arith.constant 0 : i32
    %dma_wait3A_211 = tpu.memref_slice %arg9[%dma_wait3A_205, %dma_wait3A_210] : memref<5x80xi32, #tpu.memory_space<vmem>> -> memref<1x80xi32, #tpu.memory_space<vmem>>
    %dma_wait3A_212 = tpu.memref_squeeze %dma_wait3A_211 : memref<1x80xi32, #tpu.memory_space<vmem>> -> memref<80xi32, #tpu.memory_space<vmem>>
    %dma_wait3A_213 = tpu.memref_slice %arg4[%mul3A_204] : memref<320000xi32, #tpu.memory_space<hbm>> -> memref<80xi32, #tpu.memory_space<hbm>>
    tpu.wait_dma2 semaphore(%arg19 : memref<!tpu.dma_semaphore, #tpu.memory_space<semaphore_mem>>) src(%dma_wait3A_213 : memref<80xi32, #tpu.memory_space<hbm>>) dst(%dma_wait3A_212 : memref<80xi32, #tpu.memory_space<vmem>>)
    %mul3A_214 = arith.constant 80 : i32
    %mul3A_215 = arith.muli %mul3A_2, %mul3A_214 : i32
    %dma_wait3A_216 = arith.constant 3 : i32
    %dma_wait3A_217 = arith.constant 0 : i32
    %dma_wait3A_218 = tpu.memref_slice %arg8[%dma_wait3A_216, %dma_wait3A_217] : memref<5x80xi32, #tpu.memory_space<vmem>> -> memref<1x80xi32, #tpu.memory_space<vmem>>
    %dma_wait3A_219 = tpu.memref_squeeze %dma_wait3A_218 : memref<1x80xi32, #tpu.memory_space<vmem>> -> memref<80xi32, #tpu.memory_space<vmem>>
    %dma_wait3A_220 = tpu.memref_slice %arg3[%mul3A_215] : memref<320000xi32, #tpu.memory_space<hbm>> -> memref<80xi32, #tpu.memory_space<hbm>>
    %dma_wait3A_221 = arith.constant 0 : i32
    %dma_wait3A_222 = tpu.memref_slice %arg8[%dma_wait3A_216, %dma_wait3A_221] : memref<5x80xi32, #tpu.memory_space<vmem>> -> memref<1x80xi32, #tpu.memory_space<vmem>>
    %dma_wait3A_223 = tpu.memref_squeeze %dma_wait3A_222 : memref<1x80xi32, #tpu.memory_space<vmem>> -> memref<80xi32, #tpu.memory_space<vmem>>
    %dma_wait3A_224 = tpu.memref_slice %arg3[%mul3A_215] : memref<320000xi32, #tpu.memory_space<hbm>> -> memref<80xi32, #tpu.memory_space<hbm>>
    tpu.wait_dma2 semaphore(%arg20 : memref<!tpu.dma_semaphore, #tpu.memory_space<semaphore_mem>>) src(%dma_wait3A_224 : memref<80xi32, #tpu.memory_space<hbm>>) dst(%dma_wait3A_223 : memref<80xi32, #tpu.memory_space<vmem>>)
    %mul3A_225 = arith.constant 80 : i32
    %mul3A_226 = arith.muli %mul3A_2, %mul3A_225 : i32
    %dma_wait3A_227 = arith.constant 3 : i32
    %dma_wait3A_228 = arith.constant 0 : i32
    %dma_wait3A_229 = tpu.memref_slice %arg9[%dma_wait3A_227, %dma_wait3A_228] : memref<5x80xi32, #tpu.memory_space<vmem>> -> memref<1x80xi32, #tpu.memory_space<vmem>>
    %dma_wait3A_230 = tpu.memref_squeeze %dma_wait3A_229 : memref<1x80xi32, #tpu.memory_space<vmem>> -> memref<80xi32, #tpu.memory_space<vmem>>
    %dma_wait3A_231 = tpu.memref_slice %arg4[%mul3A_226] : memref<320000xi32, #tpu.memory_space<hbm>> -> memref<80xi32, #tpu.memory_space<hbm>>
    %dma_wait3A_232 = arith.constant 0 : i32
    %dma_wait3A_233 = tpu.memref_slice %arg9[%dma_wait3A_227, %dma_wait3A_232] : memref<5x80xi32, #tpu.memory_space<vmem>> -> memref<1x80xi32, #tpu.memory_space<vmem>>
    %dma_wait3A_234 = tpu.memref_squeeze %dma_wait3A_233 : memref<1x80xi32, #tpu.memory_space<vmem>> -> memref<80xi32, #tpu.memory_space<vmem>>
    %dma_wait3A_235 = tpu.memref_slice %arg4[%mul3A_226] : memref<320000xi32, #tpu.memory_space<hbm>> -> memref<80xi32, #tpu.memory_space<hbm>>
    tpu.wait_dma2 semaphore(%arg20 : memref<!tpu.dma_semaphore, #tpu.memory_space<semaphore_mem>>) src(%dma_wait3A_235 : memref<80xi32, #tpu.memory_space<hbm>>) dst(%dma_wait3A_234 : memref<80xi32, #tpu.memory_space<vmem>>)
    %mul3A_236 = arith.constant 80 : i32
    %mul3A_237 = arith.muli %mul3A_2, %mul3A_236 : i32
    %dma_wait3A_238 = arith.constant 4 : i32
    %dma_wait3A_239 = arith.constant 0 : i32
    %dma_wait3A_240 = tpu.memref_slice %arg8[%dma_wait3A_238, %dma_wait3A_239] : memref<5x80xi32, #tpu.memory_space<vmem>> -> memref<1x80xi32, #tpu.memory_space<vmem>>
    %dma_wait3A_241 = tpu.memref_squeeze %dma_wait3A_240 : memref<1x80xi32, #tpu.memory_space<vmem>> -> memref<80xi32, #tpu.memory_space<vmem>>
    %dma_wait3A_242 = tpu.memref_slice %arg3[%mul3A_237] : memref<320000xi32, #tpu.memory_space<hbm>> -> memref<80xi32, #tpu.memory_space<hbm>>
    %dma_wait3A_243 = arith.constant 0 : i32
    %dma_wait3A_244 = tpu.memref_slice %arg8[%dma_wait3A_238, %dma_wait3A_243] : memref<5x80xi32, #tpu.memory_space<vmem>> -> memref<1x80xi32, #tpu.memory_space<vmem>>
    %dma_wait3A_245 = tpu.memref_squeeze %dma_wait3A_244 : memref<1x80xi32, #tpu.memory_space<vmem>> -> memref<80xi32, #tpu.memory_space<vmem>>
    %dma_wait3A_246 = tpu.memref_slice %arg3[%mul3A_237] : memref<320000xi32, #tpu.memory_space<hbm>> -> memref<80xi32, #tpu.memory_space<hbm>>
    tpu.wait_dma2 semaphore(%arg21 : memref<!tpu.dma_semaphore, #tpu.memory_space<semaphore_mem>>) src(%dma_wait3A_246 : memref<80xi32, #tpu.memory_space<hbm>>) dst(%dma_wait3A_245 : memref<80xi32, #tpu.memory_space<vmem>>)
    %mul3A_247 = arith.constant 80 : i32
    %mul3A_248 = arith.muli %mul3A_2, %mul3A_247 : i32
    %dma_wait3A_249 = arith.constant 4 : i32
    %dma_wait3A_250 = arith.constant 0 : i32
    %dma_wait3A_251 = tpu.memref_slice %arg9[%dma_wait3A_249, %dma_wait3A_250] : memref<5x80xi32, #tpu.memory_space<vmem>> -> memref<1x80xi32, #tpu.memory_space<vmem>>
    %dma_wait3A_252 = tpu.memref_squeeze %dma_wait3A_251 : memref<1x80xi32, #tpu.memory_space<vmem>> -> memref<80xi32, #tpu.memory_space<vmem>>
    %dma_wait3A_253 = tpu.memref_slice %arg4[%mul3A_248] : memref<320000xi32, #tpu.memory_space<hbm>> -> memref<80xi32, #tpu.memory_space<hbm>>
    %dma_wait3A_254 = arith.constant 0 : i32
    %dma_wait3A_255 = tpu.memref_slice %arg9[%dma_wait3A_249, %dma_wait3A_254] : memref<5x80xi32, #tpu.memory_space<vmem>> -> memref<1x80xi32, #tpu.memory_space<vmem>>
    %dma_wait3A_256 = tpu.memref_squeeze %dma_wait3A_255 : memref<1x80xi32, #tpu.memory_space<vmem>> -> memref<80xi32, #tpu.memory_space<vmem>>
    %dma_wait3A_257 = tpu.memref_slice %arg4[%mul3A_248] : memref<320000xi32, #tpu.memory_space<hbm>> -> memref<80xi32, #tpu.memory_space<hbm>>
    tpu.wait_dma2 semaphore(%arg21 : memref<!tpu.dma_semaphore, #tpu.memory_space<semaphore_mem>>) src(%dma_wait3A_257 : memref<80xi32, #tpu.memory_space<hbm>>) dst(%dma_wait3A_256 : memref<80xi32, #tpu.memory_space<vmem>>)
    %barrier3A_258 = arith.constant 0 : index
    tpu.barrier barrier_id(%barrier3A_258)
    "tpu.region"() ({
      %run_scoped3A = tpu.sem_alloc : memref<!tpu.dma_semaphore, #tpu.memory_space<semaphore_mem>>
      %dma_start3A_274 = arith.constant 0 : i32
      %dma_start3A_275 = tpu.memref_slice %arg16[%arg1, %dma_start3A_274] : memref<16x10240xf32, #tpu.memory_space<vmem_shared>> -> memref<1x10240xf32, #tpu.memory_space<vmem_shared>>
      %dma_start3A_276 = tpu.memref_squeeze %dma_start3A_275 : memref<1x10240xf32, #tpu.memory_space<vmem_shared>> -> memref<10240xf32, #tpu.memory_space<vmem_shared>>
      %dma_start3A_277 = arith.constant 0 : i32
      %dma_start3A_278 = tpu.memref_slice %arg16[%arg1, %dma_start3A_277] : memref<16x10240xf32, #tpu.memory_space<vmem_shared>> -> memref<1x10240xf32, #tpu.memory_space<vmem_shared>>
      %dma_start3A_279 = tpu.memref_squeeze %dma_start3A_278 : memref<1x10240xf32, #tpu.memory_space<vmem_shared>> -> memref<10240xf32, #tpu.memory_space<vmem_shared>>
      tpu.enqueue_dma source(%arg11 : memref<10240xf32, #tpu.memory_space<vmem>>) target(%dma_start3A_279 : memref<10240xf32, #tpu.memory_space<vmem_shared>>) target_semaphore(%run_scoped3A : memref<!tpu.dma_semaphore, #tpu.memory_space<semaphore_mem>>)
      %dma_wait3A_280 = arith.constant 0 : i32
      %dma_wait3A_281 = tpu.memref_slice %arg16[%arg1, %dma_wait3A_280] : memref<16x10240xf32, #tpu.memory_space<vmem_shared>> -> memref<1x10240xf32, #tpu.memory_space<vmem_shared>>
      %dma_wait3A_282 = tpu.memref_squeeze %dma_wait3A_281 : memref<1x10240xf32, #tpu.memory_space<vmem_shared>> -> memref<10240xf32, #tpu.memory_space<vmem_shared>>
      %dma_wait3A_283 = arith.constant 0 : i32
      %dma_wait3A_284 = tpu.memref_slice %arg16[%arg1, %dma_wait3A_283] : memref<16x10240xf32, #tpu.memory_space<vmem_shared>> -> memref<1x10240xf32, #tpu.memory_space<vmem_shared>>
      %dma_wait3A_285 = tpu.memref_squeeze %dma_wait3A_284 : memref<1x10240xf32, #tpu.memory_space<vmem_shared>> -> memref<10240xf32, #tpu.memory_space<vmem_shared>>
      tpu.wait_dma2 semaphore(%run_scoped3A : memref<!tpu.dma_semaphore, #tpu.memory_space<semaphore_mem>>) src(%arg11 : memref<10240xf32, #tpu.memory_space<vmem>>) dst(%dma_wait3A_285 : memref<10240xf32, #tpu.memory_space<vmem_shared>>)
      tpu.yield
    }) : () -> ()
    %barrier3A_259 = arith.constant 0 : index
    tpu.barrier barrier_id(%barrier3A_259)
    %mul3A_260 = arith.constant 640 : i32
    %mul3A_261 = arith.muli %arg1, %mul3A_260 : i32
    %mul3A_262 = arith.constant 640 : i32
    %mul3A_263 = arith.muli %arg1, %mul3A_262 : i32
    "tpu.region"() ({
      %run_scoped3A = tpu.sem_alloc : memref<!tpu.dma_semaphore, #tpu.memory_space<semaphore_mem>>
      %dma_start3A_274 = arith.constant 0 : i32
      %dma_start3A_275 = tpu.memref_slice %arg6[%arg0, %mul3A_263, %dma_start3A_274] : memref<2x10240x32xf32, #tpu.memory_space<hbm>> -> memref<1x640x32xf32, #tpu.memory_space<hbm>>
      %dma_start3A_276 = tpu.memref_squeeze %dma_start3A_275 : memref<1x640x32xf32, #tpu.memory_space<hbm>> -> memref<640x32xf32, #tpu.memory_space<hbm>>
      %dma_start3A_277 = arith.constant 0 : i32
      %dma_start3A_278 = tpu.memref_slice %arg12[%mul3A_261, %dma_start3A_277] : memref<10240x32xf32, #tpu.memory_space<vmem_shared>> -> memref<640x32xf32, #tpu.memory_space<vmem_shared>>
      tpu.enqueue_dma source(%dma_start3A_278 : memref<640x32xf32, #tpu.memory_space<vmem_shared>>) target(%dma_start3A_276 : memref<640x32xf32, #tpu.memory_space<hbm>>) target_semaphore(%run_scoped3A : memref<!tpu.dma_semaphore, #tpu.memory_space<semaphore_mem>>)
      %dma_wait3A_279 = arith.constant 0 : i32
      %dma_wait3A_280 = tpu.memref_slice %arg6[%arg0, %mul3A_263, %dma_wait3A_279] : memref<2x10240x32xf32, #tpu.memory_space<hbm>> -> memref<1x640x32xf32, #tpu.memory_space<hbm>>
      %dma_wait3A_281 = tpu.memref_squeeze %dma_wait3A_280 : memref<1x640x32xf32, #tpu.memory_space<hbm>> -> memref<640x32xf32, #tpu.memory_space<hbm>>
      %dma_wait3A_282 = arith.constant 0 : i32
      %dma_wait3A_283 = tpu.memref_slice %arg12[%mul3A_261, %dma_wait3A_282] : memref<10240x32xf32, #tpu.memory_space<vmem_shared>> -> memref<640x32xf32, #tpu.memory_space<vmem_shared>>
      tpu.wait_dma2 semaphore(%run_scoped3A : memref<!tpu.dma_semaphore, #tpu.memory_space<semaphore_mem>>) src(%dma_wait3A_283 : memref<640x32xf32, #tpu.memory_space<vmem_shared>>) dst(%dma_wait3A_281 : memref<640x32xf32, #tpu.memory_space<hbm>>)
      tpu.yield
    }) : () -> ()
    %mul3A_264 = arith.constant 640 : i32
    %mul3A_265 = arith.muli %arg1, %mul3A_264 : i32
    "tpu.region"() ({
      %run_scoped3A = tpu.sem_alloc : memref<!tpu.dma_semaphore, #tpu.memory_space<semaphore_mem>>
      %dma_start3A_274 = arith.constant 0 : i32
      %dma_start3A_275 = tpu.memref_slice %arg16[%dma_start3A_274, %mul3A_265] : memref<16x10240xf32, #tpu.memory_space<vmem_shared>> -> memref<16x640xf32, #tpu.memory_space<vmem_shared>>
      %dma_start3A_276 = arith.constant 0 : i32
      %dma_start3A_277 = tpu.memref_slice %arg16[%dma_start3A_276, %mul3A_265] : memref<16x10240xf32, #tpu.memory_space<vmem_shared>> -> memref<16x640xf32, #tpu.memory_space<vmem_shared>>
      tpu.enqueue_dma source(%dma_start3A_277 : memref<16x640xf32, #tpu.memory_space<vmem_shared>>) target(%arg14 : memref<16x640xf32, #tpu.memory_space<vmem>>) target_semaphore(%run_scoped3A : memref<!tpu.dma_semaphore, #tpu.memory_space<semaphore_mem>>)
      %dma_wait3A_278 = arith.constant 0 : i32
      %dma_wait3A_279 = tpu.memref_slice %arg16[%dma_wait3A_278, %mul3A_265] : memref<16x10240xf32, #tpu.memory_space<vmem_shared>> -> memref<16x640xf32, #tpu.memory_space<vmem_shared>>
      %dma_wait3A_280 = arith.constant 0 : i32
      %dma_wait3A_281 = tpu.memref_slice %arg16[%dma_wait3A_280, %mul3A_265] : memref<16x10240xf32, #tpu.memory_space<vmem_shared>> -> memref<16x640xf32, #tpu.memory_space<vmem_shared>>
      tpu.wait_dma2 semaphore(%run_scoped3A : memref<!tpu.dma_semaphore, #tpu.memory_space<semaphore_mem>>) src(%dma_wait3A_281 : memref<16x640xf32, #tpu.memory_space<vmem_shared>>) dst(%arg14 : memref<16x640xf32, #tpu.memory_space<vmem>>)
      tpu.yield
    }) : () -> ()
    %scan3A_266 = arith.constant 0 : i32
    %scan3A_267 = arith.constant 0 : i32
    %scan3A_268 = arith.constant 40 : i32
    %scan3A_269 = arith.addi %scan3A_267, %scan3A_268 : i32
    %scan3A_270 = arith.constant 1 : i32
    scf.for %scan3A_274 = %scan3A_267 to %scan3A_269 step %scan3A_270  : i32 {
      %mul3A_275 = arith.constant 16 : i32
      %mul3A_276 = arith.muli %scan3A_274, %mul3A_275 : i32
      %get3A = arith.constant 0 : i32
      %get3A_277 = arith.index_cast %get3A : i32 to index
      %get3A_278 = arith.index_cast %mul3A_276 : i32 to index
      %get3A_279 = tpu.vector_load %arg14[%get3A_277, %get3A_278] {strides = array<i32>} : memref<16x640xf32, #tpu.memory_space<vmem>>, vector<16xf32>,
      %mul3A_280 = arith.constant 16 : i32
      %mul3A_281 = arith.muli %scan3A_274, %mul3A_280 : i32
      %get3A_282 = arith.constant 1 : i32
      %get3A_283 = arith.index_cast %get3A_282 : i32 to index
      %get3A_284 = arith.index_cast %mul3A_281 : i32 to index
      %get3A_285 = tpu.vector_load %arg14[%get3A_283, %get3A_284] {strides = array<i32>} : memref<16x640xf32, #tpu.memory_space<vmem>>, vector<16xf32>,
      %add3A_286 = arith.addf %get3A_279, %get3A_285 : vector<16xf32>
      %mul3A_287 = arith.constant 16 : i32
      %mul3A_288 = arith.muli %scan3A_274, %mul3A_287 : i32
      %get3A_289 = arith.constant 2 : i32
      %get3A_290 = arith.index_cast %get3A_289 : i32 to index
      %get3A_291 = arith.index_cast %mul3A_288 : i32 to index
      %get3A_292 = tpu.vector_load %arg14[%get3A_290, %get3A_291] {strides = array<i32>} : memref<16x640xf32, #tpu.memory_space<vmem>>, vector<16xf32>,
      %add3A_293 = arith.addf %add3A_286, %get3A_292 : vector<16xf32>
      %mul3A_294 = arith.constant 16 : i32
      %mul3A_295 = arith.muli %scan3A_274, %mul3A_294 : i32
      %get3A_296 = arith.constant 3 : i32
      %get3A_297 = arith.index_cast %get3A_296 : i32 to index
      %get3A_298 = arith.index_cast %mul3A_295 : i32 to index
      %get3A_299 = tpu.vector_load %arg14[%get3A_297, %get3A_298] {strides = array<i32>} : memref<16x640xf32, #tpu.memory_space<vmem>>, vector<16xf32>,
      %add3A_300 = arith.addf %add3A_293, %get3A_299 : vector<16xf32>
      %mul3A_301 = arith.constant 16 : i32
      %mul3A_302 = arith.muli %scan3A_274, %mul3A_301 : i32
      %get3A_303 = arith.constant 4 : i32
      %get3A_304 = arith.index_cast %get3A_303 : i32 to index
      %get3A_305 = arith.index_cast %mul3A_302 : i32 to index
      %get3A_306 = tpu.vector_load %arg14[%get3A_304, %get3A_305] {strides = array<i32>} : memref<16x640xf32, #tpu.memory_space<vmem>>, vector<16xf32>,
      %add3A_307 = arith.addf %add3A_300, %get3A_306 : vector<16xf32>
      %mul3A_308 = arith.constant 16 : i32
      %mul3A_309 = arith.muli %scan3A_274, %mul3A_308 : i32
      %get3A_310 = arith.constant 5 : i32
      %get3A_311 = arith.index_cast %get3A_310 : i32 to index
      %get3A_312 = arith.index_cast %mul3A_309 : i32 to index
      %get3A_313 = tpu.vector_load %arg14[%get3A_311, %get3A_312] {strides = array<i32>} : memref<16x640xf32, #tpu.memory_space<vmem>>, vector<16xf32>,
      %add3A_314 = arith.addf %add3A_307, %get3A_313 : vector<16xf32>
      %mul3A_315 = arith.constant 16 : i32
      %mul3A_316 = arith.muli %scan3A_274, %mul3A_315 : i32
      %get3A_317 = arith.constant 6 : i32
      %get3A_318 = arith.index_cast %get3A_317 : i32 to index
      %get3A_319 = arith.index_cast %mul3A_316 : i32 to index
      %get3A_320 = tpu.vector_load %arg14[%get3A_318, %get3A_319] {strides = array<i32>} : memref<16x640xf32, #tpu.memory_space<vmem>>, vector<16xf32>,
      %add3A_321 = arith.addf %add3A_314, %get3A_320 : vector<16xf32>
      %mul3A_322 = arith.constant 16 : i32
      %mul3A_323 = arith.muli %scan3A_274, %mul3A_322 : i32
      %get3A_324 = arith.constant 7 : i32
      %get3A_325 = arith.index_cast %get3A_324 : i32 to index
      %get3A_326 = arith.index_cast %mul3A_323 : i32 to index
      %get3A_327 = tpu.vector_load %arg14[%get3A_325, %get3A_326] {strides = array<i32>} : memref<16x640xf32, #tpu.memory_space<vmem>>, vector<16xf32>,
      %add3A_328 = arith.addf %add3A_321, %get3A_327 : vector<16xf32>
      %mul3A_329 = arith.constant 16 : i32
      %mul3A_330 = arith.muli %scan3A_274, %mul3A_329 : i32
      %get3A_331 = arith.constant 8 : i32
      %get3A_332 = arith.index_cast %get3A_331 : i32 to index
      %get3A_333 = arith.index_cast %mul3A_330 : i32 to index
      %get3A_334 = tpu.vector_load %arg14[%get3A_332, %get3A_333] {strides = array<i32>} : memref<16x640xf32, #tpu.memory_space<vmem>>, vector<16xf32>,
      %add3A_335 = arith.addf %add3A_328, %get3A_334 : vector<16xf32>
      %mul3A_336 = arith.constant 16 : i32
      %mul3A_337 = arith.muli %scan3A_274, %mul3A_336 : i32
      %get3A_338 = arith.constant 9 : i32
      %get3A_339 = arith.index_cast %get3A_338 : i32 to index
      %get3A_340 = arith.index_cast %mul3A_337 : i32 to index
      %get3A_341 = tpu.vector_load %arg14[%get3A_339, %get3A_340] {strides = array<i32>} : memref<16x640xf32, #tpu.memory_space<vmem>>, vector<16xf32>,
      %add3A_342 = arith.addf %add3A_335, %get3A_341 : vector<16xf32>
      %mul3A_343 = arith.constant 16 : i32
      %mul3A_344 = arith.muli %scan3A_274, %mul3A_343 : i32
      %get3A_345 = arith.constant 10 : i32
      %get3A_346 = arith.index_cast %get3A_345 : i32 to index
      %get3A_347 = arith.index_cast %mul3A_344 : i32 to index
      %get3A_348 = tpu.vector_load %arg14[%get3A_346, %get3A_347] {strides = array<i32>} : memref<16x640xf32, #tpu.memory_space<vmem>>, vector<16xf32>,
      %add3A_349 = arith.addf %add3A_342, %get3A_348 : vector<16xf32>
      %mul3A_350 = arith.constant 16 : i32
      %mul3A_351 = arith.muli %scan3A_274, %mul3A_350 : i32
      %get3A_352 = arith.constant 11 : i32
      %get3A_353 = arith.index_cast %get3A_352 : i32 to index
      %get3A_354 = arith.index_cast %mul3A_351 : i32 to index
      %get3A_355 = tpu.vector_load %arg14[%get3A_353, %get3A_354] {strides = array<i32>} : memref<16x640xf32, #tpu.memory_space<vmem>>, vector<16xf32>,
      %add3A_356 = arith.addf %add3A_349, %get3A_355 : vector<16xf32>
      %mul3A_357 = arith.constant 16 : i32
      %mul3A_358 = arith.muli %scan3A_274, %mul3A_357 : i32
      %get3A_359 = arith.constant 12 : i32
      %get3A_360 = arith.index_cast %get3A_359 : i32 to index
      %get3A_361 = arith.index_cast %mul3A_358 : i32 to index
      %get3A_362 = tpu.vector_load %arg14[%get3A_360, %get3A_361] {strides = array<i32>} : memref<16x640xf32, #tpu.memory_space<vmem>>, vector<16xf32>,
      %add3A_363 = arith.addf %add3A_356, %get3A_362 : vector<16xf32>
      %mul3A_364 = arith.constant 16 : i32
      %mul3A_365 = arith.muli %scan3A_274, %mul3A_364 : i32
      %get3A_366 = arith.constant 13 : i32
      %get3A_367 = arith.index_cast %get3A_366 : i32 to index
      %get3A_368 = arith.index_cast %mul3A_365 : i32 to index
      %get3A_369 = tpu.vector_load %arg14[%get3A_367, %get3A_368] {strides = array<i32>} : memref<16x640xf32, #tpu.memory_space<vmem>>, vector<16xf32>,
      %add3A_370 = arith.addf %add3A_363, %get3A_369 : vector<16xf32>
      %mul3A_371 = arith.constant 16 : i32
      %mul3A_372 = arith.muli %scan3A_274, %mul3A_371 : i32
      %get3A_373 = arith.constant 14 : i32
      %get3A_374 = arith.index_cast %get3A_373 : i32 to index
      %get3A_375 = arith.index_cast %mul3A_372 : i32 to index
      %get3A_376 = tpu.vector_load %arg14[%get3A_374, %get3A_375] {strides = array<i32>} : memref<16x640xf32, #tpu.memory_space<vmem>>, vector<16xf32>,
      %add3A_377 = arith.addf %add3A_370, %get3A_376 : vector<16xf32>
      %mul3A_378 = arith.constant 16 : i32
      %mul3A_379 = arith.muli %scan3A_274, %mul3A_378 : i32
      %get3A_380 = arith.constant 15 : i32
      %get3A_381 = arith.index_cast %get3A_380 : i32 to index
      %get3A_382 = arith.index_cast %mul3A_379 : i32 to index
      %get3A_383 = tpu.vector_load %arg14[%get3A_381, %get3A_382] {strides = array<i32>} : memref<16x640xf32, #tpu.memory_space<vmem>>, vector<16xf32>,
      %add3A_384 = arith.addf %add3A_377, %get3A_383 : vector<16xf32>
      %mul3A_385 = arith.constant 16 : i32
      %mul3A_386 = arith.muli %scan3A_274, %mul3A_385 : i32
      %swap3A = arith.index_cast %mul3A_386 : i32 to index
      %swap3A_387 = tpu.vector_load %arg15[%swap3A] {strides = array<i32>} : memref<640xf32, #tpu.memory_space<vmem>>, vector<16xf32>,
      tpu.vector_store %arg15[%swap3A], %add3A_384 {strides = array<i32>} : memref<640xf32, #tpu.memory_space<vmem>>, vector<16xf32>,
    }
    %scan3A_271 = arith.constant 40 : i32
    %mul3A_272 = arith.constant 640 : i32
    %mul3A_273 = arith.muli %arg1, %mul3A_272 : i32
    "tpu.region"() ({
      %run_scoped3A = tpu.sem_alloc : memref<!tpu.dma_semaphore, #tpu.memory_space<semaphore_mem>>
      %dma_start3A_274 = tpu.memref_slice %arg7[%arg0, %mul3A_273] : memref<2x10240xf32, #tpu.memory_space<hbm>> -> memref<1x640xf32, #tpu.memory_space<hbm>>
      %dma_start3A_275 = tpu.memref_squeeze %dma_start3A_274 : memref<1x640xf32, #tpu.memory_space<hbm>> -> memref<640xf32, #tpu.memory_space<hbm>>
      %dma_start3A_276 = tpu.memref_slice %arg7[%arg0, %mul3A_273] : memref<2x10240xf32, #tpu.memory_space<hbm>> -> memref<1x640xf32, #tpu.memory_space<hbm>>
      %dma_start3A_277 = tpu.memref_squeeze %dma_start3A_276 : memref<1x640xf32, #tpu.memory_space<hbm>> -> memref<640xf32, #tpu.memory_space<hbm>>
      tpu.enqueue_dma source(%arg15 : memref<640xf32, #tpu.memory_space<vmem>>) target(%dma_start3A_277 : memref<640xf32, #tpu.memory_space<hbm>>) target_semaphore(%run_scoped3A : memref<!tpu.dma_semaphore, #tpu.memory_space<semaphore_mem>>)
      %dma_wait3A_278 = tpu.memref_slice %arg7[%arg0, %mul3A_273] : memref<2x10240xf32, #tpu.memory_space<hbm>> -> memref<1x640xf32, #tpu.memory_space<hbm>>
      %dma_wait3A_279 = tpu.memref_squeeze %dma_wait3A_278 : memref<1x640xf32, #tpu.memory_space<hbm>> -> memref<640xf32, #tpu.memory_space<hbm>>
      %dma_wait3A_280 = tpu.memref_slice %arg7[%arg0, %mul3A_273] : memref<2x10240xf32, #tpu.memory_space<hbm>> -> memref<1x640xf32, #tpu.memory_space<hbm>>
      %dma_wait3A_281 = tpu.memref_squeeze %dma_wait3A_280 : memref<1x640xf32, #tpu.memory_space<hbm>> -> memref<640xf32, #tpu.memory_space<hbm>>
      tpu.wait_dma2 semaphore(%run_scoped3A : memref<!tpu.dma_semaphore, #tpu.memory_space<semaphore_mem>>) src(%arg15 : memref<640xf32, #tpu.memory_space<vmem>>) dst(%dma_wait3A_281 : memref<640xf32, #tpu.memory_space<hbm>>)
      tpu.yield
    }) : () -> ()
    return
  }
}

#map = affine_map<(d0, d1) -> (0, 0)>
#map1 = affine_map<(d0, d1) -> (0)>
#map2 = affine_map<(d0, d1) -> (0, 0, 0)>
module attributes {stable_mosaic.version = 14 : i64} {
  func.func @_sc_segsum(%arg0: i32, %arg1: i32, %arg2: memref<10240x32xf32, #tpu.memory_space<hbm>>, %arg3: memref<320000xi32, #tpu.memory_space<hbm>>, %arg4: memref<320000xi32, #tpu.memory_space<hbm>>, %arg5: memref<640x32xf32, #tpu.memory_space<hbm>>, %arg6: memref<2x10240x32xf32, #tpu.memory_space<hbm>>, %arg7: memref<5x80xi32, #tpu.memory_space<vmem>>, %arg8: memref<5x80xi32, #tpu.memory_space<vmem>>, %arg9: memref<5x80x32xf32, #tpu.memory_space<vmem>>, %arg10: memref<10240x32xf32, #tpu.memory_space<vmem_shared>>, %arg11: memref<10240x32xf32, #tpu.memory_space<vmem_shared>>, %arg12: memref<!tpu.dma_semaphore, #tpu.memory_space<semaphore_mem>>, %arg13: memref<!tpu.dma_semaphore, #tpu.memory_space<semaphore_mem>>, %arg14: memref<!tpu.dma_semaphore, #tpu.memory_space<semaphore_mem>>, %arg15: memref<!tpu.dma_semaphore, #tpu.memory_space<semaphore_mem>>, %arg16: memref<!tpu.dma_semaphore, #tpu.memory_space<semaphore_mem>>, %arg17: memref<!tpu.dma_semaphore, #tpu.memory_space<semaphore_mem>>, %arg18: memref<!tpu.dma_semaphore, #tpu.memory_space<semaphore_mem>>, %arg19: memref<!tpu.dma_semaphore, #tpu.memory_space<semaphore_mem>>, %arg20: memref<!tpu.dma_semaphore, #tpu.memory_space<semaphore_mem>>, %arg21: memref<!tpu.dma_semaphore, #tpu.memory_space<semaphore_mem>>, %arg22: memref<!tpu.dma_semaphore, #tpu.memory_space<semaphore_mem>>, %arg23: memref<!tpu.dma_semaphore, #tpu.memory_space<semaphore_mem>>, %arg24: memref<!tpu.dma_semaphore, #tpu.memory_space<semaphore_mem>>, %arg25: memref<!tpu.dma_semaphore, #tpu.memory_space<semaphore_mem>>, %arg26: memref<!tpu.dma_semaphore, #tpu.memory_space<semaphore_mem>>) attributes {dimension_semantics = [#tpu.dimension_semantics<core_parallel>, #tpu.dimension_semantics<subcore_parallel>], iteration_bounds = array<i64: 2, 16>, scalar_prefetch = 0 : i64, scratch_operands = 20 : i64, tpu.core_type = #tpu.core_type<sc_vector_subcore>, window_params = [{transform_indices = #map}, {transform_indices = #map1}, {transform_indices = #map1}, {transform_indices = #map}, {transform_indices = #map2}]} {
    %mul3A = arith.constant 2 : i32
    %mul3A_0 = arith.muli %arg1, %mul3A : i32
    %add3A = arith.addi %mul3A_0, %arg0 : i32
    %mul3A_1 = arith.constant 125 : i32
    %mul3A_2 = arith.muli %add3A, %mul3A_1 : i32
    %mul3A_3 = arith.constant 640 : i32
    %mul3A_4 = arith.muli %arg1, %mul3A_3 : i32
    "tpu.region"() ({
      %run_scoped3A = tpu.sem_alloc : memref<!tpu.dma_semaphore, #tpu.memory_space<semaphore_mem>>
      %dma_start3A_257 = arith.constant 0 : i32
      %dma_start3A_258 = tpu.memref_slice %arg10[%mul3A_4, %dma_start3A_257] : memref<10240x32xf32, #tpu.memory_space<vmem_shared>> -> memref<640x32xf32, #tpu.memory_space<vmem_shared>>
      tpu.enqueue_dma source(%arg5 : memref<640x32xf32, #tpu.memory_space<hbm>>) target(%dma_start3A_258 : memref<640x32xf32, #tpu.memory_space<vmem_shared>>) target_semaphore(%run_scoped3A : memref<!tpu.dma_semaphore, #tpu.memory_space<semaphore_mem>>)
      %dma_wait3A_259 = arith.constant 0 : i32
      %dma_wait3A_260 = tpu.memref_slice %arg10[%mul3A_4, %dma_wait3A_259] : memref<10240x32xf32, #tpu.memory_space<vmem_shared>> -> memref<640x32xf32, #tpu.memory_space<vmem_shared>>
      tpu.wait_dma2 semaphore(%run_scoped3A : memref<!tpu.dma_semaphore, #tpu.memory_space<semaphore_mem>>) src(%arg5 : memref<640x32xf32, #tpu.memory_space<hbm>>) dst(%dma_wait3A_260 : memref<640x32xf32, #tpu.memory_space<vmem_shared>>)
      tpu.yield
    }) : () -> ()
    %mul3A_5 = arith.constant 640 : i32
    %mul3A_6 = arith.muli %arg1, %mul3A_5 : i32
    %mul3A_7 = arith.constant 640 : i32
    %mul3A_8 = arith.muli %arg1, %mul3A_7 : i32
    "tpu.region"() ({
      %run_scoped3A = tpu.sem_alloc : memref<!tpu.dma_semaphore, #tpu.memory_space<semaphore_mem>>
      %dma_start3A_257 = arith.constant 0 : i32
      %dma_start3A_258 = tpu.memref_slice %arg11[%mul3A_8, %dma_start3A_257] : memref<10240x32xf32, #tpu.memory_space<vmem_shared>> -> memref<640x32xf32, #tpu.memory_space<vmem_shared>>
      %dma_start3A_259 = arith.constant 0 : i32
      %dma_start3A_260 = tpu.memref_slice %arg2[%mul3A_6, %dma_start3A_259] : memref<10240x32xf32, #tpu.memory_space<hbm>> -> memref<640x32xf32, #tpu.memory_space<hbm>>
      tpu.enqueue_dma source(%dma_start3A_260 : memref<640x32xf32, #tpu.memory_space<hbm>>) target(%dma_start3A_258 : memref<640x32xf32, #tpu.memory_space<vmem_shared>>) target_semaphore(%run_scoped3A : memref<!tpu.dma_semaphore, #tpu.memory_space<semaphore_mem>>)
      %dma_wait3A_261 = arith.constant 0 : i32
      %dma_wait3A_262 = tpu.memref_slice %arg11[%mul3A_8, %dma_wait3A_261] : memref<10240x32xf32, #tpu.memory_space<vmem_shared>> -> memref<640x32xf32, #tpu.memory_space<vmem_shared>>
      %dma_wait3A_263 = arith.constant 0 : i32
      %dma_wait3A_264 = tpu.memref_slice %arg2[%mul3A_6, %dma_wait3A_263] : memref<10240x32xf32, #tpu.memory_space<hbm>> -> memref<640x32xf32, #tpu.memory_space<hbm>>
      tpu.wait_dma2 semaphore(%run_scoped3A : memref<!tpu.dma_semaphore, #tpu.memory_space<semaphore_mem>>) src(%dma_wait3A_264 : memref<640x32xf32, #tpu.memory_space<hbm>>) dst(%dma_wait3A_262 : memref<640x32xf32, #tpu.memory_space<vmem_shared>>)
      tpu.yield
    }) : () -> ()
    %add3A_9 = arith.constant 0 : i32
    %add3A_10 = arith.addi %mul3A_2, %add3A_9 : i32
    %mul3A_11 = arith.constant 80 : i32
    %mul3A_12 = arith.muli %add3A_10, %mul3A_11 : i32
    %dma_start3A = arith.constant 0 : i32
    %dma_start3A_13 = arith.constant 0 : i32
    %dma_start3A_14 = tpu.memref_slice %arg7[%dma_start3A, %dma_start3A_13] : memref<5x80xi32, #tpu.memory_space<vmem>> -> memref<1x80xi32, #tpu.memory_space<vmem>>
    %dma_start3A_15 = tpu.memref_squeeze %dma_start3A_14 : memref<1x80xi32, #tpu.memory_space<vmem>> -> memref<80xi32, #tpu.memory_space<vmem>>
    %dma_start3A_16 = tpu.memref_slice %arg3[%mul3A_12] : memref<320000xi32, #tpu.memory_space<hbm>> -> memref<80xi32, #tpu.memory_space<hbm>>
    %dma_start3A_17 = arith.constant 0 : i32
    %dma_start3A_18 = tpu.memref_slice %arg7[%dma_start3A, %dma_start3A_17] : memref<5x80xi32, #tpu.memory_space<vmem>> -> memref<1x80xi32, #tpu.memory_space<vmem>>
    %dma_start3A_19 = tpu.memref_squeeze %dma_start3A_18 : memref<1x80xi32, #tpu.memory_space<vmem>> -> memref<80xi32, #tpu.memory_space<vmem>>
    %dma_start3A_20 = tpu.memref_slice %arg3[%mul3A_12] : memref<320000xi32, #tpu.memory_space<hbm>> -> memref<80xi32, #tpu.memory_space<hbm>>
    tpu.enqueue_dma source(%dma_start3A_20 : memref<80xi32, #tpu.memory_space<hbm>>) target(%dma_start3A_19 : memref<80xi32, #tpu.memory_space<vmem>>) target_semaphore(%arg12 : memref<!tpu.dma_semaphore, #tpu.memory_space<semaphore_mem>>)
    %add3A_21 = arith.constant 0 : i32
    %add3A_22 = arith.addi %mul3A_2, %add3A_21 : i32
    %mul3A_23 = arith.constant 80 : i32
    %mul3A_24 = arith.muli %add3A_22, %mul3A_23 : i32
    %dma_start3A_25 = arith.constant 0 : i32
    %dma_start3A_26 = arith.constant 0 : i32
    %dma_start3A_27 = tpu.memref_slice %arg8[%dma_start3A_25, %dma_start3A_26] : memref<5x80xi32, #tpu.memory_space<vmem>> -> memref<1x80xi32, #tpu.memory_space<vmem>>
    %dma_start3A_28 = tpu.memref_squeeze %dma_start3A_27 : memref<1x80xi32, #tpu.memory_space<vmem>> -> memref<80xi32, #tpu.memory_space<vmem>>
    %dma_start3A_29 = tpu.memref_slice %arg4[%mul3A_24] : memref<320000xi32, #tpu.memory_space<hbm>> -> memref<80xi32, #tpu.memory_space<hbm>>
    %dma_start3A_30 = arith.constant 0 : i32
    %dma_start3A_31 = tpu.memref_slice %arg8[%dma_start3A_25, %dma_start3A_30] : memref<5x80xi32, #tpu.memory_space<vmem>> -> memref<1x80xi32, #tpu.memory_space<vmem>>
    %dma_start3A_32 = tpu.memref_squeeze %dma_start3A_31 : memref<1x80xi32, #tpu.memory_space<vmem>> -> memref<80xi32, #tpu.memory_space<vmem>>
    %dma_start3A_33 = tpu.memref_slice %arg4[%mul3A_24] : memref<320000xi32, #tpu.memory_space<hbm>> -> memref<80xi32, #tpu.memory_space<hbm>>
    tpu.enqueue_dma source(%dma_start3A_33 : memref<80xi32, #tpu.memory_space<hbm>>) target(%dma_start3A_32 : memref<80xi32, #tpu.memory_space<vmem>>) target_semaphore(%arg12 : memref<!tpu.dma_semaphore, #tpu.memory_space<semaphore_mem>>)
    %add3A_34 = arith.constant 1 : i32
    %add3A_35 = arith.addi %mul3A_2, %add3A_34 : i32
    %mul3A_36 = arith.constant 80 : i32
    %mul3A_37 = arith.muli %add3A_35, %mul3A_36 : i32
    %dma_start3A_38 = arith.constant 1 : i32
    %dma_start3A_39 = arith.constant 0 : i32
    %dma_start3A_40 = tpu.memref_slice %arg7[%dma_start3A_38, %dma_start3A_39] : memref<5x80xi32, #tpu.memory_space<vmem>> -> memref<1x80xi32, #tpu.memory_space<vmem>>
    %dma_start3A_41 = tpu.memref_squeeze %dma_start3A_40 : memref<1x80xi32, #tpu.memory_space<vmem>> -> memref<80xi32, #tpu.memory_space<vmem>>
    %dma_start3A_42 = tpu.memref_slice %arg3[%mul3A_37] : memref<320000xi32, #tpu.memory_space<hbm>> -> memref<80xi32, #tpu.memory_space<hbm>>
    %dma_start3A_43 = arith.constant 0 : i32
    %dma_start3A_44 = tpu.memref_slice %arg7[%dma_start3A_38, %dma_start3A_43] : memref<5x80xi32, #tpu.memory_space<vmem>> -> memref<1x80xi32, #tpu.memory_space<vmem>>
    %dma_start3A_45 = tpu.memref_squeeze %dma_start3A_44 : memref<1x80xi32, #tpu.memory_space<vmem>> -> memref<80xi32, #tpu.memory_space<vmem>>
    %dma_start3A_46 = tpu.memref_slice %arg3[%mul3A_37] : memref<320000xi32, #tpu.memory_space<hbm>> -> memref<80xi32, #tpu.memory_space<hbm>>
    tpu.enqueue_dma source(%dma_start3A_46 : memref<80xi32, #tpu.memory_space<hbm>>) target(%dma_start3A_45 : memref<80xi32, #tpu.memory_space<vmem>>) target_semaphore(%arg13 : memref<!tpu.dma_semaphore, #tpu.memory_space<semaphore_mem>>)
    %add3A_47 = arith.constant 1 : i32
    %add3A_48 = arith.addi %mul3A_2, %add3A_47 : i32
    %mul3A_49 = arith.constant 80 : i32
    %mul3A_50 = arith.muli %add3A_48, %mul3A_49 : i32
    %dma_start3A_51 = arith.constant 1 : i32
    %dma_start3A_52 = arith.constant 0 : i32
    %dma_start3A_53 = tpu.memref_slice %arg8[%dma_start3A_51, %dma_start3A_52] : memref<5x80xi32, #tpu.memory_space<vmem>> -> memref<1x80xi32, #tpu.memory_space<vmem>>
    %dma_start3A_54 = tpu.memref_squeeze %dma_start3A_53 : memref<1x80xi32, #tpu.memory_space<vmem>> -> memref<80xi32, #tpu.memory_space<vmem>>
    %dma_start3A_55 = tpu.memref_slice %arg4[%mul3A_50] : memref<320000xi32, #tpu.memory_space<hbm>> -> memref<80xi32, #tpu.memory_space<hbm>>
    %dma_start3A_56 = arith.constant 0 : i32
    %dma_start3A_57 = tpu.memref_slice %arg8[%dma_start3A_51, %dma_start3A_56] : memref<5x80xi32, #tpu.memory_space<vmem>> -> memref<1x80xi32, #tpu.memory_space<vmem>>
    %dma_start3A_58 = tpu.memref_squeeze %dma_start3A_57 : memref<1x80xi32, #tpu.memory_space<vmem>> -> memref<80xi32, #tpu.memory_space<vmem>>
    %dma_start3A_59 = tpu.memref_slice %arg4[%mul3A_50] : memref<320000xi32, #tpu.memory_space<hbm>> -> memref<80xi32, #tpu.memory_space<hbm>>
    tpu.enqueue_dma source(%dma_start3A_59 : memref<80xi32, #tpu.memory_space<hbm>>) target(%dma_start3A_58 : memref<80xi32, #tpu.memory_space<vmem>>) target_semaphore(%arg13 : memref<!tpu.dma_semaphore, #tpu.memory_space<semaphore_mem>>)
    %add3A_60 = arith.constant 2 : i32
    %add3A_61 = arith.addi %mul3A_2, %add3A_60 : i32
    %mul3A_62 = arith.constant 80 : i32
    %mul3A_63 = arith.muli %add3A_61, %mul3A_62 : i32
    %dma_start3A_64 = arith.constant 2 : i32
    %dma_start3A_65 = arith.constant 0 : i32
    %dma_start3A_66 = tpu.memref_slice %arg7[%dma_start3A_64, %dma_start3A_65] : memref<5x80xi32, #tpu.memory_space<vmem>> -> memref<1x80xi32, #tpu.memory_space<vmem>>
    %dma_start3A_67 = tpu.memref_squeeze %dma_start3A_66 : memref<1x80xi32, #tpu.memory_space<vmem>> -> memref<80xi32, #tpu.memory_space<vmem>>
    %dma_start3A_68 = tpu.memref_slice %arg3[%mul3A_63] : memref<320000xi32, #tpu.memory_space<hbm>> -> memref<80xi32, #tpu.memory_space<hbm>>
    %dma_start3A_69 = arith.constant 0 : i32
    %dma_start3A_70 = tpu.memref_slice %arg7[%dma_start3A_64, %dma_start3A_69] : memref<5x80xi32, #tpu.memory_space<vmem>> -> memref<1x80xi32, #tpu.memory_space<vmem>>
    %dma_start3A_71 = tpu.memref_squeeze %dma_start3A_70 : memref<1x80xi32, #tpu.memory_space<vmem>> -> memref<80xi32, #tpu.memory_space<vmem>>
    %dma_start3A_72 = tpu.memref_slice %arg3[%mul3A_63] : memref<320000xi32, #tpu.memory_space<hbm>> -> memref<80xi32, #tpu.memory_space<hbm>>
    tpu.enqueue_dma source(%dma_start3A_72 : memref<80xi32, #tpu.memory_space<hbm>>) target(%dma_start3A_71 : memref<80xi32, #tpu.memory_space<vmem>>) target_semaphore(%arg14 : memref<!tpu.dma_semaphore, #tpu.memory_space<semaphore_mem>>)
    %add3A_73 = arith.constant 2 : i32
    %add3A_74 = arith.addi %mul3A_2, %add3A_73 : i32
    %mul3A_75 = arith.constant 80 : i32
    %mul3A_76 = arith.muli %add3A_74, %mul3A_75 : i32
    %dma_start3A_77 = arith.constant 2 : i32
    %dma_start3A_78 = arith.constant 0 : i32
    %dma_start3A_79 = tpu.memref_slice %arg8[%dma_start3A_77, %dma_start3A_78] : memref<5x80xi32, #tpu.memory_space<vmem>> -> memref<1x80xi32, #tpu.memory_space<vmem>>
    %dma_start3A_80 = tpu.memref_squeeze %dma_start3A_79 : memref<1x80xi32, #tpu.memory_space<vmem>> -> memref<80xi32, #tpu.memory_space<vmem>>
    %dma_start3A_81 = tpu.memref_slice %arg4[%mul3A_76] : memref<320000xi32, #tpu.memory_space<hbm>> -> memref<80xi32, #tpu.memory_space<hbm>>
    %dma_start3A_82 = arith.constant 0 : i32
    %dma_start3A_83 = tpu.memref_slice %arg8[%dma_start3A_77, %dma_start3A_82] : memref<5x80xi32, #tpu.memory_space<vmem>> -> memref<1x80xi32, #tpu.memory_space<vmem>>
    %dma_start3A_84 = tpu.memref_squeeze %dma_start3A_83 : memref<1x80xi32, #tpu.memory_space<vmem>> -> memref<80xi32, #tpu.memory_space<vmem>>
    %dma_start3A_85 = tpu.memref_slice %arg4[%mul3A_76] : memref<320000xi32, #tpu.memory_space<hbm>> -> memref<80xi32, #tpu.memory_space<hbm>>
    tpu.enqueue_dma source(%dma_start3A_85 : memref<80xi32, #tpu.memory_space<hbm>>) target(%dma_start3A_84 : memref<80xi32, #tpu.memory_space<vmem>>) target_semaphore(%arg14 : memref<!tpu.dma_semaphore, #tpu.memory_space<semaphore_mem>>)
    %add3A_86 = arith.constant 3 : i32
    %add3A_87 = arith.addi %mul3A_2, %add3A_86 : i32
    %mul3A_88 = arith.constant 80 : i32
    %mul3A_89 = arith.muli %add3A_87, %mul3A_88 : i32
    %dma_start3A_90 = arith.constant 3 : i32
    %dma_start3A_91 = arith.constant 0 : i32
    %dma_start3A_92 = tpu.memref_slice %arg7[%dma_start3A_90, %dma_start3A_91] : memref<5x80xi32, #tpu.memory_space<vmem>> -> memref<1x80xi32, #tpu.memory_space<vmem>>
    %dma_start3A_93 = tpu.memref_squeeze %dma_start3A_92 : memref<1x80xi32, #tpu.memory_space<vmem>> -> memref<80xi32, #tpu.memory_space<vmem>>
    %dma_start3A_94 = tpu.memref_slice %arg3[%mul3A_89] : memref<320000xi32, #tpu.memory_space<hbm>> -> memref<80xi32, #tpu.memory_space<hbm>>
    %dma_start3A_95 = arith.constant 0 : i32
    %dma_start3A_96 = tpu.memref_slice %arg7[%dma_start3A_90, %dma_start3A_95] : memref<5x80xi32, #tpu.memory_space<vmem>> -> memref<1x80xi32, #tpu.memory_space<vmem>>
    %dma_start3A_97 = tpu.memref_squeeze %dma_start3A_96 : memref<1x80xi32, #tpu.memory_space<vmem>> -> memref<80xi32, #tpu.memory_space<vmem>>
    %dma_start3A_98 = tpu.memref_slice %arg3[%mul3A_89] : memref<320000xi32, #tpu.memory_space<hbm>> -> memref<80xi32, #tpu.memory_space<hbm>>
    tpu.enqueue_dma source(%dma_start3A_98 : memref<80xi32, #tpu.memory_space<hbm>>) target(%dma_start3A_97 : memref<80xi32, #tpu.memory_space<vmem>>) target_semaphore(%arg15 : memref<!tpu.dma_semaphore, #tpu.memory_space<semaphore_mem>>)
    %add3A_99 = arith.constant 3 : i32
    %add3A_100 = arith.addi %mul3A_2, %add3A_99 : i32
    %mul3A_101 = arith.constant 80 : i32
    %mul3A_102 = arith.muli %add3A_100, %mul3A_101 : i32
    %dma_start3A_103 = arith.constant 3 : i32
    %dma_start3A_104 = arith.constant 0 : i32
    %dma_start3A_105 = tpu.memref_slice %arg8[%dma_start3A_103, %dma_start3A_104] : memref<5x80xi32, #tpu.memory_space<vmem>> -> memref<1x80xi32, #tpu.memory_space<vmem>>
    %dma_start3A_106 = tpu.memref_squeeze %dma_start3A_105 : memref<1x80xi32, #tpu.memory_space<vmem>> -> memref<80xi32, #tpu.memory_space<vmem>>
    %dma_start3A_107 = tpu.memref_slice %arg4[%mul3A_102] : memref<320000xi32, #tpu.memory_space<hbm>> -> memref<80xi32, #tpu.memory_space<hbm>>
    %dma_start3A_108 = arith.constant 0 : i32
    %dma_start3A_109 = tpu.memref_slice %arg8[%dma_start3A_103, %dma_start3A_108] : memref<5x80xi32, #tpu.memory_space<vmem>> -> memref<1x80xi32, #tpu.memory_space<vmem>>
    %dma_start3A_110 = tpu.memref_squeeze %dma_start3A_109 : memref<1x80xi32, #tpu.memory_space<vmem>> -> memref<80xi32, #tpu.memory_space<vmem>>
    %dma_start3A_111 = tpu.memref_slice %arg4[%mul3A_102] : memref<320000xi32, #tpu.memory_space<hbm>> -> memref<80xi32, #tpu.memory_space<hbm>>
    tpu.enqueue_dma source(%dma_start3A_111 : memref<80xi32, #tpu.memory_space<hbm>>) target(%dma_start3A_110 : memref<80xi32, #tpu.memory_space<vmem>>) target_semaphore(%arg15 : memref<!tpu.dma_semaphore, #tpu.memory_space<semaphore_mem>>)
    %add3A_112 = arith.constant 4 : i32
    %add3A_113 = arith.addi %mul3A_2, %add3A_112 : i32
    %mul3A_114 = arith.constant 80 : i32
    %mul3A_115 = arith.muli %add3A_113, %mul3A_114 : i32
    %dma_start3A_116 = arith.constant 4 : i32
    %dma_start3A_117 = arith.constant 0 : i32
    %dma_start3A_118 = tpu.memref_slice %arg7[%dma_start3A_116, %dma_start3A_117] : memref<5x80xi32, #tpu.memory_space<vmem>> -> memref<1x80xi32, #tpu.memory_space<vmem>>
    %dma_start3A_119 = tpu.memref_squeeze %dma_start3A_118 : memref<1x80xi32, #tpu.memory_space<vmem>> -> memref<80xi32, #tpu.memory_space<vmem>>
    %dma_start3A_120 = tpu.memref_slice %arg3[%mul3A_115] : memref<320000xi32, #tpu.memory_space<hbm>> -> memref<80xi32, #tpu.memory_space<hbm>>
    %dma_start3A_121 = arith.constant 0 : i32
    %dma_start3A_122 = tpu.memref_slice %arg7[%dma_start3A_116, %dma_start3A_121] : memref<5x80xi32, #tpu.memory_space<vmem>> -> memref<1x80xi32, #tpu.memory_space<vmem>>
    %dma_start3A_123 = tpu.memref_squeeze %dma_start3A_122 : memref<1x80xi32, #tpu.memory_space<vmem>> -> memref<80xi32, #tpu.memory_space<vmem>>
    %dma_start3A_124 = tpu.memref_slice %arg3[%mul3A_115] : memref<320000xi32, #tpu.memory_space<hbm>> -> memref<80xi32, #tpu.memory_space<hbm>>
    tpu.enqueue_dma source(%dma_start3A_124 : memref<80xi32, #tpu.memory_space<hbm>>) target(%dma_start3A_123 : memref<80xi32, #tpu.memory_space<vmem>>) target_semaphore(%arg16 : memref<!tpu.dma_semaphore, #tpu.memory_space<semaphore_mem>>)
    %add3A_125 = arith.constant 4 : i32
    %add3A_126 = arith.addi %mul3A_2, %add3A_125 : i32
    %mul3A_127 = arith.constant 80 : i32
    %mul3A_128 = arith.muli %add3A_126, %mul3A_127 : i32
    %dma_start3A_129 = arith.constant 4 : i32
    %dma_start3A_130 = arith.constant 0 : i32
    %dma_start3A_131 = tpu.memref_slice %arg8[%dma_start3A_129, %dma_start3A_130] : memref<5x80xi32, #tpu.memory_space<vmem>> -> memref<1x80xi32, #tpu.memory_space<vmem>>
    %dma_start3A_132 = tpu.memref_squeeze %dma_start3A_131 : memref<1x80xi32, #tpu.memory_space<vmem>> -> memref<80xi32, #tpu.memory_space<vmem>>
    %dma_start3A_133 = tpu.memref_slice %arg4[%mul3A_128] : memref<320000xi32, #tpu.memory_space<hbm>> -> memref<80xi32, #tpu.memory_space<hbm>>
    %dma_start3A_134 = arith.constant 0 : i32
    %dma_start3A_135 = tpu.memref_slice %arg8[%dma_start3A_129, %dma_start3A_134] : memref<5x80xi32, #tpu.memory_space<vmem>> -> memref<1x80xi32, #tpu.memory_space<vmem>>
    %dma_start3A_136 = tpu.memref_squeeze %dma_start3A_135 : memref<1x80xi32, #tpu.memory_space<vmem>> -> memref<80xi32, #tpu.memory_space<vmem>>
    %dma_start3A_137 = tpu.memref_slice %arg4[%mul3A_128] : memref<320000xi32, #tpu.memory_space<hbm>> -> memref<80xi32, #tpu.memory_space<hbm>>
    tpu.enqueue_dma source(%dma_start3A_137 : memref<80xi32, #tpu.memory_space<hbm>>) target(%dma_start3A_136 : memref<80xi32, #tpu.memory_space<vmem>>) target_semaphore(%arg16 : memref<!tpu.dma_semaphore, #tpu.memory_space<semaphore_mem>>)
    %barrier3A = arith.constant 0 : index
    tpu.barrier barrier_id(%barrier3A)
    %scan3A = arith.constant 0 : i32
    %scan3A_138 = arith.constant 0 : i32
    %scan3A_139 = arith.constant 25 : i32
    %scan3A_140 = arith.addi %scan3A_138, %scan3A_139 : i32
    %scan3A_141 = arith.constant 1 : i32
    scf.for %scan3A_257 = %scan3A_138 to %scan3A_140 step %scan3A_141  : i32 {
      %mul3A_258 = arith.constant 80 : i32
      %mul3A_259 = arith.muli %mul3A_2, %mul3A_258 : i32
      %dma_wait3A_260 = arith.constant 0 : i32
      %dma_wait3A_261 = arith.constant 0 : i32
      %dma_wait3A_262 = tpu.memref_slice %arg7[%dma_wait3A_260, %dma_wait3A_261] : memref<5x80xi32, #tpu.memory_space<vmem>> -> memref<1x80xi32, #tpu.memory_space<vmem>>
      %dma_wait3A_263 = tpu.memref_squeeze %dma_wait3A_262 : memref<1x80xi32, #tpu.memory_space<vmem>> -> memref<80xi32, #tpu.memory_space<vmem>>
      %dma_wait3A_264 = tpu.memref_slice %arg3[%mul3A_259] : memref<320000xi32, #tpu.memory_space<hbm>> -> memref<80xi32, #tpu.memory_space<hbm>>
      %dma_wait3A_265 = arith.constant 0 : i32
      %dma_wait3A_266 = tpu.memref_slice %arg7[%dma_wait3A_260, %dma_wait3A_265] : memref<5x80xi32, #tpu.memory_space<vmem>> -> memref<1x80xi32, #tpu.memory_space<vmem>>
      %dma_wait3A_267 = tpu.memref_squeeze %dma_wait3A_266 : memref<1x80xi32, #tpu.memory_space<vmem>> -> memref<80xi32, #tpu.memory_space<vmem>>
      %dma_wait3A_268 = tpu.memref_slice %arg3[%mul3A_259] : memref<320000xi32, #tpu.memory_space<hbm>> -> memref<80xi32, #tpu.memory_space<hbm>>
      tpu.wait_dma2 semaphore(%arg12 : memref<!tpu.dma_semaphore, #tpu.memory_space<semaphore_mem>>) src(%dma_wait3A_268 : memref<80xi32, #tpu.memory_space<hbm>>) dst(%dma_wait3A_267 : memref<80xi32, #tpu.memory_space<vmem>>)
      %mul3A_269 = arith.constant 80 : i32
      %mul3A_270 = arith.muli %mul3A_2, %mul3A_269 : i32
      %dma_wait3A_271 = arith.constant 0 : i32
      %dma_wait3A_272 = arith.constant 0 : i32
      %dma_wait3A_273 = tpu.memref_slice %arg8[%dma_wait3A_271, %dma_wait3A_272] : memref<5x80xi32, #tpu.memory_space<vmem>> -> memref<1x80xi32, #tpu.memory_space<vmem>>
      %dma_wait3A_274 = tpu.memref_squeeze %dma_wait3A_273 : memref<1x80xi32, #tpu.memory_space<vmem>> -> memref<80xi32, #tpu.memory_space<vmem>>
      %dma_wait3A_275 = tpu.memref_slice %arg4[%mul3A_270] : memref<320000xi32, #tpu.memory_space<hbm>> -> memref<80xi32, #tpu.memory_space<hbm>>
      %dma_wait3A_276 = arith.constant 0 : i32
      %dma_wait3A_277 = tpu.memref_slice %arg8[%dma_wait3A_271, %dma_wait3A_276] : memref<5x80xi32, #tpu.memory_space<vmem>> -> memref<1x80xi32, #tpu.memory_space<vmem>>
      %dma_wait3A_278 = tpu.memref_squeeze %dma_wait3A_277 : memref<1x80xi32, #tpu.memory_space<vmem>> -> memref<80xi32, #tpu.memory_space<vmem>>
      %dma_wait3A_279 = tpu.memref_slice %arg4[%mul3A_270] : memref<320000xi32, #tpu.memory_space<hbm>> -> memref<80xi32, #tpu.memory_space<hbm>>
      tpu.wait_dma2 semaphore(%arg12 : memref<!tpu.dma_semaphore, #tpu.memory_space<semaphore_mem>>) src(%dma_wait3A_279 : memref<80xi32, #tpu.memory_space<hbm>>) dst(%dma_wait3A_278 : memref<80xi32, #tpu.memory_space<vmem>>)
      %dma_start3A_280 = arith.constant 0 : i32
      %dma_start3A_281 = arith.constant 0 : i32
      %dma_start3A_282 = arith.constant 0 : i32
      %dma_start3A_283 = arith.constant 0 : i32
      %dma_start3A_284 = tpu.memref_slice %arg9[%dma_start3A_281, %dma_start3A_282, %dma_start3A_283] : memref<5x80x32xf32, #tpu.memory_space<vmem>> -> memref<1x80x32xf32, #tpu.memory_space<vmem>>
      %dma_start3A_285 = tpu.memref_squeeze %dma_start3A_284 : memref<1x80x32xf32, #tpu.memory_space<vmem>> -> memref<80x32xf32, #tpu.memory_space<vmem>>
      %dma_start3A_286 = arith.constant 0 : i32
      %dma_start3A_287 = tpu.memref_slice %arg7[%dma_start3A_280, %dma_start3A_286] : memref<5x80xi32, #tpu.memory_space<vmem>> -> memref<1x80xi32, #tpu.memory_space<vmem>>
      %dma_start3A_288 = tpu.memref_squeeze %dma_start3A_287 : memref<1x80xi32, #tpu.memory_space<vmem>> -> memref<80xi32, #tpu.memory_space<vmem>>
      %dma_start3A_289 = arith.constant 0 : i32
      %dma_start3A_290 = arith.constant 0 : i32
      %dma_start3A_291 = tpu.memref_slice %arg11[%dma_start3A_289, %dma_start3A_290] : memref<10240x32xf32, #tpu.memory_space<vmem_shared>> -> memref<10240x32xf32, #tpu.memory_space<vmem_shared>>
      tpu.enqueue_indirect_dma source(%dma_start3A_291 : memref<10240x32xf32, #tpu.memory_space<vmem_shared>>) target(%dma_start3A_285 : memref<80x32xf32, #tpu.memory_space<vmem>>) offsets(%dma_start3A_288 : memref<80xi32, #tpu.memory_space<vmem>>) semaphore(%arg17 : memref<!tpu.dma_semaphore, #tpu.memory_space<semaphore_mem>>)
      %mul3A_292 = arith.constant 80 : i32
      %mul3A_293 = arith.muli %mul3A_2, %mul3A_292 : i32
      %dma_wait3A_294 = arith.constant 1 : i32
      %dma_wait3A_295 = arith.constant 0 : i32
      %dma_wait3A_296 = tpu.memref_slice %arg7[%dma_wait3A_294, %dma_wait3A_295] : memref<5x80xi32, #tpu.memory_space<vmem>> -> memref<1x80xi32, #tpu.memory_space<vmem>>
      %dma_wait3A_297 = tpu.memref_squeeze %dma_wait3A_296 : memref<1x80xi32, #tpu.memory_space<vmem>> -> memref<80xi32, #tpu.memory_space<vmem>>
      %dma_wait3A_298 = tpu.memref_slice %arg3[%mul3A_293] : memref<320000xi32, #tpu.memory_space<hbm>> -> memref<80xi32, #tpu.memory_space<hbm>>
      %dma_wait3A_299 = arith.constant 0 : i32
      %dma_wait3A_300 = tpu.memref_slice %arg7[%dma_wait3A_294, %dma_wait3A_299] : memref<5x80xi32, #tpu.memory_space<vmem>> -> memref<1x80xi32, #tpu.memory_space<vmem>>
      %dma_wait3A_301 = tpu.memref_squeeze %dma_wait3A_300 : memref<1x80xi32, #tpu.memory_space<vmem>> -> memref<80xi32, #tpu.memory_space<vmem>>
      %dma_wait3A_302 = tpu.memref_slice %arg3[%mul3A_293] : memref<320000xi32, #tpu.memory_space<hbm>> -> memref<80xi32, #tpu.memory_space<hbm>>
      tpu.wait_dma2 semaphore(%arg13 : memref<!tpu.dma_semaphore, #tpu.memory_space<semaphore_mem>>) src(%dma_wait3A_302 : memref<80xi32, #tpu.memory_space<hbm>>) dst(%dma_wait3A_301 : memref<80xi32, #tpu.memory_space<vmem>>)
      %mul3A_303 = arith.constant 80 : i32
      %mul3A_304 = arith.muli %mul3A_2, %mul3A_303 : i32
      %dma_wait3A_305 = arith.constant 1 : i32
      %dma_wait3A_306 = arith.constant 0 : i32
      %dma_wait3A_307 = tpu.memref_slice %arg8[%dma_wait3A_305, %dma_wait3A_306] : memref<5x80xi32, #tpu.memory_space<vmem>> -> memref<1x80xi32, #tpu.memory_space<vmem>>
      %dma_wait3A_308 = tpu.memref_squeeze %dma_wait3A_307 : memref<1x80xi32, #tpu.memory_space<vmem>> -> memref<80xi32, #tpu.memory_space<vmem>>
      %dma_wait3A_309 = tpu.memref_slice %arg4[%mul3A_304] : memref<320000xi32, #tpu.memory_space<hbm>> -> memref<80xi32, #tpu.memory_space<hbm>>
      %dma_wait3A_310 = arith.constant 0 : i32
      %dma_wait3A_311 = tpu.memref_slice %arg8[%dma_wait3A_305, %dma_wait3A_310] : memref<5x80xi32, #tpu.memory_space<vmem>> -> memref<1x80xi32, #tpu.memory_space<vmem>>
      %dma_wait3A_312 = tpu.memref_squeeze %dma_wait3A_311 : memref<1x80xi32, #tpu.memory_space<vmem>> -> memref<80xi32, #tpu.memory_space<vmem>>
      %dma_wait3A_313 = tpu.memref_slice %arg4[%mul3A_304] : memref<320000xi32, #tpu.memory_space<hbm>> -> memref<80xi32, #tpu.memory_space<hbm>>
      tpu.wait_dma2 semaphore(%arg13 : memref<!tpu.dma_semaphore, #tpu.memory_space<semaphore_mem>>) src(%dma_wait3A_313 : memref<80xi32, #tpu.memory_space<hbm>>) dst(%dma_wait3A_312 : memref<80xi32, #tpu.memory_space<vmem>>)
      %dma_start3A_314 = arith.constant 1 : i32
      %dma_start3A_315 = arith.constant 1 : i32
      %dma_start3A_316 = arith.constant 0 : i32
      %dma_start3A_317 = arith.constant 0 : i32
      %dma_start3A_318 = tpu.memref_slice %arg9[%dma_start3A_315, %dma_start3A_316, %dma_start3A_317] : memref<5x80x32xf32, #tpu.memory_space<vmem>> -> memref<1x80x32xf32, #tpu.memory_space<vmem>>
      %dma_start3A_319 = tpu.memref_squeeze %dma_start3A_318 : memref<1x80x32xf32, #tpu.memory_space<vmem>> -> memref<80x32xf32, #tpu.memory_space<vmem>>
      %dma_start3A_320 = arith.constant 0 : i32
      %dma_start3A_321 = tpu.memref_slice %arg7[%dma_start3A_314, %dma_start3A_320] : memref<5x80xi32, #tpu.memory_space<vmem>> -> memref<1x80xi32, #tpu.memory_space<vmem>>
      %dma_start3A_322 = tpu.memref_squeeze %dma_start3A_321 : memref<1x80xi32, #tpu.memory_space<vmem>> -> memref<80xi32, #tpu.memory_space<vmem>>
      %dma_start3A_323 = arith.constant 0 : i32
      %dma_start3A_324 = arith.constant 0 : i32
      %dma_start3A_325 = tpu.memref_slice %arg11[%dma_start3A_323, %dma_start3A_324] : memref<10240x32xf32, #tpu.memory_space<vmem_shared>> -> memref<10240x32xf32, #tpu.memory_space<vmem_shared>>
      tpu.enqueue_indirect_dma source(%dma_start3A_325 : memref<10240x32xf32, #tpu.memory_space<vmem_shared>>) target(%dma_start3A_319 : memref<80x32xf32, #tpu.memory_space<vmem>>) offsets(%dma_start3A_322 : memref<80xi32, #tpu.memory_space<vmem>>) semaphore(%arg18 : memref<!tpu.dma_semaphore, #tpu.memory_space<semaphore_mem>>)
      %mul3A_326 = arith.constant 80 : i32
      %mul3A_327 = arith.muli %mul3A_2, %mul3A_326 : i32
      %dma_wait3A_328 = arith.constant 2 : i32
      %dma_wait3A_329 = arith.constant 0 : i32
      %dma_wait3A_330 = tpu.memref_slice %arg7[%dma_wait3A_328, %dma_wait3A_329] : memref<5x80xi32, #tpu.memory_space<vmem>> -> memref<1x80xi32, #tpu.memory_space<vmem>>
      %dma_wait3A_331 = tpu.memref_squeeze %dma_wait3A_330 : memref<1x80xi32, #tpu.memory_space<vmem>> -> memref<80xi32, #tpu.memory_space<vmem>>
      %dma_wait3A_332 = tpu.memref_slice %arg3[%mul3A_327] : memref<320000xi32, #tpu.memory_space<hbm>> -> memref<80xi32, #tpu.memory_space<hbm>>
      %dma_wait3A_333 = arith.constant 0 : i32
      %dma_wait3A_334 = tpu.memref_slice %arg7[%dma_wait3A_328, %dma_wait3A_333] : memref<5x80xi32, #tpu.memory_space<vmem>> -> memref<1x80xi32, #tpu.memory_space<vmem>>
      %dma_wait3A_335 = tpu.memref_squeeze %dma_wait3A_334 : memref<1x80xi32, #tpu.memory_space<vmem>> -> memref<80xi32, #tpu.memory_space<vmem>>
      %dma_wait3A_336 = tpu.memref_slice %arg3[%mul3A_327] : memref<320000xi32, #tpu.memory_space<hbm>> -> memref<80xi32, #tpu.memory_space<hbm>>
      tpu.wait_dma2 semaphore(%arg14 : memref<!tpu.dma_semaphore, #tpu.memory_space<semaphore_mem>>) src(%dma_wait3A_336 : memref<80xi32, #tpu.memory_space<hbm>>) dst(%dma_wait3A_335 : memref<80xi32, #tpu.memory_space<vmem>>)
      %mul3A_337 = arith.constant 80 : i32
      %mul3A_338 = arith.muli %mul3A_2, %mul3A_337 : i32
      %dma_wait3A_339 = arith.constant 2 : i32
      %dma_wait3A_340 = arith.constant 0 : i32
      %dma_wait3A_341 = tpu.memref_slice %arg8[%dma_wait3A_339, %dma_wait3A_340] : memref<5x80xi32, #tpu.memory_space<vmem>> -> memref<1x80xi32, #tpu.memory_space<vmem>>
      %dma_wait3A_342 = tpu.memref_squeeze %dma_wait3A_341 : memref<1x80xi32, #tpu.memory_space<vmem>> -> memref<80xi32, #tpu.memory_space<vmem>>
      %dma_wait3A_343 = tpu.memref_slice %arg4[%mul3A_338] : memref<320000xi32, #tpu.memory_space<hbm>> -> memref<80xi32, #tpu.memory_space<hbm>>
      %dma_wait3A_344 = arith.constant 0 : i32
      %dma_wait3A_345 = tpu.memref_slice %arg8[%dma_wait3A_339, %dma_wait3A_344] : memref<5x80xi32, #tpu.memory_space<vmem>> -> memref<1x80xi32, #tpu.memory_space<vmem>>
      %dma_wait3A_346 = tpu.memref_squeeze %dma_wait3A_345 : memref<1x80xi32, #tpu.memory_space<vmem>> -> memref<80xi32, #tpu.memory_space<vmem>>
      %dma_wait3A_347 = tpu.memref_slice %arg4[%mul3A_338] : memref<320000xi32, #tpu.memory_space<hbm>> -> memref<80xi32, #tpu.memory_space<hbm>>
      tpu.wait_dma2 semaphore(%arg14 : memref<!tpu.dma_semaphore, #tpu.memory_space<semaphore_mem>>) src(%dma_wait3A_347 : memref<80xi32, #tpu.memory_space<hbm>>) dst(%dma_wait3A_346 : memref<80xi32, #tpu.memory_space<vmem>>)
      %dma_start3A_348 = arith.constant 2 : i32
      %dma_start3A_349 = arith.constant 2 : i32
      %dma_start3A_350 = arith.constant 0 : i32
      %dma_start3A_351 = arith.constant 0 : i32
      %dma_start3A_352 = tpu.memref_slice %arg9[%dma_start3A_349, %dma_start3A_350, %dma_start3A_351] : memref<5x80x32xf32, #tpu.memory_space<vmem>> -> memref<1x80x32xf32, #tpu.memory_space<vmem>>
      %dma_start3A_353 = tpu.memref_squeeze %dma_start3A_352 : memref<1x80x32xf32, #tpu.memory_space<vmem>> -> memref<80x32xf32, #tpu.memory_space<vmem>>
      %dma_start3A_354 = arith.constant 0 : i32
      %dma_start3A_355 = tpu.memref_slice %arg7[%dma_start3A_348, %dma_start3A_354] : memref<5x80xi32, #tpu.memory_space<vmem>> -> memref<1x80xi32, #tpu.memory_space<vmem>>
      %dma_start3A_356 = tpu.memref_squeeze %dma_start3A_355 : memref<1x80xi32, #tpu.memory_space<vmem>> -> memref<80xi32, #tpu.memory_space<vmem>>
      %dma_start3A_357 = arith.constant 0 : i32
      %dma_start3A_358 = arith.constant 0 : i32
      %dma_start3A_359 = tpu.memref_slice %arg11[%dma_start3A_357, %dma_start3A_358] : memref<10240x32xf32, #tpu.memory_space<vmem_shared>> -> memref<10240x32xf32, #tpu.memory_space<vmem_shared>>
      tpu.enqueue_indirect_dma source(%dma_start3A_359 : memref<10240x32xf32, #tpu.memory_space<vmem_shared>>) target(%dma_start3A_353 : memref<80x32xf32, #tpu.memory_space<vmem>>) offsets(%dma_start3A_356 : memref<80xi32, #tpu.memory_space<vmem>>) semaphore(%arg19 : memref<!tpu.dma_semaphore, #tpu.memory_space<semaphore_mem>>)
      %mul3A_360 = arith.constant 80 : i32
      %mul3A_361 = arith.muli %mul3A_2, %mul3A_360 : i32
      %dma_wait3A_362 = arith.constant 3 : i32
      %dma_wait3A_363 = arith.constant 0 : i32
      %dma_wait3A_364 = tpu.memref_slice %arg7[%dma_wait3A_362, %dma_wait3A_363] : memref<5x80xi32, #tpu.memory_space<vmem>> -> memref<1x80xi32, #tpu.memory_space<vmem>>
      %dma_wait3A_365 = tpu.memref_squeeze %dma_wait3A_364 : memref<1x80xi32, #tpu.memory_space<vmem>> -> memref<80xi32, #tpu.memory_space<vmem>>
      %dma_wait3A_366 = tpu.memref_slice %arg3[%mul3A_361] : memref<320000xi32, #tpu.memory_space<hbm>> -> memref<80xi32, #tpu.memory_space<hbm>>
      %dma_wait3A_367 = arith.constant 0 : i32
      %dma_wait3A_368 = tpu.memref_slice %arg7[%dma_wait3A_362, %dma_wait3A_367] : memref<5x80xi32, #tpu.memory_space<vmem>> -> memref<1x80xi32, #tpu.memory_space<vmem>>
      %dma_wait3A_369 = tpu.memref_squeeze %dma_wait3A_368 : memref<1x80xi32, #tpu.memory_space<vmem>> -> memref<80xi32, #tpu.memory_space<vmem>>
      %dma_wait3A_370 = tpu.memref_slice %arg3[%mul3A_361] : memref<320000xi32, #tpu.memory_space<hbm>> -> memref<80xi32, #tpu.memory_space<hbm>>
      tpu.wait_dma2 semaphore(%arg15 : memref<!tpu.dma_semaphore, #tpu.memory_space<semaphore_mem>>) src(%dma_wait3A_370 : memref<80xi32, #tpu.memory_space<hbm>>) dst(%dma_wait3A_369 : memref<80xi32, #tpu.memory_space<vmem>>)
      %mul3A_371 = arith.constant 80 : i32
      %mul3A_372 = arith.muli %mul3A_2, %mul3A_371 : i32
      %dma_wait3A_373 = arith.constant 3 : i32
      %dma_wait3A_374 = arith.constant 0 : i32
      %dma_wait3A_375 = tpu.memref_slice %arg8[%dma_wait3A_373, %dma_wait3A_374] : memref<5x80xi32, #tpu.memory_space<vmem>> -> memref<1x80xi32, #tpu.memory_space<vmem>>
      %dma_wait3A_376 = tpu.memref_squeeze %dma_wait3A_375 : memref<1x80xi32, #tpu.memory_space<vmem>> -> memref<80xi32, #tpu.memory_space<vmem>>
      %dma_wait3A_377 = tpu.memref_slice %arg4[%mul3A_372] : memref<320000xi32, #tpu.memory_space<hbm>> -> memref<80xi32, #tpu.memory_space<hbm>>
      %dma_wait3A_378 = arith.constant 0 : i32
      %dma_wait3A_379 = tpu.memref_slice %arg8[%dma_wait3A_373, %dma_wait3A_378] : memref<5x80xi32, #tpu.memory_space<vmem>> -> memref<1x80xi32, #tpu.memory_space<vmem>>
      %dma_wait3A_380 = tpu.memref_squeeze %dma_wait3A_379 : memref<1x80xi32, #tpu.memory_space<vmem>> -> memref<80xi32, #tpu.memory_space<vmem>>
      %dma_wait3A_381 = tpu.memref_slice %arg4[%mul3A_372] : memref<320000xi32, #tpu.memory_space<hbm>> -> memref<80xi32, #tpu.memory_space<hbm>>
      tpu.wait_dma2 semaphore(%arg15 : memref<!tpu.dma_semaphore, #tpu.memory_space<semaphore_mem>>) src(%dma_wait3A_381 : memref<80xi32, #tpu.memory_space<hbm>>) dst(%dma_wait3A_380 : memref<80xi32, #tpu.memory_space<vmem>>)
      %dma_start3A_382 = arith.constant 3 : i32
      %dma_start3A_383 = arith.constant 3 : i32
      %dma_start3A_384 = arith.constant 0 : i32
      %dma_start3A_385 = arith.constant 0 : i32
      %dma_start3A_386 = tpu.memref_slice %arg9[%dma_start3A_383, %dma_start3A_384, %dma_start3A_385] : memref<5x80x32xf32, #tpu.memory_space<vmem>> -> memref<1x80x32xf32, #tpu.memory_space<vmem>>
      %dma_start3A_387 = tpu.memref_squeeze %dma_start3A_386 : memref<1x80x32xf32, #tpu.memory_space<vmem>> -> memref<80x32xf32, #tpu.memory_space<vmem>>
      %dma_start3A_388 = arith.constant 0 : i32
      %dma_start3A_389 = tpu.memref_slice %arg7[%dma_start3A_382, %dma_start3A_388] : memref<5x80xi32, #tpu.memory_space<vmem>> -> memref<1x80xi32, #tpu.memory_space<vmem>>
      %dma_start3A_390 = tpu.memref_squeeze %dma_start3A_389 : memref<1x80xi32, #tpu.memory_space<vmem>> -> memref<80xi32, #tpu.memory_space<vmem>>
      %dma_start3A_391 = arith.constant 0 : i32
      %dma_start3A_392 = arith.constant 0 : i32
      %dma_start3A_393 = tpu.memref_slice %arg11[%dma_start3A_391, %dma_start3A_392] : memref<10240x32xf32, #tpu.memory_space<vmem_shared>> -> memref<10240x32xf32, #tpu.memory_space<vmem_shared>>
      tpu.enqueue_indirect_dma source(%dma_start3A_393 : memref<10240x32xf32, #tpu.memory_space<vmem_shared>>) target(%dma_start3A_387 : memref<80x32xf32, #tpu.memory_space<vmem>>) offsets(%dma_start3A_390 : memref<80xi32, #tpu.memory_space<vmem>>) semaphore(%arg20 : memref<!tpu.dma_semaphore, #tpu.memory_space<semaphore_mem>>)
      %mul3A_394 = arith.constant 80 : i32
      %mul3A_395 = arith.muli %mul3A_2, %mul3A_394 : i32
      %dma_wait3A_396 = arith.constant 4 : i32
      %dma_wait3A_397 = arith.constant 0 : i32
      %dma_wait3A_398 = tpu.memref_slice %arg7[%dma_wait3A_396, %dma_wait3A_397] : memref<5x80xi32, #tpu.memory_space<vmem>> -> memref<1x80xi32, #tpu.memory_space<vmem>>
      %dma_wait3A_399 = tpu.memref_squeeze %dma_wait3A_398 : memref<1x80xi32, #tpu.memory_space<vmem>> -> memref<80xi32, #tpu.memory_space<vmem>>
      %dma_wait3A_400 = tpu.memref_slice %arg3[%mul3A_395] : memref<320000xi32, #tpu.memory_space<hbm>> -> memref<80xi32, #tpu.memory_space<hbm>>
      %dma_wait3A_401 = arith.constant 0 : i32
      %dma_wait3A_402 = tpu.memref_slice %arg7[%dma_wait3A_396, %dma_wait3A_401] : memref<5x80xi32, #tpu.memory_space<vmem>> -> memref<1x80xi32, #tpu.memory_space<vmem>>
      %dma_wait3A_403 = tpu.memref_squeeze %dma_wait3A_402 : memref<1x80xi32, #tpu.memory_space<vmem>> -> memref<80xi32, #tpu.memory_space<vmem>>
      %dma_wait3A_404 = tpu.memref_slice %arg3[%mul3A_395] : memref<320000xi32, #tpu.memory_space<hbm>> -> memref<80xi32, #tpu.memory_space<hbm>>
      tpu.wait_dma2 semaphore(%arg16 : memref<!tpu.dma_semaphore, #tpu.memory_space<semaphore_mem>>) src(%dma_wait3A_404 : memref<80xi32, #tpu.memory_space<hbm>>) dst(%dma_wait3A_403 : memref<80xi32, #tpu.memory_space<vmem>>)
      %mul3A_405 = arith.constant 80 : i32
      %mul3A_406 = arith.muli %mul3A_2, %mul3A_405 : i32
      %dma_wait3A_407 = arith.constant 4 : i32
      %dma_wait3A_408 = arith.constant 0 : i32
      %dma_wait3A_409 = tpu.memref_slice %arg8[%dma_wait3A_407, %dma_wait3A_408] : memref<5x80xi32, #tpu.memory_space<vmem>> -> memref<1x80xi32, #tpu.memory_space<vmem>>
      %dma_wait3A_410 = tpu.memref_squeeze %dma_wait3A_409 : memref<1x80xi32, #tpu.memory_space<vmem>> -> memref<80xi32, #tpu.memory_space<vmem>>
      %dma_wait3A_411 = tpu.memref_slice %arg4[%mul3A_406] : memref<320000xi32, #tpu.memory_space<hbm>> -> memref<80xi32, #tpu.memory_space<hbm>>
      %dma_wait3A_412 = arith.constant 0 : i32
      %dma_wait3A_413 = tpu.memref_slice %arg8[%dma_wait3A_407, %dma_wait3A_412] : memref<5x80xi32, #tpu.memory_space<vmem>> -> memref<1x80xi32, #tpu.memory_space<vmem>>
      %dma_wait3A_414 = tpu.memref_squeeze %dma_wait3A_413 : memref<1x80xi32, #tpu.memory_space<vmem>> -> memref<80xi32, #tpu.memory_space<vmem>>
      %dma_wait3A_415 = tpu.memref_slice %arg4[%mul3A_406] : memref<320000xi32, #tpu.memory_space<hbm>> -> memref<80xi32, #tpu.memory_space<hbm>>
      tpu.wait_dma2 semaphore(%arg16 : memref<!tpu.dma_semaphore, #tpu.memory_space<semaphore_mem>>) src(%dma_wait3A_415 : memref<80xi32, #tpu.memory_space<hbm>>) dst(%dma_wait3A_414 : memref<80xi32, #tpu.memory_space<vmem>>)
      %dma_start3A_416 = arith.constant 4 : i32
      %dma_start3A_417 = arith.constant 4 : i32
      %dma_start3A_418 = arith.constant 0 : i32
      %dma_start3A_419 = arith.constant 0 : i32
      %dma_start3A_420 = tpu.memref_slice %arg9[%dma_start3A_417, %dma_start3A_418, %dma_start3A_419] : memref<5x80x32xf32, #tpu.memory_space<vmem>> -> memref<1x80x32xf32, #tpu.memory_space<vmem>>
      %dma_start3A_421 = tpu.memref_squeeze %dma_start3A_420 : memref<1x80x32xf32, #tpu.memory_space<vmem>> -> memref<80x32xf32, #tpu.memory_space<vmem>>
      %dma_start3A_422 = arith.constant 0 : i32
      %dma_start3A_423 = tpu.memref_slice %arg7[%dma_start3A_416, %dma_start3A_422] : memref<5x80xi32, #tpu.memory_space<vmem>> -> memref<1x80xi32, #tpu.memory_space<vmem>>
      %dma_start3A_424 = tpu.memref_squeeze %dma_start3A_423 : memref<1x80xi32, #tpu.memory_space<vmem>> -> memref<80xi32, #tpu.memory_space<vmem>>
      %dma_start3A_425 = arith.constant 0 : i32
      %dma_start3A_426 = arith.constant 0 : i32
      %dma_start3A_427 = tpu.memref_slice %arg11[%dma_start3A_425, %dma_start3A_426] : memref<10240x32xf32, #tpu.memory_space<vmem_shared>> -> memref<10240x32xf32, #tpu.memory_space<vmem_shared>>
      tpu.enqueue_indirect_dma source(%dma_start3A_427 : memref<10240x32xf32, #tpu.memory_space<vmem_shared>>) target(%dma_start3A_421 : memref<80x32xf32, #tpu.memory_space<vmem>>) offsets(%dma_start3A_424 : memref<80xi32, #tpu.memory_space<vmem>>) semaphore(%arg21 : memref<!tpu.dma_semaphore, #tpu.memory_space<semaphore_mem>>)
      %dma_wait3A_428 = arith.constant 0 : i32
      %dma_wait3A_429 = arith.constant 0 : i32
      %dma_wait3A_430 = arith.constant 0 : i32
      %dma_wait3A_431 = arith.constant 0 : i32
      %dma_wait3A_432 = tpu.memref_slice %arg9[%dma_wait3A_429, %dma_wait3A_430, %dma_wait3A_431] : memref<5x80x32xf32, #tpu.memory_space<vmem>> -> memref<1x80x32xf32, #tpu.memory_space<vmem>>
      %dma_wait3A_433 = tpu.memref_squeeze %dma_wait3A_432 : memref<1x80x32xf32, #tpu.memory_space<vmem>> -> memref<80x32xf32, #tpu.memory_space<vmem>>
      %dma_wait3A_434 = arith.constant 0 : i32
      %dma_wait3A_435 = tpu.memref_slice %arg7[%dma_wait3A_428, %dma_wait3A_434] : memref<5x80xi32, #tpu.memory_space<vmem>> -> memref<1x80xi32, #tpu.memory_space<vmem>>
      %dma_wait3A_436 = tpu.memref_squeeze %dma_wait3A_435 : memref<1x80xi32, #tpu.memory_space<vmem>> -> memref<80xi32, #tpu.memory_space<vmem>>
      %dma_wait3A_437 = arith.constant 0 : i32
      %dma_wait3A_438 = arith.constant 0 : i32
      %dma_wait3A_439 = tpu.memref_slice %arg11[%dma_wait3A_437, %dma_wait3A_438] : memref<10240x32xf32, #tpu.memory_space<vmem_shared>> -> memref<10240x32xf32, #tpu.memory_space<vmem_shared>>
      tpu.wait_indirect_dma semaphore(%arg17 : memref<!tpu.dma_semaphore, #tpu.memory_space<semaphore_mem>>) src(%dma_wait3A_439 : memref<10240x32xf32, #tpu.memory_space<vmem_shared>>) dst(%dma_wait3A_433 : memref<80x32xf32, #tpu.memory_space<vmem>>)
      %dma_start3A_440 = arith.constant 0 : i32
      %dma_start3A_441 = arith.constant 0 : i32
      %dma_start3A_442 = arith.constant 0 : i32
      %dma_start3A_443 = arith.constant 0 : i32
      %dma_start3A_444 = tpu.memref_slice %arg9[%dma_start3A_440, %dma_start3A_442, %dma_start3A_443] : memref<5x80x32xf32, #tpu.memory_space<vmem>> -> memref<1x80x32xf32, #tpu.memory_space<vmem>>
      %dma_start3A_445 = tpu.memref_squeeze %dma_start3A_444 : memref<1x80x32xf32, #tpu.memory_space<vmem>> -> memref<80x32xf32, #tpu.memory_space<vmem>>
      %dma_start3A_446 = arith.constant 0 : i32
      %dma_start3A_447 = tpu.memref_slice %arg8[%dma_start3A_441, %dma_start3A_446] : memref<5x80xi32, #tpu.memory_space<vmem>> -> memref<1x80xi32, #tpu.memory_space<vmem>>
      %dma_start3A_448 = tpu.memref_squeeze %dma_start3A_447 : memref<1x80xi32, #tpu.memory_space<vmem>> -> memref<80xi32, #tpu.memory_space<vmem>>
      %dma_start3A_449 = arith.constant 0 : i32
      %dma_start3A_450 = arith.constant 0 : i32
      %dma_start3A_451 = tpu.memref_slice %arg10[%dma_start3A_449, %dma_start3A_450] : memref<10240x32xf32, #tpu.memory_space<vmem_shared>> -> memref<10240x32xf32, #tpu.memory_space<vmem_shared>>
      tpu.enqueue_indirect_dma source(%dma_start3A_445 : memref<80x32xf32, #tpu.memory_space<vmem>>) target(%dma_start3A_451 : memref<10240x32xf32, #tpu.memory_space<vmem_shared>>) offsets(%dma_start3A_448 : memref<80xi32, #tpu.memory_space<vmem>>) semaphore(%arg22 : memref<!tpu.dma_semaphore, #tpu.memory_space<semaphore_mem>>) {add = true}
      %dma_wait3A_452 = arith.constant 1 : i32
      %dma_wait3A_453 = arith.constant 1 : i32
      %dma_wait3A_454 = arith.constant 0 : i32
      %dma_wait3A_455 = arith.constant 0 : i32
      %dma_wait3A_456 = tpu.memref_slice %arg9[%dma_wait3A_453, %dma_wait3A_454, %dma_wait3A_455] : memref<5x80x32xf32, #tpu.memory_space<vmem>> -> memref<1x80x32xf32, #tpu.memory_space<vmem>>
      %dma_wait3A_457 = tpu.memref_squeeze %dma_wait3A_456 : memref<1x80x32xf32, #tpu.memory_space<vmem>> -> memref<80x32xf32, #tpu.memory_space<vmem>>
      %dma_wait3A_458 = arith.constant 0 : i32
      %dma_wait3A_459 = tpu.memref_slice %arg7[%dma_wait3A_452, %dma_wait3A_458] : memref<5x80xi32, #tpu.memory_space<vmem>> -> memref<1x80xi32, #tpu.memory_space<vmem>>
      %dma_wait3A_460 = tpu.memref_squeeze %dma_wait3A_459 : memref<1x80xi32, #tpu.memory_space<vmem>> -> memref<80xi32, #tpu.memory_space<vmem>>
      %dma_wait3A_461 = arith.constant 0 : i32
      %dma_wait3A_462 = arith.constant 0 : i32
      %dma_wait3A_463 = tpu.memref_slice %arg11[%dma_wait3A_461, %dma_wait3A_462] : memref<10240x32xf32, #tpu.memory_space<vmem_shared>> -> memref<10240x32xf32, #tpu.memory_space<vmem_shared>>
      tpu.wait_indirect_dma semaphore(%arg18 : memref<!tpu.dma_semaphore, #tpu.memory_space<semaphore_mem>>) src(%dma_wait3A_463 : memref<10240x32xf32, #tpu.memory_space<vmem_shared>>) dst(%dma_wait3A_457 : memref<80x32xf32, #tpu.memory_space<vmem>>)
      %dma_start3A_464 = arith.constant 1 : i32
      %dma_start3A_465 = arith.constant 1 : i32
      %dma_start3A_466 = arith.constant 0 : i32
      %dma_start3A_467 = arith.constant 0 : i32
      %dma_start3A_468 = tpu.memref_slice %arg9[%dma_start3A_464, %dma_start3A_466, %dma_start3A_467] : memref<5x80x32xf32, #tpu.memory_space<vmem>> -> memref<1x80x32xf32, #tpu.memory_space<vmem>>
      %dma_start3A_469 = tpu.memref_squeeze %dma_start3A_468 : memref<1x80x32xf32, #tpu.memory_space<vmem>> -> memref<80x32xf32, #tpu.memory_space<vmem>>
      %dma_start3A_470 = arith.constant 0 : i32
      %dma_start3A_471 = tpu.memref_slice %arg8[%dma_start3A_465, %dma_start3A_470] : memref<5x80xi32, #tpu.memory_space<vmem>> -> memref<1x80xi32, #tpu.memory_space<vmem>>
      %dma_start3A_472 = tpu.memref_squeeze %dma_start3A_471 : memref<1x80xi32, #tpu.memory_space<vmem>> -> memref<80xi32, #tpu.memory_space<vmem>>
      %dma_start3A_473 = arith.constant 0 : i32
      %dma_start3A_474 = arith.constant 0 : i32
      %dma_start3A_475 = tpu.memref_slice %arg10[%dma_start3A_473, %dma_start3A_474] : memref<10240x32xf32, #tpu.memory_space<vmem_shared>> -> memref<10240x32xf32, #tpu.memory_space<vmem_shared>>
      tpu.enqueue_indirect_dma source(%dma_start3A_469 : memref<80x32xf32, #tpu.memory_space<vmem>>) target(%dma_start3A_475 : memref<10240x32xf32, #tpu.memory_space<vmem_shared>>) offsets(%dma_start3A_472 : memref<80xi32, #tpu.memory_space<vmem>>) semaphore(%arg23 : memref<!tpu.dma_semaphore, #tpu.memory_space<semaphore_mem>>) {add = true}
      %dma_wait3A_476 = arith.constant 2 : i32
      %dma_wait3A_477 = arith.constant 2 : i32
      %dma_wait3A_478 = arith.constant 0 : i32
      %dma_wait3A_479 = arith.constant 0 : i32
      %dma_wait3A_480 = tpu.memref_slice %arg9[%dma_wait3A_477, %dma_wait3A_478, %dma_wait3A_479] : memref<5x80x32xf32, #tpu.memory_space<vmem>> -> memref<1x80x32xf32, #tpu.memory_space<vmem>>
      %dma_wait3A_481 = tpu.memref_squeeze %dma_wait3A_480 : memref<1x80x32xf32, #tpu.memory_space<vmem>> -> memref<80x32xf32, #tpu.memory_space<vmem>>
      %dma_wait3A_482 = arith.constant 0 : i32
      %dma_wait3A_483 = tpu.memref_slice %arg7[%dma_wait3A_476, %dma_wait3A_482] : memref<5x80xi32, #tpu.memory_space<vmem>> -> memref<1x80xi32, #tpu.memory_space<vmem>>
      %dma_wait3A_484 = tpu.memref_squeeze %dma_wait3A_483 : memref<1x80xi32, #tpu.memory_space<vmem>> -> memref<80xi32, #tpu.memory_space<vmem>>
      %dma_wait3A_485 = arith.constant 0 : i32
      %dma_wait3A_486 = arith.constant 0 : i32
      %dma_wait3A_487 = tpu.memref_slice %arg11[%dma_wait3A_485, %dma_wait3A_486] : memref<10240x32xf32, #tpu.memory_space<vmem_shared>> -> memref<10240x32xf32, #tpu.memory_space<vmem_shared>>
      tpu.wait_indirect_dma semaphore(%arg19 : memref<!tpu.dma_semaphore, #tpu.memory_space<semaphore_mem>>) src(%dma_wait3A_487 : memref<10240x32xf32, #tpu.memory_space<vmem_shared>>) dst(%dma_wait3A_481 : memref<80x32xf32, #tpu.memory_space<vmem>>)
      %dma_start3A_488 = arith.constant 2 : i32
      %dma_start3A_489 = arith.constant 2 : i32
      %dma_start3A_490 = arith.constant 0 : i32
      %dma_start3A_491 = arith.constant 0 : i32
      %dma_start3A_492 = tpu.memref_slice %arg9[%dma_start3A_488, %dma_start3A_490, %dma_start3A_491] : memref<5x80x32xf32, #tpu.memory_space<vmem>> -> memref<1x80x32xf32, #tpu.memory_space<vmem>>
      %dma_start3A_493 = tpu.memref_squeeze %dma_start3A_492 : memref<1x80x32xf32, #tpu.memory_space<vmem>> -> memref<80x32xf32, #tpu.memory_space<vmem>>
      %dma_start3A_494 = arith.constant 0 : i32
      %dma_start3A_495 = tpu.memref_slice %arg8[%dma_start3A_489, %dma_start3A_494] : memref<5x80xi32, #tpu.memory_space<vmem>> -> memref<1x80xi32, #tpu.memory_space<vmem>>
      %dma_start3A_496 = tpu.memref_squeeze %dma_start3A_495 : memref<1x80xi32, #tpu.memory_space<vmem>> -> memref<80xi32, #tpu.memory_space<vmem>>
      %dma_start3A_497 = arith.constant 0 : i32
      %dma_start3A_498 = arith.constant 0 : i32
      %dma_start3A_499 = tpu.memref_slice %arg10[%dma_start3A_497, %dma_start3A_498] : memref<10240x32xf32, #tpu.memory_space<vmem_shared>> -> memref<10240x32xf32, #tpu.memory_space<vmem_shared>>
      tpu.enqueue_indirect_dma source(%dma_start3A_493 : memref<80x32xf32, #tpu.memory_space<vmem>>) target(%dma_start3A_499 : memref<10240x32xf32, #tpu.memory_space<vmem_shared>>) offsets(%dma_start3A_496 : memref<80xi32, #tpu.memory_space<vmem>>) semaphore(%arg24 : memref<!tpu.dma_semaphore, #tpu.memory_space<semaphore_mem>>) {add = true}
      %dma_wait3A_500 = arith.constant 3 : i32
      %dma_wait3A_501 = arith.constant 3 : i32
      %dma_wait3A_502 = arith.constant 0 : i32
      %dma_wait3A_503 = arith.constant 0 : i32
      %dma_wait3A_504 = tpu.memref_slice %arg9[%dma_wait3A_501, %dma_wait3A_502, %dma_wait3A_503] : memref<5x80x32xf32, #tpu.memory_space<vmem>> -> memref<1x80x32xf32, #tpu.memory_space<vmem>>
      %dma_wait3A_505 = tpu.memref_squeeze %dma_wait3A_504 : memref<1x80x32xf32, #tpu.memory_space<vmem>> -> memref<80x32xf32, #tpu.memory_space<vmem>>
      %dma_wait3A_506 = arith.constant 0 : i32
      %dma_wait3A_507 = tpu.memref_slice %arg7[%dma_wait3A_500, %dma_wait3A_506] : memref<5x80xi32, #tpu.memory_space<vmem>> -> memref<1x80xi32, #tpu.memory_space<vmem>>
      %dma_wait3A_508 = tpu.memref_squeeze %dma_wait3A_507 : memref<1x80xi32, #tpu.memory_space<vmem>> -> memref<80xi32, #tpu.memory_space<vmem>>
      %dma_wait3A_509 = arith.constant 0 : i32
      %dma_wait3A_510 = arith.constant 0 : i32
      %dma_wait3A_511 = tpu.memref_slice %arg11[%dma_wait3A_509, %dma_wait3A_510] : memref<10240x32xf32, #tpu.memory_space<vmem_shared>> -> memref<10240x32xf32, #tpu.memory_space<vmem_shared>>
      tpu.wait_indirect_dma semaphore(%arg20 : memref<!tpu.dma_semaphore, #tpu.memory_space<semaphore_mem>>) src(%dma_wait3A_511 : memref<10240x32xf32, #tpu.memory_space<vmem_shared>>) dst(%dma_wait3A_505 : memref<80x32xf32, #tpu.memory_space<vmem>>)
      %dma_start3A_512 = arith.constant 3 : i32
      %dma_start3A_513 = arith.constant 3 : i32
      %dma_start3A_514 = arith.constant 0 : i32
      %dma_start3A_515 = arith.constant 0 : i32
      %dma_start3A_516 = tpu.memref_slice %arg9[%dma_start3A_512, %dma_start3A_514, %dma_start3A_515] : memref<5x80x32xf32, #tpu.memory_space<vmem>> -> memref<1x80x32xf32, #tpu.memory_space<vmem>>
      %dma_start3A_517 = tpu.memref_squeeze %dma_start3A_516 : memref<1x80x32xf32, #tpu.memory_space<vmem>> -> memref<80x32xf32, #tpu.memory_space<vmem>>
      %dma_start3A_518 = arith.constant 0 : i32
      %dma_start3A_519 = tpu.memref_slice %arg8[%dma_start3A_513, %dma_start3A_518] : memref<5x80xi32, #tpu.memory_space<vmem>> -> memref<1x80xi32, #tpu.memory_space<vmem>>
      %dma_start3A_520 = tpu.memref_squeeze %dma_start3A_519 : memref<1x80xi32, #tpu.memory_space<vmem>> -> memref<80xi32, #tpu.memory_space<vmem>>
      %dma_start3A_521 = arith.constant 0 : i32
      %dma_start3A_522 = arith.constant 0 : i32
      %dma_start3A_523 = tpu.memref_slice %arg10[%dma_start3A_521, %dma_start3A_522] : memref<10240x32xf32, #tpu.memory_space<vmem_shared>> -> memref<10240x32xf32, #tpu.memory_space<vmem_shared>>
      tpu.enqueue_indirect_dma source(%dma_start3A_517 : memref<80x32xf32, #tpu.memory_space<vmem>>) target(%dma_start3A_523 : memref<10240x32xf32, #tpu.memory_space<vmem_shared>>) offsets(%dma_start3A_520 : memref<80xi32, #tpu.memory_space<vmem>>) semaphore(%arg25 : memref<!tpu.dma_semaphore, #tpu.memory_space<semaphore_mem>>) {add = true}
      %dma_wait3A_524 = arith.constant 4 : i32
      %dma_wait3A_525 = arith.constant 4 : i32
      %dma_wait3A_526 = arith.constant 0 : i32
      %dma_wait3A_527 = arith.constant 0 : i32
      %dma_wait3A_528 = tpu.memref_slice %arg9[%dma_wait3A_525, %dma_wait3A_526, %dma_wait3A_527] : memref<5x80x32xf32, #tpu.memory_space<vmem>> -> memref<1x80x32xf32, #tpu.memory_space<vmem>>
      %dma_wait3A_529 = tpu.memref_squeeze %dma_wait3A_528 : memref<1x80x32xf32, #tpu.memory_space<vmem>> -> memref<80x32xf32, #tpu.memory_space<vmem>>
      %dma_wait3A_530 = arith.constant 0 : i32
      %dma_wait3A_531 = tpu.memref_slice %arg7[%dma_wait3A_524, %dma_wait3A_530] : memref<5x80xi32, #tpu.memory_space<vmem>> -> memref<1x80xi32, #tpu.memory_space<vmem>>
      %dma_wait3A_532 = tpu.memref_squeeze %dma_wait3A_531 : memref<1x80xi32, #tpu.memory_space<vmem>> -> memref<80xi32, #tpu.memory_space<vmem>>
      %dma_wait3A_533 = arith.constant 0 : i32
      %dma_wait3A_534 = arith.constant 0 : i32
      %dma_wait3A_535 = tpu.memref_slice %arg11[%dma_wait3A_533, %dma_wait3A_534] : memref<10240x32xf32, #tpu.memory_space<vmem_shared>> -> memref<10240x32xf32, #tpu.memory_space<vmem_shared>>
      tpu.wait_indirect_dma semaphore(%arg21 : memref<!tpu.dma_semaphore, #tpu.memory_space<semaphore_mem>>) src(%dma_wait3A_535 : memref<10240x32xf32, #tpu.memory_space<vmem_shared>>) dst(%dma_wait3A_529 : memref<80x32xf32, #tpu.memory_space<vmem>>)
      %dma_start3A_536 = arith.constant 4 : i32
      %dma_start3A_537 = arith.constant 4 : i32
      %dma_start3A_538 = arith.constant 0 : i32
      %dma_start3A_539 = arith.constant 0 : i32
      %dma_start3A_540 = tpu.memref_slice %arg9[%dma_start3A_536, %dma_start3A_538, %dma_start3A_539] : memref<5x80x32xf32, #tpu.memory_space<vmem>> -> memref<1x80x32xf32, #tpu.memory_space<vmem>>
      %dma_start3A_541 = tpu.memref_squeeze %dma_start3A_540 : memref<1x80x32xf32, #tpu.memory_space<vmem>> -> memref<80x32xf32, #tpu.memory_space<vmem>>
      %dma_start3A_542 = arith.constant 0 : i32
      %dma_start3A_543 = tpu.memref_slice %arg8[%dma_start3A_537, %dma_start3A_542] : memref<5x80xi32, #tpu.memory_space<vmem>> -> memref<1x80xi32, #tpu.memory_space<vmem>>
      %dma_start3A_544 = tpu.memref_squeeze %dma_start3A_543 : memref<1x80xi32, #tpu.memory_space<vmem>> -> memref<80xi32, #tpu.memory_space<vmem>>
      %dma_start3A_545 = arith.constant 0 : i32
      %dma_start3A_546 = arith.constant 0 : i32
      %dma_start3A_547 = tpu.memref_slice %arg10[%dma_start3A_545, %dma_start3A_546] : memref<10240x32xf32, #tpu.memory_space<vmem_shared>> -> memref<10240x32xf32, #tpu.memory_space<vmem_shared>>
      tpu.enqueue_indirect_dma source(%dma_start3A_541 : memref<80x32xf32, #tpu.memory_space<vmem>>) target(%dma_start3A_547 : memref<10240x32xf32, #tpu.memory_space<vmem_shared>>) offsets(%dma_start3A_544 : memref<80xi32, #tpu.memory_space<vmem>>) semaphore(%arg26 : memref<!tpu.dma_semaphore, #tpu.memory_space<semaphore_mem>>) {add = true}
      %dma_wait3A_548 = arith.constant 0 : i32
      %dma_wait3A_549 = arith.constant 0 : i32
      %dma_wait3A_550 = arith.constant 0 : i32
      %dma_wait3A_551 = arith.constant 0 : i32
      %dma_wait3A_552 = tpu.memref_slice %arg9[%dma_wait3A_548, %dma_wait3A_550, %dma_wait3A_551] : memref<5x80x32xf32, #tpu.memory_space<vmem>> -> memref<1x80x32xf32, #tpu.memory_space<vmem>>
      %dma_wait3A_553 = tpu.memref_squeeze %dma_wait3A_552 : memref<1x80x32xf32, #tpu.memory_space<vmem>> -> memref<80x32xf32, #tpu.memory_space<vmem>>
      %dma_wait3A_554 = arith.constant 0 : i32
      %dma_wait3A_555 = tpu.memref_slice %arg8[%dma_wait3A_549, %dma_wait3A_554] : memref<5x80xi32, #tpu.memory_space<vmem>> -> memref<1x80xi32, #tpu.memory_space<vmem>>
      %dma_wait3A_556 = tpu.memref_squeeze %dma_wait3A_555 : memref<1x80xi32, #tpu.memory_space<vmem>> -> memref<80xi32, #tpu.memory_space<vmem>>
      %dma_wait3A_557 = arith.constant 0 : i32
      %dma_wait3A_558 = arith.constant 0 : i32
      %dma_wait3A_559 = tpu.memref_slice %arg10[%dma_wait3A_557, %dma_wait3A_558] : memref<10240x32xf32, #tpu.memory_space<vmem_shared>> -> memref<10240x32xf32, #tpu.memory_space<vmem_shared>>
      tpu.wait_indirect_dma semaphore(%arg22 : memref<!tpu.dma_semaphore, #tpu.memory_space<semaphore_mem>>) src(%dma_wait3A_553 : memref<80x32xf32, #tpu.memory_space<vmem>>) dst(%dma_wait3A_559 : memref<10240x32xf32, #tpu.memory_space<vmem_shared>>)
      %add3A_560 = arith.constant 1 : i32
      %add3A_561 = arith.addi %scan3A_257, %add3A_560 : i32
      %mul3A_562 = arith.constant 5 : i32
      %mul3A_563 = arith.muli %add3A_561, %mul3A_562 : i32
      %add3A_564 = arith.constant 0 : i32
      %add3A_565 = arith.addi %mul3A_563, %add3A_564 : i32
      %rem3A = arith.constant 125 : i32
      %rem3A_566 = arith.remsi %add3A_565, %rem3A : i32
      %add3A_567 = arith.addi %mul3A_2, %rem3A_566 : i32
      %mul3A_568 = arith.constant 80 : i32
      %mul3A_569 = arith.muli %add3A_567, %mul3A_568 : i32
      %dma_start3A_570 = arith.constant 0 : i32
      %dma_start3A_571 = arith.constant 0 : i32
      %dma_start3A_572 = tpu.memref_slice %arg7[%dma_start3A_570, %dma_start3A_571] : memref<5x80xi32, #tpu.memory_space<vmem>> -> memref<1x80xi32, #tpu.memory_space<vmem>>
      %dma_start3A_573 = tpu.memref_squeeze %dma_start3A_572 : memref<1x80xi32, #tpu.memory_space<vmem>> -> memref<80xi32, #tpu.memory_space<vmem>>
      %dma_start3A_574 = tpu.memref_slice %arg3[%mul3A_569] : memref<320000xi32, #tpu.memory_space<hbm>> -> memref<80xi32, #tpu.memory_space<hbm>>
      %dma_start3A_575 = arith.constant 0 : i32
      %dma_start3A_576 = tpu.memref_slice %arg7[%dma_start3A_570, %dma_start3A_575] : memref<5x80xi32, #tpu.memory_space<vmem>> -> memref<1x80xi32, #tpu.memory_space<vmem>>
      %dma_start3A_577 = tpu.memref_squeeze %dma_start3A_576 : memref<1x80xi32, #tpu.memory_space<vmem>> -> memref<80xi32, #tpu.memory_space<vmem>>
      %dma_start3A_578 = tpu.memref_slice %arg3[%mul3A_569] : memref<320000xi32, #tpu.memory_space<hbm>> -> memref<80xi32, #tpu.memory_space<hbm>>
      tpu.enqueue_dma source(%dma_start3A_578 : memref<80xi32, #tpu.memory_space<hbm>>) target(%dma_start3A_577 : memref<80xi32, #tpu.memory_space<vmem>>) target_semaphore(%arg12 : memref<!tpu.dma_semaphore, #tpu.memory_space<semaphore_mem>>)
      %mul3A_579 = arith.constant 80 : i32
      %mul3A_580 = arith.muli %add3A_567, %mul3A_579 : i32
      %dma_start3A_581 = arith.constant 0 : i32
      %dma_start3A_582 = arith.constant 0 : i32
      %dma_start3A_583 = tpu.memref_slice %arg8[%dma_start3A_581, %dma_start3A_582] : memref<5x80xi32, #tpu.memory_space<vmem>> -> memref<1x80xi32, #tpu.memory_space<vmem>>
      %dma_start3A_584 = tpu.memref_squeeze %dma_start3A_583 : memref<1x80xi32, #tpu.memory_space<vmem>> -> memref<80xi32, #tpu.memory_space<vmem>>
      %dma_start3A_585 = tpu.memref_slice %arg4[%mul3A_580] : memref<320000xi32, #tpu.memory_space<hbm>> -> memref<80xi32, #tpu.memory_space<hbm>>
      %dma_start3A_586 = arith.constant 0 : i32
      %dma_start3A_587 = tpu.memref_slice %arg8[%dma_start3A_581, %dma_start3A_586] : memref<5x80xi32, #tpu.memory_space<vmem>> -> memref<1x80xi32, #tpu.memory_space<vmem>>
      %dma_start3A_588 = tpu.memref_squeeze %dma_start3A_587 : memref<1x80xi32, #tpu.memory_space<vmem>> -> memref<80xi32, #tpu.memory_space<vmem>>
      %dma_start3A_589 = tpu.memref_slice %arg4[%mul3A_580] : memref<320000xi32, #tpu.memory_space<hbm>> -> memref<80xi32, #tpu.memory_space<hbm>>
      tpu.enqueue_dma source(%dma_start3A_589 : memref<80xi32, #tpu.memory_space<hbm>>) target(%dma_start3A_588 : memref<80xi32, #tpu.memory_space<vmem>>) target_semaphore(%arg12 : memref<!tpu.dma_semaphore, #tpu.memory_space<semaphore_mem>>)
      %dma_wait3A_590 = arith.constant 1 : i32
      %dma_wait3A_591 = arith.constant 1 : i32
      %dma_wait3A_592 = arith.constant 0 : i32
      %dma_wait3A_593 = arith.constant 0 : i32
      %dma_wait3A_594 = tpu.memref_slice %arg9[%dma_wait3A_590, %dma_wait3A_592, %dma_wait3A_593] : memref<5x80x32xf32, #tpu.memory_space<vmem>> -> memref<1x80x32xf32, #tpu.memory_space<vmem>>
      %dma_wait3A_595 = tpu.memref_squeeze %dma_wait3A_594 : memref<1x80x32xf32, #tpu.memory_space<vmem>> -> memref<80x32xf32, #tpu.memory_space<vmem>>
      %dma_wait3A_596 = arith.constant 0 : i32
      %dma_wait3A_597 = tpu.memref_slice %arg8[%dma_wait3A_591, %dma_wait3A_596] : memref<5x80xi32, #tpu.memory_space<vmem>> -> memref<1x80xi32, #tpu.memory_space<vmem>>
      %dma_wait3A_598 = tpu.memref_squeeze %dma_wait3A_597 : memref<1x80xi32, #tpu.memory_space<vmem>> -> memref<80xi32, #tpu.memory_space<vmem>>
      %dma_wait3A_599 = arith.constant 0 : i32
      %dma_wait3A_600 = arith.constant 0 : i32
      %dma_wait3A_601 = tpu.memref_slice %arg10[%dma_wait3A_599, %dma_wait3A_600] : memref<10240x32xf32, #tpu.memory_space<vmem_shared>> -> memref<10240x32xf32, #tpu.memory_space<vmem_shared>>
      tpu.wait_indirect_dma semaphore(%arg23 : memref<!tpu.dma_semaphore, #tpu.memory_space<semaphore_mem>>) src(%dma_wait3A_595 : memref<80x32xf32, #tpu.memory_space<vmem>>) dst(%dma_wait3A_601 : memref<10240x32xf32, #tpu.memory_space<vmem_shared>>)
      %add3A_602 = arith.constant 1 : i32
      %add3A_603 = arith.addi %scan3A_257, %add3A_602 : i32
      %mul3A_604 = arith.constant 5 : i32
      %mul3A_605 = arith.muli %add3A_603, %mul3A_604 : i32
      %add3A_606 = arith.constant 1 : i32
      %add3A_607 = arith.addi %mul3A_605, %add3A_606 : i32
      %rem3A_608 = arith.constant 125 : i32
      %rem3A_609 = arith.remsi %add3A_607, %rem3A_608 : i32
      %add3A_610 = arith.addi %mul3A_2, %rem3A_609 : i32
      %mul3A_611 = arith.constant 80 : i32
      %mul3A_612 = arith.muli %add3A_610, %mul3A_611 : i32
      %dma_start3A_613 = arith.constant 1 : i32
      %dma_start3A_614 = arith.constant 0 : i32
      %dma_start3A_615 = tpu.memref_slice %arg7[%dma_start3A_613, %dma_start3A_614] : memref<5x80xi32, #tpu.memory_space<vmem>> -> memref<1x80xi32, #tpu.memory_space<vmem>>
      %dma_start3A_616 = tpu.memref_squeeze %dma_start3A_615 : memref<1x80xi32, #tpu.memory_space<vmem>> -> memref<80xi32, #tpu.memory_space<vmem>>
      %dma_start3A_617 = tpu.memref_slice %arg3[%mul3A_612] : memref<320000xi32, #tpu.memory_space<hbm>> -> memref<80xi32, #tpu.memory_space<hbm>>
      %dma_start3A_618 = arith.constant 0 : i32
      %dma_start3A_619 = tpu.memref_slice %arg7[%dma_start3A_613, %dma_start3A_618] : memref<5x80xi32, #tpu.memory_space<vmem>> -> memref<1x80xi32, #tpu.memory_space<vmem>>
      %dma_start3A_620 = tpu.memref_squeeze %dma_start3A_619 : memref<1x80xi32, #tpu.memory_space<vmem>> -> memref<80xi32, #tpu.memory_space<vmem>>
      %dma_start3A_621 = tpu.memref_slice %arg3[%mul3A_612] : memref<320000xi32, #tpu.memory_space<hbm>> -> memref<80xi32, #tpu.memory_space<hbm>>
      tpu.enqueue_dma source(%dma_start3A_621 : memref<80xi32, #tpu.memory_space<hbm>>) target(%dma_start3A_620 : memref<80xi32, #tpu.memory_space<vmem>>) target_semaphore(%arg13 : memref<!tpu.dma_semaphore, #tpu.memory_space<semaphore_mem>>)
      %mul3A_622 = arith.constant 80 : i32
      %mul3A_623 = arith.muli %add3A_610, %mul3A_622 : i32
      %dma_start3A_624 = arith.constant 1 : i32
      %dma_start3A_625 = arith.constant 0 : i32
      %dma_start3A_626 = tpu.memref_slice %arg8[%dma_start3A_624, %dma_start3A_625] : memref<5x80xi32, #tpu.memory_space<vmem>> -> memref<1x80xi32, #tpu.memory_space<vmem>>
      %dma_start3A_627 = tpu.memref_squeeze %dma_start3A_626 : memref<1x80xi32, #tpu.memory_space<vmem>> -> memref<80xi32, #tpu.memory_space<vmem>>
      %dma_start3A_628 = tpu.memref_slice %arg4[%mul3A_623] : memref<320000xi32, #tpu.memory_space<hbm>> -> memref<80xi32, #tpu.memory_space<hbm>>
      %dma_start3A_629 = arith.constant 0 : i32
      %dma_start3A_630 = tpu.memref_slice %arg8[%dma_start3A_624, %dma_start3A_629] : memref<5x80xi32, #tpu.memory_space<vmem>> -> memref<1x80xi32, #tpu.memory_space<vmem>>
      %dma_start3A_631 = tpu.memref_squeeze %dma_start3A_630 : memref<1x80xi32, #tpu.memory_space<vmem>> -> memref<80xi32, #tpu.memory_space<vmem>>
      %dma_start3A_632 = tpu.memref_slice %arg4[%mul3A_623] : memref<320000xi32, #tpu.memory_space<hbm>> -> memref<80xi32, #tpu.memory_space<hbm>>
      tpu.enqueue_dma source(%dma_start3A_632 : memref<80xi32, #tpu.memory_space<hbm>>) target(%dma_start3A_631 : memref<80xi32, #tpu.memory_space<vmem>>) target_semaphore(%arg13 : memref<!tpu.dma_semaphore, #tpu.memory_space<semaphore_mem>>)
      %dma_wait3A_633 = arith.constant 2 : i32
      %dma_wait3A_634 = arith.constant 2 : i32
      %dma_wait3A_635 = arith.constant 0 : i32
      %dma_wait3A_636 = arith.constant 0 : i32
      %dma_wait3A_637 = tpu.memref_slice %arg9[%dma_wait3A_633, %dma_wait3A_635, %dma_wait3A_636] : memref<5x80x32xf32, #tpu.memory_space<vmem>> -> memref<1x80x32xf32, #tpu.memory_space<vmem>>
      %dma_wait3A_638 = tpu.memref_squeeze %dma_wait3A_637 : memref<1x80x32xf32, #tpu.memory_space<vmem>> -> memref<80x32xf32, #tpu.memory_space<vmem>>
      %dma_wait3A_639 = arith.constant 0 : i32
      %dma_wait3A_640 = tpu.memref_slice %arg8[%dma_wait3A_634, %dma_wait3A_639] : memref<5x80xi32, #tpu.memory_space<vmem>> -> memref<1x80xi32, #tpu.memory_space<vmem>>
      %dma_wait3A_641 = tpu.memref_squeeze %dma_wait3A_640 : memref<1x80xi32, #tpu.memory_space<vmem>> -> memref<80xi32, #tpu.memory_space<vmem>>
      %dma_wait3A_642 = arith.constant 0 : i32
      %dma_wait3A_643 = arith.constant 0 : i32
      %dma_wait3A_644 = tpu.memref_slice %arg10[%dma_wait3A_642, %dma_wait3A_643] : memref<10240x32xf32, #tpu.memory_space<vmem_shared>> -> memref<10240x32xf32, #tpu.memory_space<vmem_shared>>
      tpu.wait_indirect_dma semaphore(%arg24 : memref<!tpu.dma_semaphore, #tpu.memory_space<semaphore_mem>>) src(%dma_wait3A_638 : memref<80x32xf32, #tpu.memory_space<vmem>>) dst(%dma_wait3A_644 : memref<10240x32xf32, #tpu.memory_space<vmem_shared>>)
      %add3A_645 = arith.constant 1 : i32
      %add3A_646 = arith.addi %scan3A_257, %add3A_645 : i32
      %mul3A_647 = arith.constant 5 : i32
      %mul3A_648 = arith.muli %add3A_646, %mul3A_647 : i32
      %add3A_649 = arith.constant 2 : i32
      %add3A_650 = arith.addi %mul3A_648, %add3A_649 : i32
      %rem3A_651 = arith.constant 125 : i32
      %rem3A_652 = arith.remsi %add3A_650, %rem3A_651 : i32
      %add3A_653 = arith.addi %mul3A_2, %rem3A_652 : i32
      %mul3A_654 = arith.constant 80 : i32
      %mul3A_655 = arith.muli %add3A_653, %mul3A_654 : i32
      %dma_start3A_656 = arith.constant 2 : i32
      %dma_start3A_657 = arith.constant 0 : i32
      %dma_start3A_658 = tpu.memref_slice %arg7[%dma_start3A_656, %dma_start3A_657] : memref<5x80xi32, #tpu.memory_space<vmem>> -> memref<1x80xi32, #tpu.memory_space<vmem>>
      %dma_start3A_659 = tpu.memref_squeeze %dma_start3A_658 : memref<1x80xi32, #tpu.memory_space<vmem>> -> memref<80xi32, #tpu.memory_space<vmem>>
      %dma_start3A_660 = tpu.memref_slice %arg3[%mul3A_655] : memref<320000xi32, #tpu.memory_space<hbm>> -> memref<80xi32, #tpu.memory_space<hbm>>
      %dma_start3A_661 = arith.constant 0 : i32
      %dma_start3A_662 = tpu.memref_slice %arg7[%dma_start3A_656, %dma_start3A_661] : memref<5x80xi32, #tpu.memory_space<vmem>> -> memref<1x80xi32, #tpu.memory_space<vmem>>
      %dma_start3A_663 = tpu.memref_squeeze %dma_start3A_662 : memref<1x80xi32, #tpu.memory_space<vmem>> -> memref<80xi32, #tpu.memory_space<vmem>>
      %dma_start3A_664 = tpu.memref_slice %arg3[%mul3A_655] : memref<320000xi32, #tpu.memory_space<hbm>> -> memref<80xi32, #tpu.memory_space<hbm>>
      tpu.enqueue_dma source(%dma_start3A_664 : memref<80xi32, #tpu.memory_space<hbm>>) target(%dma_start3A_663 : memref<80xi32, #tpu.memory_space<vmem>>) target_semaphore(%arg14 : memref<!tpu.dma_semaphore, #tpu.memory_space<semaphore_mem>>)
      %mul3A_665 = arith.constant 80 : i32
      %mul3A_666 = arith.muli %add3A_653, %mul3A_665 : i32
      %dma_start3A_667 = arith.constant 2 : i32
      %dma_start3A_668 = arith.constant 0 : i32
      %dma_start3A_669 = tpu.memref_slice %arg8[%dma_start3A_667, %dma_start3A_668] : memref<5x80xi32, #tpu.memory_space<vmem>> -> memref<1x80xi32, #tpu.memory_space<vmem>>
      %dma_start3A_670 = tpu.memref_squeeze %dma_start3A_669 : memref<1x80xi32, #tpu.memory_space<vmem>> -> memref<80xi32, #tpu.memory_space<vmem>>
      %dma_start3A_671 = tpu.memref_slice %arg4[%mul3A_666] : memref<320000xi32, #tpu.memory_space<hbm>> -> memref<80xi32, #tpu.memory_space<hbm>>
      %dma_start3A_672 = arith.constant 0 : i32
      %dma_start3A_673 = tpu.memref_slice %arg8[%dma_start3A_667, %dma_start3A_672] : memref<5x80xi32, #tpu.memory_space<vmem>> -> memref<1x80xi32, #tpu.memory_space<vmem>>
      %dma_start3A_674 = tpu.memref_squeeze %dma_start3A_673 : memref<1x80xi32, #tpu.memory_space<vmem>> -> memref<80xi32, #tpu.memory_space<vmem>>
      %dma_start3A_675 = tpu.memref_slice %arg4[%mul3A_666] : memref<320000xi32, #tpu.memory_space<hbm>> -> memref<80xi32, #tpu.memory_space<hbm>>
      tpu.enqueue_dma source(%dma_start3A_675 : memref<80xi32, #tpu.memory_space<hbm>>) target(%dma_start3A_674 : memref<80xi32, #tpu.memory_space<vmem>>) target_semaphore(%arg14 : memref<!tpu.dma_semaphore, #tpu.memory_space<semaphore_mem>>)
      %dma_wait3A_676 = arith.constant 3 : i32
      %dma_wait3A_677 = arith.constant 3 : i32
      %dma_wait3A_678 = arith.constant 0 : i32
      %dma_wait3A_679 = arith.constant 0 : i32
      %dma_wait3A_680 = tpu.memref_slice %arg9[%dma_wait3A_676, %dma_wait3A_678, %dma_wait3A_679] : memref<5x80x32xf32, #tpu.memory_space<vmem>> -> memref<1x80x32xf32, #tpu.memory_space<vmem>>
      %dma_wait3A_681 = tpu.memref_squeeze %dma_wait3A_680 : memref<1x80x32xf32, #tpu.memory_space<vmem>> -> memref<80x32xf32, #tpu.memory_space<vmem>>
      %dma_wait3A_682 = arith.constant 0 : i32
      %dma_wait3A_683 = tpu.memref_slice %arg8[%dma_wait3A_677, %dma_wait3A_682] : memref<5x80xi32, #tpu.memory_space<vmem>> -> memref<1x80xi32, #tpu.memory_space<vmem>>
      %dma_wait3A_684 = tpu.memref_squeeze %dma_wait3A_683 : memref<1x80xi32, #tpu.memory_space<vmem>> -> memref<80xi32, #tpu.memory_space<vmem>>
      %dma_wait3A_685 = arith.constant 0 : i32
      %dma_wait3A_686 = arith.constant 0 : i32
      %dma_wait3A_687 = tpu.memref_slice %arg10[%dma_wait3A_685, %dma_wait3A_686] : memref<10240x32xf32, #tpu.memory_space<vmem_shared>> -> memref<10240x32xf32, #tpu.memory_space<vmem_shared>>
      tpu.wait_indirect_dma semaphore(%arg25 : memref<!tpu.dma_semaphore, #tpu.memory_space<semaphore_mem>>) src(%dma_wait3A_681 : memref<80x32xf32, #tpu.memory_space<vmem>>) dst(%dma_wait3A_687 : memref<10240x32xf32, #tpu.memory_space<vmem_shared>>)
      %add3A_688 = arith.constant 1 : i32
      %add3A_689 = arith.addi %scan3A_257, %add3A_688 : i32
      %mul3A_690 = arith.constant 5 : i32
      %mul3A_691 = arith.muli %add3A_689, %mul3A_690 : i32
      %add3A_692 = arith.constant 3 : i32
      %add3A_693 = arith.addi %mul3A_691, %add3A_692 : i32
      %rem3A_694 = arith.constant 125 : i32
      %rem3A_695 = arith.remsi %add3A_693, %rem3A_694 : i32
      %add3A_696 = arith.addi %mul3A_2, %rem3A_695 : i32
      %mul3A_697 = arith.constant 80 : i32
      %mul3A_698 = arith.muli %add3A_696, %mul3A_697 : i32
      %dma_start3A_699 = arith.constant 3 : i32
      %dma_start3A_700 = arith.constant 0 : i32
      %dma_start3A_701 = tpu.memref_slice %arg7[%dma_start3A_699, %dma_start3A_700] : memref<5x80xi32, #tpu.memory_space<vmem>> -> memref<1x80xi32, #tpu.memory_space<vmem>>
      %dma_start3A_702 = tpu.memref_squeeze %dma_start3A_701 : memref<1x80xi32, #tpu.memory_space<vmem>> -> memref<80xi32, #tpu.memory_space<vmem>>
      %dma_start3A_703 = tpu.memref_slice %arg3[%mul3A_698] : memref<320000xi32, #tpu.memory_space<hbm>> -> memref<80xi32, #tpu.memory_space<hbm>>
      %dma_start3A_704 = arith.constant 0 : i32
      %dma_start3A_705 = tpu.memref_slice %arg7[%dma_start3A_699, %dma_start3A_704] : memref<5x80xi32, #tpu.memory_space<vmem>> -> memref<1x80xi32, #tpu.memory_space<vmem>>
      %dma_start3A_706 = tpu.memref_squeeze %dma_start3A_705 : memref<1x80xi32, #tpu.memory_space<vmem>> -> memref<80xi32, #tpu.memory_space<vmem>>
      %dma_start3A_707 = tpu.memref_slice %arg3[%mul3A_698] : memref<320000xi32, #tpu.memory_space<hbm>> -> memref<80xi32, #tpu.memory_space<hbm>>
      tpu.enqueue_dma source(%dma_start3A_707 : memref<80xi32, #tpu.memory_space<hbm>>) target(%dma_start3A_706 : memref<80xi32, #tpu.memory_space<vmem>>) target_semaphore(%arg15 : memref<!tpu.dma_semaphore, #tpu.memory_space<semaphore_mem>>)
      %mul3A_708 = arith.constant 80 : i32
      %mul3A_709 = arith.muli %add3A_696, %mul3A_708 : i32
      %dma_start3A_710 = arith.constant 3 : i32
      %dma_start3A_711 = arith.constant 0 : i32
      %dma_start3A_712 = tpu.memref_slice %arg8[%dma_start3A_710, %dma_start3A_711] : memref<5x80xi32, #tpu.memory_space<vmem>> -> memref<1x80xi32, #tpu.memory_space<vmem>>
      %dma_start3A_713 = tpu.memref_squeeze %dma_start3A_712 : memref<1x80xi32, #tpu.memory_space<vmem>> -> memref<80xi32, #tpu.memory_space<vmem>>
      %dma_start3A_714 = tpu.memref_slice %arg4[%mul3A_709] : memref<320000xi32, #tpu.memory_space<hbm>> -> memref<80xi32, #tpu.memory_space<hbm>>
      %dma_start3A_715 = arith.constant 0 : i32
      %dma_start3A_716 = tpu.memref_slice %arg8[%dma_start3A_710, %dma_start3A_715] : memref<5x80xi32, #tpu.memory_space<vmem>> -> memref<1x80xi32, #tpu.memory_space<vmem>>
      %dma_start3A_717 = tpu.memref_squeeze %dma_start3A_716 : memref<1x80xi32, #tpu.memory_space<vmem>> -> memref<80xi32, #tpu.memory_space<vmem>>
      %dma_start3A_718 = tpu.memref_slice %arg4[%mul3A_709] : memref<320000xi32, #tpu.memory_space<hbm>> -> memref<80xi32, #tpu.memory_space<hbm>>
      tpu.enqueue_dma source(%dma_start3A_718 : memref<80xi32, #tpu.memory_space<hbm>>) target(%dma_start3A_717 : memref<80xi32, #tpu.memory_space<vmem>>) target_semaphore(%arg15 : memref<!tpu.dma_semaphore, #tpu.memory_space<semaphore_mem>>)
      %dma_wait3A_719 = arith.constant 4 : i32
      %dma_wait3A_720 = arith.constant 4 : i32
      %dma_wait3A_721 = arith.constant 0 : i32
      %dma_wait3A_722 = arith.constant 0 : i32
      %dma_wait3A_723 = tpu.memref_slice %arg9[%dma_wait3A_719, %dma_wait3A_721, %dma_wait3A_722] : memref<5x80x32xf32, #tpu.memory_space<vmem>> -> memref<1x80x32xf32, #tpu.memory_space<vmem>>
      %dma_wait3A_724 = tpu.memref_squeeze %dma_wait3A_723 : memref<1x80x32xf32, #tpu.memory_space<vmem>> -> memref<80x32xf32, #tpu.memory_space<vmem>>
      %dma_wait3A_725 = arith.constant 0 : i32
      %dma_wait3A_726 = tpu.memref_slice %arg8[%dma_wait3A_720, %dma_wait3A_725] : memref<5x80xi32, #tpu.memory_space<vmem>> -> memref<1x80xi32, #tpu.memory_space<vmem>>
      %dma_wait3A_727 = tpu.memref_squeeze %dma_wait3A_726 : memref<1x80xi32, #tpu.memory_space<vmem>> -> memref<80xi32, #tpu.memory_space<vmem>>
      %dma_wait3A_728 = arith.constant 0 : i32
      %dma_wait3A_729 = arith.constant 0 : i32
      %dma_wait3A_730 = tpu.memref_slice %arg10[%dma_wait3A_728, %dma_wait3A_729] : memref<10240x32xf32, #tpu.memory_space<vmem_shared>> -> memref<10240x32xf32, #tpu.memory_space<vmem_shared>>
      tpu.wait_indirect_dma semaphore(%arg26 : memref<!tpu.dma_semaphore, #tpu.memory_space<semaphore_mem>>) src(%dma_wait3A_724 : memref<80x32xf32, #tpu.memory_space<vmem>>) dst(%dma_wait3A_730 : memref<10240x32xf32, #tpu.memory_space<vmem_shared>>)
      %add3A_731 = arith.constant 1 : i32
      %add3A_732 = arith.addi %scan3A_257, %add3A_731 : i32
      %mul3A_733 = arith.constant 5 : i32
      %mul3A_734 = arith.muli %add3A_732, %mul3A_733 : i32
      %add3A_735 = arith.constant 4 : i32
      %add3A_736 = arith.addi %mul3A_734, %add3A_735 : i32
      %rem3A_737 = arith.constant 125 : i32
      %rem3A_738 = arith.remsi %add3A_736, %rem3A_737 : i32
      %add3A_739 = arith.addi %mul3A_2, %rem3A_738 : i32
      %mul3A_740 = arith.constant 80 : i32
      %mul3A_741 = arith.muli %add3A_739, %mul3A_740 : i32
      %dma_start3A_742 = arith.constant 4 : i32
      %dma_start3A_743 = arith.constant 0 : i32
      %dma_start3A_744 = tpu.memref_slice %arg7[%dma_start3A_742, %dma_start3A_743] : memref<5x80xi32, #tpu.memory_space<vmem>> -> memref<1x80xi32, #tpu.memory_space<vmem>>
      %dma_start3A_745 = tpu.memref_squeeze %dma_start3A_744 : memref<1x80xi32, #tpu.memory_space<vmem>> -> memref<80xi32, #tpu.memory_space<vmem>>
      %dma_start3A_746 = tpu.memref_slice %arg3[%mul3A_741] : memref<320000xi32, #tpu.memory_space<hbm>> -> memref<80xi32, #tpu.memory_space<hbm>>
      %dma_start3A_747 = arith.constant 0 : i32
      %dma_start3A_748 = tpu.memref_slice %arg7[%dma_start3A_742, %dma_start3A_747] : memref<5x80xi32, #tpu.memory_space<vmem>> -> memref<1x80xi32, #tpu.memory_space<vmem>>
      %dma_start3A_749 = tpu.memref_squeeze %dma_start3A_748 : memref<1x80xi32, #tpu.memory_space<vmem>> -> memref<80xi32, #tpu.memory_space<vmem>>
      %dma_start3A_750 = tpu.memref_slice %arg3[%mul3A_741] : memref<320000xi32, #tpu.memory_space<hbm>> -> memref<80xi32, #tpu.memory_space<hbm>>
      tpu.enqueue_dma source(%dma_start3A_750 : memref<80xi32, #tpu.memory_space<hbm>>) target(%dma_start3A_749 : memref<80xi32, #tpu.memory_space<vmem>>) target_semaphore(%arg16 : memref<!tpu.dma_semaphore, #tpu.memory_space<semaphore_mem>>)
      %mul3A_751 = arith.constant 80 : i32
      %mul3A_752 = arith.muli %add3A_739, %mul3A_751 : i32
      %dma_start3A_753 = arith.constant 4 : i32
      %dma_start3A_754 = arith.constant 0 : i32
      %dma_start3A_755 = tpu.memref_slice %arg8[%dma_start3A_753, %dma_start3A_754] : memref<5x80xi32, #tpu.memory_space<vmem>> -> memref<1x80xi32, #tpu.memory_space<vmem>>
      %dma_start3A_756 = tpu.memref_squeeze %dma_start3A_755 : memref<1x80xi32, #tpu.memory_space<vmem>> -> memref<80xi32, #tpu.memory_space<vmem>>
      %dma_start3A_757 = tpu.memref_slice %arg4[%mul3A_752] : memref<320000xi32, #tpu.memory_space<hbm>> -> memref<80xi32, #tpu.memory_space<hbm>>
      %dma_start3A_758 = arith.constant 0 : i32
      %dma_start3A_759 = tpu.memref_slice %arg8[%dma_start3A_753, %dma_start3A_758] : memref<5x80xi32, #tpu.memory_space<vmem>> -> memref<1x80xi32, #tpu.memory_space<vmem>>
      %dma_start3A_760 = tpu.memref_squeeze %dma_start3A_759 : memref<1x80xi32, #tpu.memory_space<vmem>> -> memref<80xi32, #tpu.memory_space<vmem>>
      %dma_start3A_761 = tpu.memref_slice %arg4[%mul3A_752] : memref<320000xi32, #tpu.memory_space<hbm>> -> memref<80xi32, #tpu.memory_space<hbm>>
      tpu.enqueue_dma source(%dma_start3A_761 : memref<80xi32, #tpu.memory_space<hbm>>) target(%dma_start3A_760 : memref<80xi32, #tpu.memory_space<vmem>>) target_semaphore(%arg16 : memref<!tpu.dma_semaphore, #tpu.memory_space<semaphore_mem>>)
    }
    %scan3A_142 = arith.constant 25 : i32
    %mul3A_143 = arith.constant 80 : i32
    %mul3A_144 = arith.muli %mul3A_2, %mul3A_143 : i32
    %dma_wait3A = arith.constant 0 : i32
    %dma_wait3A_145 = arith.constant 0 : i32
    %dma_wait3A_146 = tpu.memref_slice %arg7[%dma_wait3A, %dma_wait3A_145] : memref<5x80xi32, #tpu.memory_space<vmem>> -> memref<1x80xi32, #tpu.memory_space<vmem>>
    %dma_wait3A_147 = tpu.memref_squeeze %dma_wait3A_146 : memref<1x80xi32, #tpu.memory_space<vmem>> -> memref<80xi32, #tpu.memory_space<vmem>>
    %dma_wait3A_148 = tpu.memref_slice %arg3[%mul3A_144] : memref<320000xi32, #tpu.memory_space<hbm>> -> memref<80xi32, #tpu.memory_space<hbm>>
    %dma_wait3A_149 = arith.constant 0 : i32
    %dma_wait3A_150 = tpu.memref_slice %arg7[%dma_wait3A, %dma_wait3A_149] : memref<5x80xi32, #tpu.memory_space<vmem>> -> memref<1x80xi32, #tpu.memory_space<vmem>>
    %dma_wait3A_151 = tpu.memref_squeeze %dma_wait3A_150 : memref<1x80xi32, #tpu.memory_space<vmem>> -> memref<80xi32, #tpu.memory_space<vmem>>
    %dma_wait3A_152 = tpu.memref_slice %arg3[%mul3A_144] : memref<320000xi32, #tpu.memory_space<hbm>> -> memref<80xi32, #tpu.memory_space<hbm>>
    tpu.wait_dma2 semaphore(%arg12 : memref<!tpu.dma_semaphore, #tpu.memory_space<semaphore_mem>>) src(%dma_wait3A_152 : memref<80xi32, #tpu.memory_space<hbm>>) dst(%dma_wait3A_151 : memref<80xi32, #tpu.memory_space<vmem>>)
    %mul3A_153 = arith.constant 80 : i32
    %mul3A_154 = arith.muli %mul3A_2, %mul3A_153 : i32
    %dma_wait3A_155 = arith.constant 0 : i32
    %dma_wait3A_156 = arith.constant 0 : i32
    %dma_wait3A_157 = tpu.memref_slice %arg8[%dma_wait3A_155, %dma_wait3A_156] : memref<5x80xi32, #tpu.memory_space<vmem>> -> memref<1x80xi32, #tpu.memory_space<vmem>>
    %dma_wait3A_158 = tpu.memref_squeeze %dma_wait3A_157 : memref<1x80xi32, #tpu.memory_space<vmem>> -> memref<80xi32, #tpu.memory_space<vmem>>
    %dma_wait3A_159 = tpu.memref_slice %arg4[%mul3A_154] : memref<320000xi32, #tpu.memory_space<hbm>> -> memref<80xi32, #tpu.memory_space<hbm>>
    %dma_wait3A_160 = arith.constant 0 : i32
    %dma_wait3A_161 = tpu.memref_slice %arg8[%dma_wait3A_155, %dma_wait3A_160] : memref<5x80xi32, #tpu.memory_space<vmem>> -> memref<1x80xi32, #tpu.memory_space<vmem>>
    %dma_wait3A_162 = tpu.memref_squeeze %dma_wait3A_161 : memref<1x80xi32, #tpu.memory_space<vmem>> -> memref<80xi32, #tpu.memory_space<vmem>>
    %dma_wait3A_163 = tpu.memref_slice %arg4[%mul3A_154] : memref<320000xi32, #tpu.memory_space<hbm>> -> memref<80xi32, #tpu.memory_space<hbm>>
    tpu.wait_dma2 semaphore(%arg12 : memref<!tpu.dma_semaphore, #tpu.memory_space<semaphore_mem>>) src(%dma_wait3A_163 : memref<80xi32, #tpu.memory_space<hbm>>) dst(%dma_wait3A_162 : memref<80xi32, #tpu.memory_space<vmem>>)
    %mul3A_164 = arith.constant 80 : i32
    %mul3A_165 = arith.muli %mul3A_2, %mul3A_164 : i32
    %dma_wait3A_166 = arith.constant 1 : i32
    %dma_wait3A_167 = arith.constant 0 : i32
    %dma_wait3A_168 = tpu.memref_slice %arg7[%dma_wait3A_166, %dma_wait3A_167] : memref<5x80xi32, #tpu.memory_space<vmem>> -> memref<1x80xi32, #tpu.memory_space<vmem>>
    %dma_wait3A_169 = tpu.memref_squeeze %dma_wait3A_168 : memref<1x80xi32, #tpu.memory_space<vmem>> -> memref<80xi32, #tpu.memory_space<vmem>>
    %dma_wait3A_170 = tpu.memref_slice %arg3[%mul3A_165] : memref<320000xi32, #tpu.memory_space<hbm>> -> memref<80xi32, #tpu.memory_space<hbm>>
    %dma_wait3A_171 = arith.constant 0 : i32
    %dma_wait3A_172 = tpu.memref_slice %arg7[%dma_wait3A_166, %dma_wait3A_171] : memref<5x80xi32, #tpu.memory_space<vmem>> -> memref<1x80xi32, #tpu.memory_space<vmem>>
    %dma_wait3A_173 = tpu.memref_squeeze %dma_wait3A_172 : memref<1x80xi32, #tpu.memory_space<vmem>> -> memref<80xi32, #tpu.memory_space<vmem>>
    %dma_wait3A_174 = tpu.memref_slice %arg3[%mul3A_165] : memref<320000xi32, #tpu.memory_space<hbm>> -> memref<80xi32, #tpu.memory_space<hbm>>
    tpu.wait_dma2 semaphore(%arg13 : memref<!tpu.dma_semaphore, #tpu.memory_space<semaphore_mem>>) src(%dma_wait3A_174 : memref<80xi32, #tpu.memory_space<hbm>>) dst(%dma_wait3A_173 : memref<80xi32, #tpu.memory_space<vmem>>)
    %mul3A_175 = arith.constant 80 : i32
    %mul3A_176 = arith.muli %mul3A_2, %mul3A_175 : i32
    %dma_wait3A_177 = arith.constant 1 : i32
    %dma_wait3A_178 = arith.constant 0 : i32
    %dma_wait3A_179 = tpu.memref_slice %arg8[%dma_wait3A_177, %dma_wait3A_178] : memref<5x80xi32, #tpu.memory_space<vmem>> -> memref<1x80xi32, #tpu.memory_space<vmem>>
    %dma_wait3A_180 = tpu.memref_squeeze %dma_wait3A_179 : memref<1x80xi32, #tpu.memory_space<vmem>> -> memref<80xi32, #tpu.memory_space<vmem>>
    %dma_wait3A_181 = tpu.memref_slice %arg4[%mul3A_176] : memref<320000xi32, #tpu.memory_space<hbm>> -> memref<80xi32, #tpu.memory_space<hbm>>
    %dma_wait3A_182 = arith.constant 0 : i32
    %dma_wait3A_183 = tpu.memref_slice %arg8[%dma_wait3A_177, %dma_wait3A_182] : memref<5x80xi32, #tpu.memory_space<vmem>> -> memref<1x80xi32, #tpu.memory_space<vmem>>
    %dma_wait3A_184 = tpu.memref_squeeze %dma_wait3A_183 : memref<1x80xi32, #tpu.memory_space<vmem>> -> memref<80xi32, #tpu.memory_space<vmem>>
    %dma_wait3A_185 = tpu.memref_slice %arg4[%mul3A_176] : memref<320000xi32, #tpu.memory_space<hbm>> -> memref<80xi32, #tpu.memory_space<hbm>>
    tpu.wait_dma2 semaphore(%arg13 : memref<!tpu.dma_semaphore, #tpu.memory_space<semaphore_mem>>) src(%dma_wait3A_185 : memref<80xi32, #tpu.memory_space<hbm>>) dst(%dma_wait3A_184 : memref<80xi32, #tpu.memory_space<vmem>>)
    %mul3A_186 = arith.constant 80 : i32
    %mul3A_187 = arith.muli %mul3A_2, %mul3A_186 : i32
    %dma_wait3A_188 = arith.constant 2 : i32
    %dma_wait3A_189 = arith.constant 0 : i32
    %dma_wait3A_190 = tpu.memref_slice %arg7[%dma_wait3A_188, %dma_wait3A_189] : memref<5x80xi32, #tpu.memory_space<vmem>> -> memref<1x80xi32, #tpu.memory_space<vmem>>
    %dma_wait3A_191 = tpu.memref_squeeze %dma_wait3A_190 : memref<1x80xi32, #tpu.memory_space<vmem>> -> memref<80xi32, #tpu.memory_space<vmem>>
    %dma_wait3A_192 = tpu.memref_slice %arg3[%mul3A_187] : memref<320000xi32, #tpu.memory_space<hbm>> -> memref<80xi32, #tpu.memory_space<hbm>>
    %dma_wait3A_193 = arith.constant 0 : i32
    %dma_wait3A_194 = tpu.memref_slice %arg7[%dma_wait3A_188, %dma_wait3A_193] : memref<5x80xi32, #tpu.memory_space<vmem>> -> memref<1x80xi32, #tpu.memory_space<vmem>>
    %dma_wait3A_195 = tpu.memref_squeeze %dma_wait3A_194 : memref<1x80xi32, #tpu.memory_space<vmem>> -> memref<80xi32, #tpu.memory_space<vmem>>
    %dma_wait3A_196 = tpu.memref_slice %arg3[%mul3A_187] : memref<320000xi32, #tpu.memory_space<hbm>> -> memref<80xi32, #tpu.memory_space<hbm>>
    tpu.wait_dma2 semaphore(%arg14 : memref<!tpu.dma_semaphore, #tpu.memory_space<semaphore_mem>>) src(%dma_wait3A_196 : memref<80xi32, #tpu.memory_space<hbm>>) dst(%dma_wait3A_195 : memref<80xi32, #tpu.memory_space<vmem>>)
    %mul3A_197 = arith.constant 80 : i32
    %mul3A_198 = arith.muli %mul3A_2, %mul3A_197 : i32
    %dma_wait3A_199 = arith.constant 2 : i32
    %dma_wait3A_200 = arith.constant 0 : i32
    %dma_wait3A_201 = tpu.memref_slice %arg8[%dma_wait3A_199, %dma_wait3A_200] : memref<5x80xi32, #tpu.memory_space<vmem>> -> memref<1x80xi32, #tpu.memory_space<vmem>>
    %dma_wait3A_202 = tpu.memref_squeeze %dma_wait3A_201 : memref<1x80xi32, #tpu.memory_space<vmem>> -> memref<80xi32, #tpu.memory_space<vmem>>
    %dma_wait3A_203 = tpu.memref_slice %arg4[%mul3A_198] : memref<320000xi32, #tpu.memory_space<hbm>> -> memref<80xi32, #tpu.memory_space<hbm>>
    %dma_wait3A_204 = arith.constant 0 : i32
    %dma_wait3A_205 = tpu.memref_slice %arg8[%dma_wait3A_199, %dma_wait3A_204] : memref<5x80xi32, #tpu.memory_space<vmem>> -> memref<1x80xi32, #tpu.memory_space<vmem>>
    %dma_wait3A_206 = tpu.memref_squeeze %dma_wait3A_205 : memref<1x80xi32, #tpu.memory_space<vmem>> -> memref<80xi32, #tpu.memory_space<vmem>>
    %dma_wait3A_207 = tpu.memref_slice %arg4[%mul3A_198] : memref<320000xi32, #tpu.memory_space<hbm>> -> memref<80xi32, #tpu.memory_space<hbm>>
    tpu.wait_dma2 semaphore(%arg14 : memref<!tpu.dma_semaphore, #tpu.memory_space<semaphore_mem>>) src(%dma_wait3A_207 : memref<80xi32, #tpu.memory_space<hbm>>) dst(%dma_wait3A_206 : memref<80xi32, #tpu.memory_space<vmem>>)
    %mul3A_208 = arith.constant 80 : i32
    %mul3A_209 = arith.muli %mul3A_2, %mul3A_208 : i32
    %dma_wait3A_210 = arith.constant 3 : i32
    %dma_wait3A_211 = arith.constant 0 : i32
    %dma_wait3A_212 = tpu.memref_slice %arg7[%dma_wait3A_210, %dma_wait3A_211] : memref<5x80xi32, #tpu.memory_space<vmem>> -> memref<1x80xi32, #tpu.memory_space<vmem>>
    %dma_wait3A_213 = tpu.memref_squeeze %dma_wait3A_212 : memref<1x80xi32, #tpu.memory_space<vmem>> -> memref<80xi32, #tpu.memory_space<vmem>>
    %dma_wait3A_214 = tpu.memref_slice %arg3[%mul3A_209] : memref<320000xi32, #tpu.memory_space<hbm>> -> memref<80xi32, #tpu.memory_space<hbm>>
    %dma_wait3A_215 = arith.constant 0 : i32
    %dma_wait3A_216 = tpu.memref_slice %arg7[%dma_wait3A_210, %dma_wait3A_215] : memref<5x80xi32, #tpu.memory_space<vmem>> -> memref<1x80xi32, #tpu.memory_space<vmem>>
    %dma_wait3A_217 = tpu.memref_squeeze %dma_wait3A_216 : memref<1x80xi32, #tpu.memory_space<vmem>> -> memref<80xi32, #tpu.memory_space<vmem>>
    %dma_wait3A_218 = tpu.memref_slice %arg3[%mul3A_209] : memref<320000xi32, #tpu.memory_space<hbm>> -> memref<80xi32, #tpu.memory_space<hbm>>
    tpu.wait_dma2 semaphore(%arg15 : memref<!tpu.dma_semaphore, #tpu.memory_space<semaphore_mem>>) src(%dma_wait3A_218 : memref<80xi32, #tpu.memory_space<hbm>>) dst(%dma_wait3A_217 : memref<80xi32, #tpu.memory_space<vmem>>)
    %mul3A_219 = arith.constant 80 : i32
    %mul3A_220 = arith.muli %mul3A_2, %mul3A_219 : i32
    %dma_wait3A_221 = arith.constant 3 : i32
    %dma_wait3A_222 = arith.constant 0 : i32
    %dma_wait3A_223 = tpu.memref_slice %arg8[%dma_wait3A_221, %dma_wait3A_222] : memref<5x80xi32, #tpu.memory_space<vmem>> -> memref<1x80xi32, #tpu.memory_space<vmem>>
    %dma_wait3A_224 = tpu.memref_squeeze %dma_wait3A_223 : memref<1x80xi32, #tpu.memory_space<vmem>> -> memref<80xi32, #tpu.memory_space<vmem>>
    %dma_wait3A_225 = tpu.memref_slice %arg4[%mul3A_220] : memref<320000xi32, #tpu.memory_space<hbm>> -> memref<80xi32, #tpu.memory_space<hbm>>
    %dma_wait3A_226 = arith.constant 0 : i32
    %dma_wait3A_227 = tpu.memref_slice %arg8[%dma_wait3A_221, %dma_wait3A_226] : memref<5x80xi32, #tpu.memory_space<vmem>> -> memref<1x80xi32, #tpu.memory_space<vmem>>
    %dma_wait3A_228 = tpu.memref_squeeze %dma_wait3A_227 : memref<1x80xi32, #tpu.memory_space<vmem>> -> memref<80xi32, #tpu.memory_space<vmem>>
    %dma_wait3A_229 = tpu.memref_slice %arg4[%mul3A_220] : memref<320000xi32, #tpu.memory_space<hbm>> -> memref<80xi32, #tpu.memory_space<hbm>>
    tpu.wait_dma2 semaphore(%arg15 : memref<!tpu.dma_semaphore, #tpu.memory_space<semaphore_mem>>) src(%dma_wait3A_229 : memref<80xi32, #tpu.memory_space<hbm>>) dst(%dma_wait3A_228 : memref<80xi32, #tpu.memory_space<vmem>>)
    %mul3A_230 = arith.constant 80 : i32
    %mul3A_231 = arith.muli %mul3A_2, %mul3A_230 : i32
    %dma_wait3A_232 = arith.constant 4 : i32
    %dma_wait3A_233 = arith.constant 0 : i32
    %dma_wait3A_234 = tpu.memref_slice %arg7[%dma_wait3A_232, %dma_wait3A_233] : memref<5x80xi32, #tpu.memory_space<vmem>> -> memref<1x80xi32, #tpu.memory_space<vmem>>
    %dma_wait3A_235 = tpu.memref_squeeze %dma_wait3A_234 : memref<1x80xi32, #tpu.memory_space<vmem>> -> memref<80xi32, #tpu.memory_space<vmem>>
    %dma_wait3A_236 = tpu.memref_slice %arg3[%mul3A_231] : memref<320000xi32, #tpu.memory_space<hbm>> -> memref<80xi32, #tpu.memory_space<hbm>>
    %dma_wait3A_237 = arith.constant 0 : i32
    %dma_wait3A_238 = tpu.memref_slice %arg7[%dma_wait3A_232, %dma_wait3A_237] : memref<5x80xi32, #tpu.memory_space<vmem>> -> memref<1x80xi32, #tpu.memory_space<vmem>>
    %dma_wait3A_239 = tpu.memref_squeeze %dma_wait3A_238 : memref<1x80xi32, #tpu.memory_space<vmem>> -> memref<80xi32, #tpu.memory_space<vmem>>
    %dma_wait3A_240 = tpu.memref_slice %arg3[%mul3A_231] : memref<320000xi32, #tpu.memory_space<hbm>> -> memref<80xi32, #tpu.memory_space<hbm>>
    tpu.wait_dma2 semaphore(%arg16 : memref<!tpu.dma_semaphore, #tpu.memory_space<semaphore_mem>>) src(%dma_wait3A_240 : memref<80xi32, #tpu.memory_space<hbm>>) dst(%dma_wait3A_239 : memref<80xi32, #tpu.memory_space<vmem>>)
    %mul3A_241 = arith.constant 80 : i32
    %mul3A_242 = arith.muli %mul3A_2, %mul3A_241 : i32
    %dma_wait3A_243 = arith.constant 4 : i32
    %dma_wait3A_244 = arith.constant 0 : i32
    %dma_wait3A_245 = tpu.memref_slice %arg8[%dma_wait3A_243, %dma_wait3A_244] : memref<5x80xi32, #tpu.memory_space<vmem>> -> memref<1x80xi32, #tpu.memory_space<vmem>>
    %dma_wait3A_246 = tpu.memref_squeeze %dma_wait3A_245 : memref<1x80xi32, #tpu.memory_space<vmem>> -> memref<80xi32, #tpu.memory_space<vmem>>
    %dma_wait3A_247 = tpu.memref_slice %arg4[%mul3A_242] : memref<320000xi32, #tpu.memory_space<hbm>> -> memref<80xi32, #tpu.memory_space<hbm>>
    %dma_wait3A_248 = arith.constant 0 : i32
    %dma_wait3A_249 = tpu.memref_slice %arg8[%dma_wait3A_243, %dma_wait3A_248] : memref<5x80xi32, #tpu.memory_space<vmem>> -> memref<1x80xi32, #tpu.memory_space<vmem>>
    %dma_wait3A_250 = tpu.memref_squeeze %dma_wait3A_249 : memref<1x80xi32, #tpu.memory_space<vmem>> -> memref<80xi32, #tpu.memory_space<vmem>>
    %dma_wait3A_251 = tpu.memref_slice %arg4[%mul3A_242] : memref<320000xi32, #tpu.memory_space<hbm>> -> memref<80xi32, #tpu.memory_space<hbm>>
    tpu.wait_dma2 semaphore(%arg16 : memref<!tpu.dma_semaphore, #tpu.memory_space<semaphore_mem>>) src(%dma_wait3A_251 : memref<80xi32, #tpu.memory_space<hbm>>) dst(%dma_wait3A_250 : memref<80xi32, #tpu.memory_space<vmem>>)
    %barrier3A_252 = arith.constant 0 : index
    tpu.barrier barrier_id(%barrier3A_252)
    %mul3A_253 = arith.constant 640 : i32
    %mul3A_254 = arith.muli %arg1, %mul3A_253 : i32
    %mul3A_255 = arith.constant 640 : i32
    %mul3A_256 = arith.muli %arg1, %mul3A_255 : i32
    "tpu.region"() ({
      %run_scoped3A = tpu.sem_alloc : memref<!tpu.dma_semaphore, #tpu.memory_space<semaphore_mem>>
      %dma_start3A_257 = arith.constant 0 : i32
      %dma_start3A_258 = tpu.memref_slice %arg6[%arg0, %mul3A_256, %dma_start3A_257] : memref<2x10240x32xf32, #tpu.memory_space<hbm>> -> memref<1x640x32xf32, #tpu.memory_space<hbm>>
      %dma_start3A_259 = tpu.memref_squeeze %dma_start3A_258 : memref<1x640x32xf32, #tpu.memory_space<hbm>> -> memref<640x32xf32, #tpu.memory_space<hbm>>
      %dma_start3A_260 = arith.constant 0 : i32
      %dma_start3A_261 = tpu.memref_slice %arg10[%mul3A_254, %dma_start3A_260] : memref<10240x32xf32, #tpu.memory_space<vmem_shared>> -> memref<640x32xf32, #tpu.memory_space<vmem_shared>>
      tpu.enqueue_dma source(%dma_start3A_261 : memref<640x32xf32, #tpu.memory_space<vmem_shared>>) target(%dma_start3A_259 : memref<640x32xf32, #tpu.memory_space<hbm>>) target_semaphore(%run_scoped3A : memref<!tpu.dma_semaphore, #tpu.memory_space<semaphore_mem>>)
      %dma_wait3A_262 = arith.constant 0 : i32
      %dma_wait3A_263 = tpu.memref_slice %arg6[%arg0, %mul3A_256, %dma_wait3A_262] : memref<2x10240x32xf32, #tpu.memory_space<hbm>> -> memref<1x640x32xf32, #tpu.memory_space<hbm>>
      %dma_wait3A_264 = tpu.memref_squeeze %dma_wait3A_263 : memref<1x640x32xf32, #tpu.memory_space<hbm>> -> memref<640x32xf32, #tpu.memory_space<hbm>>
      %dma_wait3A_265 = arith.constant 0 : i32
      %dma_wait3A_266 = tpu.memref_slice %arg10[%mul3A_254, %dma_wait3A_265] : memref<10240x32xf32, #tpu.memory_space<vmem_shared>> -> memref<640x32xf32, #tpu.memory_space<vmem_shared>>
      tpu.wait_dma2 semaphore(%run_scoped3A : memref<!tpu.dma_semaphore, #tpu.memory_space<semaphore_mem>>) src(%dma_wait3A_266 : memref<640x32xf32, #tpu.memory_space<vmem_shared>>) dst(%dma_wait3A_264 : memref<640x32xf32, #tpu.memory_space<hbm>>)
      tpu.yield
    }) : () -> ()
    return
  }
}

module attributes {stable_mosaic.version = 14 : i64} {
  func.func @tc_proj(%arg0: memref<10000x128xf32, #tpu.memory_space<vmem>>, %arg1: memref<2x320000xi32, #tpu.memory_space<vmem>>, %arg2: memref<32x128xf32, #tpu.memory_space<vmem>>, %arg3: memref<10240x32xf32, #tpu.memory_space<vmem>>, %arg4: memref<320000xi32, #tpu.memory_space<vmem>>, %arg5: memref<320000xi32, #tpu.memory_space<vmem>>) attributes {dimension_semantics = [], scalar_prefetch = 0 : i64, scratch_operands = 0 : i64, tpu.core_type = #tpu.core_type<tc>} {
    %get3A = arith.constant 0 : index
    %get3A_0 = arith.constant 0 : index
    %get3A_1 = vector.load %arg0[%get3A, %get3A_0] : memref<10000x128xf32, #tpu.memory_space<vmem>>, vector<10000x128xf32>
    %get3A_2 = arith.constant 0 : index
    %get3A_3 = arith.constant 0 : index
    %get3A_4 = vector.load %arg2[%get3A_2, %get3A_3] : memref<32x128xf32, #tpu.memory_space<vmem>>, vector<32x128xf32>
    %dot_general3A = arith.constant dense<0.000000e+00> : vector<10000x32xf32>
    %dot_general3A_5 = tpu.matmul %get3A_1, %get3A_4, %dot_general3A {dimension_numbers = #tpu.dot_dimension_numbers<[1], [1], [0], [0], [0, 0, 1, 0], [], []>, transpose_lhs_hint = false} : vector<10000x128xf32>, vector<32x128xf32>, vector<10000x32xf32> -> vector<10000x32xf32>
    %swap3A = arith.constant 0 : index
    %swap3A_6 = arith.constant 0 : index
    %swap3A_7 = vector.load %arg3[%swap3A, %swap3A_6] : memref<10240x32xf32, #tpu.memory_space<vmem>>, vector<10000x32xf32>
    tpu.vector_store %arg3[%swap3A, %swap3A_6], %dot_general3A_5 {strides = array<i32>} : memref<10240x32xf32, #tpu.memory_space<vmem>>, vector<10000x32xf32>,
    %broadcast_in_dim3A = arith.constant 0.000000e+00 : f32
    %broadcast_in_dim3A_8 = vector.broadcast %broadcast_in_dim3A : f32 to vector<240x32xf32>
    %swap3A_9 = arith.constant 10000 : index
    %swap3A_10 = arith.constant 0 : index
    %swap3A_11 = vector.load %arg3[%swap3A_9, %swap3A_10] : memref<10240x32xf32, #tpu.memory_space<vmem>>, vector<240x32xf32>
    tpu.vector_store %arg3[%swap3A_9, %swap3A_10], %broadcast_in_dim3A_8 {strides = array<i32>} : memref<10240x32xf32, #tpu.memory_space<vmem>>, vector<240x32xf32>,
    %get3A_12 = arith.constant 0 : index
    %get3A_13 = arith.constant 0 : index
    %get3A_14 = vector.load %arg1[%get3A_12, %get3A_13] : memref<2x320000xi32, #tpu.memory_space<vmem>>, vector<1x320000xi32>
    %get3A_15 = vector.shape_cast %get3A_14 : vector<1x320000xi32> to vector<320000xi32>
    %swap3A_16 = arith.constant 0 : index
    %swap3A_17 = vector.load %arg4[%swap3A_16] : memref<320000xi32, #tpu.memory_space<vmem>>, vector<320000xi32>
    tpu.vector_store %arg4[%swap3A_16], %get3A_15 {strides = array<i32>} : memref<320000xi32, #tpu.memory_space<vmem>>, vector<320000xi32>,
    %get3A_18 = arith.constant 1 : index
    %get3A_19 = arith.constant 0 : index
    %get3A_20 = vector.load %arg1[%get3A_18, %get3A_19] : memref<2x320000xi32, #tpu.memory_space<vmem>>, vector<1x320000xi32>
    %get3A_21 = vector.shape_cast %get3A_20 : vector<1x320000xi32> to vector<320000xi32>
    %swap3A_22 = arith.constant 0 : index
    %swap3A_23 = vector.load %arg5[%swap3A_22] : memref<320000xi32, #tpu.memory_space<vmem>>, vector<320000xi32>
    tpu.vector_store %arg5[%swap3A_22], %get3A_21 {strides = array<i32>} : memref<320000xi32, #tpu.memory_space<vmem>>, vector<320000xi32>,
    return
  }
}

module attributes {stable_mosaic.version = 14 : i64} {
  func.func @tc_mid(%arg0: memref<10240x32xf32, #tpu.memory_space<vmem>>, %arg1: memref<2x10240x32xf32, #tpu.memory_space<vmem>>, %arg2: memref<2x10240xf32, #tpu.memory_space<vmem>>, %arg3: memref<1x32xf32, #tpu.memory_space<vmem>>, %arg4: memref<32x32xf32, #tpu.memory_space<vmem>>, %arg5: memref<10240x32xf32, #tpu.memory_space<vmem>>, %arg6: memref<10000xf32, #tpu.memory_space<vmem>>) attributes {dimension_semantics = [], scalar_prefetch = 0 : i64, scratch_operands = 0 : i64, tpu.core_type = #tpu.core_type<tc>} {
    %get3A = arith.constant 0 : index
    %get3A_0 = arith.constant 0 : index
    %get3A_1 = arith.constant 0 : index
    %get3A_2 = vector.load %arg1[%get3A, %get3A_0, %get3A_1] : memref<2x10240x32xf32, #tpu.memory_space<vmem>>, vector<1x10000x32xf32>
    %get3A_3 = vector.shape_cast %get3A_2 : vector<1x10000x32xf32> to vector<10000x32xf32>
    %get3A_4 = arith.constant 1 : index
    %get3A_5 = arith.constant 0 : index
    %get3A_6 = arith.constant 0 : index
    %get3A_7 = vector.load %arg1[%get3A_4, %get3A_5, %get3A_6] : memref<2x10240x32xf32, #tpu.memory_space<vmem>>, vector<1x10000x32xf32>
    %get3A_8 = vector.shape_cast %get3A_7 : vector<1x10000x32xf32> to vector<10000x32xf32>
    %add3A = arith.addf %get3A_3, %get3A_8 : vector<10000x32xf32>
    %get3A_9 = arith.constant 0 : index
    %get3A_10 = arith.constant 0 : index
    %get3A_11 = vector.load %arg2[%get3A_9, %get3A_10] : memref<2x10240xf32, #tpu.memory_space<vmem>>, vector<1x10000xf32>
    %get3A_12 = vector.shape_cast %get3A_11 : vector<1x10000xf32> to vector<10000xf32>
    %get3A_13 = arith.constant 1 : index
    %get3A_14 = arith.constant 0 : index
    %get3A_15 = vector.load %arg2[%get3A_13, %get3A_14] : memref<2x10240xf32, #tpu.memory_space<vmem>>, vector<1x10000xf32>
    %get3A_16 = vector.shape_cast %get3A_15 : vector<1x10000xf32> to vector<10000xf32>
    %add3A_17 = arith.addf %get3A_12, %get3A_16 : vector<10000xf32>
    %max3A = arith.constant 1.000000e+00 : f32
    %max3A_18 = vector.broadcast %max3A : f32 to vector<10000xf32>
    %max3A_19 = arith.maximumf %add3A_17, %max3A_18 : vector<10000xf32>
    %div3A = arith.constant 1.000000e+00 : f32
    %div3A_20 = vector.broadcast %div3A : f32 to vector<10000xf32>
    %div3A_21 = arith.divf %div3A_20, %max3A_19 : vector<10000xf32>
    %get3A_22 = arith.constant 0 : index
    %get3A_23 = arith.constant 0 : index
    %get3A_24 = vector.load %arg0[%get3A_22, %get3A_23] : memref<10240x32xf32, #tpu.memory_space<vmem>>, vector<10000x32xf32>
    %get3A_25 = arith.constant 0 : index
    %get3A_26 = arith.constant 0 : index
    %get3A_27 = vector.load %arg3[%get3A_25, %get3A_26] : memref<1x32xf32, #tpu.memory_space<vmem>>, vector<1x32xf32>
    %add3A_28 = vector.broadcast %get3A_27 : vector<1x32xf32> to vector<10000x32xf32>
    %add3A_29 = arith.addf %get3A_24, %add3A_28 : vector<10000x32xf32>
    %reshape3A = vector.shape_cast %div3A_21 : vector<10000xf32> to vector<10000x1xf32>
    %mul3A = vector.broadcast %reshape3A : vector<10000x1xf32> to vector<10000x32xf32>
    %mul3A_30 = arith.mulf %add3A, %mul3A : vector<10000x32xf32>
    %add3A_31 = arith.addf %add3A_29, %mul3A_30 : vector<10000x32xf32>
    %max3A_32 = arith.constant 0.000000e+00 : f32
    %max3A_33 = vector.broadcast %max3A_32 : f32 to vector<10000x32xf32>
    %max3A_34 = arith.maximumf %add3A_31, %max3A_33 : vector<10000x32xf32>
    %get3A_35 = arith.constant 0 : index
    %get3A_36 = arith.constant 0 : index
    %get3A_37 = vector.load %arg4[%get3A_35, %get3A_36] : memref<32x32xf32, #tpu.memory_space<vmem>>, vector<32x32xf32>
    %dot_general3A = arith.constant dense<0.000000e+00> : vector<10000x32xf32>
    %dot_general3A_38 = tpu.matmul %max3A_34, %get3A_37, %dot_general3A {dimension_numbers = #tpu.dot_dimension_numbers<[1], [1], [0], [0], [0, 0, 1, 0], [], []>, transpose_lhs_hint = false} : vector<10000x32xf32>, vector<32x32xf32>, vector<10000x32xf32> -> vector<10000x32xf32>
    %swap3A = arith.constant 0 : index
    %swap3A_39 = arith.constant 0 : index
    %swap3A_40 = vector.load %arg5[%swap3A, %swap3A_39] : memref<10240x32xf32, #tpu.memory_space<vmem>>, vector<10000x32xf32>
    tpu.vector_store %arg5[%swap3A, %swap3A_39], %dot_general3A_38 {strides = array<i32>} : memref<10240x32xf32, #tpu.memory_space<vmem>>, vector<10000x32xf32>,
    %broadcast_in_dim3A = arith.constant 0.000000e+00 : f32
    %broadcast_in_dim3A_41 = vector.broadcast %broadcast_in_dim3A : f32 to vector<240x32xf32>
    %swap3A_42 = arith.constant 10000 : index
    %swap3A_43 = arith.constant 0 : index
    %swap3A_44 = vector.load %arg5[%swap3A_42, %swap3A_43] : memref<10240x32xf32, #tpu.memory_space<vmem>>, vector<240x32xf32>
    tpu.vector_store %arg5[%swap3A_42, %swap3A_43], %broadcast_in_dim3A_41 {strides = array<i32>} : memref<10240x32xf32, #tpu.memory_space<vmem>>, vector<240x32xf32>,
    %swap3A_45 = arith.constant 0 : index
    %swap3A_46 = vector.load %arg6[%swap3A_45] : memref<10000xf32, #tpu.memory_space<vmem>>, vector<10000xf32>
    tpu.vector_store %arg6[%swap3A_45], %div3A_21 {strides = array<i32>} : memref<10000xf32, #tpu.memory_space<vmem>>, vector<10000xf32>,
    return
  }
}

module attributes {stable_mosaic.version = 14 : i64} {
  func.func @tc_out(%arg0: memref<10240x32xf32, #tpu.memory_space<vmem>>, %arg1: memref<2x10240x32xf32, #tpu.memory_space<vmem>>, %arg2: memref<10000xf32, #tpu.memory_space<vmem>>, %arg3: memref<1x32xf32, #tpu.memory_space<vmem>>, %arg4: memref<10000x32xf32, #tpu.memory_space<vmem>>) attributes {dimension_semantics = [], scalar_prefetch = 0 : i64, scratch_operands = 0 : i64, tpu.core_type = #tpu.core_type<tc>} {
    %get3A = arith.constant 0 : index
    %get3A_0 = arith.constant 0 : index
    %get3A_1 = arith.constant 0 : index
    %get3A_2 = vector.load %arg1[%get3A, %get3A_0, %get3A_1] : memref<2x10240x32xf32, #tpu.memory_space<vmem>>, vector<1x10000x32xf32>
    %get3A_3 = vector.shape_cast %get3A_2 : vector<1x10000x32xf32> to vector<10000x32xf32>
    %get3A_4 = arith.constant 1 : index
    %get3A_5 = arith.constant 0 : index
    %get3A_6 = arith.constant 0 : index
    %get3A_7 = vector.load %arg1[%get3A_4, %get3A_5, %get3A_6] : memref<2x10240x32xf32, #tpu.memory_space<vmem>>, vector<1x10000x32xf32>
    %get3A_8 = vector.shape_cast %get3A_7 : vector<1x10000x32xf32> to vector<10000x32xf32>
    %add3A = arith.addf %get3A_3, %get3A_8 : vector<10000x32xf32>
    %get3A_9 = arith.constant 0 : index
    %get3A_10 = arith.constant 0 : index
    %get3A_11 = vector.load %arg0[%get3A_9, %get3A_10] : memref<10240x32xf32, #tpu.memory_space<vmem>>, vector<10000x32xf32>
    %get3A_12 = arith.constant 0 : index
    %get3A_13 = arith.constant 0 : index
    %get3A_14 = vector.load %arg3[%get3A_12, %get3A_13] : memref<1x32xf32, #tpu.memory_space<vmem>>, vector<1x32xf32>
    %add3A_15 = vector.broadcast %get3A_14 : vector<1x32xf32> to vector<10000x32xf32>
    %add3A_16 = arith.addf %get3A_11, %add3A_15 : vector<10000x32xf32>
    %get3A_17 = arith.constant 0 : index
    %get3A_18 = vector.load %arg2[%get3A_17] : memref<10000xf32, #tpu.memory_space<vmem>>, vector<10000xf32>
    %reshape3A = vector.shape_cast %get3A_18 : vector<10000xf32> to vector<10000x1xf32>
    %mul3A = vector.broadcast %reshape3A : vector<10000x1xf32> to vector<10000x32xf32>
    %mul3A_19 = arith.mulf %add3A, %mul3A : vector<10000x32xf32>
    %add3A_20 = arith.addf %add3A_16, %mul3A_19 : vector<10000x32xf32>
    %max3A = arith.constant 0.000000e+00 : f32
    %max3A_21 = vector.broadcast %max3A : f32 to vector<10000x32xf32>
    %max3A_22 = arith.maximumf %add3A_20, %max3A_21 : vector<10000x32xf32>
    %swap3A = arith.constant 0 : index
    %swap3A_23 = arith.constant 0 : index
    %swap3A_24 = vector.load %arg4[%swap3A, %swap3A_23] : memref<10000x32xf32, #tpu.memory_space<vmem>>, vector<10000x32xf32>
    tpu.vector_store %arg4[%swap3A, %swap3A_23], %max3A_22 {strides = array<i32>} : memref<10000x32xf32, #tpu.memory_space<vmem>>, vector<10000x32xf32>,
    return
  }
}

</mosaic_0001>

<sc_bundles>
// kernel: kernel.4.cloned.1.call-start
scs
__scs_entry_jumppad:
0x0: {  	(pc) =	sbr.rel $0x88, $3  }
0x1: {  	(tag) =	ssettag $0x0;
	lr =	simm.s32 $0x1  }
0x2: {  	[smem:$0x3F9B] =	sst lr;
	_ =	strace $0xD0000000  }
0x3: {  	_ = 	snop  }
0x4: {  	_ = 	snop  }
0x5: {  	_ = 	snop  }
0x6: {  	_ = 	snop  }
0x7: {  	_ = 	snop  }
__scs_overlays_trampoline_lowered:
0x8: {  	[smem:$0x3FAA] =	sst s0  }
0x9: {  	[smem:$0x3FAB] =	sst s1  }
0xa: {  	[smem:$0x3FAC] =	sst s2  }
0xb: {  	[smem:$0x3FAD] =	sst s3  }
0xc: {  	[smem:$0x3FAE] =	sst s4  }
0xd: {  	[smem:$0x3FAF] =	sst s5  }
0xe: {  	[smem:$0x3FB0] =	sst s6  }
0xf: {  	[smem:$0x3FB1] =	sst s7  }
0x10: {  	[smem:$0x3FB2] =	sst s8  }
0x11: {  	[smem:$0x3FB3] =	sst s9;
	s0 =	simm.s32 @!p0 $0x0  }
0x12: {  	s1 =	sld [smem:$0x3F99];
	s0 =	simm.s32 @p0 $0x1  }
0x13: {  	[smem:$0x3FB4] =	sst s0;
	s0 =	simm.s32 @!p1 $0x0  }
0x14: {  	s2 =	sld [smem:$0x3F98];
	s0 =	simm.s32 @p1 $0x1  }
0x15: {  	[smem:$0x3FB5] =	sst s0;
	s0 =	simm.s32 @!p2 $0x0  }
0x16: {  	s3 =	sld [smem:$0x3FDB];
	s0 =	simm.s32 @p2 $0x1  }
0x17: {  	s4 =	simm.s32 $0x1BF5;
	[smem:$0x3FB7] =	sst s0  }
0x18: {  	s0 =	sld [smem:$0x3F9A];
	_ =	swait.ge [sflag:s4], $0x0  }
0x19: {  	s7 =	sld [smem:$0x3F9B]  }
0x1a: {  	s8 =	sadd.s32 $0xFFFFE003, lr  }
0x1b: {  	s9 =	sadd.s32 $0xFFFFFEF7, lr;
	s5 =	simm.s32 $0xFFFFFFFF;
	p2 =	slt.u32 s8, $0xFFFFF086  }
0x1c: {  	p1 =	slt.u32 s9, $0xF7A;
	s5 =	simm.s32 @!p2 $0x0  }
0x1d: {  	s5 =	simm.s32 @p1 $0x1;
	p0 =	seq.s32 s7, s2  }
0x1e: {  	s7 =	smul.u32 @!p0 $0xF7A, s2;
	p2 =	seq.s32 @!p0 s5, $0x0  }
0x1f: {  	s9 =	smul.u32 $0xF7A, s1;
	s8 =	simm.s32 @!p0 $0x1BF5;
	p2 =	por !p2, p0  }
0x20: {  	[sflag:s8] =	ssyncset.s32 @!p0 $0xFFFFF086;
	s6 =	sadd.s32 @!p0 s3, s7;
	s7 =	simm.s32 @!p0 $0x108  }
0x21: {  	s3 =	sadd.s32 s3, s9;
	s6 =	sadd.s32 @!p0 $0x88, s6;
	s7 =	simm.s32 @p2 $0x1082  }
0x22: {  	[simem:s7], [sflag:s8] =	dma.local @!p0 [hbm:s6], $0xF7A  }
0x23: {  	s9 =	sor.u32 $0xD0000000, s2;
	s6 =	simm.s32 $0x108;
	_ =	swait.ge @!p0 [sflag:s8], $0x0  }
0x24: {  	s3 =	sadd.s32 $0x88, s3;
	s6 =	simm.s32 @!p1 $0x1082;
	[sflag:s4] =	ssyncset.s32 $0xFFFFF086  }
0x25: {  	[simem:s6], [sflag:s4] =	dma.local [hbm:s3], $0xF7A  }
0x26: {  	[smem:$0x3F9B] =	sst s1;
	(tag) =	ssettag s2;
	_ =	strace s9  }
0x27: {  	s1 =	sld [smem:$0x3FAB]  }
0x28: {  	s2 =	sld [smem:$0x3FAC]  }
0x29: {  	s4 =	sld [smem:$0x3FAE]  }
0x2a: {  	p0 =	seq.s32 s5, $0x0;
	s5 =	sld [smem:$0x3FAF]  }
0x2b: {  	s6 =	sld [smem:$0x3FB0]  }
0x2c: {  	s7 =	sld [smem:$0x3FB1]  }
0x2d: {  	s3 =	simm.s32 $0x108;
	s8 =	sld [smem:$0x3FB2]  }
0x2e: {  	s3 =	simm.s32 @!p0 $0x1082;
	s9 =	sld [smem:$0x3FB3]  }
0x2f: {  	lr =	sadd.s32 s0, s3;
	s0 =	sld [smem:$0x3FAA]  }
0x30: {  	s3 =	sld [smem:$0x3FAD]  }
0x31: {  	[smem:$0x3FB6] =	sst s10  }
0x32: {  	s10 =	sld [smem:$0x3FB4];
	_ =	sdelay $0x3  }
0x33: {  	p0 =	seq.s32 s10, $0x1;
	s10 =	sld [smem:$0x3FB6];
	_ =	sdelay $0x3  }
0x34: {  	[smem:$0x3FB6] =	sst s10  }
0x35: {  	s10 =	sld [smem:$0x3FB5];
	_ =	sdelay $0x3  }
0x36: {  	p1 =	seq.s32 s10, $0x1;
	s10 =	sld [smem:$0x3FB6];
	_ =	sdelay $0x3  }
0x37: {  	[smem:$0x3FB6] =	sst s10  }
0x38: {  	s10 =	sld [smem:$0x3FB7]  }
0x39: {  	_ = 	snop;
	(pc) =	sbr.ind lr, $3  }
0x3a: {  	_ = 	snop  }
0x3b: {  	_ = 	snop  }
0x3c: {  	p2 =	seq.s32 s10, $0x1;
	s10 =	sld [smem:$0x3FB6]  }
0x3d: {  	_ =	shalt  }
0x3e: {  	_ =	shalt  }
0x3f: {  	_ =	shalt  }
0x40: {  	_ =	shalt  }
0x41: {  	_ =	shalt  }
0x42: {  	_ =	shalt  }
0x43: {  	_ =	shalt  }
0x44: {  	_ =	shalt  }
0x45: {  	_ =	shalt  }
0x46: {  	_ =	shalt  }
0x47: {  	_ =	shalt  }
0x48: {  	_ =	shalt  }
0x49: {  	_ =	shalt  }
0x4a: {  	_ =	shalt  }
0x4b: {  	_ =	shalt  }
0x4c: {  	_ =	shalt  }
0x4d: {  	_ =	shalt  }
0x4e: {  	_ =	shalt  }
0x4f: {  	_ =	shalt  }
0x50: {  	_ =	shalt  }
0x51: {  	_ =	shalt  }
0x52: {  	_ =	shalt  }
0x53: {  	_ =	shalt  }
0x54: {  	_ =	shalt  }
0x55: {  	_ =	shalt  }
0x56: {  	_ =	shalt  }
0x57: {  	_ =	shalt  }
0x58: {  	_ =	shalt  }
0x59: {  	_ =	shalt  }
0x5a: {  	_ =	shalt  }
0x5b: {  	_ =	shalt  }
0x5c: {  	_ =	shalt  }
0x5d: {  	_ =	shalt  }
0x5e: {  	_ =	shalt  }
0x5f: {  	_ =	shalt  }
0x60: {  	_ =	shalt  }
0x61: {  	_ =	shalt  }
0x62: {  	_ =	shalt  }
0x63: {  	_ =	shalt  }
0x64: {  	_ =	shalt  }
0x65: {  	_ =	shalt  }
0x66: {  	_ =	shalt  }
0x67: {  	_ =	shalt  }
0x68: {  	_ =	shalt  }
0x69: {  	_ =	shalt  }
0x6a: {  	_ =	shalt  }
0x6b: {  	_ =	shalt  }
0x6c: {  	_ =	shalt  }
0x6d: {  	_ =	shalt  }
0x6e: {  	_ =	shalt  }
0x6f: {  	_ =	shalt  }
0x70: {  	_ =	shalt  }
0x71: {  	_ =	shalt  }
0x72: {  	_ =	shalt  }
0x73: {  	_ =	shalt  }
0x74: {  	_ =	shalt  }
0x75: {  	_ =	shalt  }
0x76: {  	_ =	shalt  }
0x77: {  	_ =	shalt  }
0x78: {  	_ =	shalt  }
0x79: {  	_ =	shalt  }
0x7a: {  	_ =	shalt  }
0x7b: {  	_ =	shalt  }
0x7c: {  	_ =	shalt  }
0x7d: {  	_ =	shalt  }
0x7e: {  	_ =	shalt  }
0x7f: {  	_ =	shalt  }
0x80: {  	_ =	shalt  }
0x81: {  	_ =	shalt  }
0x82: {  	_ =	shalt  }
0x83: {  	_ =	shalt  }
0x84: {  	_ =	shalt  }
0x85: {  	_ =	shalt  }
0x86: {  	_ =	shalt  }
0x87: {  	_ =	shalt  }
.Lfunc_end0:
.L_simem_size_0:
called_computation_lowered:
.L_overlay_start_0:
0x88: {  	s2 =	sld [smem:$0x3FD9]  }
0x89: {  	s3 =	sld [smem:$0x3FFE];
	_ =	sdelay $0x1  }
0x8a: {  	s1 =	srdreg.scid  }
0x8b: {  	s0 =	sand.u32 $0x1, s1  }
0x8c: {  	s17 =	sshll.u32 s0, $0xA;
	s2 =	sadd.s32 s3, s2  }
0x8d: {  	s2 =	sadd.s32 s2, s17  }
0x8e: {  	[smem:$0x3FC2] =	sst s2  }
0x8f: {  	_ = 	snop  }
0x90: {  	s2 =	sld [smem:$0x3FD0];
	(tm) =	ssettm $0x1  }
0x91: {  	s18 =	sld [smem:$0x3FFB];
	_ =	sdelay $0x3  }
0x92: {  	_ =	strace s18  }
0x93: {  	s3 =	sld [smem:$0x3FFC];
	_ =	sdelay $0x3  }
0x94: {  	_ =	strace s3  }
0x95: {  	s3 =	sld [smem:$0x3FFD];
	_ =	sdelay $0x3  }
0x96: {  	_ =	strace s3  }
0x97: {  	_ =	strace $0x8FFFFFFF  }
0x98: {  	s19 =	sld [smem:$0x3FDB];
	_ =	sdelay $0x1  }
0x99: {  	s4 =	simm.s32 $_scs_section_size  }
0x9a: {  	s5 =	simm.s32 $_size__tile_overlayer_lowered;
	s6 =	simm.s32 $_tile_overlayer_lowered  }
0x9b: {  	s22 =	simm.s32 $0x1BFF;
	s21 =	sshll.u32 s6, $0x1;
	s3 =	sadd.s32 s4, s19  }
0x9c: {  	s7 =	simm.s32 $0x0;
	s20 =	sshll.u32 s5, $0x1;
	s5 =	sadd.s32 s21, s3  }
0x9d: {  	[timem:s7], [sflag:s22] =	dma.local [hbm:s5], s20  }
0x9e: {  	_ =	swait.ge [sflag:s22], s20  }
0x9f: {  	s4 =	ssub.s32 $0x0, s20;
	[sflag:s22] =	ssyncset.done $0x0  }
0xa0: {  	[sflag:s22] =	ssyncadd.s32 s4;
	_ =	sdelay $0x1  }
0xa1: {  	s23 =	simm.s32 $0x1B8B  }
0xa2: {  	_ =	swait.ge [sflag:s23], $0x1  }
0xa3: {  	[sflag:s23] =	ssyncset.done $0x0  }
0xa4: {  	s25 =	simm.s32 $0x1B8E;
	s24 =	sld [smem:$0x3FFE];
	[sflag:s23] =	ssyncadd.s32 $0xFFFFFFFF  }
0xa5: {  	s26 =	simm.s32 $execute0_lowered;
	[smem:$0x3FD2] =	sst s25  }
0xa6: {  	s5 =	sshll.u32 s26, $0x1;
	_ =	strace $0x80000046;
	[dreg:$0x1] =	wrdreg $0xFFFFFFFF  }
0xa7: {  	s28 =	simm.s32 $_size_execute0_lowered;
	s3 =	sadd.s32 s3, s5;
	[dreg:$0x0] =	wrdreg $0x0  }
0xa8: {  	s5 =	sshll.u32 s28, $0x1;
	[dreg:$0x2] =	wrdreg s3  }
0xa9: {  	[dreg:$0x3] =	wrdreg s5  }
0xaa: {  	[dreg:$0x4] =	wrdreg $0xC0  }
0xab: {  	_ =	task [dreg:s7], $0x5FFFF  }
0xac: {  	[dreg:$0x1] =	wrdreg $0xFFFFFFFF  }
0xad: {  	[dreg:$0x0] =	wrdreg $0x60  }
0xae: {  	[dreg:$0x2] =	wrdreg s24  }
0xaf: {  	[dreg:$0x3] =	wrdreg s2  }
0xb0: {  	[dreg:$0x4] =	wrdreg $0x5D200  }
0xb1: {  	[dreg:$0x5] =	wrdreg $0xAD200  }
0xb2: {  	[dreg:$0x6] =	wrdreg $0x127A00  }
0xb3: {  	[dreg:$0x7] =	wrdreg $0x9  }
0xb4: {  	_ =	task.clear_ibuf [dreg:s7], $0x8FFFF;
	_ =	strace $0x90000046  }
0xb5: {  	s29 =	simm.s32 $0x9;
	_ =	strace $0x80000048  }
0xb6: {  	_ =	swait.ge [sflag:s29], $0x1  }
0xb7: {  	[sflag:s29] =	ssyncadd.s32 $0xFFFFFFFF  }
0xb8: {  	_ =	strace $0x90000048  }
0xb9: {  	_ =	sfence  }
0xba: {  	s30 =	sld [smem:$0x0];
	_ =	sdelay $0x2  }
0xbb: {  	s31 =	sshll.u32 s1, $0xD;
	s1 =	sshrl.u32 s1, $0x2  }
0xbc: {  	s3 =	sand.u32 $0x4000, s31;
	s1 =	sadd.s32 s1, s30  }
0xbd: {  	s0 =	sor.u32 s3, s0;
	s1 =	sshll.u32 s1, $0x11  }
0xbe: {  	s0 =	sor.u32 s1, s0  }
0xbf: {  	s0 =	sadd.s32 $0x8F2B, s0  }
0xc0: {  	[sflag:s0] =	ssyncadd.remote.s32 $0x1  }
0xc1: {  	_ =	sfence.sel $0xFFFF  }
0xc2: {  	[dreg:$0x0] =	wrdreg $0xFFFFFFFF;
	(pc) =	sbr.abs _section_cstart, $3  }
0xc3: {  	[dreg:$0x1] =	wrdreg $0xFFFFFFFF  }
0xc4: {  	_ =	task.clear_ibuf [dreg:s7], $0x2FFFF;
	_ =	strace $0x9FFFFFFF  }
0xc5: {  	(tm) =	ssettm $0x7FFFFFFF  }
tec
execute0_lowered:
.L_overlay_start_1:
0x0: {  	(tag) =	ssettag $0x1  }
0x1: {  	s0 =	rddreg [dreg:$0x0]  }
0x2: {  	s1 =	rddreg [dreg:$0x1]  }
0x3: {  	s3 =	rddreg [dreg:$0x2]  }
0x4: {  	s4 =	rddreg [dreg:$0x3]  }
0x5: {  	s2 =	rddreg [dreg:$0x4]  }
0x6: {  	s16 =	stileid.u32;
	s6 =	srdreg.scid;
	s5 =	simm.s32 $0x0  }
0x7: {  	s31 =	simm.s32 $0x50;
	s28 =	simm.s32 $0xF;
	s30 =	simm.s32 $0x1E0  }
0x8: {  	s7 =	smul.u32 $0x5000, s16;
	s8 =	sand.u32 $0x1, s6;
	[smem:$0x7FF] =	sst s5  }
0x9: {  	s10 =	smul.u32 $0x280, s16;
	s13 =	sadd.s32 $0x15E00, s0;
	s22 =	sshll.u32 s16, $0x1  }
0xa: {  	s24 =	sshll.u32 s16, $0x6;
	s6 =	smul.u32 $0x50000, s8;
	_ =	strace $0x80000047  }
0xb: {  	s12 =	smul.u32 $0x2800, s8;
	[dreg:$0x6] =	wrdreg s13;
	s13 =	sor.u32 s8, s22  }
0xc: {  	s14 =	ssub.s32 $0x2, s8;
	s9 =	sshrl.u32 s7, $0x3;
	s8 =	smul.u32 $0x7D, s13  }
0xd: {  	s23 =	sshrl.u32 s14, $0x1;
	s15 =	smul.u32 $0x2710, s13;
	s17 =	sadd.s32 s7, s3  }
0xe: {  	s3 =	sor.u32 $0x1C10, s24;
	s13 =	smul.u32 $0x4E2, s13;
	s9 =	sadd.s32 s9, s0  }
0xf: {  	s11 =	sadd.s32 s7, s6;
	s6 =	sadd.s32 $0x2000, s0;
	s12 =	sadd.s32 s10, s12  }
0x10: {  	[dreg:$0x7] =	wrdreg s17;
	s7 =	sadd.s32 s7, s4;
	s4 =	smul.u32 $0xA000, s16  }
0x11: {  	[dreg:$0x8] =	wrdreg s3;
	s11 =	sshrl.u32 s11, $0x3;
	s12 =	sshrl.u32 s12, $0x3  }
0x12: {  	s9 =	sadd.s32 $0xBE00, s9;
	s25 =	sshrl.u32 s15, $0x3;
	s26 =	sadd.s32 s1, s13  }
0x13: {  	s13 =	sadd.s32 s6, s13;
	s11 =	sadd.s32 s11, s0;
	[dreg:$0x9] =	wrdreg s9  }
0x14: {  	s0 =	sadd.s32 s12, s0;
	[dreg:$0xa] =	wrdreg s26;
	s29 =	sadd.s32 $0xA, s25  }
0x15: {  	s12 =	ssub.s32 s14, s23;
	[dreg:$0xb] =	wrdreg s13;
	s16 =	sadd.s32 s1, s29  }
0x16: {  	s17 =	sadd.s32 $0x14, s25;
	s14 =	sadd.s32 s6, s29;
	[dreg:$0xc] =	wrdreg s16  }
0x17: {  	s15 =	simm.s32 $0x6;
	s18 =	sadd.s32 s1, s17;
	[dreg:$0xd] =	wrdreg s14  }
0x18: {  	s20 =	sadd.s32 $0x1E, s25;
	s21 =	sadd.s32 s6, s17;
	[dreg:$0xe] =	wrdreg s18  }
0x19: {  	s9 =	sadd.s32 $0x28, s25;
	s22 =	sadd.s32 s1, s20;
	[dreg:$0x11] =	wrdreg s21  }
0x1a: {  	s19 =	sshrl.u32 s4, $0x2;
	s23 =	sadd.s32 s1, s9;
	[dreg:$0x12] =	wrdreg s22  }
0x1b: {  	s13 =	simm.s32 $0xB;
	s24 =	sadd.s32 s6, s9;
	[dreg:$0x14] =	wrdreg s23  }
0x1c: {  	s25 =	sadd.s32 $0x17200, s11;
	s0 =	sadd.s32 $0x16800, s0;
	[dreg:$0x15] =	wrdreg s24  }
0x1d: {  	s26 =	smax.u32 s12, $0x1;
	s29 =	sshrl.u32 s7, $0x3;
	[dreg:$0x16] =	wrdreg s25  }
0x1e: {  	s17 =	simm.s32 $0x2;
	s7 =	simm.s32 $0x8;
	[dreg:$0x17] =	wrdreg s0  }
0x1f: {  	s11 =	simm.s32 $0xE;
	s14 =	sadd.s32 s19, s2;
	[dreg:$0x18] =	wrdreg s26  }
0x20: {  	s2 =	sadd.s32 s10, s2;
	[dreg:$0x19] =	wrdreg s29;
	s18 =	simm.s32 $0x10  }
0x21: {  	s26 =	simm.s32 $0x2D0;
	s16 =	simm.s32 $0x3520;
	s19 =	simm.s32 $0x3  }
0x22: {  	s21 =	simm.s32 $0x4;
	s23 =	simm.s32 $0x5;
	s0 =	simm.s32 $0x0  }
0x23: {  	s25 =	simm.s32 $0x9;
	s22 =	simm.s32 $0xC;
	[dreg:$0xf] =	wrdreg s14  }
0x24: {  	s24 =	simm.s32 $0xD;
	[dreg:$0x10] =	wrdreg s2;
	s2 =	sadd.s32 s6, s20  }
0x25: {  	v0 =	vimm.f32 $0.0e+00;
	v1 =	vimm.f32 $1.000000000e+00;
	s14 =	simm.s32 $0x1;
	[dreg:$0x13] =	wrdreg s2;
	s2 =	simm.s32 $0x7  }
.LBB2_1:
0x26: {  	[dreg:$0x1a] =	wrdreg s0  }
0x27: {  	s9 =	rddreg [dreg:$0x7]  }
0x28: {  	s20 =	rddreg [dreg:$0x6];
	s12 =	sshrl.u32 s9, $0x3  }
0x29: {  	[dreg:$0x1b] =	wrdreg s12  }
0x2a: {  	[spmem:s12], [sflag:s3] =	dma.local [hbm:s20], $0xA00  }
0x2b: {  	_ =	swait.ge [sflag:s18], $0xA00  }
0x2c: {  	[sflag:s18] =	ssyncset.done $0x0;
	s29 =	rddreg [dreg:$0x9]  }
0x2d: {  	s12 =	rddreg [dreg:$0x19];
	[sflag:s18] =	ssyncadd.s32 $0xFFFFF600  }
0x2e: {  	[spmem:s12], [sflag:s3] =	dma.local [hbm:s29], $0xA00  }
0x2f: {  	_ =	swait.ge [sflag:s18], $0xA00  }
0x30: {  	[sflag:s18] =	ssyncset.done $0x0  }
0x31: {  	s9 =	simm.s32 $0x40;
	s12 =	simm.s32 $0x0;
	[sflag:s18] =	ssyncadd.s32 $0xFFFFF600  }
.LBB2_2:
0x32: {  	p0 =	sne.s32 s9, $0x9FC0;
	[tilespmem:s12+$0x3520] =	vst v0;
	s12 =	smov.u32 s9;
	s9 =	sadd.s32 $0x40, s9  }
.Ltmp0:
0x33: {  	(pc) =	sbr.rel @p0 .LBB2_2-.Ltmp0, $2  }
0x34: {  	_ =	sdelay $0x2  }
0x35: {  	s12 =	sshra.s32 s12, $0x2  }
0x36: {  	[tilespmem:s12+$0x3520] =	vst v0;
	s9 =	rddreg [dreg:$0xa]  }
0x37: {  	[tilespmem:s5], [sflag:$0x1] =	stream.linear.gather [hbm4b:s9+s5], $0x50, $0x38;
	[tilespmem:$0x14FA0] =	vst v63  }
0x38: {  	s4 =	rddreg [dreg:$0xb];
	s0 =	simm.s32 $0x190  }
0x39: {  	[tilespmem:s0], [sflag:$0x1] =	stream.linear.gather [hbm4b:s4+s5], $0x50, $0x38;
	[tilespmem:$0x14FA0] =	vst v63  }
0x3a: {  	s10 =	rddreg [dreg:$0xc]  }
0x3b: {  	[tilespmem:s31], [sflag:$0x2] =	stream.linear.gather [hbm4b:s10+s5], $0x50, $0x38;
	[tilespmem:$0x14FA0] =	vst v63  }
0x3c: {  	s12 =	rddreg [dreg:$0xd];
	s18 =	simm.s32 $0x1E0  }
0x3d: {  	[tilespmem:s18], [sflag:$0x2] =	stream.linear.gather [hbm4b:s12+s5], $0x50, $0x38;
	[tilespmem:$0x14FA0] =	vst v63  }
0x3e: {  	s20 =	rddreg [dreg:$0xe];
	s29 =	simm.s32 $0xA0  }
0x3f: {  	[tilespmem:s29], [sflag:$0x3] =	stream.linear.gather [hbm4b:s20+s5], $0x50, $0x38;
	[tilespmem:$0x14FA0] =	vst v63  }
0x40: {  	s1 =	rddreg [dreg:$0x11];
	s3 =	simm.s32 $0x230  }
0x41: {  	[tilespmem:s3], [sflag:$0x3] =	stream.linear.gather [hbm4b:s1+s5], $0x50, $0x38;
	[tilespmem:$0x14FA0] =	vst v63  }
0x42: {  	s4 =	rddreg [dreg:$0x12];
	s10 =	simm.s32 $0xF0  }
0x43: {  	[tilespmem:s10], [sflag:$0x4] =	stream.linear.gather [hbm4b:s4+s5], $0x50, $0x38;
	[tilespmem:$0x14FA0] =	vst v63  }
0x44: {  	s12 =	rddreg [dreg:$0x13];
	s18 =	simm.s32 $0x280  }
0x45: {  	[tilespmem:s18], [sflag:$0x4] =	stream.linear.gather [hbm4b:s12+s5], $0x50, $0x38;
	[tilespmem:$0x14FA0] =	vst v63  }
0x46: {  	s20 =	rddreg [dreg:$0x14];
	s18 =	simm.s32 $0x140  }
0x47: {  	[tilespmem:s18], [sflag:$0x5] =	stream.linear.gather [hbm4b:s20+s5], $0x50, $0x38;
	[tilespmem:$0x14FA0] =	vst v63  }
0x48: {  	s29 =	rddreg [dreg:$0x15]  }
0x49: {  	[tilespmem:s26], [sflag:$0x5] =	stream.linear.gather [hbm4b:s29+s5], $0x50, $0x38;
	[tilespmem:$0x14FA0] =	vst v63  }
0x4a: {  	[bflag:$0x0] =	sbarrier.arrive $0xFFFF  }
0x4b: {  	s3 =	rddreg [dreg:$0x1]  }
0x4c: {  	s4 =	rddreg [dreg:$0x2]  }
0x4d: {  	s9 =	simm.s32 $0x9;
	s1 =	simm.s32 $0xA;
	s20 =	rddreg [dreg:$0x3]  }
.LBB2_4:
0x4e: {  	_ =	swait.ge [sflag:s14], $0x50  }
0x4f: {  	[sflag:s14] =	ssyncset.done $0x0  }
0x50: {  	[sflag:s14] =	ssyncadd.s32 $0xFFFFFFB0  }
0x51: {  	_ =	swait.ge [sflag:s14], $0x50  }
0x52: {  	[sflag:s14] =	ssyncset.done $0x0  }
0x53: {  	s12 =	simm.s32 $0x320;
	[sflag:s14] =	ssyncadd.s32 $0xFFFFFFB0  }
0x54: {  	[tilespmem:s12], [sflag:$0x6] =	stream.indirect.gather [spmem:s20], $0x20, s5, s31, $0xb8;
	[tilespmem:$0x14FA0] =	vst v63  }
0x55: {  	v2 =	vld [tilespmem:$0x190];
	_ =	sdelay $0x7  }
0x56: {  	[tilespmem:v2+s16+$0x0] =	vst.idx.add.f32.msk $0xffff, v1  }
0x57: {  	v2 =	vld [tilespmem:$0x1A0];
	_ =	sdelay $0x7  }
0x58: {  	[tilespmem:v2+s16+$0x0] =	vst.idx.add.f32.msk $0xffff, v1  }
0x59: {  	v2 =	vld [tilespmem:$0x1B0];
	_ =	sdelay $0x7  }
0x5a: {  	[tilespmem:v2+s16+$0x0] =	vst.idx.add.f32.msk $0xffff, v1  }
0x5b: {  	v2 =	vld [tilespmem:$0x1C0];
	_ =	sdelay $0x7  }
0x5c: {  	[tilespmem:v2+s16+$0x0] =	vst.idx.add.f32.msk $0xffff, v1  }
0x5d: {  	v2 =	vld [tilespmem:$0x1D0];
	_ =	sdelay $0x7  }
0x5e: {  	[tilespmem:v2+s16+$0x0] =	vst.idx.add.f32.msk $0xffff, v1  }
0x5f: {  	_ =	swait.ge [sflag:s17], $0x50  }
0x60: {  	[sflag:s17] =	ssyncset.done $0x0  }
0x61: {  	[sflag:s17] =	ssyncadd.s32 $0xFFFFFFB0  }
0x62: {  	_ =	swait.ge [sflag:s17], $0x50  }
0x63: {  	[sflag:s17] =	ssyncset.done $0x0  }
0x64: {  	s14 =	simm.s32 $0xD20;
	[sflag:s17] =	ssyncadd.s32 $0xFFFFFFB0  }
0x65: {  	[tilespmem:s14], [sflag:$0x7] =	stream.indirect.gather [spmem:s20], $0x20, s31, s31, $0xb8;
	[tilespmem:$0x14FA0] =	vst v63  }
0x66: {  	v2 =	vld [tilespmem:$0x1E0];
	_ =	sdelay $0x7  }
0x67: {  	[tilespmem:v2+s16+$0x0] =	vst.idx.add.f32.msk $0xffff, v1  }
0x68: {  	v2 =	vld [tilespmem:$0x1F0];
	_ =	sdelay $0x7  }
0x69: {  	[tilespmem:v2+s16+$0x0] =	vst.idx.add.f32.msk $0xffff, v1  }
0x6a: {  	v2 =	vld [tilespmem:$0x200];
	_ =	sdelay $0x7  }
0x6b: {  	[tilespmem:v2+s16+$0x0] =	vst.idx.add.f32.msk $0xffff, v1  }
0x6c: {  	v2 =	vld [tilespmem:$0x210];
	_ =	sdelay $0x7  }
0x6d: {  	[tilespmem:v2+s16+$0x0] =	vst.idx.add.f32.msk $0xffff, v1  }
0x6e: {  	v2 =	vld [tilespmem:$0x220];
	_ =	sdelay $0x7  }
0x6f: {  	[tilespmem:v2+s16+$0x0] =	vst.idx.add.f32.msk $0xffff, v1  }
0x70: {  	_ =	swait.ge [sflag:s19], $0x50  }
0x71: {  	[sflag:s19] =	ssyncset.done $0x0  }
0x72: {  	[sflag:s19] =	ssyncadd.s32 $0xFFFFFFB0  }
0x73: {  	_ =	swait.ge [sflag:s19], $0x50  }
0x74: {  	[sflag:s19] =	ssyncset.done $0x0  }
0x75: {  	s0 =	simm.s32 $0xA0;
	s29 =	simm.s32 $0x1720;
	[sflag:s19] =	ssyncadd.s32 $0xFFFFFFB0  }
0x76: {  	[tilespmem:s29], [sflag:$0x8] =	stream.indirect.gather [spmem:s20], $0x20, s0, s31, $0xb8;
	[tilespmem:$0x14FA0] =	vst v63  }
0x77: {  	v2 =	vld [tilespmem:$0x230];
	_ =	sdelay $0x7  }
0x78: {  	[tilespmem:v2+s16+$0x0] =	vst.idx.add.f32.msk $0xffff, v1  }
0x79: {  	v2 =	vld [tilespmem:$0x240];
	_ =	sdelay $0x7  }
0x7a: {  	[tilespmem:v2+s16+$0x0] =	vst.idx.add.f32.msk $0xffff, v1  }
0x7b: {  	v2 =	vld [tilespmem:$0x250];
	_ =	sdelay $0x7  }
0x7c: {  	[tilespmem:v2+s16+$0x0] =	vst.idx.add.f32.msk $0xffff, v1  }
0x7d: {  	v2 =	vld [tilespmem:$0x260];
	_ =	sdelay $0x7  }
0x7e: {  	[tilespmem:v2+s16+$0x0] =	vst.idx.add.f32.msk $0xffff, v1  }
0x7f: {  	v2 =	vld [tilespmem:$0x270];
	_ =	sdelay $0x7  }
0x80: {  	[tilespmem:v2+s16+$0x0] =	vst.idx.add.f32.msk $0xffff, v1  }
0x81: {  	_ =	swait.ge [sflag:s21], $0x50  }
0x82: {  	[sflag:s21] =	ssyncset.done $0x0  }
0x83: {  	[sflag:s21] =	ssyncadd.s32 $0xFFFFFFB0  }
0x84: {  	_ =	swait.ge [sflag:s21], $0x50  }
0x85: {  	[sflag:s21] =	ssyncset.done $0x0  }
0x86: {  	s17 =	simm.s32 $0xF0;
	s19 =	simm.s32 $0x2120;
	[sflag:s21] =	ssyncadd.s32 $0xFFFFFFB0  }
0x87: {  	[tilespmem:s19], [sflag:$0x9] =	stream.indirect.gather [spmem:s20], $0x20, s17, s31, $0xb8;
	[tilespmem:$0x14FA0] =	vst v63  }
0x88: {  	v2 =	vld [tilespmem:$0x280];
	_ =	sdelay $0x7  }
0x89: {  	[tilespmem:v2+s16+$0x0] =	vst.idx.add.f32.msk $0xffff, v1  }
0x8a: {  	v2 =	vld [tilespmem:$0x290];
	_ =	sdelay $0x7  }
0x8b: {  	[tilespmem:v2+s16+$0x0] =	vst.idx.add.f32.msk $0xffff, v1  }
0x8c: {  	v2 =	vld [tilespmem:$0x2A0];
	_ =	sdelay $0x7  }
0x8d: {  	[tilespmem:v2+s16+$0x0] =	vst.idx.add.f32.msk $0xffff, v1  }
0x8e: {  	v2 =	vld [tilespmem:$0x2B0];
	_ =	sdelay $0x7  }
0x8f: {  	[tilespmem:v2+s16+$0x0] =	vst.idx.add.f32.msk $0xffff, v1  }
0x90: {  	v2 =	vld [tilespmem:$0x2C0];
	_ =	sdelay $0x7  }
0x91: {  	[tilespmem:v2+s16+$0x0] =	vst.idx.add.f32.msk $0xffff, v1  }
0x92: {  	_ =	swait.ge [sflag:s23], $0x50  }
0x93: {  	[sflag:s23] =	ssyncset.done $0x0  }
0x94: {  	[sflag:s23] =	ssyncadd.s32 $0xFFFFFFB0  }
0x95: {  	_ =	swait.ge [sflag:s23], $0x50  }
0x96: {  	[sflag:s23] =	ssyncset.done $0x0  }
0x97: {  	s21 =	simm.s32 $0x2B20;
	[sflag:s23] =	ssyncadd.s32 $0xFFFFFFB0  }
0x98: {  	[tilespmem:s21], [sflag:$0xA] =	stream.indirect.gather [spmem:s20], $0x20, s18, s31, $0xb8;
	[tilespmem:$0x14FA0] =	vst v63  }
0x99: {  	v2 =	vld [tilespmem:$0x2D0];
	_ =	sdelay $0x7  }
0x9a: {  	[tilespmem:v2+s16+$0x0] =	vst.idx.add.f32.msk $0xffff, v1  }
0x9b: {  	v2 =	vld [tilespmem:$0x2E0];
	_ =	sdelay $0x7  }
0x9c: {  	[tilespmem:v2+s16+$0x0] =	vst.idx.add.f32.msk $0xffff, v1  }
0x9d: {  	v2 =	vld [tilespmem:$0x2F0];
	_ =	sdelay $0x7  }
0x9e: {  	[tilespmem:v2+s16+$0x0] =	vst.idx.add.f32.msk $0xffff, v1  }
0x9f: {  	v2 =	vld [tilespmem:$0x300];
	_ =	sdelay $0x7  }
0xa0: {  	[tilespmem:v2+s16+$0x0] =	vst.idx.add.f32.msk $0xffff, v1  }
0xa1: {  	v2 =	vld [tilespmem:$0x310];
	_ =	sdelay $0x7  }
0xa2: {  	[tilespmem:v2+s16+$0x0] =	vst.idx.add.f32.msk $0xffff, v1  }
0xa3: {  	_ =	swait.ge [sflag:s15], $0xA00  }
0xa4: {  	[sflag:s15] =	ssyncset.done $0x0  }
0xa5: {  	s10 =	simm.s32 $0x190;
	[sflag:s15] =	ssyncadd.s32 $0xFFFFF600  }
0xa6: {  	[spmem:s4] =	stream.indirect.scatter.add.f32 [tilespmem:s12], [sflag:$0xB], $0x20, s10, s31, $0xb8;
	[tilespmem:$0x14FA0] =	vst v63  }
0xa7: {  	_ =	swait.ge [sflag:s2], $0xA00  }
0xa8: {  	[sflag:s2] =	ssyncset.done $0x0  }
0xa9: {  	[sflag:s2] =	ssyncadd.s32 $0xFFFFF600  }
0xaa: {  	[spmem:s4] =	stream.indirect.scatter.add.f32 [tilespmem:s14], [sflag:$0xC], $0x20, s30, s31, $0xb8;
	[tilespmem:$0x14FA0] =	vst v63  }
0xab: {  	_ =	swait.ge [sflag:s7], $0xA00  }
0xac: {  	[sflag:s7] =	ssyncset.done $0x0  }
0xad: {  	s14 =	simm.s32 $0x230;
	[sflag:s7] =	ssyncadd.s32 $0xFFFFF600  }
0xae: {  	[spmem:s4] =	stream.indirect.scatter.add.f32 [tilespmem:s29], [sflag:$0xD], $0x20, s14, s31, $0xb8;
	[tilespmem:$0x14FA0] =	vst v63  }
0xaf: {  	_ =	swait.ge [sflag:s25], $0xA00  }
0xb0: {  	[sflag:s25] =	ssyncset.done $0x0  }
0xb1: {  	s29 =	simm.s32 $0x280;
	[sflag:s25] =	ssyncadd.s32 $0xFFFFF600  }
0xb2: {  	[spmem:s4] =	stream.indirect.scatter.add.f32 [tilespmem:s19], [sflag:$0xE], $0x20, s29, s31, $0xb8;
	[tilespmem:$0x14FA0] =	vst v63  }
0xb3: {  	p0 =	seq.s32 s9, $0x81;
	s12 =	sadd.s32 $0xFFFFFFFC, s9;
	_ =	swait.ge [sflag:s1], $0xA00  }
0xb4: {  	s12 =	simm.s32 @p0 $0x0;
	[sflag:s1] =	ssyncset.done $0x0  }
0xb5: {  	s12 =	sadd.s32 s8, s12;
	[sflag:s1] =	ssyncadd.s32 $0xFFFFF600  }
0xb6: {  	[spmem:s4] =	stream.indirect.scatter.add.f32 [tilespmem:s21], [sflag:$0xF], $0x20, s26, s31, $0xb8;
	[tilespmem:$0x14FA0] =	vst v63  }
0xb7: {  	s12 =	smul.u32 $0xA, s12;
	_ =	swait.ge [sflag:s13], $0xA00  }
0xb8: {  	[sflag:s13] =	ssyncset.done $0x0  }
0xb9: {  	s18 =	sadd.s32 s3, s12;
	[sflag:s13] =	ssyncadd.s32 $0xFFFFF600  }
0xba: {  	[tilespmem:s5], [sflag:$0x1] =	stream.linear.gather [hbm4b:s18+s5], $0x50, $0x38;
	[tilespmem:$0x14FA0] =	vst v63  }
0xbb: {  	s12 =	sadd.s32 s6, s12  }
0xbc: {  	[tilespmem:s10], [sflag:$0x1] =	stream.linear.gather [hbm4b:s12+s5], $0x50, $0x38;
	[tilespmem:$0x14FA0] =	vst v63  }
0xbd: {  	s12 =	sadd.s32 $0xFFFFFFFD, s9  }
0xbe: {  	s12 =	simm.s32 @p0 $0x1  }
0xbf: {  	s12 =	sadd.s32 s8, s12  }
0xc0: {  	_ =	swait.ge [sflag:s22], $0xA00;
	s12 =	smul.u32 $0xA, s12  }
0xc1: {  	[sflag:s22] =	ssyncset.done $0x0  }
0xc2: {  	[sflag:s22] =	ssyncadd.s32 $0xFFFFF600;
	s10 =	sadd.s32 s3, s12  }
0xc3: {  	[tilespmem:s31], [sflag:$0x2] =	stream.linear.gather [hbm4b:s10+s5], $0x50, $0x38;
	[tilespmem:$0x14FA0] =	vst v63  }
0xc4: {  	s12 =	sadd.s32 s6, s12  }
0xc5: {  	[tilespmem:s30], [sflag:$0x2] =	stream.linear.gather [hbm4b:s12+s5], $0x50, $0x38;
	[tilespmem:$0x14FA0] =	vst v63  }
0xc6: {  	s12 =	sadd.s32 $0xFFFFFFFE, s9  }
0xc7: {  	s12 =	simm.s32 @p0 $0x2  }
0xc8: {  	s12 =	sadd.s32 s8, s12  }
0xc9: {  	_ =	swait.ge [sflag:s24], $0xA00;
	s12 =	smul.u32 $0xA, s12  }
0xca: {  	[sflag:s24] =	ssyncset.done $0x0  }
0xcb: {  	[sflag:s24] =	ssyncadd.s32 $0xFFFFF600;
	s10 =	sadd.s32 s3, s12  }
0xcc: {  	[tilespmem:s0], [sflag:$0x3] =	stream.linear.gather [hbm4b:s10+s5], $0x50, $0x38;
	[tilespmem:$0x14FA0] =	vst v63  }
0xcd: {  	s12 =	sadd.s32 s6, s12  }
0xce: {  	[tilespmem:s14], [sflag:$0x3] =	stream.linear.gather [hbm4b:s12+s5], $0x50, $0x38;
	[tilespmem:$0x14FA0] =	vst v63  }
0xcf: {  	s12 =	sadd.s32 $0xFFFFFFFF, s9  }
0xd0: {  	s12 =	simm.s32 @p0 $0x3  }
0xd1: {  	s12 =	sadd.s32 s8, s12  }
0xd2: {  	_ =	swait.ge [sflag:s11], $0xA00;
	s12 =	smul.u32 $0xA, s12  }
0xd3: {  	p1 =	sne.s32 s9, $0x81;
	s0 =	sadd.s32 $0x5, s9;
	[sflag:s11] =	ssyncset.done $0x0  }
0xd4: {  	s9 =	simm.s32 @p0 $0x4;
	[sflag:s11] =	ssyncadd.s32 $0xFFFFF600;
	s10 =	sadd.s32 s3, s12  }
0xd5: {  	[tilespmem:s17], [sflag:$0x4] =	stream.linear.gather [hbm4b:s10+s5], $0x50, $0x38;
	[tilespmem:$0x14FA0] =	vst v63  }
0xd6: {  	s19 =	simm.s32 $0x3;
	s9 =	sadd.s32 s8, s9;
	s12 =	sadd.s32 s6, s12  }
0xd7: {  	[tilespmem:s29], [sflag:$0x4] =	stream.linear.gather [hbm4b:s12+s5], $0x50, $0x38;
	[tilespmem:$0x14FA0] =	vst v63  }
0xd8: {  	s21 =	simm.s32 $0x4;
	s9 =	smul.u32 $0xA, s9;
	_ =	swait.ge [sflag:s28], $0xA00  }
0xd9: {  	s26 =	simm.s32 $0x140;
	s18 =	simm.s32 $0x140;
	[sflag:s28] =	ssyncset.done $0x0  }
.Ltmp1:
0xda: {  	s29 =	sadd.s32 s3, s9;
	[sflag:s28] =	ssyncadd.s32 $0xFFFFF600;
	(pc) =	sbr.rel @p1 .LBB2_4-.Ltmp1, $4  }
0xdb: {  	[tilespmem:s26], [sflag:$0x5] =	stream.linear.gather [hbm4b:s29+s5], $0x50, $0x38;
	[tilespmem:$0x14FA0] =	vst v63  }
0xdc: {  	s14 =	simm.s32 $0x1;
	s9 =	sadd.s32 s6, s9;
	s26 =	simm.s32 $0x2D0  }
0xdd: {  	[tilespmem:s26], [sflag:$0x5] =	stream.linear.gather [hbm4b:s9+s5], $0x50, $0x38;
	[tilespmem:$0x14FA0] =	vst v63  }
0xde: {  	s17 =	simm.s32 $0x2;
	s10 =	simm.s32 $0x280;
	s9 =	smov.u32 s0  }
0xdf: {  	_ =	swait.ge [sflag:s14], $0x50  }
0xe0: {  	[sflag:s14] =	ssyncset.done $0x0  }
0xe1: {  	[sflag:s14] =	ssyncadd.s32 $0xFFFFFFB0  }
0xe2: {  	_ =	swait.ge [sflag:s14], $0x50  }
0xe3: {  	[sflag:s14] =	ssyncset.done $0x0  }
0xe4: {  	[sflag:s14] =	ssyncadd.s32 $0xFFFFFFB0  }
0xe5: {  	_ =	swait.ge [sflag:s17], $0x50  }
0xe6: {  	[sflag:s17] =	ssyncset.done $0x0  }
0xe7: {  	[sflag:s17] =	ssyncadd.s32 $0xFFFFFFB0  }
0xe8: {  	_ =	swait.ge [sflag:s17], $0x50  }
0xe9: {  	[sflag:s17] =	ssyncset.done $0x0  }
0xea: {  	[sflag:s17] =	ssyncadd.s32 $0xFFFFFFB0  }
0xeb: {  	_ =	swait.ge [sflag:s19], $0x50  }
0xec: {  	[sflag:s19] =	ssyncset.done $0x0  }
0xed: {  	[sflag:s19] =	ssyncadd.s32 $0xFFFFFFB0  }
0xee: {  	_ =	swait.ge [sflag:s19], $0x50  }
0xef: {  	[sflag:s19] =	ssyncset.done $0x0  }
0xf0: {  	[sflag:s19] =	ssyncadd.s32 $0xFFFFFFB0  }
0xf1: {  	_ =	swait.ge [sflag:s21], $0x50  }
0xf2: {  	[sflag:s21] =	ssyncset.done $0x0  }
0xf3: {  	[sflag:s21] =	ssyncadd.s32 $0xFFFFFFB0  }
0xf4: {  	_ =	swait.ge [sflag:s21], $0x50  }
0xf5: {  	[sflag:s21] =	ssyncset.done $0x0  }
0xf6: {  	[sflag:s21] =	ssyncadd.s32 $0xFFFFFFB0  }
0xf7: {  	_ =	swait.ge [sflag:s23], $0x50  }
0xf8: {  	[sflag:s23] =	ssyncset.done $0x0  }
0xf9: {  	[sflag:s23] =	ssyncadd.s32 $0xFFFFFFB0  }
0xfa: {  	_ =	swait.ge [sflag:s23], $0x50  }
0xfb: {  	[sflag:s23] =	ssyncset.done $0x0  }
0xfc: {  	[sflag:s23] =	ssyncadd.s32 $0xFFFFFFB0  }
0xfd: {  	[bflag:$0x0] =	sbarrier.arrive $0xFFFF  }
0xfe: {  	s12 =	simm.s32 $0x10;
	s9 =	rddreg [dreg:$0xf]  }
0xff: {  	[spmem:s9] =	stream.linear.scatter [tilespmem:s16], [sflag:$0x10], $0x2800, $0x38;
	[tilespmem:$0x14FA0] =	vst v63  }
0x100: {  	_ =	swait.ge [sflag:s12], $0x2800  }
0x101: {  	[sflag:s12] =	ssyncset.done $0x0  }
0x102: {  	[sflag:s12] =	ssyncadd.s32 $0xFFFFD800  }
0x103: {  	[bflag:$0x0] =	sbarrier.arrive $0xFFFF  }
0x104: {  	s0 =	rddreg [dreg:$0x8]  }
0x105: {  	s4 =	rddreg [dreg:$0x16]  }
0x106: {  	s1 =	rddreg [dreg:$0x1b]  }
0x107: {  	[hbm:s4], [sflag:s0] =	dma.local [spmem:s1], $0xA00  }
0x108: {  	_ =	swait.ge [sflag:s12], $0xA00  }
0x109: {  	s20 =	simm.s32 $0x2800;
	[sflag:s12] =	ssyncset.done $0x0  }
0x10a: {  	s29 =	simm.s32 $0xFD20;
	s18 =	rddreg [dreg:$0x10];
	[sflag:s12] =	ssyncadd.s32 $0xFFFFF600  }
0x10b: {  	[tilespmem:s29], [sflag:$0x10] =	stream.strided.gather [spmem:s18], $0x2800, s20, s10, $0x38;
	[tilespmem:$0x14FA0] =	vst v63  }
0x10c: {  	_ =	swait.ge [sflag:s12], $0x2800  }
0x10d: {  	[sflag:s12] =	ssyncset.done $0x0  }
0x10e: {  	s18 =	simm.s32 $0x0;
	[sflag:s12] =	ssyncadd.s32 $0xFFFFD800  }
0x10f: {  	v2 =	vld [tilespmem:s18+$0xFD20]  }
0x110: {  	v3 =	vld [tilespmem:s18+$0xFFA0];
	_ =	sdelay $0x1  }
0x111: {  	v4 =	vld [tilespmem:s18+$0x10220];
	_ =	sdelay $0x1  }
0x112: {  	v5 =	vld [tilespmem:s18+$0x104A0]  }
0x113: {  	v2 =	vadd.f32 v3, v2  }
0x114: {  	v3 =	vld [tilespmem:s18+$0x10720]  }
0x115: {  	v2 =	vadd.f32 v4, v2  }
0x116: {  	v4 =	vld [tilespmem:s18+$0x109A0]  }
0x117: {  	v2 =	vadd.f32 v5, v2  }
0x118: {  	v5 =	vld [tilespmem:s18+$0x10C20]  }
0x119: {  	v2 =	vadd.f32 v3, v2  }
0x11a: {  	v3 =	vld [tilespmem:s18+$0x10EA0]  }
0x11b: {  	s9 =	simm.s32 $0x10;
	v6 =	vld [tilespmem:s18+$0x11120];
	v2 =	vadd.f32 v4, v2  }
0x11c: {  	v7 =	vld [tilespmem:s9+$0xFD20]  }
0x11d: {  	v4 =	vld [tilespmem:s18+$0x113A0];
	v2 =	vadd.f32 v5, v2  }
0x11e: {  	v5 =	vld [tilespmem:s9+$0xFFA0]  }
0x11f: {  	v8 =	vld [tilespmem:s9+$0x10220];
	v2 =	vadd.f32 v3, v2  }
0x120: {  	v3 =	vld [tilespmem:s18+$0x11620]  }
0x121: {  	v9 =	vld [tilespmem:s9+$0x104A0];
	v2 =	vadd.f32 v6, v2  }
0x122: {  	v6 =	vld [tilespmem:s18+$0x118A0]  }
0x123: {  	v5 =	vadd.f32 v5, v7;
	v7 =	vld [tilespmem:s9+$0x10720];
	v2 =	vadd.f32 v4, v2  }
0x124: {  	v4 =	vld [tilespmem:s18+$0x11B20]  }
0x125: {  	v5 =	vadd.f32 v8, v5;
	v8 =	vld [tilespmem:s9+$0x109A0];
	v2 =	vadd.f32 v3, v2  }
0x126: {  	v3 =	vld [tilespmem:s18+$0x11DA0]  }
0x127: {  	v10 =	vld [tilespmem:s9+$0x10C20];
	v5 =	vadd.f32 v9, v5;
	v2 =	vadd.f32 v6, v2  }
0x128: {  	v9 =	vld [tilespmem:s18+$0x12020]  }
0x129: {  	v6 =	vadd.f32 v7, v5;
	v5 =	vld [tilespmem:s9+$0x10EA0];
	v7 =	vadd.f32 v4, v2  }
0x12a: {  	v4 =	vld [tilespmem:s18+$0x122A0]  }
0x12b: {  	v2 =	vld [tilespmem:s9+$0x113A0];
	v8 =	vadd.f32 v8, v6;
	v11 =	vadd.f32 v3, v7  }
0x12c: {  	s12 =	simm.s32 $0x20;
	v6 =	vld [tilespmem:s9+$0x11120]  }
0x12d: {  	s20 =	simm.s32 $0xC0;
	v3 =	vld [tilespmem:s12+$0xFD20];
	v7 =	vadd.f32 v10, v8;
	v8 =	vadd.f32 v9, v11  }
.LBB2_6:
0x12e: {  	p0 =	sne.s32 s20, $0x9C0;
	v9 =	vld [tilespmem:s12+$0xFFA0]  }
0x12f: {  	v5 =	vadd.f32 v5, v7;
	v7 =	vld [tilespmem:s9+$0x11620];
	v4 =	vadd.f32 v4, v8  }
0x130: {  	v8 =	vld [tilespmem:s12+$0x10220]  }
0x131: {  	v5 =	vadd.f32 v6, v5;
	v6 =	vld [tilespmem:s9+$0x118A0];
	[tilespmem:s18+$0x12520] =	vst v4;
	s18 =	smov.u32 s9;
	s9 =	smov.u32 s12  }
0x132: {  	v4 =	vld [tilespmem:s9+$0x104A0]  }
0x133: {  	v3 =	vadd.f32 v9, v3;
	v2 =	vadd.f32 v2, v5;
	v5 =	vld [tilespmem:s18+$0x11B20]  }
0x134: {  	v9 =	vld [tilespmem:s9+$0x10720]  }
0x135: {  	v3 =	vadd.f32 v8, v3;
	v2 =	vadd.f32 v7, v2;
	v7 =	vld [tilespmem:s18+$0x11DA0]  }
0x136: {  	v8 =	vld [tilespmem:s9+$0x109A0]  }
0x137: {  	v3 =	vadd.f32 v4, v3;
	v2 =	vadd.f32 v6, v2;
	v10 =	vld [tilespmem:s18+$0x12020]  }
0x138: {  	v11 =	vld [tilespmem:s9+$0x10C20]  }
.Ltmp2:
0x139: {  	v3 =	vadd.f32 v9, v3;
	v6 =	vadd.f32 v5, v2;
	v4 =	vld [tilespmem:s18+$0x122A0];
	(pc) =	sbr.rel @p0 .LBB2_6-.Ltmp2, $4  }
0x13a: {  	v5 =	vld [tilespmem:s9+$0x10EA0]  }
0x13b: {  	v8 =	vadd.f32 v8, v3;
	v2 =	vld [tilespmem:s9+$0x113A0];
	v9 =	vadd.f32 v7, v6  }
0x13c: {  	s12 =	sshra.s32 s20, $0x2;
	v6 =	vld [tilespmem:s9+$0x11120]  }
0x13d: {  	s20 =	sadd.s32 $0x40, s20;
	v3 =	vld [tilespmem:s12+$0xFD20];
	v7 =	vadd.f32 v11, v8;
	v8 =	vadd.f32 v10, v9  }
0x13e: {  	v9 =	vld [tilespmem:s12+$0xFFA0]  }
0x13f: {  	v10 =	vld [tilespmem:s9+$0x11620];
	v4 =	vadd.f32 v4, v8  }
0x140: {  	v49 =	vld [tilespmem:s12+$0x10220]  }
0x141: {  	v11 =	vld [tilespmem:s9+$0x118A0];
	v5 =	vadd.f32 v5, v7;
	[tilespmem:s18+$0x12520] =	vst v4  }
0x142: {  	v4 =	vld [tilespmem:s12+$0x104A0]  }
0x143: {  	v5 =	vadd.f32 v6, v5;
	v3 =	vadd.f32 v9, v3  }
0x144: {  	v50 =	vld [tilespmem:s12+$0x10720]  }
0x145: {  	v51 =	vld [tilespmem:s9+$0x11B20];
	v2 =	vadd.f32 v2, v5;
	v3 =	vadd.f32 v49, v3  }
0x146: {  	v52 =	vld [tilespmem:s12+$0x109A0]  }
0x147: {  	v53 =	vld [tilespmem:s9+$0x11DA0];
	v2 =	vadd.f32 v10, v2;
	v3 =	vadd.f32 v4, v3  }
0x148: {  	v54 =	vld [tilespmem:s12+$0x10C20]  }
0x149: {  	v55 =	vld [tilespmem:s9+$0x12020];
	v2 =	vadd.f32 v11, v2;
	v3 =	vadd.f32 v50, v3  }
0x14a: {  	v56 =	vld [tilespmem:s12+$0x10EA0]  }
0x14b: {  	v57 =	vld [tilespmem:s9+$0x122A0];
	v2 =	vadd.f32 v51, v2;
	v3 =	vadd.f32 v52, v3  }
0x14c: {  	v58 =	vld [tilespmem:s12+$0x11120]  }
0x14d: {  	v2 =	vadd.f32 v53, v2;
	v3 =	vadd.f32 v54, v3  }
0x14e: {  	v59 =	vld [tilespmem:s12+$0x113A0]  }
0x14f: {  	v2 =	vadd.f32 v55, v2;
	v3 =	vadd.f32 v56, v3  }
0x150: {  	v60 =	vld [tilespmem:s12+$0x11620]  }
0x151: {  	v2 =	vadd.f32 v57, v2;
	v3 =	vadd.f32 v58, v3  }
0x152: {  	v61 =	vld [tilespmem:s12+$0x118A0]  }
0x153: {  	[tilespmem:s9+$0x12520] =	vst v2;
	v2 =	vadd.f32 v59, v3  }
0x154: {  	v3 =	vld [tilespmem:s12+$0x11B20]  }
0x155: {  	v2 =	vadd.f32 v60, v2  }
0x156: {  	v62 =	vld [tilespmem:s12+$0x11DA0]  }
0x157: {  	v2 =	vadd.f32 v61, v2  }
0x158: {  	v63 =	vld [tilespmem:s12+$0x12020]  }
0x159: {  	v2 =	vadd.f32 v3, v2  }
0x15a: {  	v3 =	vld [tilespmem:s12+$0x122A0]  }
0x15b: {  	v2 =	vadd.f32 v62, v2;
	_ =	sdelay $0x1  }
0x15c: {  	v2 =	vadd.f32 v63, v2;
	_ =	sdelay $0x1  }
0x15d: {  	v2 =	vadd.f32 v3, v2;
	_ =	sdelay $0x1  }
0x15e: {  	s0 =	simm.s32 $0x12520;
	s18 =	rddreg [dreg:$0x17];
	[tilespmem:s12+$0x12520] =	vst v2  }
0x15f: {  	[hbm4b:s18+s5] =	stream.linear.scatter [tilespmem:s0], [sflag:$0x10], $0x280, $0x38;
	[tilespmem:$0x14FA0] =	vst v63  }
0x160: {  	s18 =	simm.s32 $0x10  }
0x161: {  	_ =	swait.ge [sflag:s18], $0x280  }
0x162: {  	s20 =	rddreg [dreg:$0x1a]  }
0x163: {  	s29 =	rddreg [dreg:$0x18];
	s0 =	sadd.s32 $0x1, s20  }
0x164: {  	p0 =	sne.s32 s0, s29  }
.Ltmp3:
0x165: {  	_ = 	snop;
	(pc) =	sbr.rel @p0 .LBB2_1-.Ltmp3, $3  }
0x166: {  	_ =	sdelay $0x1  }
0x167: {  	[sflag:s18] =	ssyncset.done $0x0  }
0x168: {  	s3 =	rddreg [dreg:$0x8];
	[sflag:s18] =	ssyncadd.s32 $0xFFFFFD80  }
0x169: {  	_ =	sfence.sel $0x180000  }
0x16a: {  	[bflag:$0x0] =	sbarrier.arrive $0xFFFF  }
0x16b: {  	_ =	strace $0x90000047  }
0x16c: {  	s0 =	stileid.u32;
	[bflag:$0x2] =	sbarrier.arrive $0xFFFF  }
0x16d: {  	p0 =	sne.s32 s0, $0x0;
	s0 =	rddreg [dreg:$0x5]  }
0x16e: {  	s0 =	sadd.s32 @!p0 $0x100000, s0  }
0x16f: {  	[sflag:s0] =	ssyncadd.tile.s32 @!p0 $0x1;
	_ =	shalt  }
.Lfunc_end2:
_tile_overlayer_lowered:
.L_overlay_start_2:
0x170: {  	(tag) =	ssettag $0x2  }
0x171: {  	s0 =	rddreg [dreg:$0x0];
	s2 =	stileid.u32  }
0x172: {  	s1 =	rddreg [dreg:$0x1];
	p0 =	sne.s32 s2, $0x0  }
0x173: {  	s3 =	rddreg [dreg:$0x2];
	[bflag:$0x3] =	sbarrier.arrive $0xFFFF;
	s2 =	simm.s32 @!p0 $0x1C10  }
0x174: {  	[timem:s3], [sflag:s2] =	dma.local @!p0 [hbm:s0], s1  }
0x175: {  	s0 =	simm.s32 @!p0 $0x10  }
0x176: {  	_ =	swait.ge @!p0 [sflag:s0], s1  }
0x177: {  	s1 =	ssub.s32 @!p0 $0x0, s1;
	[sflag:s0] =	ssyncset.done @!p0 $0x0  }
0x178: {  	[sflag:s0] =	ssyncadd.s32 @!p0 s1  }
0x179: {  	[bflag:$0x3] =	sbarrier.arrive $0xFFFF  }
0x17a: {  	_ =	shalt  }

// kernel: kernel.7.cloned.1.call-start
scs
__scs_entry_jumppad:
0x0: {  	(pc) =	sbr.rel $0x88, $3  }
0x1: {  	(tag) =	ssettag $0x0;
	lr =	simm.s32 $0x1  }
0x2: {  	[smem:$0x3F9B] =	sst lr;
	_ =	strace $0xD0000000  }
0x3: {  	_ = 	snop  }
0x4: {  	_ = 	snop  }
0x5: {  	_ = 	snop  }
0x6: {  	_ = 	snop  }
0x7: {  	_ = 	snop  }
__scs_overlays_trampoline_lowered:
0x8: {  	[smem:$0x3FAA] =	sst s0  }
0x9: {  	[smem:$0x3FAB] =	sst s1  }
0xa: {  	[smem:$0x3FAC] =	sst s2  }
0xb: {  	[smem:$0x3FAD] =	sst s3  }
0xc: {  	[smem:$0x3FAE] =	sst s4  }
0xd: {  	[smem:$0x3FAF] =	sst s5  }
0xe: {  	[smem:$0x3FB0] =	sst s6  }
0xf: {  	[smem:$0x3FB1] =	sst s7  }
0x10: {  	[smem:$0x3FB2] =	sst s8  }
0x11: {  	[smem:$0x3FB3] =	sst s9;
	s0 =	simm.s32 @!p0 $0x0  }
0x12: {  	s1 =	sld [smem:$0x3F99];
	s0 =	simm.s32 @p0 $0x1  }
0x13: {  	[smem:$0x3FB4] =	sst s0;
	s0 =	simm.s32 @!p1 $0x0  }
0x14: {  	s2 =	sld [smem:$0x3F98];
	s0 =	simm.s32 @p1 $0x1  }
0x15: {  	[smem:$0x3FB5] =	sst s0;
	s0 =	simm.s32 @!p2 $0x0  }
0x16: {  	s3 =	sld [smem:$0x3FDB];
	s0 =	simm.s32 @p2 $0x1  }
0x17: {  	s4 =	simm.s32 $0x1BF5;
	[smem:$0x3FB7] =	sst s0  }
0x18: {  	s0 =	sld [smem:$0x3F9A];
	_ =	swait.ge [sflag:s4], $0x0  }
0x19: {  	s7 =	sld [smem:$0x3F9B]  }
0x1a: {  	s8 =	sadd.s32 $0xFFFFE003, lr  }
0x1b: {  	s9 =	sadd.s32 $0xFFFFFEF7, lr;
	s5 =	simm.s32 $0xFFFFFFFF;
	p2 =	slt.u32 s8, $0xFFFFF086  }
0x1c: {  	p1 =	slt.u32 s9, $0xF7A;
	s5 =	simm.s32 @!p2 $0x0  }
0x1d: {  	s5 =	simm.s32 @p1 $0x1;
	p0 =	seq.s32 s7, s2  }
0x1e: {  	s7 =	smul.u32 @!p0 $0xF7A, s2;
	p2 =	seq.s32 @!p0 s5, $0x0  }
0x1f: {  	s9 =	smul.u32 $0xF7A, s1;
	s8 =	simm.s32 @!p0 $0x1BF5;
	p2 =	por !p2, p0  }
0x20: {  	[sflag:s8] =	ssyncset.s32 @!p0 $0xFFFFF086;
	s6 =	sadd.s32 @!p0 s3, s7;
	s7 =	simm.s32 @!p0 $0x108  }
0x21: {  	s3 =	sadd.s32 s3, s9;
	s6 =	sadd.s32 @!p0 $0x88, s6;
	s7 =	simm.s32 @p2 $0x1082  }
0x22: {  	[simem:s7], [sflag:s8] =	dma.local @!p0 [hbm:s6], $0xF7A  }
0x23: {  	s9 =	sor.u32 $0xD0000000, s2;
	s6 =	simm.s32 $0x108;
	_ =	swait.ge @!p0 [sflag:s8], $0x0  }
0x24: {  	s3 =	sadd.s32 $0x88, s3;
	s6 =	simm.s32 @!p1 $0x1082;
	[sflag:s4] =	ssyncset.s32 $0xFFFFF086  }
0x25: {  	[simem:s6], [sflag:s4] =	dma.local [hbm:s3], $0xF7A  }
0x26: {  	[smem:$0x3F9B] =	sst s1;
	(tag) =	ssettag s2;
	_ =	strace s9  }
0x27: {  	s1 =	sld [smem:$0x3FAB]  }
0x28: {  	s2 =	sld [smem:$0x3FAC]  }
0x29: {  	s4 =	sld [smem:$0x3FAE]  }
0x2a: {  	p0 =	seq.s32 s5, $0x0;
	s5 =	sld [smem:$0x3FAF]  }
0x2b: {  	s6 =	sld [smem:$0x3FB0]  }
0x2c: {  	s7 =	sld [smem:$0x3FB1]  }
0x2d: {  	s3 =	simm.s32 $0x108;
	s8 =	sld [smem:$0x3FB2]  }
0x2e: {  	s3 =	simm.s32 @!p0 $0x1082;
	s9 =	sld [smem:$0x3FB3]  }
0x2f: {  	lr =	sadd.s32 s0, s3;
	s0 =	sld [smem:$0x3FAA]  }
0x30: {  	s3 =	sld [smem:$0x3FAD]  }
0x31: {  	[smem:$0x3FB6] =	sst s10  }
0x32: {  	s10 =	sld [smem:$0x3FB4];
	_ =	sdelay $0x3  }
0x33: {  	p0 =	seq.s32 s10, $0x1;
	s10 =	sld [smem:$0x3FB6];
	_ =	sdelay $0x3  }
0x34: {  	[smem:$0x3FB6] =	sst s10  }
0x35: {  	s10 =	sld [smem:$0x3FB5];
	_ =	sdelay $0x3  }
0x36: {  	p1 =	seq.s32 s10, $0x1;
	s10 =	sld [smem:$0x3FB6];
	_ =	sdelay $0x3  }
0x37: {  	[smem:$0x3FB6] =	sst s10  }
0x38: {  	s10 =	sld [smem:$0x3FB7]  }
0x39: {  	_ = 	snop;
	(pc) =	sbr.ind lr, $3  }
0x3a: {  	_ = 	snop  }
0x3b: {  	_ = 	snop  }
0x3c: {  	p2 =	seq.s32 s10, $0x1;
	s10 =	sld [smem:$0x3FB6]  }
0x3d: {  	_ =	shalt  }
0x3e: {  	_ =	shalt  }
0x3f: {  	_ =	shalt  }
0x40: {  	_ =	shalt  }
0x41: {  	_ =	shalt  }
0x42: {  	_ =	shalt  }
0x43: {  	_ =	shalt  }
0x44: {  	_ =	shalt  }
0x45: {  	_ =	shalt  }
0x46: {  	_ =	shalt  }
0x47: {  	_ =	shalt  }
0x48: {  	_ =	shalt  }
0x49: {  	_ =	shalt  }
0x4a: {  	_ =	shalt  }
0x4b: {  	_ =	shalt  }
0x4c: {  	_ =	shalt  }
0x4d: {  	_ =	shalt  }
0x4e: {  	_ =	shalt  }
0x4f: {  	_ =	shalt  }
0x50: {  	_ =	shalt  }
0x51: {  	_ =	shalt  }
0x52: {  	_ =	shalt  }
0x53: {  	_ =	shalt  }
0x54: {  	_ =	shalt  }
0x55: {  	_ =	shalt  }
0x56: {  	_ =	shalt  }
0x57: {  	_ =	shalt  }
0x58: {  	_ =	shalt  }
0x59: {  	_ =	shalt  }
0x5a: {  	_ =	shalt  }
0x5b: {  	_ =	shalt  }
0x5c: {  	_ =	shalt  }
0x5d: {  	_ =	shalt  }
0x5e: {  	_ =	shalt  }
0x5f: {  	_ =	shalt  }
0x60: {  	_ =	shalt  }
0x61: {  	_ =	shalt  }
0x62: {  	_ =	shalt  }
0x63: {  	_ =	shalt  }
0x64: {  	_ =	shalt  }
0x65: {  	_ =	shalt  }
0x66: {  	_ =	shalt  }
0x67: {  	_ =	shalt  }
0x68: {  	_ =	shalt  }
0x69: {  	_ =	shalt  }
0x6a: {  	_ =	shalt  }
0x6b: {  	_ =	shalt  }
0x6c: {  	_ =	shalt  }
0x6d: {  	_ =	shalt  }
0x6e: {  	_ =	shalt  }
0x6f: {  	_ =	shalt  }
0x70: {  	_ =	shalt  }
0x71: {  	_ =	shalt  }
0x72: {  	_ =	shalt  }
0x73: {  	_ =	shalt  }
0x74: {  	_ =	shalt  }
0x75: {  	_ =	shalt  }
0x76: {  	_ =	shalt  }
0x77: {  	_ =	shalt  }
0x78: {  	_ =	shalt  }
0x79: {  	_ =	shalt  }
0x7a: {  	_ =	shalt  }
0x7b: {  	_ =	shalt  }
0x7c: {  	_ =	shalt  }
0x7d: {  	_ =	shalt  }
0x7e: {  	_ =	shalt  }
0x7f: {  	_ =	shalt  }
0x80: {  	_ =	shalt  }
0x81: {  	_ =	shalt  }
0x82: {  	_ =	shalt  }
0x83: {  	_ =	shalt  }
0x84: {  	_ =	shalt  }
0x85: {  	_ =	shalt  }
0x86: {  	_ =	shalt  }
0x87: {  	_ =	shalt  }
.Lfunc_end0:
.L_simem_size_0:
called_computation.1_lowered:
.L_overlay_start_0:
0x88: {  	s2 =	sld [smem:$0x3FD9]  }
0x89: {  	s3 =	sld [smem:$0x3FFE];
	_ =	sdelay $0x1  }
0x8a: {  	s1 =	srdreg.scid  }
0x8b: {  	s0 =	sand.u32 $0x1, s1  }
0x8c: {  	s17 =	sshll.u32 s0, $0xA;
	s2 =	sadd.s32 s3, s2  }
0x8d: {  	s2 =	sadd.s32 s2, s17  }
0x8e: {  	[smem:$0x3FC2] =	sst s2  }
0x8f: {  	_ = 	snop  }
0x90: {  	s2 =	sld [smem:$0x3FD0];
	(tm) =	ssettm $0x1  }
0x91: {  	s18 =	sld [smem:$0x3FFB];
	_ =	sdelay $0x3  }
0x92: {  	_ =	strace s18  }
0x93: {  	s3 =	sld [smem:$0x3FFC];
	_ =	sdelay $0x3  }
0x94: {  	_ =	strace s3  }
0x95: {  	s3 =	sld [smem:$0x3FFD];
	_ =	sdelay $0x3  }
0x96: {  	_ =	strace s3  }
0x97: {  	_ =	strace $0x8FFFFFFF  }
0x98: {  	s19 =	sld [smem:$0x3FDB];
	_ =	sdelay $0x1  }
0x99: {  	s4 =	simm.s32 $_scs_section_size  }
0x9a: {  	s5 =	simm.s32 $_size__tile_overlayer_lowered;
	s6 =	simm.s32 $_tile_overlayer_lowered  }
0x9b: {  	s22 =	simm.s32 $0x1BFF;
	s21 =	sshll.u32 s6, $0x1;
	s3 =	sadd.s32 s4, s19  }
0x9c: {  	s7 =	simm.s32 $0x0;
	s20 =	sshll.u32 s5, $0x1;
	s5 =	sadd.s32 s21, s3  }
0x9d: {  	[timem:s7], [sflag:s22] =	dma.local [hbm:s5], s20  }
0x9e: {  	_ =	swait.ge [sflag:s22], s20  }
0x9f: {  	s4 =	ssub.s32 $0x0, s20;
	[sflag:s22] =	ssyncset.done $0x0  }
0xa0: {  	[sflag:s22] =	ssyncadd.s32 s4;
	_ =	sdelay $0x1  }
0xa1: {  	s23 =	simm.s32 $0x1B8B  }
0xa2: {  	_ =	swait.ge [sflag:s23], $0x1  }
0xa3: {  	[sflag:s23] =	ssyncset.done $0x0  }
0xa4: {  	s25 =	simm.s32 $0x1B8E;
	s24 =	sld [smem:$0x3FFE];
	[sflag:s23] =	ssyncadd.s32 $0xFFFFFFFF  }
0xa5: {  	s26 =	simm.s32 $execute0_lowered;
	[smem:$0x3FD2] =	sst s25  }
0xa6: {  	s5 =	sshll.u32 s26, $0x1;
	_ =	strace $0x80000049;
	[dreg:$0x1] =	wrdreg $0xFFFFFFFF  }
0xa7: {  	s28 =	simm.s32 $_size_execute0_lowered;
	s3 =	sadd.s32 s3, s5;
	[dreg:$0x0] =	wrdreg $0x0  }
0xa8: {  	s5 =	sshll.u32 s28, $0x1;
	[dreg:$0x2] =	wrdreg s3  }
0xa9: {  	[dreg:$0x3] =	wrdreg s5  }
0xaa: {  	[dreg:$0x4] =	wrdreg $0xC0  }
0xab: {  	_ =	task [dreg:s7], $0x5FFFF  }
0xac: {  	[dreg:$0x1] =	wrdreg $0xFFFFFFFF  }
0xad: {  	[dreg:$0x0] =	wrdreg $0x60  }
0xae: {  	[dreg:$0x2] =	wrdreg s24  }
0xaf: {  	[dreg:$0x3] =	wrdreg s2  }
0xb0: {  	[dreg:$0x4] =	wrdreg $0x35200  }
0xb1: {  	[dreg:$0x5] =	wrdreg $0x85200  }
0xb2: {  	[dreg:$0x6] =	wrdreg $0x9  }
0xb3: {  	_ =	task.clear_ibuf [dreg:s7], $0x7FFFF;
	_ =	strace $0x90000049  }
0xb4: {  	s29 =	simm.s32 $0x9;
	_ =	strace $0x8000004B  }
0xb5: {  	_ =	swait.ge [sflag:s29], $0x1  }
0xb6: {  	[sflag:s29] =	ssyncadd.s32 $0xFFFFFFFF  }
0xb7: {  	_ =	strace $0x9000004B  }
0xb8: {  	_ =	sfence  }
0xb9: {  	s30 =	sld [smem:$0x0];
	_ =	sdelay $0x2  }
0xba: {  	s31 =	sshll.u32 s1, $0xD;
	s1 =	sshrl.u32 s1, $0x2  }
0xbb: {  	s3 =	sand.u32 $0x4000, s31;
	s1 =	sadd.s32 s1, s30  }
0xbc: {  	s0 =	sor.u32 s3, s0;
	s1 =	sshll.u32 s1, $0x11  }
0xbd: {  	s0 =	sor.u32 s1, s0  }
0xbe: {  	s0 =	sadd.s32 $0x8F2B, s0  }
0xbf: {  	[sflag:s0] =	ssyncadd.remote.s32 $0x1  }
0xc0: {  	_ =	sfence.sel $0xFFFF  }
0xc1: {  	[dreg:$0x0] =	wrdreg $0xFFFFFFFF;
	(pc) =	sbr.abs _section_cstart, $3  }
0xc2: {  	[dreg:$0x1] =	wrdreg $0xFFFFFFFF  }
0xc3: {  	_ =	task.clear_ibuf [dreg:s7], $0x2FFFF;
	_ =	strace $0x9FFFFFFF  }
0xc4: {  	(tm) =	ssettm $0x7FFFFFFF  }
0xc5: {  	_ =	shalt  }
tec
execute0_lowered:
.L_overlay_start_1:
0x0: {  	(tag) =	ssettag $0x1  }
0x1: {  	s0 =	rddreg [dreg:$0x0]  }
0x2: {  	s3 =	rddreg [dreg:$0x1]  }
0x3: {  	s4 =	rddreg [dreg:$0x2]  }
0x4: {  	s24 =	rddreg [dreg:$0x3]  }
0x5: {  	s12 =	stileid.u32;
	s6 =	srdreg.scid  }
0x6: {  	s5 =	simm.s32 $0x0;
	s28 =	simm.s32 $0x50;
	s29 =	simm.s32 $0x8  }
0x7: {  	s30 =	simm.s32 $0x9;
	s31 =	simm.s32 $0xA;
	s1 =	smul.u32 $0x5000, s12  }
0x8: {  	s7 =	sand.u32 $0x1, s6;
	[smem:$0x7FF] =	sst s5;
	s6 =	sadd.s32 $0x2000, s0  }
0x9: {  	s10 =	sadd.s32 $0x15E00, s0;
	s23 =	sshll.u32 s12, $0x1;
	s26 =	sshll.u32 s12, $0x6  }
0xa: {  	s12 =	simm.s32 $0x280;
	s8 =	smul.u32 $0x50000, s7;
	_ =	strace $0x8000004A  }
0xb: {  	[dreg:$0x5] =	wrdreg s10;
	s11 =	ssub.s32 $0x2, s7;
	s7 =	sor.u32 s7, s23  }
0xc: {  	s14 =	sor.u32 $0x1C10, s26;
	s22 =	sshrl.u32 s1, $0x3;
	s25 =	sshrl.u32 s11, $0x1  }
0xd: {  	s2 =	smul.u32 $0x2710, s7;
	s13 =	sadd.s32 s1, s4;
	[dreg:$0x7] =	wrdreg s14  }
0xe: {  	s9 =	sadd.s32 s22, s0;
	s8 =	sadd.s32 s1, s8;
	s10 =	ssub.s32 s11, s25  }
0xf: {  	[dreg:$0x6] =	wrdreg s13;
	s1 =	sadd.s32 s1, s24;
	s11 =	simm.s32 $0x1  }
0x10: {  	s13 =	simm.s32 $0x2;
	s8 =	sshrl.u32 s8, $0x3;
	s9 =	sadd.s32 $0xBE00, s9  }
0x11: {  	s15 =	sshrl.u32 s2, $0x3;
	s25 =	smax.u32 s10, $0x1;
	s26 =	sshrl.u32 s1, $0x3  }
0x12: {  	s10 =	simm.s32 $0xD20;
	s0 =	sadd.s32 s8, s0;
	s8 =	smul.u32 $0x7D, s7  }
0x13: {  	s2 =	simm.s32 $0x2B20;
	s1 =	simm.s32 $0x0;
	s7 =	smul.u32 $0x4E2, s7  }
0x14: {  	[dreg:$0x8] =	wrdreg s9;
	s17 =	sadd.s32 $0xA, s15;
	s19 =	sadd.s32 $0x14, s15  }
0x15: {  	s21 =	sadd.s32 $0x1E, s15;
	s23 =	sadd.s32 $0x28, s15;
	[dreg:$0x14] =	wrdreg s25  }
0x16: {  	[dreg:$0x15] =	wrdreg s26;
	s15 =	simm.s32 $0x3;
	s18 =	sadd.s32 s3, s17  }
0x17: {  	s25 =	simm.s32 $0x6;
	s20 =	sadd.s32 s3, s19;
	[dreg:$0xb] =	wrdreg s18  }
0x18: {  	s26 =	simm.s32 $0x7;
	s22 =	sadd.s32 s3, s21;
	[dreg:$0xd] =	wrdreg s20  }
0x19: {  	s9 =	sadd.s32 s3, s23;
	s0 =	sadd.s32 $0x16800, s0;
	[dreg:$0xf] =	wrdreg s22  }
0x1a: {  	s16 =	sadd.s32 s3, s7;
	s7 =	sadd.s32 s6, s7;
	[dreg:$0x11] =	wrdreg s9  }
0x1b: {  	[dreg:$0x13] =	wrdreg s0;
	s9 =	simm.s32 $0x190;
	s18 =	simm.s32 $0xA0  }
0x1c: {  	s20 =	simm.s32 $0x230;
	s22 =	simm.s32 $0x1720;
	[dreg:$0x9] =	wrdreg s16  }
0x1d: {  	[dreg:$0xa] =	wrdreg s7;
	s7 =	sadd.s32 s6, s17;
	s16 =	simm.s32 $0x1E0  }
0x1e: {  	s17 =	simm.s32 $0x4;
	[dreg:$0xc] =	wrdreg s7;
	s7 =	sadd.s32 s6, s19  }
0x1f: {  	s19 =	simm.s32 $0x5;
	[dreg:$0xe] =	wrdreg s7;
	s7 =	sadd.s32 s6, s21  }
0x20: {  	s21 =	simm.s32 $0x320;
	[dreg:$0x10] =	wrdreg s7;
	s7 =	sadd.s32 s6, s23  }
0x21: {  	s23 =	simm.s32 $0x2120;
	[dreg:$0x12] =	wrdreg s7;
	s7 =	simm.s32 $0x10  }
.LBB2_1:
0x22: {  	[dreg:$0x16] =	wrdreg s1  }
0x23: {  	s0 =	rddreg [dreg:$0x6]  }
0x24: {  	s1 =	sshrl.u32 s0, $0x3;
	s0 =	rddreg [dreg:$0x5]  }
0x25: {  	[dreg:$0x17] =	wrdreg s1  }
0x26: {  	[spmem:s1], [sflag:s14] =	dma.local [hbm:s0], $0xA00  }
0x27: {  	_ =	swait.ge [sflag:s7], $0xA00  }
0x28: {  	[sflag:s7] =	ssyncset.done $0x0;
	s0 =	rddreg [dreg:$0x8]  }
0x29: {  	s1 =	rddreg [dreg:$0x15];
	[sflag:s7] =	ssyncadd.s32 $0xFFFFF600  }
0x2a: {  	[spmem:s1], [sflag:s14] =	dma.local [hbm:s0], $0xA00  }
0x2b: {  	_ =	swait.ge [sflag:s7], $0xA00  }
0x2c: {  	[sflag:s7] =	ssyncset.done $0x0  }
0x2d: {  	[sflag:s7] =	ssyncadd.s32 $0xFFFFF600;
	s7 =	rddreg [dreg:$0x9]  }
0x2e: {  	[tilespmem:s5], [sflag:$0x1] =	stream.linear.gather [hbm4b:s7+s5], $0x50, $0x38;
	[tilespmem:$0xD520] =	vst v63  }
0x2f: {  	s14 =	rddreg [dreg:$0xa]  }
0x30: {  	[tilespmem:s9], [sflag:$0x1] =	stream.linear.gather [hbm4b:s14+s5], $0x50, $0x38;
	[tilespmem:$0xD520] =	vst v63  }
0x31: {  	s1 =	rddreg [dreg:$0xb]  }
0x32: {  	[tilespmem:s28], [sflag:$0x2] =	stream.linear.gather [hbm4b:s1+s5], $0x50, $0x38;
	[tilespmem:$0xD520] =	vst v63  }
0x33: {  	s7 =	rddreg [dreg:$0xc]  }
0x34: {  	[tilespmem:s16], [sflag:$0x2] =	stream.linear.gather [hbm4b:s7+s5], $0x50, $0x38;
	[tilespmem:$0xD520] =	vst v63  }
0x35: {  	s14 =	rddreg [dreg:$0xd]  }
0x36: {  	[tilespmem:s18], [sflag:$0x3] =	stream.linear.gather [hbm4b:s14+s5], $0x50, $0x38;
	[tilespmem:$0xD520] =	vst v63  }
0x37: {  	s1 =	rddreg [dreg:$0xe]  }
0x38: {  	[tilespmem:s20], [sflag:$0x3] =	stream.linear.gather [hbm4b:s1+s5], $0x50, $0x38;
	[tilespmem:$0xD520] =	vst v63  }
0x39: {  	s7 =	rddreg [dreg:$0xf];
	s14 =	simm.s32 $0xF0  }
0x3a: {  	[tilespmem:s14], [sflag:$0x4] =	stream.linear.gather [hbm4b:s7+s5], $0x50, $0x38;
	[tilespmem:$0xD520] =	vst v63  }
0x3b: {  	s1 =	rddreg [dreg:$0x10]  }
0x3c: {  	[tilespmem:s12], [sflag:$0x4] =	stream.linear.gather [hbm4b:s1+s5], $0x50, $0x38;
	[tilespmem:$0xD520] =	vst v63  }
0x3d: {  	s7 =	rddreg [dreg:$0x11];
	s1 =	simm.s32 $0x140  }
0x3e: {  	[tilespmem:s1], [sflag:$0x5] =	stream.linear.gather [hbm4b:s7+s5], $0x50, $0x38;
	[tilespmem:$0xD520] =	vst v63  }
0x3f: {  	s0 =	rddreg [dreg:$0x12];
	s7 =	simm.s32 $0x2D0  }
0x40: {  	[tilespmem:s7], [sflag:$0x5] =	stream.linear.gather [hbm4b:s0+s5], $0x50, $0x38;
	[tilespmem:$0xD520] =	vst v63  }
0x41: {  	[bflag:$0x0] =	sbarrier.arrive $0xFFFF  }
0x42: {  	_ =	swait.ge [sflag:s11], $0x50  }
0x43: {  	[sflag:s11] =	ssyncset.done $0x0  }
0x44: {  	[sflag:s11] =	ssyncadd.s32 $0xFFFFFFB0  }
0x45: {  	_ =	swait.ge [sflag:s11], $0x50  }
0x46: {  	[sflag:s11] =	ssyncset.done $0x0  }
0x47: {  	[sflag:s11] =	ssyncadd.s32 $0xFFFFFFB0  }
0x48: {  	[tilespmem:s21], [sflag:$0x6] =	stream.indirect.gather [spmem:s24], $0x20, s5, s28, $0xb8;
	[tilespmem:$0xD520] =	vst v63  }
0x49: {  	_ =	swait.ge [sflag:s13], $0x50  }
0x4a: {  	[sflag:s13] =	ssyncset.done $0x0  }
0x4b: {  	[sflag:s13] =	ssyncadd.s32 $0xFFFFFFB0  }
0x4c: {  	_ =	swait.ge [sflag:s13], $0x50  }
0x4d: {  	[sflag:s13] =	ssyncset.done $0x0  }
0x4e: {  	[sflag:s13] =	ssyncadd.s32 $0xFFFFFFB0  }
0x4f: {  	[tilespmem:s10], [sflag:$0x7] =	stream.indirect.gather [spmem:s24], $0x20, s28, s28, $0xb8;
	[tilespmem:$0xD520] =	vst v63  }
0x50: {  	_ =	swait.ge [sflag:s15], $0x50  }
0x51: {  	[sflag:s15] =	ssyncset.done $0x0  }
0x52: {  	[sflag:s15] =	ssyncadd.s32 $0xFFFFFFB0  }
0x53: {  	_ =	swait.ge [sflag:s15], $0x50  }
0x54: {  	[sflag:s15] =	ssyncset.done $0x0  }
0x55: {  	[sflag:s15] =	ssyncadd.s32 $0xFFFFFFB0  }
0x56: {  	[tilespmem:s22], [sflag:$0x8] =	stream.indirect.gather [spmem:s24], $0x20, s18, s28, $0xb8;
	[tilespmem:$0xD520] =	vst v63  }
0x57: {  	_ =	swait.ge [sflag:s17], $0x50  }
0x58: {  	[sflag:s17] =	ssyncset.done $0x0  }
0x59: {  	[sflag:s17] =	ssyncadd.s32 $0xFFFFFFB0  }
0x5a: {  	_ =	swait.ge [sflag:s17], $0x50  }
0x5b: {  	[sflag:s17] =	ssyncset.done $0x0  }
0x5c: {  	[sflag:s17] =	ssyncadd.s32 $0xFFFFFFB0  }
0x5d: {  	[tilespmem:s23], [sflag:$0x9] =	stream.indirect.gather [spmem:s24], $0x20, s14, s28, $0xb8;
	[tilespmem:$0xD520] =	vst v63  }
0x5e: {  	_ =	swait.ge [sflag:s19], $0x50  }
0x5f: {  	[sflag:s19] =	ssyncset.done $0x0  }
0x60: {  	[sflag:s19] =	ssyncadd.s32 $0xFFFFFFB0  }
0x61: {  	_ =	swait.ge [sflag:s19], $0x50  }
0x62: {  	[sflag:s19] =	ssyncset.done $0x0  }
0x63: {  	[sflag:s19] =	ssyncadd.s32 $0xFFFFFFB0  }
0x64: {  	[tilespmem:s2], [sflag:$0xA] =	stream.indirect.gather [spmem:s24], $0x20, s1, s28, $0xb8;
	[tilespmem:$0xD520] =	vst v63  }
0x65: {  	_ =	swait.ge [sflag:s25], $0xA00  }
0x66: {  	[sflag:s25] =	ssyncset.done $0x0  }
0x67: {  	[sflag:s25] =	ssyncadd.s32 $0xFFFFF600  }
0x68: {  	[spmem:s4] =	stream.indirect.scatter.add.f32 [tilespmem:s21], [sflag:$0xB], $0x20, s9, s28, $0xb8;
	[tilespmem:$0xD520] =	vst v63  }
0x69: {  	_ =	swait.ge [sflag:s26], $0xA00  }
0x6a: {  	[sflag:s26] =	ssyncset.done $0x0  }
0x6b: {  	[sflag:s26] =	ssyncadd.s32 $0xFFFFF600  }
0x6c: {  	[spmem:s4] =	stream.indirect.scatter.add.f32 [tilespmem:s10], [sflag:$0xC], $0x20, s16, s28, $0xb8;
	[tilespmem:$0xD520] =	vst v63  }
0x6d: {  	_ =	swait.ge [sflag:s29], $0xA00  }
0x6e: {  	[sflag:s29] =	ssyncset.done $0x0  }
0x6f: {  	[sflag:s29] =	ssyncadd.s32 $0xFFFFF600  }
0x70: {  	[spmem:s4] =	stream.indirect.scatter.add.f32 [tilespmem:s22], [sflag:$0xD], $0x20, s20, s28, $0xb8;
	[tilespmem:$0xD520] =	vst v63  }
0x71: {  	_ =	swait.ge [sflag:s30], $0xA00  }
0x72: {  	[sflag:s30] =	ssyncset.done $0x0  }
0x73: {  	[sflag:s30] =	ssyncadd.s32 $0xFFFFF600  }
0x74: {  	[spmem:s4] =	stream.indirect.scatter.add.f32 [tilespmem:s23], [sflag:$0xE], $0x20, s12, s28, $0xb8;
	[tilespmem:$0xD520] =	vst v63  }
0x75: {  	p0 =	por $0x0, $0x0;
	s0 =	simm.s32 $0x5;
	_ =	swait.ge [sflag:s31], $0xA00  }
0x76: {  	s0 =	simm.s32 @p0 $0x0;
	[sflag:s31] =	ssyncset.done $0x0  }
0x77: {  	s0 =	sadd.s32 s8, s0;
	s21 =	simm.s32 $0xB;
	[sflag:s31] =	ssyncadd.s32 $0xFFFFF600  }
0x78: {  	[spmem:s4] =	stream.indirect.scatter.add.f32 [tilespmem:s2], [sflag:$0xF], $0x20, s7, s28, $0xb8;
	[tilespmem:$0xD520] =	vst v63  }
0x79: {  	s0 =	smul.u32 $0xA, s0;
	_ =	swait.ge [sflag:s21], $0xA00  }
0x7a: {  	s1 =	simm.s32 $0x6;
	[sflag:s21] =	ssyncset.done $0x0  }
0x7b: {  	s1 =	simm.s32 @p0 $0x1;
	s22 =	sadd.s32 s3, s0;
	[sflag:s21] =	ssyncadd.s32 $0xFFFFF600  }
0x7c: {  	[tilespmem:s5], [sflag:$0x1] =	stream.linear.gather [hbm4b:s22+s5], $0x50, $0x38;
	[tilespmem:$0xD520] =	vst v63  }
0x7d: {  	s1 =	sadd.s32 s8, s1;
	s25 =	simm.s32 $0xC;
	s0 =	sadd.s32 s6, s0  }
0x7e: {  	[tilespmem:s9], [sflag:$0x1] =	stream.linear.gather [hbm4b:s0+s5], $0x50, $0x38;
	[tilespmem:$0xD520] =	vst v63  }
0x7f: {  	s23 =	smul.u32 $0xA, s1;
	_ =	swait.ge [sflag:s25], $0xA00  }
0x80: {  	s1 =	simm.s32 $0x7;
	[sflag:s25] =	ssyncset.done $0x0  }
0x81: {  	s1 =	simm.s32 @p0 $0x2;
	s26 =	sadd.s32 s3, s23;
	[sflag:s25] =	ssyncadd.s32 $0xFFFFF600  }
0x82: {  	[tilespmem:s28], [sflag:$0x2] =	stream.linear.gather [hbm4b:s26+s5], $0x50, $0x38;
	[tilespmem:$0xD520] =	vst v63  }
0x83: {  	s10 =	simm.s32 $0xD;
	s1 =	sadd.s32 s8, s1;
	s0 =	sadd.s32 s6, s23  }
0x84: {  	[tilespmem:s16], [sflag:$0x2] =	stream.linear.gather [hbm4b:s0+s5], $0x50, $0x38;
	[tilespmem:$0xD520] =	vst v63  }
0x85: {  	s30 =	smul.u32 $0xA, s1;
	_ =	swait.ge [sflag:s10], $0xA00  }
0x86: {  	s1 =	simm.s32 $0x8;
	[sflag:s10] =	ssyncset.done $0x0  }
0x87: {  	s1 =	simm.s32 @p0 $0x3;
	s21 =	sadd.s32 s3, s30;
	[sflag:s10] =	ssyncadd.s32 $0xFFFFF600  }
0x88: {  	[tilespmem:s18], [sflag:$0x3] =	stream.linear.gather [hbm4b:s21+s5], $0x50, $0x38;
	[tilespmem:$0xD520] =	vst v63  }
0x89: {  	s1 =	sadd.s32 s8, s1;
	s23 =	simm.s32 $0xE;
	s0 =	sadd.s32 s6, s30  }
0x8a: {  	[tilespmem:s20], [sflag:$0x3] =	stream.linear.gather [hbm4b:s0+s5], $0x50, $0x38;
	[tilespmem:$0xD520] =	vst v63  }
0x8b: {  	s22 =	smul.u32 $0xA, s1;
	s1 =	simm.s32 $0x9;
	_ =	swait.ge [sflag:s23], $0xA00  }
0x8c: {  	s29 =	simm.s32 $0xA;
	s1 =	simm.s32 @p0 $0x4;
	[sflag:s23] =	ssyncset.done $0x0  }
0x8d: {  	s1 =	sadd.s32 s8, s1;
	s25 =	sadd.s32 s3, s22;
	[sflag:s23] =	ssyncadd.s32 $0xFFFFF600  }
0x8e: {  	[tilespmem:s14], [sflag:$0x4] =	stream.linear.gather [hbm4b:s25+s5], $0x50, $0x38;
	[tilespmem:$0xD520] =	vst v63  }
0x8f: {  	s26 =	smul.u32 $0xA, s1;
	s30 =	simm.s32 $0xF;
	s0 =	sadd.s32 s6, s22  }
0x90: {  	[tilespmem:s12], [sflag:$0x4] =	stream.linear.gather [hbm4b:s0+s5], $0x50, $0x38;
	[tilespmem:$0xD520] =	vst v63  }
0x91: {  	s31 =	simm.s32 $0x7;
	s1 =	simm.s32 $0xE;
	_ =	swait.ge [sflag:s30], $0xA00  }
0x92: {  	s7 =	sadd.s32 s6, s26;
	s10 =	simm.s32 $0x9;
	[sflag:s30] =	ssyncset.done $0x0  }
0x93: {  	s25 =	simm.s32 $0x8;
	s0 =	sadd.s32 s3, s26;
	[sflag:s30] =	ssyncadd.s32 $0xFFFFF600  }
.LBB2_2:
0x94: {  	s12 =	simm.s32 $0x140;
	p0 =	sne.s32 s1, $0x81  }
0x95: {  	[tilespmem:s12], [sflag:$0x5] =	stream.linear.gather [hbm4b:s0+s5], $0x50, $0x38;
	[tilespmem:$0xD520] =	vst v63  }
0x96: {  	s22 =	simm.s32 $0x2D0;
	s0 =	smov.u32 s1;
	s1 =	sadd.s32 $0x5, s1  }
0x97: {  	[tilespmem:s22], [sflag:$0x5] =	stream.linear.gather [hbm4b:s7+s5], $0x50, $0x38;
	[tilespmem:$0xD520] =	vst v63  }
0x98: {  	_ =	swait.ge [sflag:s11], $0x50  }
0x99: {  	[sflag:s11] =	ssyncset.done $0x0  }
0x9a: {  	[sflag:s11] =	ssyncadd.s32 $0xFFFFFFB0  }
0x9b: {  	_ =	swait.ge [sflag:s11], $0x50  }
0x9c: {  	[sflag:s11] =	ssyncset.done $0x0  }
0x9d: {  	s7 =	simm.s32 $0x320;
	[sflag:s11] =	ssyncadd.s32 $0xFFFFFFB0  }
0x9e: {  	[tilespmem:s7], [sflag:$0x6] =	stream.indirect.gather [spmem:s24], $0x20, s5, s28, $0xb8;
	[tilespmem:$0xD520] =	vst v63  }
0x9f: {  	_ =	swait.ge [sflag:s13], $0x50  }
0xa0: {  	[sflag:s13] =	ssyncset.done $0x0  }
0xa1: {  	[sflag:s13] =	ssyncadd.s32 $0xFFFFFFB0  }
0xa2: {  	_ =	swait.ge [sflag:s13], $0x50  }
0xa3: {  	[sflag:s13] =	ssyncset.done $0x0  }
0xa4: {  	s23 =	simm.s32 $0xD20;
	[sflag:s13] =	ssyncadd.s32 $0xFFFFFFB0  }
0xa5: {  	[tilespmem:s23], [sflag:$0x7] =	stream.indirect.gather [spmem:s24], $0x20, s28, s28, $0xb8;
	[tilespmem:$0xD520] =	vst v63  }
0xa6: {  	_ =	swait.ge [sflag:s15], $0x50  }
0xa7: {  	[sflag:s15] =	ssyncset.done $0x0  }
0xa8: {  	[sflag:s15] =	ssyncadd.s32 $0xFFFFFFB0  }
0xa9: {  	_ =	swait.ge [sflag:s15], $0x50  }
0xaa: {  	[sflag:s15] =	ssyncset.done $0x0  }
0xab: {  	s2 =	simm.s32 $0x1720;
	[sflag:s15] =	ssyncadd.s32 $0xFFFFFFB0  }
0xac: {  	[tilespmem:s2], [sflag:$0x8] =	stream.indirect.gather [spmem:s24], $0x20, s18, s28, $0xb8;
	[tilespmem:$0xD520] =	vst v63  }
0xad: {  	_ =	swait.ge [sflag:s17], $0x50  }
0xae: {  	[sflag:s17] =	ssyncset.done $0x0  }
0xaf: {  	[sflag:s17] =	ssyncadd.s32 $0xFFFFFFB0  }
0xb0: {  	_ =	swait.ge [sflag:s17], $0x50  }
0xb1: {  	[sflag:s17] =	ssyncset.done $0x0  }
0xb2: {  	s30 =	simm.s32 $0x2120;
	[sflag:s17] =	ssyncadd.s32 $0xFFFFFFB0  }
0xb3: {  	[tilespmem:s30], [sflag:$0x9] =	stream.indirect.gather [spmem:s24], $0x20, s14, s28, $0xb8;
	[tilespmem:$0xD520] =	vst v63  }
0xb4: {  	_ =	swait.ge [sflag:s19], $0x50  }
0xb5: {  	[sflag:s19] =	ssyncset.done $0x0  }
0xb6: {  	[sflag:s19] =	ssyncadd.s32 $0xFFFFFFB0  }
0xb7: {  	_ =	swait.ge [sflag:s19], $0x50  }
0xb8: {  	[sflag:s19] =	ssyncset.done $0x0  }
0xb9: {  	s26 =	simm.s32 $0x2B20;
	[sflag:s19] =	ssyncadd.s32 $0xFFFFFFB0  }
0xba: {  	[tilespmem:s26], [sflag:$0xA] =	stream.indirect.gather [spmem:s24], $0x20, s12, s28, $0xb8;
	[tilespmem:$0xD520] =	vst v63  }
0xbb: {  	s21 =	simm.s32 $0x140;
	s12 =	simm.s32 $0x6  }
0xbc: {  	_ =	swait.ge [sflag:s12], $0xA00  }
0xbd: {  	[sflag:s12] =	ssyncset.done $0x0  }
0xbe: {  	[sflag:s12] =	ssyncadd.s32 $0xFFFFF600  }
0xbf: {  	[spmem:s4] =	stream.indirect.scatter.add.f32 [tilespmem:s7], [sflag:$0xB], $0x20, s9, s28, $0xb8;
	[tilespmem:$0xD520] =	vst v63  }
0xc0: {  	_ =	swait.ge [sflag:s31], $0xA00  }
0xc1: {  	[sflag:s31] =	ssyncset.done $0x0  }
0xc2: {  	[sflag:s31] =	ssyncadd.s32 $0xFFFFF600  }
0xc3: {  	[spmem:s4] =	stream.indirect.scatter.add.f32 [tilespmem:s23], [sflag:$0xC], $0x20, s16, s28, $0xb8;
	[tilespmem:$0xD520] =	vst v63  }
0xc4: {  	_ =	swait.ge [sflag:s25], $0xA00  }
0xc5: {  	[sflag:s25] =	ssyncset.done $0x0  }
0xc6: {  	[sflag:s25] =	ssyncadd.s32 $0xFFFFF600  }
0xc7: {  	[spmem:s4] =	stream.indirect.scatter.add.f32 [tilespmem:s2], [sflag:$0xD], $0x20, s20, s28, $0xb8;
	[tilespmem:$0xD520] =	vst v63  }
0xc8: {  	s18 =	simm.s32 $0x190;
	_ =	swait.ge [sflag:s10], $0xA00  }
0xc9: {  	s14 =	simm.s32 $0x280;
	s7 =	sadd.s32 $0xFFFFFFFD, s0;
	[sflag:s10] =	ssyncset.done $0x0  }
0xca: {  	s12 =	sadd.s32 $0xFFFFFFFF, s0;
	s9 =	sadd.s32 $0xFFFFFFFE, s0;
	[sflag:s10] =	ssyncadd.s32 $0xFFFFF600  }
0xcb: {  	[spmem:s4] =	stream.indirect.scatter.add.f32 [tilespmem:s30], [sflag:$0xE], $0x20, s14, s28, $0xb8;
	[tilespmem:$0xD520] =	vst v63  }
0xcc: {  	p1 =	seq.s32 s0, $0x81;
	s14 =	sadd.s32 $0xFFFFFFFC, s0;
	_ =	swait.ge [sflag:s29], $0xA00  }
0xcd: {  	s0 =	simm.s32 @p1 $0x4;
	s14 =	simm.s32 @p1 $0x0;
	[sflag:s29] =	ssyncset.done $0x0  }
0xce: {  	s12 =	simm.s32 @p1 $0x3;
	s9 =	simm.s32 @p1 $0x2;
	s14 =	sadd.s32 s8, s14  }
0xcf: {  	s7 =	simm.s32 @p1 $0x1;
	s14 =	smul.u32 $0xA, s14;
	[sflag:s29] =	ssyncadd.s32 $0xFFFFF600  }
0xd0: {  	[spmem:s4] =	stream.indirect.scatter.add.f32 [tilespmem:s26], [sflag:$0xF], $0x20, s22, s28, $0xb8;
	[tilespmem:$0xD520] =	vst v63  }
0xd1: {  	s7 =	sadd.s32 s8, s7;
	s23 =	simm.s32 $0x2D0;
	s22 =	simm.s32 $0xB  }
0xd2: {  	s20 =	simm.s32 $0x1E0;
	s0 =	sadd.s32 s8, s0;
	_ =	swait.ge [sflag:s22], $0xA00  }
0xd3: {  	s16 =	sadd.s32 s3, s14;
	s14 =	sadd.s32 s6, s14;
	[sflag:s22] =	ssyncset.done $0x0  }
0xd4: {  	s9 =	sadd.s32 s8, s9;
	s0 =	smul.u32 $0xA, s0;
	[sflag:s22] =	ssyncadd.s32 $0xFFFFF600  }
0xd5: {  	[tilespmem:s5], [sflag:$0x1] =	stream.linear.gather [hbm4b:s16+s5], $0x50, $0x38;
	[tilespmem:$0xD520] =	vst v63  }
0xd6: {  	s16 =	smul.u32 $0xA, s7;
	s7 =	sadd.s32 s6, s0  }
0xd7: {  	[tilespmem:s18], [sflag:$0x1] =	stream.linear.gather [hbm4b:s14+s5], $0x50, $0x38;
	[tilespmem:$0xD520] =	vst v63  }
0xd8: {  	s22 =	simm.s32 $0xC;
	s18 =	simm.s32 $0xA0  }
0xd9: {  	s14 =	sadd.s32 s3, s16;
	_ =	swait.ge [sflag:s22], $0xA00  }
0xda: {  	s16 =	sadd.s32 s6, s16;
	[sflag:s22] =	ssyncset.done $0x0  }
0xdb: {  	[sflag:s22] =	ssyncadd.s32 $0xFFFFF600  }
0xdc: {  	[tilespmem:s28], [sflag:$0x2] =	stream.linear.gather [hbm4b:s14+s5], $0x50, $0x38;
	[tilespmem:$0xD520] =	vst v63  }
0xdd: {  	s9 =	smul.u32 $0xA, s9  }
0xde: {  	[tilespmem:s20], [sflag:$0x2] =	stream.linear.gather [hbm4b:s16+s5], $0x50, $0x38;
	[tilespmem:$0xD520] =	vst v63  }
0xdf: {  	s22 =	simm.s32 $0xD;
	s20 =	simm.s32 $0x230;
	s16 =	simm.s32 $0x1E0  }
0xe0: {  	s14 =	sadd.s32 s3, s9;
	_ =	swait.ge [sflag:s22], $0xA00  }
0xe1: {  	[sflag:s22] =	ssyncset.done $0x0  }
0xe2: {  	s12 =	sadd.s32 s8, s12;
	[sflag:s22] =	ssyncadd.s32 $0xFFFFF600  }
0xe3: {  	[tilespmem:s18], [sflag:$0x3] =	stream.linear.gather [hbm4b:s14+s5], $0x50, $0x38;
	[tilespmem:$0xD520] =	vst v63  }
0xe4: {  	s14 =	simm.s32 $0xF0  }
0xe5: {  	s12 =	smul.u32 $0xA, s12;
	s9 =	sadd.s32 s6, s9;
	s22 =	simm.s32 $0xE  }
0xe6: {  	[tilespmem:s20], [sflag:$0x3] =	stream.linear.gather [hbm4b:s9+s5], $0x50, $0x38;
	[tilespmem:$0xD520] =	vst v63  }
0xe7: {  	_ =	swait.ge [sflag:s22], $0xA00  }
0xe8: {  	s9 =	sadd.s32 s3, s12;
	[sflag:s22] =	ssyncset.done $0x0  }
0xe9: {  	[sflag:s22] =	ssyncadd.s32 $0xFFFFF600  }
0xea: {  	[tilespmem:s14], [sflag:$0x4] =	stream.linear.gather [hbm4b:s9+s5], $0x50, $0x38;
	[tilespmem:$0xD520] =	vst v63  }
0xeb: {  	s9 =	sadd.s32 s6, s12;
	s12 =	simm.s32 $0x280  }
0xec: {  	[tilespmem:s12], [sflag:$0x4] =	stream.linear.gather [hbm4b:s9+s5], $0x50, $0x38;
	[tilespmem:$0xD520] =	vst v63  }
.Ltmp0:
0xed: {  	_ = 	snop;
	(pc) =	sbr.rel @p0 .LBB2_2-.Ltmp0, $4  }
0xee: {  	s2 =	simm.s32 $0xF;
	s9 =	simm.s32 $0x190  }
0xef: {  	_ =	swait.ge [sflag:s2], $0xA00  }
0xf0: {  	s0 =	sadd.s32 s3, s0;
	[sflag:s2] =	ssyncset.done $0x0  }
0xf1: {  	[sflag:s2] =	ssyncadd.s32 $0xFFFFF600  }
0xf2: {  	[tilespmem:s21], [sflag:$0x5] =	stream.linear.gather [hbm4b:s0+s5], $0x50, $0x38;
	[tilespmem:$0xD520] =	vst v63  }
0xf3: {  	_ = 	snop  }
0xf4: {  	[tilespmem:s23], [sflag:$0x5] =	stream.linear.gather [hbm4b:s7+s5], $0x50, $0x38;
	[tilespmem:$0xD520] =	vst v63  }
0xf5: {  	_ =	swait.ge [sflag:s11], $0x50  }
0xf6: {  	[sflag:s11] =	ssyncset.done $0x0  }
0xf7: {  	[sflag:s11] =	ssyncadd.s32 $0xFFFFFFB0  }
0xf8: {  	_ =	swait.ge [sflag:s11], $0x50  }
0xf9: {  	[sflag:s11] =	ssyncset.done $0x0  }
0xfa: {  	[sflag:s11] =	ssyncadd.s32 $0xFFFFFFB0  }
0xfb: {  	_ =	swait.ge [sflag:s13], $0x50  }
0xfc: {  	[sflag:s13] =	ssyncset.done $0x0  }
0xfd: {  	[sflag:s13] =	ssyncadd.s32 $0xFFFFFFB0  }
0xfe: {  	_ =	swait.ge [sflag:s13], $0x50  }
0xff: {  	[sflag:s13] =	ssyncset.done $0x0  }
0x100: {  	[sflag:s13] =	ssyncadd.s32 $0xFFFFFFB0  }
0x101: {  	_ =	swait.ge [sflag:s15], $0x50  }
0x102: {  	[sflag:s15] =	ssyncset.done $0x0  }
0x103: {  	[sflag:s15] =	ssyncadd.s32 $0xFFFFFFB0  }
0x104: {  	_ =	swait.ge [sflag:s15], $0x50  }
0x105: {  	[sflag:s15] =	ssyncset.done $0x0  }
0x106: {  	[sflag:s15] =	ssyncadd.s32 $0xFFFFFFB0  }
0x107: {  	_ =	swait.ge [sflag:s17], $0x50  }
0x108: {  	[sflag:s17] =	ssyncset.done $0x0  }
0x109: {  	[sflag:s17] =	ssyncadd.s32 $0xFFFFFFB0  }
0x10a: {  	_ =	swait.ge [sflag:s17], $0x50  }
0x10b: {  	[sflag:s17] =	ssyncset.done $0x0  }
0x10c: {  	[sflag:s17] =	ssyncadd.s32 $0xFFFFFFB0  }
0x10d: {  	_ =	swait.ge [sflag:s19], $0x50  }
0x10e: {  	[sflag:s19] =	ssyncset.done $0x0  }
0x10f: {  	[sflag:s19] =	ssyncadd.s32 $0xFFFFFFB0  }
0x110: {  	_ =	swait.ge [sflag:s19], $0x50  }
0x111: {  	[sflag:s19] =	ssyncset.done $0x0  }
0x112: {  	[sflag:s19] =	ssyncadd.s32 $0xFFFFFFB0  }
0x113: {  	[bflag:$0x0] =	sbarrier.arrive $0xFFFF  }
0x114: {  	s14 =	rddreg [dreg:$0x7]  }
0x115: {  	s23 =	rddreg [dreg:$0x13]  }
0x116: {  	s7 =	simm.s32 $0x10;
	s1 =	rddreg [dreg:$0x17]  }
0x117: {  	[hbm:s23], [sflag:s14] =	dma.local [spmem:s1], $0xA00  }
0x118: {  	_ =	swait.ge [sflag:s7], $0xA00  }
0x119: {  	s25 =	rddreg [dreg:$0x16]  }
0x11a: {  	s26 =	rddreg [dreg:$0x14];
	s1 =	sadd.s32 $0x1, s25  }
0x11b: {  	p0 =	sne.s32 s1, s26  }
.Ltmp1:
0x11c: {  	_ = 	snop;
	(pc) =	sbr.rel @p0 .LBB2_1-.Ltmp1, $4  }
0x11d: {  	s21 =	simm.s32 $0x320;
	s10 =	simm.s32 $0xD20;
	s22 =	simm.s32 $0x1720  }
0x11e: {  	s2 =	simm.s32 $0x2B20;
	s29 =	simm.s32 $0x8;
	s30 =	simm.s32 $0x9  }
0x11f: {  	s31 =	simm.s32 $0xA;
	s23 =	simm.s32 $0x2120;
	[sflag:s7] =	ssyncset.done $0x0  }
0x120: {  	[sflag:s7] =	ssyncadd.s32 $0xFFFFF600;
	s25 =	simm.s32 $0x6;
	s26 =	simm.s32 $0x7  }
0x121: {  	_ =	sfence.sel $0x180000  }
0x122: {  	[bflag:$0x0] =	sbarrier.arrive $0xFFFF  }
0x123: {  	_ =	strace $0x9000004A  }
0x124: {  	s0 =	stileid.u32;
	[bflag:$0x2] =	sbarrier.arrive $0xFFFF  }
0x125: {  	p0 =	sne.s32 s0, $0x0;
	s0 =	rddreg [dreg:$0x4]  }
0x126: {  	s0 =	sadd.s32 @!p0 $0x100000, s0  }
0x127: {  	[sflag:s0] =	ssyncadd.tile.s32 @!p0 $0x1;
	_ =	shalt  }
.Lfunc_end2:
_tile_overlayer_lowered:
.L_overlay_start_2:
0x128: {  	(tag) =	ssettag $0x2  }
0x129: {  	s0 =	rddreg [dreg:$0x0];
	s2 =	stileid.u32  }
0x12a: {  	s1 =	rddreg [dreg:$0x1];
	p0 =	sne.s32 s2, $0x0  }
0x12b: {  	s3 =	rddreg [dreg:$0x2];
	[bflag:$0x3] =	sbarrier.arrive $0xFFFF;
	s2 =	simm.s32 @!p0 $0x1C10  }
0x12c: {  	[timem:s3], [sflag:s2] =	dma.local @!p0 [hbm:s0], s1  }
0x12d: {  	s0 =	simm.s32 @!p0 $0x10  }
0x12e: {  	_ =	swait.ge @!p0 [sflag:s0], s1  }
0x12f: {  	s1 =	ssub.s32 @!p0 $0x0, s1;
	[sflag:s0] =	ssyncset.done @!p0 $0x0  }
0x130: {  	[sflag:s0] =	ssyncadd.s32 @!p0 s1  }
0x131: {  	[bflag:$0x3] =	sbarrier.arrive $0xFFFF  }
0x132: {  	_ =	shalt  }

</sc_bundles>
